<compile_context>
chip_gen: v7x
topology: tpu7x:2x2x1
jax: 0.10.2.dev20260603
libtpu: 0.0.44.dev20260713+nightly
codegen_flags: <defaults>
</compile_context>

<pallas_src>
import functools

import jax
import jax.numpy as jnp
from jax import lax
from jax.experimental import pallas as pl
from jax.experimental.pallas import tpu as pltpu
from jax.experimental.pallas import tpu_sc as plsc

N = 10000
E = 320000
D = 128
HALF = 64
G = 64
KC = 125
ERWS = E // KC
NTEC = 16
NSC = 2
DW = 8
SLAB = 624
SLAB_LAST = N - SLAB * (NTEC - 1)

_F32 = jnp.float32
_SC_PARAMS = pltpu.CompilerParams(use_tc_tiling_on_sc=False)


def _mesh():
    return plsc.VectorSubcoreMesh(core_axis_name="c", subcore_axis_name="s")


def _per_tec_slab(s, emit):
    base = pl.multiple_of(s * SLAB, 8)

    @pl.when(s < NTEC - 1)
    def _():
        emit(base, SLAB)

    @pl.when(s == NTEC - 1)
    def _():
        emit(SLAB * (NTEC - 1), SLAB_LAST)


def _sc_degree(rowr, z8, ones125):
    rpt = ERWS // (NSC * NTEC)

    @functools.partial(
        pl.kernel,
        mesh=_mesh(),
        out_type=jax.ShapeDtypeStruct((NSC, N, DW), _F32),
        compiler_params=_SC_PARAMS,
        scratch_types=[
            pltpu.VMEM((rpt, KC), jnp.int32),
            pltpu.VMEM((KC, DW), _F32),
            pltpu.VMEM_SHARED((N, DW), _F32),
            pltpu.SemaphoreType.DMA,
        ],
    )
    def k(rowr_h, z_h, ones_h, out_h, idx_v, ones_v, acc, sem):
        c = lax.axis_index("c")
        s = lax.axis_index("s")
        wid = c * NTEC + s
        pltpu.sync_copy(rowr_h.at[pl.ds(pl.multiple_of(wid * rpt, 8), rpt)],
                        idx_v)
        pltpu.sync_copy(ones_h, ones_v)
        _per_tec_slab(s, lambda o, n: pltpu.sync_copy(
            z_h.at[pl.ds(o, n)], acc.at[pl.ds(o, n)]))
        plsc.subcore_barrier()

        @pl.loop(0, rpt)
        def _(j):
            pltpu.async_copy(ones_v, acc.at[idx_v.at[j]], sem, add=True)

        @pl.loop(0, rpt)
        def _(j):
            pltpu.make_async_copy(ones_v, acc.at[idx_v.at[j]], sem).wait()

        plsc.subcore_barrier()
        _per_tec_slab(s, lambda o, n: pltpu.sync_copy(
            acc.at[pl.ds(o, n)], out_h.at[c, pl.ds(o, n)]))

    return k(rowr, z8, ones125)


def _sc_prop(h2a, h2b, colr, rowr):
    rpt = ERWS // NTEC

    @functools.partial(
        pl.kernel,
        mesh=_mesh(),
        out_type=(jax.ShapeDtypeStruct((N, HALF), _F32),
                  jax.ShapeDtypeStruct((N, HALF), _F32)),
        compiler_params=_SC_PARAMS,
        scratch_types=[
            pltpu.VMEM((rpt, KC), jnp.int32),
            pltpu.VMEM((rpt, KC), jnp.int32),
            [pltpu.VMEM((KC, HALF), _F32)] * 4,
            [pltpu.SemaphoreType.DMA] * 4,
            [pltpu.SemaphoreType.DMA] * 4,
            pltpu.VMEM_SHARED((N, HALF), _F32),
        ],
    )
    def k(h2a_h, h2b_h, colr_h, rowr_h, oa_h, ob_h,
          col_v, row_v, bufs, gsems, ssems, acc):
        c = lax.axis_index("c")
        s = lax.axis_index("s")
        e0 = pl.multiple_of(s * rpt, 8)
        pltpu.async_copy(colr_h.at[pl.ds(e0, rpt)], col_v, gsems[2])
        pltpu.async_copy(rowr_h.at[pl.ds(e0, rpt)], row_v, gsems[3])
        for cid in range(NSC):
            @pl.when(c == cid)
            def _(cid=cid):
                h2 = (h2a_h, h2b_h)[cid]
                out = (oa_h, ob_h)[cid]
                _per_tec_slab(s, lambda o, n: pltpu.async_copy(
                    h2.at[pl.ds(o, n)], acc.at[pl.ds(o, n)], ssems[0]))
                pltpu.make_async_copy(colr_h.at[pl.ds(e0, rpt)], col_v,
                                      gsems[2]).wait()
                pltpu.async_copy(h2.at[col_v.at[0]], bufs[0], gsems[0])
                pltpu.async_copy(h2.at[col_v.at[1]], bufs[1], gsems[1])
                pltpu.make_async_copy(rowr_h.at[pl.ds(e0, rpt)], row_v,
                                      gsems[3]).wait()
                _per_tec_slab(s, lambda o, n: pltpu.make_async_copy(
                    h2.at[pl.ds(o, n)], acc.at[pl.ds(o, n)],
                    ssems[0]).wait())
                plsc.subcore_barrier()

                @pl.loop(0, rpt, step=4)
                def _(base):
                    for b in range(4):
                        j = base + b
                        g = j + 2
                        bg = (b + 2) % 4

                        @pl.when(g < rpt)
                        def _():
                            @pl.when(g >= 4)
                            def _():
                                pltpu.make_async_copy(
                                    bufs[bg], acc.at[row_v.at[g - 4]],
                                    ssems[bg]).wait()

                            pltpu.async_copy(h2.at[col_v.at[g]],
                                             bufs[bg], gsems[bg])

                        pltpu.make_async_copy(h2.at[col_v.at[j]],
                                              bufs[b], gsems[b]).wait()
                        pltpu.async_copy(bufs[b], acc.at[row_v.at[j]],
                                         ssems[b], add=True)

                for b in range(4):
                    pltpu.make_async_copy(
                        bufs[b], acc.at[row_v.at[rpt - 4 + b]],
                        ssems[b]).wait()

                plsc.subcore_barrier()
                _per_tec_slab(s, lambda o, n: pltpu.sync_copy(
                    acc.at[pl.ds(o, n)], out.at[pl.ds(o, n)]))

    return k(h2a, h2b, colr, rowr)


def _dis_from_deg(deg_ref):
    deg = deg_ref[0, :, :1] + deg_ref[1, :, :1] + (1.0 + 1e-12)
    return lax.rsqrt(deg)


def _tc_stage1(X, deg2, W, br):
    RBS = 2000
    NBS = N // RBS

    def body(x_ref, deg_ref, w_ref, b_ref, oa_ref, ob_ref):
        dis = _dis_from_deg(deg_ref)
        h = jnp.dot(x_ref[...], w_ref[...],
                    preferred_element_type=_F32) + b_ref[...]
        h2 = h * dis
        oa_ref[...] = h2[:, :HALF]
        ob_ref[...] = h2[:, HALF:]

    return pl.pallas_call(
        body,
        grid=(NBS,),
        in_specs=[
            pl.BlockSpec((RBS, D), lambda i: (i, 0)),
            pl.BlockSpec((NSC, RBS, DW), lambda i: (0, i, 0)),
            pl.BlockSpec((D, D), lambda i: (0, 0)),
            pl.BlockSpec((1, D), lambda i: (0, 0)),
        ],
        out_specs=[pl.BlockSpec((RBS, HALF), lambda i: (i, 0)),
                   pl.BlockSpec((RBS, HALF), lambda i: (i, 0))],
        out_shape=[jax.ShapeDtypeStruct((N, HALF), _F32)] * 2,
    )(X, deg2, W, br)


def _tc_stage23(sa, sb, deg2, W, br):
    RBS = 2000
    NBS = N // RBS

    def body(sa_ref, sb_ref, deg_ref, w_ref, b_ref, oa_ref, ob_ref):
        dis = _dis_from_deg(deg_ref)
        x = jnp.concatenate([sa_ref[...], sb_ref[...]], axis=1) * dis
        x = jnp.maximum(x, 0.0)
        h = jnp.dot(x, w_ref[...], preferred_element_type=_F32) + b_ref[...]
        h2 = h * dis
        oa_ref[...] = h2[:, :HALF]
        ob_ref[...] = h2[:, HALF:]

    return pl.pallas_call(
        body,
        grid=(NBS,),
        in_specs=[
            pl.BlockSpec((RBS, HALF), lambda i: (i, 0)),
            pl.BlockSpec((RBS, HALF), lambda i: (i, 0)),
            pl.BlockSpec((NSC, RBS, DW), lambda i: (0, i, 0)),
            pl.BlockSpec((D, D), lambda i: (0, 0)),
            pl.BlockSpec((1, D), lambda i: (0, 0)),
        ],
        out_specs=[pl.BlockSpec((RBS, HALF), lambda i: (i, 0)),
                   pl.BlockSpec((RBS, HALF), lambda i: (i, 0))],
        out_shape=[jax.ShapeDtypeStruct((N, HALF), _F32)] * 2,
    )(sa, sb, deg2, W, br)


RBP = 400
NBP = N // RBP


def _tc_pool_mlp(sa, sb, deg2, brow, bcol, Wm1, bm1r, Wm2, bm2r, C):
    def body(sa_ref, sb_ref, deg_ref, brow_ref, bcol_ref,
             wm1_ref, bm1_ref, wm2_ref, bm2_ref, out_ref,
             sum_s, max_s, cnt_s):
        i = pl.program_id(0)

        @pl.when(i == 0)
        def _():
            sum_s[...] = jnp.zeros_like(sum_s)
            cnt_s[...] = jnp.zeros_like(cnt_s)
            max_s[...] = jnp.full_like(max_s, -jnp.inf)

        dis = _dis_from_deg(deg_ref)
        x = jnp.concatenate([sa_ref[...], sb_ref[...]], axis=1) * dis
        x = jnp.maximum(x, 0.0)

        brw = brow_ref[0]
        oneh = (lax.broadcasted_iota(jnp.int32, (G, RBP), 0) == brw
                ).astype(_F32)
        sum_s[...] += jnp.dot(oneh, x, preferred_element_type=_F32)
        cnt_s[...] += jnp.sum(oneh, axis=1, keepdims=True)

        bcl = bcol_ref[...]

        def gbody(g, _):
            m = jnp.where(bcl == g, x, -jnp.inf)
            mg = jnp.max(m, axis=0, keepdims=True)
            max_s[pl.ds(g, 1), :] = jnp.maximum(max_s[pl.ds(g, 1), :], mg)
            return 0

        lax.fori_loop(bcol_ref[0, 0], bcol_ref[RBP - 1, 0] + 1, gbody, 0,
                      unroll=False)

        @pl.when(i == NBP - 1)
        def _():
            mean = sum_s[...] / (cnt_s[...] + 1e-12)
            g64 = jnp.concatenate([mean, max_s[...]], axis=1)
            h = jnp.maximum(
                jnp.dot(g64, wm1_ref[...], preferred_element_type=_F32)
                + bm1_ref[...], 0.0)
            out_ref[...] = (jnp.dot(h, wm2_ref[...],
                                    preferred_element_type=_F32)
                            + bm2_ref[...])

    return pl.pallas_call(
        body,
        grid=(NBP,),
        in_specs=[
            pl.BlockSpec((RBP, HALF), lambda i: (i, 0)),
            pl.BlockSpec((RBP, HALF), lambda i: (i, 0)),
            pl.BlockSpec((NSC, RBP, DW), lambda i: (0, i, 0)),
            pl.BlockSpec((1, 1, RBP), lambda i: (i, 0, 0)),
            pl.BlockSpec((RBP, 1), lambda i: (i, 0)),
            pl.BlockSpec((2 * D, D), lambda i: (0, 0)),
            pl.BlockSpec((1, D), lambda i: (0, 0)),
            pl.BlockSpec((D, C), lambda i: (0, 0)),
            pl.BlockSpec((1, C), lambda i: (0, 0)),
        ],
        out_specs=pl.BlockSpec((G, C), lambda i: (0, 0)),
        out_shape=jax.ShapeDtypeStruct((G, C), _F32),
        scratch_shapes=[pltpu.VMEM((G, D), _F32),
                        pltpu.VMEM((G, D), _F32),
                        pltpu.VMEM((G, 1), _F32)],
    )(sa, sb, deg2, brow, bcol, Wm1, bm1r, Wm2, bm2r)


def kernel(X, EI, batch, num_graphs,
           W1, b1, W2, b2, W3, b3, Wm1, bm1, Wm2, bm2):
    C = Wm2.shape[1]
    row = EI[0]
    col = EI[1]
    rowr = row.reshape(ERWS, KC)
    colr = col.reshape(ERWS, KC)
    z8 = jnp.zeros((N, DW), _F32)
    ones125 = jnp.ones((KC, DW), _F32)

    deg2 = _sc_degree(rowr, z8, ones125)

    h2a, h2b = _tc_stage1(X, deg2, W1, b1.reshape(1, -1))
    sa, sb = _sc_prop(h2a, h2b, colr, rowr)
    h2a, h2b = _tc_stage23(sa, sb, deg2, W2, b2.reshape(1, -1))
    sa, sb = _sc_prop(h2a, h2b, colr, rowr)
    h2a, h2b = _tc_stage23(sa, sb, deg2, W3, b3.reshape(1, -1))
    sa, sb = _sc_prop(h2a, h2b, colr, rowr)

    return _tc_pool_mlp(sa, sb, deg2, batch.reshape(NBP, 1, RBP),
                        batch.reshape(N, 1), Wm1, bm1.reshape(1, -1),
                        Wm2, bm2.reshape(1, -1), C)

# --- scband reference (transcript-rebuilt; emitter-appended) ---
"""Pipeline reference for scband-graph-classifier-17695265259720 (READ-ONLY COPY).

The authoritative reference and input builder live on the scoring server;
editing this copy changes nothing except your own understanding.
"""

import jax, jax.numpy as jnp
import numpy as np

N = 10000
E = 320000
D = 128
H = 128
C = 10
G = 64


def setup_inputs(seed: int = 0) -> dict:
    key = jax.random.key(seed)
    ks = jax.random.split(key, 16)
    X = jax.random.normal(ks[0], (N, D), dtype=jnp.float32)
    EI = jax.random.randint(ks[1], (2, E), 0, N, dtype=jnp.int32)
    batch = jnp.sort(jax.random.randint(ks[2], (N,), 0, G, dtype=jnp.int32))
    num_graphs = G
    def lin(k, fan_in, fan_out):
        k1, k2 = jax.random.split(k)
        bound = 1.0 / np.sqrt(fan_in)
        W = jax.random.uniform(k1, (fan_in, fan_out), dtype=jnp.float32, minval=-bound, maxval=bound)
        b = jax.random.uniform(k2, (fan_out,), dtype=jnp.float32, minval=-bound, maxval=bound)
        return W, b
    W1, b1 = lin(ks[3], D, H)
    W2, b2 = lin(ks[4], H, H)
    W3, b3 = lin(ks[5], H, H)
    Wm1, bm1 = lin(ks[6], 2 * H, H)
    Wm2, bm2 = lin(ks[7], H, C)
    return {"X": X, "EI": EI, "batch": batch, "num_graphs": num_graphs,
            "W1": W1, "b1": b1, "W2": W2, "b2": b2, "W3": W3, "b3": b3,
            "Wm1": Wm1, "bm1": bm1, "Wm2": Wm2, "bm2": bm2}


def _gcn_norm(EI, n):
    row = EI[0]
    col = EI[1]
    self_loops = jnp.arange(n, dtype=row.dtype)
    row = jnp.concatenate([row, self_loops], axis=0)
    col = jnp.concatenate([col, self_loops], axis=0)
    deg = jnp.zeros((n,), dtype=jnp.float32).at[row].add(jnp.ones_like(row, dtype=jnp.float32))
    deg_inv_sqrt = jnp.power(deg + 1e-12, -0.5)
    norm = deg_inv_sqrt[row] * deg_inv_sqrt[col]
    return row, col, norm


def _gcn_layer(x, EI, W, b):
    n = x.shape[0]
    row, col, norm = _gcn_norm(EI, n)
    h = x @ W + b
    msg = h[col] * norm[:, None]
    out = jnp.zeros_like(h).at[row].add(msg)
    return out


def _pool_mean_max(x, batch, num_graphs):
    num_graphs_static = G
    dep = jnp.zeros((), dtype=x.dtype) * num_graphs
    out_sum = jnp.zeros((num_graphs_static, x.shape[1]), dtype=x.dtype).at[batch].add(x) + dep
    cnt = jnp.zeros((num_graphs_static,), dtype=x.dtype).at[batch].add(jnp.ones((x.shape[0],), dtype=x.dtype))
    mean = out_sum / (cnt[:, None] + 1e-12)
    mx = jax.ops.segment_max(x, batch, num_segments=num_graphs_static)
    return jnp.concatenate([mean, mx], axis=1)


def reference(X, EI, batch, num_graphs, W1, b1, W2, b2, W3, b3, Wm1, bm1, Wm2, bm2):
    # eval mode: dropout is a no-op
    x = _gcn_layer(X, EI, W1, b1)
    x = jax.nn.relu(x)
    x = _gcn_layer(x, EI, W2, b2)
    x = jax.nn.relu(x)
    x = _gcn_layer(x, EI, W3, b3)
    x = jax.nn.relu(x)
    g = _pool_mean_max(x, batch, num_graphs)
    h = jax.nn.relu(g @ Wm1 + bm1)
    return h @ Wm2 + bm2

if __name__ == "__main__":
    import jax
    _d = setup_inputs()
    print(jax.jit(kernel)(*tuple(_d.values())))

</pallas_src>

<mosaic_0001>
#map = affine_map<(d0, d1) -> (0, 0)>
#map1 = affine_map<(d0, d1) -> (0, 0, 0)>
module attributes {stable_mosaic.version = 14 : i64} {
  func.func @k(%arg0: i32, %arg1: i32, %arg2: memref<2560x125xi32, #tpu.memory_space<hbm>>, %arg3: memref<10000x8xf32, #tpu.memory_space<hbm>>, %arg4: memref<125x8xf32, #tpu.memory_space<hbm>>, %arg5: memref<2x10000x8xf32, #tpu.memory_space<hbm>>, %arg6: memref<80x125xi32, #tpu.memory_space<vmem>>, %arg7: memref<125x8xf32, #tpu.memory_space<vmem>>, %arg8: memref<10000x8xf32, #tpu.memory_space<vmem_shared>>, %arg9: memref<!tpu.dma_semaphore, #tpu.memory_space<semaphore_mem>>) attributes {dimension_semantics = [#tpu.dimension_semantics<core_parallel>, #tpu.dimension_semantics<subcore_parallel>], iteration_bounds = array<i64: 2, 16>, scalar_prefetch = 0 : i64, scratch_operands = 4 : i64, tpu.core_type = #tpu.core_type<sc_vector_subcore>, window_params = [{transform_indices = #map}, {transform_indices = #map}, {transform_indices = #map}, {transform_indices = #map1}]} {
    %mul3A = arith.constant 16 : i32
    %mul3A_0 = arith.muli %arg0, %mul3A : i32
    %add3A = arith.addi %mul3A_0, %arg1 : i32
    %mul3A_1 = arith.constant 80 : i32
    %mul3A_2 = arith.muli %add3A, %mul3A_1 : i32
    %multiple_of3A = tpu.assume_multiple %mul3A_2, 8 : i32
    "tpu.region"() ({
      %run_scoped3A = tpu.sem_alloc : memref<!tpu.dma_semaphore, #tpu.memory_space<semaphore_mem>>
      %dma_start3A = arith.constant 0 : i32
      %dma_start3A_35 = tpu.memref_slice %arg2[%multiple_of3A, %dma_start3A] : memref<2560x125xi32, #tpu.memory_space<hbm>> -> memref<80x125xi32, #tpu.memory_space<hbm>>
      %dma_start3A_36 = arith.constant 0 : i32
      %dma_start3A_37 = tpu.memref_slice %arg2[%multiple_of3A, %dma_start3A_36] : memref<2560x125xi32, #tpu.memory_space<hbm>> -> memref<80x125xi32, #tpu.memory_space<hbm>>
      tpu.enqueue_dma source(%dma_start3A_37 : memref<80x125xi32, #tpu.memory_space<hbm>>) target(%arg6 : memref<80x125xi32, #tpu.memory_space<vmem>>) target_semaphore(%run_scoped3A : memref<!tpu.dma_semaphore, #tpu.memory_space<semaphore_mem>>)
      %dma_wait3A = arith.constant 0 : i32
      %dma_wait3A_38 = tpu.memref_slice %arg2[%multiple_of3A, %dma_wait3A] : memref<2560x125xi32, #tpu.memory_space<hbm>> -> memref<80x125xi32, #tpu.memory_space<hbm>>
      %dma_wait3A_39 = arith.constant 0 : i32
      %dma_wait3A_40 = tpu.memref_slice %arg2[%multiple_of3A, %dma_wait3A_39] : memref<2560x125xi32, #tpu.memory_space<hbm>> -> memref<80x125xi32, #tpu.memory_space<hbm>>
      tpu.wait_dma2 semaphore(%run_scoped3A : memref<!tpu.dma_semaphore, #tpu.memory_space<semaphore_mem>>) src(%dma_wait3A_40 : memref<80x125xi32, #tpu.memory_space<hbm>>) dst(%arg6 : memref<80x125xi32, #tpu.memory_space<vmem>>)
      tpu.yield
    }) : () -> ()
    "tpu.region"() ({
      %run_scoped3A = tpu.sem_alloc : memref<!tpu.dma_semaphore, #tpu.memory_space<semaphore_mem>>
      tpu.enqueue_dma source(%arg4 : memref<125x8xf32, #tpu.memory_space<hbm>>) target(%arg7 : memref<125x8xf32, #tpu.memory_space<vmem>>) target_semaphore(%run_scoped3A : memref<!tpu.dma_semaphore, #tpu.memory_space<semaphore_mem>>)
      tpu.wait_dma2 semaphore(%run_scoped3A : memref<!tpu.dma_semaphore, #tpu.memory_space<semaphore_mem>>) src(%arg4 : memref<125x8xf32, #tpu.memory_space<hbm>>) dst(%arg7 : memref<125x8xf32, #tpu.memory_space<vmem>>)
      tpu.yield
    }) : () -> ()
    %mul3A_3 = arith.constant 624 : i32
    %mul3A_4 = arith.muli %arg1, %mul3A_3 : i32
    %multiple_of3A_5 = tpu.assume_multiple %mul3A_4, 8 : i32
    %lt3A = arith.constant 15 : i32
    %lt3A_6 = arith.cmpi slt, %arg1, %lt3A : i32
    %convert_element_type3A = arith.extui %lt3A_6 : i1 to i32
    %cond3A = arith.constant 0 : i32
    %cond3A_7 = arith.cmpi ne, %convert_element_type3A, %cond3A : i32
    scf.if %cond3A_7 {
      "tpu.region"() ({
        %run_scoped3A = tpu.sem_alloc : memref<!tpu.dma_semaphore, #tpu.memory_space<semaphore_mem>>
        %dma_start3A = arith.constant 0 : i32
        %dma_start3A_35 = tpu.memref_slice %arg8[%multiple_of3A_5, %dma_start3A] : memref<10000x8xf32, #tpu.memory_space<vmem_shared>> -> memref<624x8xf32, #tpu.memory_space<vmem_shared>>
        %dma_start3A_36 = arith.constant 0 : i32
        %dma_start3A_37 = tpu.memref_slice %arg3[%multiple_of3A_5, %dma_start3A_36] : memref<10000x8xf32, #tpu.memory_space<hbm>> -> memref<624x8xf32, #tpu.memory_space<hbm>>
        tpu.enqueue_dma source(%dma_start3A_37 : memref<624x8xf32, #tpu.memory_space<hbm>>) target(%dma_start3A_35 : memref<624x8xf32, #tpu.memory_space<vmem_shared>>) target_semaphore(%run_scoped3A : memref<!tpu.dma_semaphore, #tpu.memory_space<semaphore_mem>>)
        %dma_wait3A = arith.constant 0 : i32
        %dma_wait3A_38 = tpu.memref_slice %arg8[%multiple_of3A_5, %dma_wait3A] : memref<10000x8xf32, #tpu.memory_space<vmem_shared>> -> memref<624x8xf32, #tpu.memory_space<vmem_shared>>
        %dma_wait3A_39 = arith.constant 0 : i32
        %dma_wait3A_40 = tpu.memref_slice %arg3[%multiple_of3A_5, %dma_wait3A_39] : memref<10000x8xf32, #tpu.memory_space<hbm>> -> memref<624x8xf32, #tpu.memory_space<hbm>>
        tpu.wait_dma2 semaphore(%run_scoped3A : memref<!tpu.dma_semaphore, #tpu.memory_space<semaphore_mem>>) src(%dma_wait3A_40 : memref<624x8xf32, #tpu.memory_space<hbm>>) dst(%dma_wait3A_38 : memref<624x8xf32, #tpu.memory_space<vmem_shared>>)
        tpu.yield
      }) : () -> ()
    } else {
    }
    %eq3A = arith.constant 15 : i32
    %eq3A_8 = arith.cmpi eq, %arg1, %eq3A : i32
    %convert_element_type3A_9 = arith.extui %eq3A_8 : i1 to i32
    %cond3A_10 = arith.constant 0 : i32
    %cond3A_11 = arith.cmpi ne, %convert_element_type3A_9, %cond3A_10 : i32
    scf.if %cond3A_11 {
      "tpu.region"() ({
        %run_scoped3A = tpu.sem_alloc : memref<!tpu.dma_semaphore, #tpu.memory_space<semaphore_mem>>
        %dma_start3A = arith.constant 9360 : i32
        %dma_start3A_35 = arith.constant 0 : i32
        %dma_start3A_36 = tpu.memref_slice %arg8[%dma_start3A, %dma_start3A_35] : memref<10000x8xf32, #tpu.memory_space<vmem_shared>> -> memref<640x8xf32, #tpu.memory_space<vmem_shared>>
        %dma_start3A_37 = arith.constant 9360 : i32
        %dma_start3A_38 = arith.constant 0 : i32
        %dma_start3A_39 = tpu.memref_slice %arg3[%dma_start3A_37, %dma_start3A_38] : memref<10000x8xf32, #tpu.memory_space<hbm>> -> memref<640x8xf32, #tpu.memory_space<hbm>>
        tpu.enqueue_dma source(%dma_start3A_39 : memref<640x8xf32, #tpu.memory_space<hbm>>) target(%dma_start3A_36 : memref<640x8xf32, #tpu.memory_space<vmem_shared>>) target_semaphore(%run_scoped3A : memref<!tpu.dma_semaphore, #tpu.memory_space<semaphore_mem>>)
        %dma_wait3A = arith.constant 9360 : i32
        %dma_wait3A_40 = arith.constant 0 : i32
        %dma_wait3A_41 = tpu.memref_slice %arg8[%dma_wait3A, %dma_wait3A_40] : memref<10000x8xf32, #tpu.memory_space<vmem_shared>> -> memref<640x8xf32, #tpu.memory_space<vmem_shared>>
        %dma_wait3A_42 = arith.constant 9360 : i32
        %dma_wait3A_43 = arith.constant 0 : i32
        %dma_wait3A_44 = tpu.memref_slice %arg3[%dma_wait3A_42, %dma_wait3A_43] : memref<10000x8xf32, #tpu.memory_space<hbm>> -> memref<640x8xf32, #tpu.memory_space<hbm>>
        tpu.wait_dma2 semaphore(%run_scoped3A : memref<!tpu.dma_semaphore, #tpu.memory_space<semaphore_mem>>) src(%dma_wait3A_44 : memref<640x8xf32, #tpu.memory_space<hbm>>) dst(%dma_wait3A_41 : memref<640x8xf32, #tpu.memory_space<vmem_shared>>)
        tpu.yield
      }) : () -> ()
    } else {
    }
    %barrier3A = arith.constant 0 : index
    tpu.barrier barrier_id(%barrier3A)
    %scan3A = arith.constant 0 : i32
    %scan3A_12 = arith.constant 80 : i32
    %scan3A_13 = arith.addi %scan3A, %scan3A_12 : i32
    %scan3A_14 = arith.constant 1 : i32
    scf.for %scan3A_35 = %scan3A to %scan3A_13 step %scan3A_14  : i32 {
      %mul3A_36 = arith.constant 1 : i32
      %mul3A_37 = arith.muli %scan3A_35, %mul3A_36 : i32
      %add3A_38 = arith.constant 0 : i32
      %add3A_39 = arith.addi %add3A_38, %mul3A_37 : i32
      %dma_start3A = arith.constant 0 : i32
      %dma_start3A_40 = tpu.memref_slice %arg6[%add3A_39, %dma_start3A] : memref<80x125xi32, #tpu.memory_space<vmem>> -> memref<1x125xi32, #tpu.memory_space<vmem>>
      %dma_start3A_41 = tpu.memref_squeeze %dma_start3A_40 : memref<1x125xi32, #tpu.memory_space<vmem>> -> memref<125xi32, #tpu.memory_space<vmem>>
      %dma_start3A_42 = arith.constant 0 : i32
      %dma_start3A_43 = arith.constant 0 : i32
      %dma_start3A_44 = tpu.memref_slice %arg8[%dma_start3A_42, %dma_start3A_43] : memref<10000x8xf32, #tpu.memory_space<vmem_shared>> -> memref<10000x8xf32, #tpu.memory_space<vmem_shared>>
      tpu.enqueue_indirect_dma source(%arg7 : memref<125x8xf32, #tpu.memory_space<vmem>>) target(%dma_start3A_44 : memref<10000x8xf32, #tpu.memory_space<vmem_shared>>) offsets(%dma_start3A_41 : memref<125xi32, #tpu.memory_space<vmem>>) semaphore(%arg9 : memref<!tpu.dma_semaphore, #tpu.memory_space<semaphore_mem>>) {add = true}
    }
    %scan3A_15 = arith.constant 80 : i32
    %scan3A_16 = arith.constant 0 : i32
    %scan3A_17 = arith.constant 80 : i32
    %scan3A_18 = arith.addi %scan3A_16, %scan3A_17 : i32
    %scan3A_19 = arith.constant 1 : i32
    scf.for %scan3A_35 = %scan3A_16 to %scan3A_18 step %scan3A_19  : i32 {
      %mul3A_36 = arith.constant 1 : i32
      %mul3A_37 = arith.muli %scan3A_35, %mul3A_36 : i32
      %add3A_38 = arith.constant 0 : i32
      %add3A_39 = arith.addi %add3A_38, %mul3A_37 : i32
      %dma_wait3A = arith.constant 0 : i32
      %dma_wait3A_40 = tpu.memref_slice %arg6[%add3A_39, %dma_wait3A] : memref<80x125xi32, #tpu.memory_space<vmem>> -> memref<1x125xi32, #tpu.memory_space<vmem>>
      %dma_wait3A_41 = tpu.memref_squeeze %dma_wait3A_40 : memref<1x125xi32, #tpu.memory_space<vmem>> -> memref<125xi32, #tpu.memory_space<vmem>>
      %dma_wait3A_42 = arith.constant 0 : i32
      %dma_wait3A_43 = arith.constant 0 : i32
      %dma_wait3A_44 = tpu.memref_slice %arg8[%dma_wait3A_42, %dma_wait3A_43] : memref<10000x8xf32, #tpu.memory_space<vmem_shared>> -> memref<10000x8xf32, #tpu.memory_space<vmem_shared>>
      tpu.wait_indirect_dma semaphore(%arg9 : memref<!tpu.dma_semaphore, #tpu.memory_space<semaphore_mem>>) src(%arg7 : memref<125x8xf32, #tpu.memory_space<vmem>>) dst(%dma_wait3A_44 : memref<10000x8xf32, #tpu.memory_space<vmem_shared>>)
    }
    %scan3A_20 = arith.constant 80 : i32
    %barrier3A_21 = arith.constant 0 : index
    tpu.barrier barrier_id(%barrier3A_21)
    %mul3A_22 = arith.constant 624 : i32
    %mul3A_23 = arith.muli %arg1, %mul3A_22 : i32
    %multiple_of3A_24 = tpu.assume_multiple %mul3A_23, 8 : i32
    %lt3A_25 = arith.constant 15 : i32
    %lt3A_26 = arith.cmpi slt, %arg1, %lt3A_25 : i32
    %convert_element_type3A_27 = arith.extui %lt3A_26 : i1 to i32
    %cond3A_28 = arith.constant 0 : i32
    %cond3A_29 = arith.cmpi ne, %convert_element_type3A_27, %cond3A_28 : i32
    scf.if %cond3A_29 {
      "tpu.region"() ({
        %run_scoped3A = tpu.sem_alloc : memref<!tpu.dma_semaphore, #tpu.memory_space<semaphore_mem>>
        %dma_start3A = arith.constant 0 : i32
        %dma_start3A_35 = tpu.memref_slice %arg5[%arg0, %multiple_of3A_24, %dma_start3A] : memref<2x10000x8xf32, #tpu.memory_space<hbm>> -> memref<1x624x8xf32, #tpu.memory_space<hbm>>
        %dma_start3A_36 = tpu.memref_squeeze %dma_start3A_35 : memref<1x624x8xf32, #tpu.memory_space<hbm>> -> memref<624x8xf32, #tpu.memory_space<hbm>>
        %dma_start3A_37 = arith.constant 0 : i32
        %dma_start3A_38 = tpu.memref_slice %arg8[%multiple_of3A_24, %dma_start3A_37] : memref<10000x8xf32, #tpu.memory_space<vmem_shared>> -> memref<624x8xf32, #tpu.memory_space<vmem_shared>>
        tpu.enqueue_dma source(%dma_start3A_38 : memref<624x8xf32, #tpu.memory_space<vmem_shared>>) target(%dma_start3A_36 : memref<624x8xf32, #tpu.memory_space<hbm>>) target_semaphore(%run_scoped3A : memref<!tpu.dma_semaphore, #tpu.memory_space<semaphore_mem>>)
        %dma_wait3A = arith.constant 0 : i32
        %dma_wait3A_39 = tpu.memref_slice %arg5[%arg0, %multiple_of3A_24, %dma_wait3A] : memref<2x10000x8xf32, #tpu.memory_space<hbm>> -> memref<1x624x8xf32, #tpu.memory_space<hbm>>
        %dma_wait3A_40 = tpu.memref_squeeze %dma_wait3A_39 : memref<1x624x8xf32, #tpu.memory_space<hbm>> -> memref<624x8xf32, #tpu.memory_space<hbm>>
        %dma_wait3A_41 = arith.constant 0 : i32
        %dma_wait3A_42 = tpu.memref_slice %arg8[%multiple_of3A_24, %dma_wait3A_41] : memref<10000x8xf32, #tpu.memory_space<vmem_shared>> -> memref<624x8xf32, #tpu.memory_space<vmem_shared>>
        tpu.wait_dma2 semaphore(%run_scoped3A : memref<!tpu.dma_semaphore, #tpu.memory_space<semaphore_mem>>) src(%dma_wait3A_42 : memref<624x8xf32, #tpu.memory_space<vmem_shared>>) dst(%dma_wait3A_40 : memref<624x8xf32, #tpu.memory_space<hbm>>)
        tpu.yield
      }) : () -> ()
    } else {
    }
    %eq3A_30 = arith.constant 15 : i32
    %eq3A_31 = arith.cmpi eq, %arg1, %eq3A_30 : i32
    %convert_element_type3A_32 = arith.extui %eq3A_31 : i1 to i32
    %cond3A_33 = arith.constant 0 : i32
    %cond3A_34 = arith.cmpi ne, %convert_element_type3A_32, %cond3A_33 : i32
    scf.if %cond3A_34 {
      "tpu.region"() ({
        %run_scoped3A = tpu.sem_alloc : memref<!tpu.dma_semaphore, #tpu.memory_space<semaphore_mem>>
        %dma_start3A = arith.constant 9360 : i32
        %dma_start3A_35 = arith.constant 0 : i32
        %dma_start3A_36 = tpu.memref_slice %arg5[%arg0, %dma_start3A, %dma_start3A_35] : memref<2x10000x8xf32, #tpu.memory_space<hbm>> -> memref<1x640x8xf32, #tpu.memory_space<hbm>>
        %dma_start3A_37 = tpu.memref_squeeze %dma_start3A_36 : memref<1x640x8xf32, #tpu.memory_space<hbm>> -> memref<640x8xf32, #tpu.memory_space<hbm>>
        %dma_start3A_38 = arith.constant 9360 : i32
        %dma_start3A_39 = arith.constant 0 : i32
        %dma_start3A_40 = tpu.memref_slice %arg8[%dma_start3A_38, %dma_start3A_39] : memref<10000x8xf32, #tpu.memory_space<vmem_shared>> -> memref<640x8xf32, #tpu.memory_space<vmem_shared>>
        tpu.enqueue_dma source(%dma_start3A_40 : memref<640x8xf32, #tpu.memory_space<vmem_shared>>) target(%dma_start3A_37 : memref<640x8xf32, #tpu.memory_space<hbm>>) target_semaphore(%run_scoped3A : memref<!tpu.dma_semaphore, #tpu.memory_space<semaphore_mem>>)
        %dma_wait3A = arith.constant 9360 : i32
        %dma_wait3A_41 = arith.constant 0 : i32
        %dma_wait3A_42 = tpu.memref_slice %arg5[%arg0, %dma_wait3A, %dma_wait3A_41] : memref<2x10000x8xf32, #tpu.memory_space<hbm>> -> memref<1x640x8xf32, #tpu.memory_space<hbm>>
        %dma_wait3A_43 = tpu.memref_squeeze %dma_wait3A_42 : memref<1x640x8xf32, #tpu.memory_space<hbm>> -> memref<640x8xf32, #tpu.memory_space<hbm>>
        %dma_wait3A_44 = arith.constant 9360 : i32
        %dma_wait3A_45 = arith.constant 0 : i32
        %dma_wait3A_46 = tpu.memref_slice %arg8[%dma_wait3A_44, %dma_wait3A_45] : memref<10000x8xf32, #tpu.memory_space<vmem_shared>> -> memref<640x8xf32, #tpu.memory_space<vmem_shared>>
        tpu.wait_dma2 semaphore(%run_scoped3A : memref<!tpu.dma_semaphore, #tpu.memory_space<semaphore_mem>>) src(%dma_wait3A_46 : memref<640x8xf32, #tpu.memory_space<vmem_shared>>) dst(%dma_wait3A_43 : memref<640x8xf32, #tpu.memory_space<hbm>>)
        tpu.yield
      }) : () -> ()
    } else {
    }
    return
  }
}

#map = affine_map<(d0, d1) -> (0, 0)>
module attributes {stable_mosaic.version = 14 : i64} {
  func.func @k(%arg0: i32, %arg1: i32, %arg2: memref<10000x64xf32, #tpu.memory_space<hbm>>, %arg3: memref<10000x64xf32, #tpu.memory_space<hbm>>, %arg4: memref<2560x125xi32, #tpu.memory_space<hbm>>, %arg5: memref<2560x125xi32, #tpu.memory_space<hbm>>, %arg6: memref<10000x64xf32, #tpu.memory_space<hbm>>, %arg7: memref<10000x64xf32, #tpu.memory_space<hbm>>, %arg8: memref<160x125xi32, #tpu.memory_space<vmem>>, %arg9: memref<160x125xi32, #tpu.memory_space<vmem>>, %arg10: memref<125x64xf32, #tpu.memory_space<vmem>>, %arg11: memref<125x64xf32, #tpu.memory_space<vmem>>, %arg12: memref<125x64xf32, #tpu.memory_space<vmem>>, %arg13: memref<125x64xf32, #tpu.memory_space<vmem>>, %arg14: memref<!tpu.dma_semaphore, #tpu.memory_space<semaphore_mem>>, %arg15: memref<!tpu.dma_semaphore, #tpu.memory_space<semaphore_mem>>, %arg16: memref<!tpu.dma_semaphore, #tpu.memory_space<semaphore_mem>>, %arg17: memref<!tpu.dma_semaphore, #tpu.memory_space<semaphore_mem>>, %arg18: memref<!tpu.dma_semaphore, #tpu.memory_space<semaphore_mem>>, %arg19: memref<!tpu.dma_semaphore, #tpu.memory_space<semaphore_mem>>, %arg20: memref<!tpu.dma_semaphore, #tpu.memory_space<semaphore_mem>>, %arg21: memref<!tpu.dma_semaphore, #tpu.memory_space<semaphore_mem>>, %arg22: memref<10000x64xf32, #tpu.memory_space<vmem_shared>>) attributes {dimension_semantics = [#tpu.dimension_semantics<core_parallel>, #tpu.dimension_semantics<subcore_parallel>], iteration_bounds = array<i64: 2, 16>, scalar_prefetch = 0 : i64, scratch_operands = 15 : i64, tpu.core_type = #tpu.core_type<sc_vector_subcore>, window_params = [{transform_indices = #map}, {transform_indices = #map}, {transform_indices = #map}, {transform_indices = #map}, {transform_indices = #map}, {transform_indices = #map}]} {
    %mul3A = arith.constant 160 : i32
    %mul3A_0 = arith.muli %arg1, %mul3A : i32
    %multiple_of3A = tpu.assume_multiple %mul3A_0, 8 : i32
    %dma_start3A = arith.constant 0 : i32
    %dma_start3A_1 = tpu.memref_slice %arg4[%multiple_of3A, %dma_start3A] : memref<2560x125xi32, #tpu.memory_space<hbm>> -> memref<160x125xi32, #tpu.memory_space<hbm>>
    %dma_start3A_2 = arith.constant 0 : i32
    %dma_start3A_3 = tpu.memref_slice %arg4[%multiple_of3A, %dma_start3A_2] : memref<2560x125xi32, #tpu.memory_space<hbm>> -> memref<160x125xi32, #tpu.memory_space<hbm>>
    tpu.enqueue_dma source(%dma_start3A_3 : memref<160x125xi32, #tpu.memory_space<hbm>>) target(%arg8 : memref<160x125xi32, #tpu.memory_space<vmem>>) target_semaphore(%arg16 : memref<!tpu.dma_semaphore, #tpu.memory_space<semaphore_mem>>)
    %dma_start3A_4 = arith.constant 0 : i32
    %dma_start3A_5 = tpu.memref_slice %arg5[%multiple_of3A, %dma_start3A_4] : memref<2560x125xi32, #tpu.memory_space<hbm>> -> memref<160x125xi32, #tpu.memory_space<hbm>>
    %dma_start3A_6 = arith.constant 0 : i32
    %dma_start3A_7 = tpu.memref_slice %arg5[%multiple_of3A, %dma_start3A_6] : memref<2560x125xi32, #tpu.memory_space<hbm>> -> memref<160x125xi32, #tpu.memory_space<hbm>>
    tpu.enqueue_dma source(%dma_start3A_7 : memref<160x125xi32, #tpu.memory_space<hbm>>) target(%arg9 : memref<160x125xi32, #tpu.memory_space<vmem>>) target_semaphore(%arg17 : memref<!tpu.dma_semaphore, #tpu.memory_space<semaphore_mem>>)
    %eq3A = arith.constant 0 : i32
    %eq3A_8 = arith.cmpi eq, %arg0, %eq3A : i32
    %convert_element_type3A = arith.extui %eq3A_8 : i1 to i32
    %cond3A = arith.constant 0 : i32
    %cond3A_9 = arith.cmpi ne, %convert_element_type3A, %cond3A : i32
    scf.if %cond3A_9 {
      %mul3A_15 = arith.constant 624 : i32
      %mul3A_16 = arith.muli %arg1, %mul3A_15 : i32
      %multiple_of3A_17 = tpu.assume_multiple %mul3A_16, 8 : i32
      %lt3A = arith.constant 15 : i32
      %lt3A_18 = arith.cmpi slt, %arg1, %lt3A : i32
      %convert_element_type3A_19 = arith.extui %lt3A_18 : i1 to i32
      %cond3A_20 = arith.constant 0 : i32
      %cond3A_21 = arith.cmpi ne, %convert_element_type3A_19, %cond3A_20 : i32
      scf.if %cond3A_21 {
        %dma_start3A_107 = arith.constant 0 : i32
        %dma_start3A_108 = tpu.memref_slice %arg22[%multiple_of3A_17, %dma_start3A_107] : memref<10000x64xf32, #tpu.memory_space<vmem_shared>> -> memref<624x64xf32, #tpu.memory_space<vmem_shared>>
        %dma_start3A_109 = arith.constant 0 : i32
        %dma_start3A_110 = tpu.memref_slice %arg2[%multiple_of3A_17, %dma_start3A_109] : memref<10000x64xf32, #tpu.memory_space<hbm>> -> memref<624x64xf32, #tpu.memory_space<hbm>>
        tpu.enqueue_dma source(%dma_start3A_110 : memref<624x64xf32, #tpu.memory_space<hbm>>) target(%dma_start3A_108 : memref<624x64xf32, #tpu.memory_space<vmem_shared>>) target_semaphore(%arg18 : memref<!tpu.dma_semaphore, #tpu.memory_space<semaphore_mem>>)
      } else {
      }
      %eq3A_22 = arith.constant 15 : i32
      %eq3A_23 = arith.cmpi eq, %arg1, %eq3A_22 : i32
      %convert_element_type3A_24 = arith.extui %eq3A_23 : i1 to i32
      %cond3A_25 = arith.constant 0 : i32
      %cond3A_26 = arith.cmpi ne, %convert_element_type3A_24, %cond3A_25 : i32
      scf.if %cond3A_26 {
        %dma_start3A_107 = arith.constant 9360 : i32
        %dma_start3A_108 = arith.constant 0 : i32
        %dma_start3A_109 = tpu.memref_slice %arg22[%dma_start3A_107, %dma_start3A_108] : memref<10000x64xf32, #tpu.memory_space<vmem_shared>> -> memref<640x64xf32, #tpu.memory_space<vmem_shared>>
        %dma_start3A_110 = arith.constant 9360 : i32
        %dma_start3A_111 = arith.constant 0 : i32
        %dma_start3A_112 = tpu.memref_slice %arg2[%dma_start3A_110, %dma_start3A_111] : memref<10000x64xf32, #tpu.memory_space<hbm>> -> memref<640x64xf32, #tpu.memory_space<hbm>>
        tpu.enqueue_dma source(%dma_start3A_112 : memref<640x64xf32, #tpu.memory_space<hbm>>) target(%dma_start3A_109 : memref<640x64xf32, #tpu.memory_space<vmem_shared>>) target_semaphore(%arg18 : memref<!tpu.dma_semaphore, #tpu.memory_space<semaphore_mem>>)
      } else {
      }
      %dma_wait3A = arith.constant 0 : i32
      %dma_wait3A_27 = tpu.memref_slice %arg4[%multiple_of3A, %dma_wait3A] : memref<2560x125xi32, #tpu.memory_space<hbm>> -> memref<160x125xi32, #tpu.memory_space<hbm>>
      %dma_wait3A_28 = arith.constant 0 : i32
      %dma_wait3A_29 = tpu.memref_slice %arg4[%multiple_of3A, %dma_wait3A_28] : memref<2560x125xi32, #tpu.memory_space<hbm>> -> memref<160x125xi32, #tpu.memory_space<hbm>>
      tpu.wait_dma2 semaphore(%arg16 : memref<!tpu.dma_semaphore, #tpu.memory_space<semaphore_mem>>) src(%dma_wait3A_29 : memref<160x125xi32, #tpu.memory_space<hbm>>) dst(%arg8 : memref<160x125xi32, #tpu.memory_space<vmem>>)
      %dma_start3A_30 = arith.constant 0 : i32
      %dma_start3A_31 = arith.constant 0 : i32
      %dma_start3A_32 = tpu.memref_slice %arg8[%dma_start3A_30, %dma_start3A_31] : memref<160x125xi32, #tpu.memory_space<vmem>> -> memref<1x125xi32, #tpu.memory_space<vmem>>
      %dma_start3A_33 = tpu.memref_squeeze %dma_start3A_32 : memref<1x125xi32, #tpu.memory_space<vmem>> -> memref<125xi32, #tpu.memory_space<vmem>>
      %dma_start3A_34 = arith.constant 0 : i32
      %dma_start3A_35 = arith.constant 0 : i32
      %dma_start3A_36 = tpu.memref_slice %arg2[%dma_start3A_34, %dma_start3A_35] : memref<10000x64xf32, #tpu.memory_space<hbm>> -> memref<10000x64xf32, #tpu.memory_space<hbm>>
      tpu.enqueue_indirect_dma source(%dma_start3A_36 : memref<10000x64xf32, #tpu.memory_space<hbm>>) target(%arg10 : memref<125x64xf32, #tpu.memory_space<vmem>>) offsets(%dma_start3A_33 : memref<125xi32, #tpu.memory_space<vmem>>) semaphore(%arg14 : memref<!tpu.dma_semaphore, #tpu.memory_space<semaphore_mem>>)
      %dma_start3A_37 = arith.constant 1 : i32
      %dma_start3A_38 = arith.constant 0 : i32
      %dma_start3A_39 = tpu.memref_slice %arg8[%dma_start3A_37, %dma_start3A_38] : memref<160x125xi32, #tpu.memory_space<vmem>> -> memref<1x125xi32, #tpu.memory_space<vmem>>
      %dma_start3A_40 = tpu.memref_squeeze %dma_start3A_39 : memref<1x125xi32, #tpu.memory_space<vmem>> -> memref<125xi32, #tpu.memory_space<vmem>>
      %dma_start3A_41 = arith.constant 0 : i32
      %dma_start3A_42 = arith.constant 0 : i32
      %dma_start3A_43 = tpu.memref_slice %arg2[%dma_start3A_41, %dma_start3A_42] : memref<10000x64xf32, #tpu.memory_space<hbm>> -> memref<10000x64xf32, #tpu.memory_space<hbm>>
      tpu.enqueue_indirect_dma source(%dma_start3A_43 : memref<10000x64xf32, #tpu.memory_space<hbm>>) target(%arg11 : memref<125x64xf32, #tpu.memory_space<vmem>>) offsets(%dma_start3A_40 : memref<125xi32, #tpu.memory_space<vmem>>) semaphore(%arg15 : memref<!tpu.dma_semaphore, #tpu.memory_space<semaphore_mem>>)
      %dma_wait3A_44 = arith.constant 0 : i32
      %dma_wait3A_45 = tpu.memref_slice %arg5[%multiple_of3A, %dma_wait3A_44] : memref<2560x125xi32, #tpu.memory_space<hbm>> -> memref<160x125xi32, #tpu.memory_space<hbm>>
      %dma_wait3A_46 = arith.constant 0 : i32
      %dma_wait3A_47 = tpu.memref_slice %arg5[%multiple_of3A, %dma_wait3A_46] : memref<2560x125xi32, #tpu.memory_space<hbm>> -> memref<160x125xi32, #tpu.memory_space<hbm>>
      tpu.wait_dma2 semaphore(%arg17 : memref<!tpu.dma_semaphore, #tpu.memory_space<semaphore_mem>>) src(%dma_wait3A_47 : memref<160x125xi32, #tpu.memory_space<hbm>>) dst(%arg9 : memref<160x125xi32, #tpu.memory_space<vmem>>)
      %mul3A_48 = arith.constant 624 : i32
      %mul3A_49 = arith.muli %arg1, %mul3A_48 : i32
      %multiple_of3A_50 = tpu.assume_multiple %mul3A_49, 8 : i32
      %lt3A_51 = arith.constant 15 : i32
      %lt3A_52 = arith.cmpi slt, %arg1, %lt3A_51 : i32
      %convert_element_type3A_53 = arith.extui %lt3A_52 : i1 to i32
      %cond3A_54 = arith.constant 0 : i32
      %cond3A_55 = arith.cmpi ne, %convert_element_type3A_53, %cond3A_54 : i32
      scf.if %cond3A_55 {
        %dma_wait3A_107 = arith.constant 0 : i32
        %dma_wait3A_108 = tpu.memref_slice %arg22[%multiple_of3A_50, %dma_wait3A_107] : memref<10000x64xf32, #tpu.memory_space<vmem_shared>> -> memref<624x64xf32, #tpu.memory_space<vmem_shared>>
        %dma_wait3A_109 = arith.constant 0 : i32
        %dma_wait3A_110 = tpu.memref_slice %arg2[%multiple_of3A_50, %dma_wait3A_109] : memref<10000x64xf32, #tpu.memory_space<hbm>> -> memref<624x64xf32, #tpu.memory_space<hbm>>
        tpu.wait_dma2 semaphore(%arg18 : memref<!tpu.dma_semaphore, #tpu.memory_space<semaphore_mem>>) src(%dma_wait3A_110 : memref<624x64xf32, #tpu.memory_space<hbm>>) dst(%dma_wait3A_108 : memref<624x64xf32, #tpu.memory_space<vmem_shared>>)
      } else {
      }
      %eq3A_56 = arith.constant 15 : i32
      %eq3A_57 = arith.cmpi eq, %arg1, %eq3A_56 : i32
      %convert_element_type3A_58 = arith.extui %eq3A_57 : i1 to i32
      %cond3A_59 = arith.constant 0 : i32
      %cond3A_60 = arith.cmpi ne, %convert_element_type3A_58, %cond3A_59 : i32
      scf.if %cond3A_60 {
        %dma_wait3A_107 = arith.constant 9360 : i32
        %dma_wait3A_108 = arith.constant 0 : i32
        %dma_wait3A_109 = tpu.memref_slice %arg22[%dma_wait3A_107, %dma_wait3A_108] : memref<10000x64xf32, #tpu.memory_space<vmem_shared>> -> memref<640x64xf32, #tpu.memory_space<vmem_shared>>
        %dma_wait3A_110 = arith.constant 9360 : i32
        %dma_wait3A_111 = arith.constant 0 : i32
        %dma_wait3A_112 = tpu.memref_slice %arg2[%dma_wait3A_110, %dma_wait3A_111] : memref<10000x64xf32, #tpu.memory_space<hbm>> -> memref<640x64xf32, #tpu.memory_space<hbm>>
        tpu.wait_dma2 semaphore(%arg18 : memref<!tpu.dma_semaphore, #tpu.memory_space<semaphore_mem>>) src(%dma_wait3A_112 : memref<640x64xf32, #tpu.memory_space<hbm>>) dst(%dma_wait3A_109 : memref<640x64xf32, #tpu.memory_space<vmem_shared>>)
      } else {
      }
      %barrier3A = arith.constant 0 : index
      tpu.barrier barrier_id(%barrier3A)
      %scan3A = arith.constant 0 : i32
      %scan3A_61 = arith.constant 40 : i32
      %scan3A_62 = arith.addi %scan3A, %scan3A_61 : i32
      %scan3A_63 = arith.constant 1 : i32
      scf.for %scan3A_107 = %scan3A to %scan3A_62 step %scan3A_63  : i32 {
        %mul3A_108 = arith.constant 4 : i32
        %mul3A_109 = arith.muli %scan3A_107, %mul3A_108 : i32
        %add3A = arith.constant 0 : i32
        %add3A_110 = arith.addi %add3A, %mul3A_109 : i32
        %add3A_111 = arith.constant 0 : i32
        %add3A_112 = arith.addi %add3A_110, %add3A_111 : i32
        %add3A_113 = arith.constant 2 : i32
        %add3A_114 = arith.addi %add3A_112, %add3A_113 : i32
        %lt3A_115 = arith.constant 160 : i32
        %lt3A_116 = arith.cmpi slt, %add3A_114, %lt3A_115 : i32
        %convert_element_type3A_117 = arith.extui %lt3A_116 : i1 to i32
        %cond3A_118 = arith.constant 0 : i32
        %cond3A_119 = arith.cmpi ne, %convert_element_type3A_117, %cond3A_118 : i32
        scf.if %cond3A_119 {
          %ge3A = arith.constant 4 : i32
          %ge3A_195 = arith.cmpi sge, %add3A_114, %ge3A : i32
          %convert_element_type3A_196 = arith.extui %ge3A_195 : i1 to i32
          %cond3A_197 = arith.constant 0 : i32
          %cond3A_198 = arith.cmpi ne, %convert_element_type3A_196, %cond3A_197 : i32
          scf.if %cond3A_198 {
            %sub3A = arith.constant 4 : i32
            %sub3A_205 = arith.subi %add3A_114, %sub3A : i32
            %dma_wait3A_206 = arith.constant 0 : i32
            %dma_wait3A_207 = tpu.memref_slice %arg9[%sub3A_205, %dma_wait3A_206] : memref<160x125xi32, #tpu.memory_space<vmem>> -> memref<1x125xi32, #tpu.memory_space<vmem>>
            %dma_wait3A_208 = tpu.memref_squeeze %dma_wait3A_207 : memref<1x125xi32, #tpu.memory_space<vmem>> -> memref<125xi32, #tpu.memory_space<vmem>>
            %dma_wait3A_209 = arith.constant 0 : i32
            %dma_wait3A_210 = arith.constant 0 : i32
            %dma_wait3A_211 = tpu.memref_slice %arg22[%dma_wait3A_209, %dma_wait3A_210] : memref<10000x64xf32, #tpu.memory_space<vmem_shared>> -> memref<10000x64xf32, #tpu.memory_space<vmem_shared>>
            tpu.wait_indirect_dma semaphore(%arg20 : memref<!tpu.dma_semaphore, #tpu.memory_space<semaphore_mem>>) src(%arg12 : memref<125x64xf32, #tpu.memory_space<vmem>>) dst(%dma_wait3A_211 : memref<10000x64xf32, #tpu.memory_space<vmem_shared>>)
          } else {
          }
          %dma_start3A_199 = arith.constant 0 : i32
          %dma_start3A_200 = tpu.memref_slice %arg8[%add3A_114, %dma_start3A_199] : memref<160x125xi32, #tpu.memory_space<vmem>> -> memref<1x125xi32, #tpu.memory_space<vmem>>
          %dma_start3A_201 = tpu.memref_squeeze %dma_start3A_200 : memref<1x125xi32, #tpu.memory_space<vmem>> -> memref<125xi32, #tpu.memory_space<vmem>>
          %dma_start3A_202 = arith.constant 0 : i32
          %dma_start3A_203 = arith.constant 0 : i32
          %dma_start3A_204 = tpu.memref_slice %arg2[%dma_start3A_202, %dma_start3A_203] : memref<10000x64xf32, #tpu.memory_space<hbm>> -> memref<10000x64xf32, #tpu.memory_space<hbm>>
          tpu.enqueue_indirect_dma source(%dma_start3A_204 : memref<10000x64xf32, #tpu.memory_space<hbm>>) target(%arg12 : memref<125x64xf32, #tpu.memory_space<vmem>>) offsets(%dma_start3A_201 : memref<125xi32, #tpu.memory_space<vmem>>) semaphore(%arg16 : memref<!tpu.dma_semaphore, #tpu.memory_space<semaphore_mem>>)
        } else {
        }
        %dma_wait3A_120 = arith.constant 0 : i32
        %dma_wait3A_121 = tpu.memref_slice %arg8[%add3A_112, %dma_wait3A_120] : memref<160x125xi32, #tpu.memory_space<vmem>> -> memref<1x125xi32, #tpu.memory_space<vmem>>
        %dma_wait3A_122 = tpu.memref_squeeze %dma_wait3A_121 : memref<1x125xi32, #tpu.memory_space<vmem>> -> memref<125xi32, #tpu.memory_space<vmem>>
        %dma_wait3A_123 = arith.constant 0 : i32
        %dma_wait3A_124 = arith.constant 0 : i32
        %dma_wait3A_125 = tpu.memref_slice %arg2[%dma_wait3A_123, %dma_wait3A_124] : memref<10000x64xf32, #tpu.memory_space<hbm>> -> memref<10000x64xf32, #tpu.memory_space<hbm>>
        tpu.wait_indirect_dma semaphore(%arg14 : memref<!tpu.dma_semaphore, #tpu.memory_space<semaphore_mem>>) src(%dma_wait3A_125 : memref<10000x64xf32, #tpu.memory_space<hbm>>) dst(%arg10 : memref<125x64xf32, #tpu.memory_space<vmem>>)
        %dma_start3A_126 = arith.constant 0 : i32
        %dma_start3A_127 = tpu.memref_slice %arg9[%add3A_112, %dma_start3A_126] : memref<160x125xi32, #tpu.memory_space<vmem>> -> memref<1x125xi32, #tpu.memory_space<vmem>>
        %dma_start3A_128 = tpu.memref_squeeze %dma_start3A_127 : memref<1x125xi32, #tpu.memory_space<vmem>> -> memref<125xi32, #tpu.memory_space<vmem>>
        %dma_start3A_129 = arith.constant 0 : i32
        %dma_start3A_130 = arith.constant 0 : i32
        %dma_start3A_131 = tpu.memref_slice %arg22[%dma_start3A_129, %dma_start3A_130] : memref<10000x64xf32, #tpu.memory_space<vmem_shared>> -> memref<10000x64xf32, #tpu.memory_space<vmem_shared>>
        tpu.enqueue_indirect_dma source(%arg10 : memref<125x64xf32, #tpu.memory_space<vmem>>) target(%dma_start3A_131 : memref<10000x64xf32, #tpu.memory_space<vmem_shared>>) offsets(%dma_start3A_128 : memref<125xi32, #tpu.memory_space<vmem>>) semaphore(%arg18 : memref<!tpu.dma_semaphore, #tpu.memory_space<semaphore_mem>>) {add = true}
        %add3A_132 = arith.constant 1 : i32
        %add3A_133 = arith.addi %add3A_110, %add3A_132 : i32
        %add3A_134 = arith.constant 2 : i32
        %add3A_135 = arith.addi %add3A_133, %add3A_134 : i32
        %lt3A_136 = arith.constant 160 : i32
        %lt3A_137 = arith.cmpi slt, %add3A_135, %lt3A_136 : i32
        %convert_element_type3A_138 = arith.extui %lt3A_137 : i1 to i32
        %cond3A_139 = arith.constant 0 : i32
        %cond3A_140 = arith.cmpi ne, %convert_element_type3A_138, %cond3A_139 : i32
        scf.if %cond3A_140 {
          %ge3A = arith.constant 4 : i32
          %ge3A_195 = arith.cmpi sge, %add3A_135, %ge3A : i32
          %convert_element_type3A_196 = arith.extui %ge3A_195 : i1 to i32
          %cond3A_197 = arith.constant 0 : i32
          %cond3A_198 = arith.cmpi ne, %convert_element_type3A_196, %cond3A_197 : i32
          scf.if %cond3A_198 {
            %sub3A = arith.constant 4 : i32
            %sub3A_205 = arith.subi %add3A_135, %sub3A : i32
            %dma_wait3A_206 = arith.constant 0 : i32
            %dma_wait3A_207 = tpu.memref_slice %arg9[%sub3A_205, %dma_wait3A_206] : memref<160x125xi32, #tpu.memory_space<vmem>> -> memref<1x125xi32, #tpu.memory_space<vmem>>
            %dma_wait3A_208 = tpu.memref_squeeze %dma_wait3A_207 : memref<1x125xi32, #tpu.memory_space<vmem>> -> memref<125xi32, #tpu.memory_space<vmem>>
            %dma_wait3A_209 = arith.constant 0 : i32
            %dma_wait3A_210 = arith.constant 0 : i32
            %dma_wait3A_211 = tpu.memref_slice %arg22[%dma_wait3A_209, %dma_wait3A_210] : memref<10000x64xf32, #tpu.memory_space<vmem_shared>> -> memref<10000x64xf32, #tpu.memory_space<vmem_shared>>
            tpu.wait_indirect_dma semaphore(%arg21 : memref<!tpu.dma_semaphore, #tpu.memory_space<semaphore_mem>>) src(%arg13 : memref<125x64xf32, #tpu.memory_space<vmem>>) dst(%dma_wait3A_211 : memref<10000x64xf32, #tpu.memory_space<vmem_shared>>)
          } else {
          }
          %dma_start3A_199 = arith.constant 0 : i32
          %dma_start3A_200 = tpu.memref_slice %arg8[%add3A_135, %dma_start3A_199] : memref<160x125xi32, #tpu.memory_space<vmem>> -> memref<1x125xi32, #tpu.memory_space<vmem>>
          %dma_start3A_201 = tpu.memref_squeeze %dma_start3A_200 : memref<1x125xi32, #tpu.memory_space<vmem>> -> memref<125xi32, #tpu.memory_space<vmem>>
          %dma_start3A_202 = arith.constant 0 : i32
          %dma_start3A_203 = arith.constant 0 : i32
          %dma_start3A_204 = tpu.memref_slice %arg2[%dma_start3A_202, %dma_start3A_203] : memref<10000x64xf32, #tpu.memory_space<hbm>> -> memref<10000x64xf32, #tpu.memory_space<hbm>>
          tpu.enqueue_indirect_dma source(%dma_start3A_204 : memref<10000x64xf32, #tpu.memory_space<hbm>>) target(%arg13 : memref<125x64xf32, #tpu.memory_space<vmem>>) offsets(%dma_start3A_201 : memref<125xi32, #tpu.memory_space<vmem>>) semaphore(%arg17 : memref<!tpu.dma_semaphore, #tpu.memory_space<semaphore_mem>>)
        } else {
        }
        %dma_wait3A_141 = arith.constant 0 : i32
        %dma_wait3A_142 = tpu.memref_slice %arg8[%add3A_133, %dma_wait3A_141] : memref<160x125xi32, #tpu.memory_space<vmem>> -> memref<1x125xi32, #tpu.memory_space<vmem>>
        %dma_wait3A_143 = tpu.memref_squeeze %dma_wait3A_142 : memref<1x125xi32, #tpu.memory_space<vmem>> -> memref<125xi32, #tpu.memory_space<vmem>>
        %dma_wait3A_144 = arith.constant 0 : i32
        %dma_wait3A_145 = arith.constant 0 : i32
        %dma_wait3A_146 = tpu.memref_slice %arg2[%dma_wait3A_144, %dma_wait3A_145] : memref<10000x64xf32, #tpu.memory_space<hbm>> -> memref<10000x64xf32, #tpu.memory_space<hbm>>
        tpu.wait_indirect_dma semaphore(%arg15 : memref<!tpu.dma_semaphore, #tpu.memory_space<semaphore_mem>>) src(%dma_wait3A_146 : memref<10000x64xf32, #tpu.memory_space<hbm>>) dst(%arg11 : memref<125x64xf32, #tpu.memory_space<vmem>>)
        %dma_start3A_147 = arith.constant 0 : i32
        %dma_start3A_148 = tpu.memref_slice %arg9[%add3A_133, %dma_start3A_147] : memref<160x125xi32, #tpu.memory_space<vmem>> -> memref<1x125xi32, #tpu.memory_space<vmem>>
        %dma_start3A_149 = tpu.memref_squeeze %dma_start3A_148 : memref<1x125xi32, #tpu.memory_space<vmem>> -> memref<125xi32, #tpu.memory_space<vmem>>
        %dma_start3A_150 = arith.constant 0 : i32
        %dma_start3A_151 = arith.constant 0 : i32
        %dma_start3A_152 = tpu.memref_slice %arg22[%dma_start3A_150, %dma_start3A_151] : memref<10000x64xf32, #tpu.memory_space<vmem_shared>> -> memref<10000x64xf32, #tpu.memory_space<vmem_shared>>
        tpu.enqueue_indirect_dma source(%arg11 : memref<125x64xf32, #tpu.memory_space<vmem>>) target(%dma_start3A_152 : memref<10000x64xf32, #tpu.memory_space<vmem_shared>>) offsets(%dma_start3A_149 : memref<125xi32, #tpu.memory_space<vmem>>) semaphore(%arg19 : memref<!tpu.dma_semaphore, #tpu.memory_space<semaphore_mem>>) {add = true}
        %add3A_153 = arith.constant 2 : i32
        %add3A_154 = arith.addi %add3A_110, %add3A_153 : i32
        %add3A_155 = arith.constant 2 : i32
        %add3A_156 = arith.addi %add3A_154, %add3A_155 : i32
        %lt3A_157 = arith.constant 160 : i32
        %lt3A_158 = arith.cmpi slt, %add3A_156, %lt3A_157 : i32
        %convert_element_type3A_159 = arith.extui %lt3A_158 : i1 to i32
        %cond3A_160 = arith.constant 0 : i32
        %cond3A_161 = arith.cmpi ne, %convert_element_type3A_159, %cond3A_160 : i32
        scf.if %cond3A_161 {
          %ge3A = arith.constant 4 : i32
          %ge3A_195 = arith.cmpi sge, %add3A_156, %ge3A : i32
          %convert_element_type3A_196 = arith.extui %ge3A_195 : i1 to i32
          %cond3A_197 = arith.constant 0 : i32
          %cond3A_198 = arith.cmpi ne, %convert_element_type3A_196, %cond3A_197 : i32
          scf.if %cond3A_198 {
            %sub3A = arith.constant 4 : i32
            %sub3A_205 = arith.subi %add3A_156, %sub3A : i32
            %dma_wait3A_206 = arith.constant 0 : i32
            %dma_wait3A_207 = tpu.memref_slice %arg9[%sub3A_205, %dma_wait3A_206] : memref<160x125xi32, #tpu.memory_space<vmem>> -> memref<1x125xi32, #tpu.memory_space<vmem>>
            %dma_wait3A_208 = tpu.memref_squeeze %dma_wait3A_207 : memref<1x125xi32, #tpu.memory_space<vmem>> -> memref<125xi32, #tpu.memory_space<vmem>>
            %dma_wait3A_209 = arith.constant 0 : i32
            %dma_wait3A_210 = arith.constant 0 : i32
            %dma_wait3A_211 = tpu.memref_slice %arg22[%dma_wait3A_209, %dma_wait3A_210] : memref<10000x64xf32, #tpu.memory_space<vmem_shared>> -> memref<10000x64xf32, #tpu.memory_space<vmem_shared>>
            tpu.wait_indirect_dma semaphore(%arg18 : memref<!tpu.dma_semaphore, #tpu.memory_space<semaphore_mem>>) src(%arg10 : memref<125x64xf32, #tpu.memory_space<vmem>>) dst(%dma_wait3A_211 : memref<10000x64xf32, #tpu.memory_space<vmem_shared>>)
          } else {
          }
          %dma_start3A_199 = arith.constant 0 : i32
          %dma_start3A_200 = tpu.memref_slice %arg8[%add3A_156, %dma_start3A_199] : memref<160x125xi32, #tpu.memory_space<vmem>> -> memref<1x125xi32, #tpu.memory_space<vmem>>
          %dma_start3A_201 = tpu.memref_squeeze %dma_start3A_200 : memref<1x125xi32, #tpu.memory_space<vmem>> -> memref<125xi32, #tpu.memory_space<vmem>>
          %dma_start3A_202 = arith.constant 0 : i32
          %dma_start3A_203 = arith.constant 0 : i32
          %dma_start3A_204 = tpu.memref_slice %arg2[%dma_start3A_202, %dma_start3A_203] : memref<10000x64xf32, #tpu.memory_space<hbm>> -> memref<10000x64xf32, #tpu.memory_space<hbm>>
          tpu.enqueue_indirect_dma source(%dma_start3A_204 : memref<10000x64xf32, #tpu.memory_space<hbm>>) target(%arg10 : memref<125x64xf32, #tpu.memory_space<vmem>>) offsets(%dma_start3A_201 : memref<125xi32, #tpu.memory_space<vmem>>) semaphore(%arg14 : memref<!tpu.dma_semaphore, #tpu.memory_space<semaphore_mem>>)
        } else {
        }
        %dma_wait3A_162 = arith.constant 0 : i32
        %dma_wait3A_163 = tpu.memref_slice %arg8[%add3A_154, %dma_wait3A_162] : memref<160x125xi32, #tpu.memory_space<vmem>> -> memref<1x125xi32, #tpu.memory_space<vmem>>
        %dma_wait3A_164 = tpu.memref_squeeze %dma_wait3A_163 : memref<1x125xi32, #tpu.memory_space<vmem>> -> memref<125xi32, #tpu.memory_space<vmem>>
        %dma_wait3A_165 = arith.constant 0 : i32
        %dma_wait3A_166 = arith.constant 0 : i32
        %dma_wait3A_167 = tpu.memref_slice %arg2[%dma_wait3A_165, %dma_wait3A_166] : memref<10000x64xf32, #tpu.memory_space<hbm>> -> memref<10000x64xf32, #tpu.memory_space<hbm>>
        tpu.wait_indirect_dma semaphore(%arg16 : memref<!tpu.dma_semaphore, #tpu.memory_space<semaphore_mem>>) src(%dma_wait3A_167 : memref<10000x64xf32, #tpu.memory_space<hbm>>) dst(%arg12 : memref<125x64xf32, #tpu.memory_space<vmem>>)
        %dma_start3A_168 = arith.constant 0 : i32
        %dma_start3A_169 = tpu.memref_slice %arg9[%add3A_154, %dma_start3A_168] : memref<160x125xi32, #tpu.memory_space<vmem>> -> memref<1x125xi32, #tpu.memory_space<vmem>>
        %dma_start3A_170 = tpu.memref_squeeze %dma_start3A_169 : memref<1x125xi32, #tpu.memory_space<vmem>> -> memref<125xi32, #tpu.memory_space<vmem>>
        %dma_start3A_171 = arith.constant 0 : i32
        %dma_start3A_172 = arith.constant 0 : i32
        %dma_start3A_173 = tpu.memref_slice %arg22[%dma_start3A_171, %dma_start3A_172] : memref<10000x64xf32, #tpu.memory_space<vmem_shared>> -> memref<10000x64xf32, #tpu.memory_space<vmem_shared>>
        tpu.enqueue_indirect_dma source(%arg12 : memref<125x64xf32, #tpu.memory_space<vmem>>) target(%dma_start3A_173 : memref<10000x64xf32, #tpu.memory_space<vmem_shared>>) offsets(%dma_start3A_170 : memref<125xi32, #tpu.memory_space<vmem>>) semaphore(%arg20 : memref<!tpu.dma_semaphore, #tpu.memory_space<semaphore_mem>>) {add = true}
        %add3A_174 = arith.constant 3 : i32
        %add3A_175 = arith.addi %add3A_110, %add3A_174 : i32
        %add3A_176 = arith.constant 2 : i32
        %add3A_177 = arith.addi %add3A_175, %add3A_176 : i32
        %lt3A_178 = arith.constant 160 : i32
        %lt3A_179 = arith.cmpi slt, %add3A_177, %lt3A_178 : i32
        %convert_element_type3A_180 = arith.extui %lt3A_179 : i1 to i32
        %cond3A_181 = arith.constant 0 : i32
        %cond3A_182 = arith.cmpi ne, %convert_element_type3A_180, %cond3A_181 : i32
        scf.if %cond3A_182 {
          %ge3A = arith.constant 4 : i32
          %ge3A_195 = arith.cmpi sge, %add3A_177, %ge3A : i32
          %convert_element_type3A_196 = arith.extui %ge3A_195 : i1 to i32
          %cond3A_197 = arith.constant 0 : i32
          %cond3A_198 = arith.cmpi ne, %convert_element_type3A_196, %cond3A_197 : i32
          scf.if %cond3A_198 {
            %sub3A = arith.constant 4 : i32
            %sub3A_205 = arith.subi %add3A_177, %sub3A : i32
            %dma_wait3A_206 = arith.constant 0 : i32
            %dma_wait3A_207 = tpu.memref_slice %arg9[%sub3A_205, %dma_wait3A_206] : memref<160x125xi32, #tpu.memory_space<vmem>> -> memref<1x125xi32, #tpu.memory_space<vmem>>
            %dma_wait3A_208 = tpu.memref_squeeze %dma_wait3A_207 : memref<1x125xi32, #tpu.memory_space<vmem>> -> memref<125xi32, #tpu.memory_space<vmem>>
            %dma_wait3A_209 = arith.constant 0 : i32
            %dma_wait3A_210 = arith.constant 0 : i32
            %dma_wait3A_211 = tpu.memref_slice %arg22[%dma_wait3A_209, %dma_wait3A_210] : memref<10000x64xf32, #tpu.memory_space<vmem_shared>> -> memref<10000x64xf32, #tpu.memory_space<vmem_shared>>
            tpu.wait_indirect_dma semaphore(%arg19 : memref<!tpu.dma_semaphore, #tpu.memory_space<semaphore_mem>>) src(%arg11 : memref<125x64xf32, #tpu.memory_space<vmem>>) dst(%dma_wait3A_211 : memref<10000x64xf32, #tpu.memory_space<vmem_shared>>)
          } else {
          }
          %dma_start3A_199 = arith.constant 0 : i32
          %dma_start3A_200 = tpu.memref_slice %arg8[%add3A_177, %dma_start3A_199] : memref<160x125xi32, #tpu.memory_space<vmem>> -> memref<1x125xi32, #tpu.memory_space<vmem>>
          %dma_start3A_201 = tpu.memref_squeeze %dma_start3A_200 : memref<1x125xi32, #tpu.memory_space<vmem>> -> memref<125xi32, #tpu.memory_space<vmem>>
          %dma_start3A_202 = arith.constant 0 : i32
          %dma_start3A_203 = arith.constant 0 : i32
          %dma_start3A_204 = tpu.memref_slice %arg2[%dma_start3A_202, %dma_start3A_203] : memref<10000x64xf32, #tpu.memory_space<hbm>> -> memref<10000x64xf32, #tpu.memory_space<hbm>>
          tpu.enqueue_indirect_dma source(%dma_start3A_204 : memref<10000x64xf32, #tpu.memory_space<hbm>>) target(%arg11 : memref<125x64xf32, #tpu.memory_space<vmem>>) offsets(%dma_start3A_201 : memref<125xi32, #tpu.memory_space<vmem>>) semaphore(%arg15 : memref<!tpu.dma_semaphore, #tpu.memory_space<semaphore_mem>>)
        } else {
        }
        %dma_wait3A_183 = arith.constant 0 : i32
        %dma_wait3A_184 = tpu.memref_slice %arg8[%add3A_175, %dma_wait3A_183] : memref<160x125xi32, #tpu.memory_space<vmem>> -> memref<1x125xi32, #tpu.memory_space<vmem>>
        %dma_wait3A_185 = tpu.memref_squeeze %dma_wait3A_184 : memref<1x125xi32, #tpu.memory_space<vmem>> -> memref<125xi32, #tpu.memory_space<vmem>>
        %dma_wait3A_186 = arith.constant 0 : i32
        %dma_wait3A_187 = arith.constant 0 : i32
        %dma_wait3A_188 = tpu.memref_slice %arg2[%dma_wait3A_186, %dma_wait3A_187] : memref<10000x64xf32, #tpu.memory_space<hbm>> -> memref<10000x64xf32, #tpu.memory_space<hbm>>
        tpu.wait_indirect_dma semaphore(%arg17 : memref<!tpu.dma_semaphore, #tpu.memory_space<semaphore_mem>>) src(%dma_wait3A_188 : memref<10000x64xf32, #tpu.memory_space<hbm>>) dst(%arg13 : memref<125x64xf32, #tpu.memory_space<vmem>>)
        %dma_start3A_189 = arith.constant 0 : i32
        %dma_start3A_190 = tpu.memref_slice %arg9[%add3A_175, %dma_start3A_189] : memref<160x125xi32, #tpu.memory_space<vmem>> -> memref<1x125xi32, #tpu.memory_space<vmem>>
        %dma_start3A_191 = tpu.memref_squeeze %dma_start3A_190 : memref<1x125xi32, #tpu.memory_space<vmem>> -> memref<125xi32, #tpu.memory_space<vmem>>
        %dma_start3A_192 = arith.constant 0 : i32
        %dma_start3A_193 = arith.constant 0 : i32
        %dma_start3A_194 = tpu.memref_slice %arg22[%dma_start3A_192, %dma_start3A_193] : memref<10000x64xf32, #tpu.memory_space<vmem_shared>> -> memref<10000x64xf32, #tpu.memory_space<vmem_shared>>
        tpu.enqueue_indirect_dma source(%arg13 : memref<125x64xf32, #tpu.memory_space<vmem>>) target(%dma_start3A_194 : memref<10000x64xf32, #tpu.memory_space<vmem_shared>>) offsets(%dma_start3A_191 : memref<125xi32, #tpu.memory_space<vmem>>) semaphore(%arg21 : memref<!tpu.dma_semaphore, #tpu.memory_space<semaphore_mem>>) {add = true}
      }
      %scan3A_64 = arith.constant 40 : i32
      %dma_wait3A_65 = arith.constant 156 : i32
      %dma_wait3A_66 = arith.constant 0 : i32
      %dma_wait3A_67 = tpu.memref_slice %arg9[%dma_wait3A_65, %dma_wait3A_66] : memref<160x125xi32, #tpu.memory_space<vmem>> -> memref<1x125xi32, #tpu.memory_space<vmem>>
      %dma_wait3A_68 = tpu.memref_squeeze %dma_wait3A_67 : memref<1x125xi32, #tpu.memory_space<vmem>> -> memref<125xi32, #tpu.memory_space<vmem>>
      %dma_wait3A_69 = arith.constant 0 : i32
      %dma_wait3A_70 = arith.constant 0 : i32
      %dma_wait3A_71 = tpu.memref_slice %arg22[%dma_wait3A_69, %dma_wait3A_70] : memref<10000x64xf32, #tpu.memory_space<vmem_shared>> -> memref<10000x64xf32, #tpu.memory_space<vmem_shared>>
      tpu.wait_indirect_dma semaphore(%arg18 : memref<!tpu.dma_semaphore, #tpu.memory_space<semaphore_mem>>) src(%arg10 : memref<125x64xf32, #tpu.memory_space<vmem>>) dst(%dma_wait3A_71 : memref<10000x64xf32, #tpu.memory_space<vmem_shared>>)
      %dma_wait3A_72 = arith.constant 157 : i32
      %dma_wait3A_73 = arith.constant 0 : i32
      %dma_wait3A_74 = tpu.memref_slice %arg9[%dma_wait3A_72, %dma_wait3A_73] : memref<160x125xi32, #tpu.memory_space<vmem>> -> memref<1x125xi32, #tpu.memory_space<vmem>>
      %dma_wait3A_75 = tpu.memref_squeeze %dma_wait3A_74 : memref<1x125xi32, #tpu.memory_space<vmem>> -> memref<125xi32, #tpu.memory_space<vmem>>
      %dma_wait3A_76 = arith.constant 0 : i32
      %dma_wait3A_77 = arith.constant 0 : i32
      %dma_wait3A_78 = tpu.memref_slice %arg22[%dma_wait3A_76, %dma_wait3A_77] : memref<10000x64xf32, #tpu.memory_space<vmem_shared>> -> memref<10000x64xf32, #tpu.memory_space<vmem_shared>>
      tpu.wait_indirect_dma semaphore(%arg19 : memref<!tpu.dma_semaphore, #tpu.memory_space<semaphore_mem>>) src(%arg11 : memref<125x64xf32, #tpu.memory_space<vmem>>) dst(%dma_wait3A_78 : memref<10000x64xf32, #tpu.memory_space<vmem_shared>>)
      %dma_wait3A_79 = arith.constant 158 : i32
      %dma_wait3A_80 = arith.constant 0 : i32
      %dma_wait3A_81 = tpu.memref_slice %arg9[%dma_wait3A_79, %dma_wait3A_80] : memref<160x125xi32, #tpu.memory_space<vmem>> -> memref<1x125xi32, #tpu.memory_space<vmem>>
      %dma_wait3A_82 = tpu.memref_squeeze %dma_wait3A_81 : memref<1x125xi32, #tpu.memory_space<vmem>> -> memref<125xi32, #tpu.memory_space<vmem>>
      %dma_wait3A_83 = arith.constant 0 : i32
      %dma_wait3A_84 = arith.constant 0 : i32
      %dma_wait3A_85 = tpu.memref_slice %arg22[%dma_wait3A_83, %dma_wait3A_84] : memref<10000x64xf32, #tpu.memory_space<vmem_shared>> -> memref<10000x64xf32, #tpu.memory_space<vmem_shared>>
      tpu.wait_indirect_dma semaphore(%arg20 : memref<!tpu.dma_semaphore, #tpu.memory_space<semaphore_mem>>) src(%arg12 : memref<125x64xf32, #tpu.memory_space<vmem>>) dst(%dma_wait3A_85 : memref<10000x64xf32, #tpu.memory_space<vmem_shared>>)
      %dma_wait3A_86 = arith.constant 159 : i32
      %dma_wait3A_87 = arith.constant 0 : i32
      %dma_wait3A_88 = tpu.memref_slice %arg9[%dma_wait3A_86, %dma_wait3A_87] : memref<160x125xi32, #tpu.memory_space<vmem>> -> memref<1x125xi32, #tpu.memory_space<vmem>>
      %dma_wait3A_89 = tpu.memref_squeeze %dma_wait3A_88 : memref<1x125xi32, #tpu.memory_space<vmem>> -> memref<125xi32, #tpu.memory_space<vmem>>
      %dma_wait3A_90 = arith.constant 0 : i32
      %dma_wait3A_91 = arith.constant 0 : i32
      %dma_wait3A_92 = tpu.memref_slice %arg22[%dma_wait3A_90, %dma_wait3A_91] : memref<10000x64xf32, #tpu.memory_space<vmem_shared>> -> memref<10000x64xf32, #tpu.memory_space<vmem_shared>>
      tpu.wait_indirect_dma semaphore(%arg21 : memref<!tpu.dma_semaphore, #tpu.memory_space<semaphore_mem>>) src(%arg13 : memref<125x64xf32, #tpu.memory_space<vmem>>) dst(%dma_wait3A_92 : memref<10000x64xf32, #tpu.memory_space<vmem_shared>>)
      %barrier3A_93 = arith.constant 0 : index
      tpu.barrier barrier_id(%barrier3A_93)
      %mul3A_94 = arith.constant 624 : i32
      %mul3A_95 = arith.muli %arg1, %mul3A_94 : i32
      %multiple_of3A_96 = tpu.assume_multiple %mul3A_95, 8 : i32
      %lt3A_97 = arith.constant 15 : i32
      %lt3A_98 = arith.cmpi slt, %arg1, %lt3A_97 : i32
      %convert_element_type3A_99 = arith.extui %lt3A_98 : i1 to i32
      %cond3A_100 = arith.constant 0 : i32
      %cond3A_101 = arith.cmpi ne, %convert_element_type3A_99, %cond3A_100 : i32
      scf.if %cond3A_101 {
        "tpu.region"() ({
          %run_scoped3A = tpu.sem_alloc : memref<!tpu.dma_semaphore, #tpu.memory_space<semaphore_mem>>
          %dma_start3A_107 = arith.constant 0 : i32
          %dma_start3A_108 = tpu.memref_slice %arg6[%multiple_of3A_96, %dma_start3A_107] : memref<10000x64xf32, #tpu.memory_space<hbm>> -> memref<624x64xf32, #tpu.memory_space<hbm>>
          %dma_start3A_109 = arith.constant 0 : i32
          %dma_start3A_110 = tpu.memref_slice %arg22[%multiple_of3A_96, %dma_start3A_109] : memref<10000x64xf32, #tpu.memory_space<vmem_shared>> -> memref<624x64xf32, #tpu.memory_space<vmem_shared>>
          tpu.enqueue_dma source(%dma_start3A_110 : memref<624x64xf32, #tpu.memory_space<vmem_shared>>) target(%dma_start3A_108 : memref<624x64xf32, #tpu.memory_space<hbm>>) target_semaphore(%run_scoped3A : memref<!tpu.dma_semaphore, #tpu.memory_space<semaphore_mem>>)
          %dma_wait3A_111 = arith.constant 0 : i32
          %dma_wait3A_112 = tpu.memref_slice %arg6[%multiple_of3A_96, %dma_wait3A_111] : memref<10000x64xf32, #tpu.memory_space<hbm>> -> memref<624x64xf32, #tpu.memory_space<hbm>>
          %dma_wait3A_113 = arith.constant 0 : i32
          %dma_wait3A_114 = tpu.memref_slice %arg22[%multiple_of3A_96, %dma_wait3A_113] : memref<10000x64xf32, #tpu.memory_space<vmem_shared>> -> memref<624x64xf32, #tpu.memory_space<vmem_shared>>
          tpu.wait_dma2 semaphore(%run_scoped3A : memref<!tpu.dma_semaphore, #tpu.memory_space<semaphore_mem>>) src(%dma_wait3A_114 : memref<624x64xf32, #tpu.memory_space<vmem_shared>>) dst(%dma_wait3A_112 : memref<624x64xf32, #tpu.memory_space<hbm>>)
          tpu.yield
        }) : () -> ()
      } else {
      }
      %eq3A_102 = arith.constant 15 : i32
      %eq3A_103 = arith.cmpi eq, %arg1, %eq3A_102 : i32
      %convert_element_type3A_104 = arith.extui %eq3A_103 : i1 to i32
      %cond3A_105 = arith.constant 0 : i32
      %cond3A_106 = arith.cmpi ne, %convert_element_type3A_104, %cond3A_105 : i32
      scf.if %cond3A_106 {
        "tpu.region"() ({
          %run_scoped3A = tpu.sem_alloc : memref<!tpu.dma_semaphore, #tpu.memory_space<semaphore_mem>>
          %dma_start3A_107 = arith.constant 9360 : i32
          %dma_start3A_108 = arith.constant 0 : i32
          %dma_start3A_109 = tpu.memref_slice %arg6[%dma_start3A_107, %dma_start3A_108] : memref<10000x64xf32, #tpu.memory_space<hbm>> -> memref<640x64xf32, #tpu.memory_space<hbm>>
          %dma_start3A_110 = arith.constant 9360 : i32
          %dma_start3A_111 = arith.constant 0 : i32
          %dma_start3A_112 = tpu.memref_slice %arg22[%dma_start3A_110, %dma_start3A_111] : memref<10000x64xf32, #tpu.memory_space<vmem_shared>> -> memref<640x64xf32, #tpu.memory_space<vmem_shared>>
          tpu.enqueue_dma source(%dma_start3A_112 : memref<640x64xf32, #tpu.memory_space<vmem_shared>>) target(%dma_start3A_109 : memref<640x64xf32, #tpu.memory_space<hbm>>) target_semaphore(%run_scoped3A : memref<!tpu.dma_semaphore, #tpu.memory_space<semaphore_mem>>)
          %dma_wait3A_113 = arith.constant 9360 : i32
          %dma_wait3A_114 = arith.constant 0 : i32
          %dma_wait3A_115 = tpu.memref_slice %arg6[%dma_wait3A_113, %dma_wait3A_114] : memref<10000x64xf32, #tpu.memory_space<hbm>> -> memref<640x64xf32, #tpu.memory_space<hbm>>
          %dma_wait3A_116 = arith.constant 9360 : i32
          %dma_wait3A_117 = arith.constant 0 : i32
          %dma_wait3A_118 = tpu.memref_slice %arg22[%dma_wait3A_116, %dma_wait3A_117] : memref<10000x64xf32, #tpu.memory_space<vmem_shared>> -> memref<640x64xf32, #tpu.memory_space<vmem_shared>>
          tpu.wait_dma2 semaphore(%run_scoped3A : memref<!tpu.dma_semaphore, #tpu.memory_space<semaphore_mem>>) src(%dma_wait3A_118 : memref<640x64xf32, #tpu.memory_space<vmem_shared>>) dst(%dma_wait3A_115 : memref<640x64xf32, #tpu.memory_space<hbm>>)
          tpu.yield
        }) : () -> ()
      } else {
      }
    } else {
    }
    %eq3A_10 = arith.constant 1 : i32
    %eq3A_11 = arith.cmpi eq, %arg0, %eq3A_10 : i32
    %convert_element_type3A_12 = arith.extui %eq3A_11 : i1 to i32
    %cond3A_13 = arith.constant 0 : i32
    %cond3A_14 = arith.cmpi ne, %convert_element_type3A_12, %cond3A_13 : i32
    scf.if %cond3A_14 {
      %mul3A_15 = arith.constant 624 : i32
      %mul3A_16 = arith.muli %arg1, %mul3A_15 : i32
      %multiple_of3A_17 = tpu.assume_multiple %mul3A_16, 8 : i32
      %lt3A = arith.constant 15 : i32
      %lt3A_18 = arith.cmpi slt, %arg1, %lt3A : i32
      %convert_element_type3A_19 = arith.extui %lt3A_18 : i1 to i32
      %cond3A_20 = arith.constant 0 : i32
      %cond3A_21 = arith.cmpi ne, %convert_element_type3A_19, %cond3A_20 : i32
      scf.if %cond3A_21 {
        %dma_start3A_107 = arith.constant 0 : i32
        %dma_start3A_108 = tpu.memref_slice %arg22[%multiple_of3A_17, %dma_start3A_107] : memref<10000x64xf32, #tpu.memory_space<vmem_shared>> -> memref<624x64xf32, #tpu.memory_space<vmem_shared>>
        %dma_start3A_109 = arith.constant 0 : i32
        %dma_start3A_110 = tpu.memref_slice %arg3[%multiple_of3A_17, %dma_start3A_109] : memref<10000x64xf32, #tpu.memory_space<hbm>> -> memref<624x64xf32, #tpu.memory_space<hbm>>
        tpu.enqueue_dma source(%dma_start3A_110 : memref<624x64xf32, #tpu.memory_space<hbm>>) target(%dma_start3A_108 : memref<624x64xf32, #tpu.memory_space<vmem_shared>>) target_semaphore(%arg18 : memref<!tpu.dma_semaphore, #tpu.memory_space<semaphore_mem>>)
      } else {
      }
      %eq3A_22 = arith.constant 15 : i32
      %eq3A_23 = arith.cmpi eq, %arg1, %eq3A_22 : i32
      %convert_element_type3A_24 = arith.extui %eq3A_23 : i1 to i32
      %cond3A_25 = arith.constant 0 : i32
      %cond3A_26 = arith.cmpi ne, %convert_element_type3A_24, %cond3A_25 : i32
      scf.if %cond3A_26 {
        %dma_start3A_107 = arith.constant 9360 : i32
        %dma_start3A_108 = arith.constant 0 : i32
        %dma_start3A_109 = tpu.memref_slice %arg22[%dma_start3A_107, %dma_start3A_108] : memref<10000x64xf32, #tpu.memory_space<vmem_shared>> -> memref<640x64xf32, #tpu.memory_space<vmem_shared>>
        %dma_start3A_110 = arith.constant 9360 : i32
        %dma_start3A_111 = arith.constant 0 : i32
        %dma_start3A_112 = tpu.memref_slice %arg3[%dma_start3A_110, %dma_start3A_111] : memref<10000x64xf32, #tpu.memory_space<hbm>> -> memref<640x64xf32, #tpu.memory_space<hbm>>
        tpu.enqueue_dma source(%dma_start3A_112 : memref<640x64xf32, #tpu.memory_space<hbm>>) target(%dma_start3A_109 : memref<640x64xf32, #tpu.memory_space<vmem_shared>>) target_semaphore(%arg18 : memref<!tpu.dma_semaphore, #tpu.memory_space<semaphore_mem>>)
      } else {
      }
      %dma_wait3A = arith.constant 0 : i32
      %dma_wait3A_27 = tpu.memref_slice %arg4[%multiple_of3A, %dma_wait3A] : memref<2560x125xi32, #tpu.memory_space<hbm>> -> memref<160x125xi32, #tpu.memory_space<hbm>>
      %dma_wait3A_28 = arith.constant 0 : i32
      %dma_wait3A_29 = tpu.memref_slice %arg4[%multiple_of3A, %dma_wait3A_28] : memref<2560x125xi32, #tpu.memory_space<hbm>> -> memref<160x125xi32, #tpu.memory_space<hbm>>
      tpu.wait_dma2 semaphore(%arg16 : memref<!tpu.dma_semaphore, #tpu.memory_space<semaphore_mem>>) src(%dma_wait3A_29 : memref<160x125xi32, #tpu.memory_space<hbm>>) dst(%arg8 : memref<160x125xi32, #tpu.memory_space<vmem>>)
      %dma_start3A_30 = arith.constant 0 : i32
      %dma_start3A_31 = arith.constant 0 : i32
      %dma_start3A_32 = tpu.memref_slice %arg8[%dma_start3A_30, %dma_start3A_31] : memref<160x125xi32, #tpu.memory_space<vmem>> -> memref<1x125xi32, #tpu.memory_space<vmem>>
      %dma_start3A_33 = tpu.memref_squeeze %dma_start3A_32 : memref<1x125xi32, #tpu.memory_space<vmem>> -> memref<125xi32, #tpu.memory_space<vmem>>
      %dma_start3A_34 = arith.constant 0 : i32
      %dma_start3A_35 = arith.constant 0 : i32
      %dma_start3A_36 = tpu.memref_slice %arg3[%dma_start3A_34, %dma_start3A_35] : memref<10000x64xf32, #tpu.memory_space<hbm>> -> memref<10000x64xf32, #tpu.memory_space<hbm>>
      tpu.enqueue_indirect_dma source(%dma_start3A_36 : memref<10000x64xf32, #tpu.memory_space<hbm>>) target(%arg10 : memref<125x64xf32, #tpu.memory_space<vmem>>) offsets(%dma_start3A_33 : memref<125xi32, #tpu.memory_space<vmem>>) semaphore(%arg14 : memref<!tpu.dma_semaphore, #tpu.memory_space<semaphore_mem>>)
      %dma_start3A_37 = arith.constant 1 : i32
      %dma_start3A_38 = arith.constant 0 : i32
      %dma_start3A_39 = tpu.memref_slice %arg8[%dma_start3A_37, %dma_start3A_38] : memref<160x125xi32, #tpu.memory_space<vmem>> -> memref<1x125xi32, #tpu.memory_space<vmem>>
      %dma_start3A_40 = tpu.memref_squeeze %dma_start3A_39 : memref<1x125xi32, #tpu.memory_space<vmem>> -> memref<125xi32, #tpu.memory_space<vmem>>
      %dma_start3A_41 = arith.constant 0 : i32
      %dma_start3A_42 = arith.constant 0 : i32
      %dma_start3A_43 = tpu.memref_slice %arg3[%dma_start3A_41, %dma_start3A_42] : memref<10000x64xf32, #tpu.memory_space<hbm>> -> memref<10000x64xf32, #tpu.memory_space<hbm>>
      tpu.enqueue_indirect_dma source(%dma_start3A_43 : memref<10000x64xf32, #tpu.memory_space<hbm>>) target(%arg11 : memref<125x64xf32, #tpu.memory_space<vmem>>) offsets(%dma_start3A_40 : memref<125xi32, #tpu.memory_space<vmem>>) semaphore(%arg15 : memref<!tpu.dma_semaphore, #tpu.memory_space<semaphore_mem>>)
      %dma_wait3A_44 = arith.constant 0 : i32
      %dma_wait3A_45 = tpu.memref_slice %arg5[%multiple_of3A, %dma_wait3A_44] : memref<2560x125xi32, #tpu.memory_space<hbm>> -> memref<160x125xi32, #tpu.memory_space<hbm>>
      %dma_wait3A_46 = arith.constant 0 : i32
      %dma_wait3A_47 = tpu.memref_slice %arg5[%multiple_of3A, %dma_wait3A_46] : memref<2560x125xi32, #tpu.memory_space<hbm>> -> memref<160x125xi32, #tpu.memory_space<hbm>>
      tpu.wait_dma2 semaphore(%arg17 : memref<!tpu.dma_semaphore, #tpu.memory_space<semaphore_mem>>) src(%dma_wait3A_47 : memref<160x125xi32, #tpu.memory_space<hbm>>) dst(%arg9 : memref<160x125xi32, #tpu.memory_space<vmem>>)
      %mul3A_48 = arith.constant 624 : i32
      %mul3A_49 = arith.muli %arg1, %mul3A_48 : i32
      %multiple_of3A_50 = tpu.assume_multiple %mul3A_49, 8 : i32
      %lt3A_51 = arith.constant 15 : i32
      %lt3A_52 = arith.cmpi slt, %arg1, %lt3A_51 : i32
      %convert_element_type3A_53 = arith.extui %lt3A_52 : i1 to i32
      %cond3A_54 = arith.constant 0 : i32
      %cond3A_55 = arith.cmpi ne, %convert_element_type3A_53, %cond3A_54 : i32
      scf.if %cond3A_55 {
        %dma_wait3A_107 = arith.constant 0 : i32
        %dma_wait3A_108 = tpu.memref_slice %arg22[%multiple_of3A_50, %dma_wait3A_107] : memref<10000x64xf32, #tpu.memory_space<vmem_shared>> -> memref<624x64xf32, #tpu.memory_space<vmem_shared>>
        %dma_wait3A_109 = arith.constant 0 : i32
        %dma_wait3A_110 = tpu.memref_slice %arg3[%multiple_of3A_50, %dma_wait3A_109] : memref<10000x64xf32, #tpu.memory_space<hbm>> -> memref<624x64xf32, #tpu.memory_space<hbm>>
        tpu.wait_dma2 semaphore(%arg18 : memref<!tpu.dma_semaphore, #tpu.memory_space<semaphore_mem>>) src(%dma_wait3A_110 : memref<624x64xf32, #tpu.memory_space<hbm>>) dst(%dma_wait3A_108 : memref<624x64xf32, #tpu.memory_space<vmem_shared>>)
      } else {
      }
      %eq3A_56 = arith.constant 15 : i32
      %eq3A_57 = arith.cmpi eq, %arg1, %eq3A_56 : i32
      %convert_element_type3A_58 = arith.extui %eq3A_57 : i1 to i32
      %cond3A_59 = arith.constant 0 : i32
      %cond3A_60 = arith.cmpi ne, %convert_element_type3A_58, %cond3A_59 : i32
      scf.if %cond3A_60 {
        %dma_wait3A_107 = arith.constant 9360 : i32
        %dma_wait3A_108 = arith.constant 0 : i32
        %dma_wait3A_109 = tpu.memref_slice %arg22[%dma_wait3A_107, %dma_wait3A_108] : memref<10000x64xf32, #tpu.memory_space<vmem_shared>> -> memref<640x64xf32, #tpu.memory_space<vmem_shared>>
        %dma_wait3A_110 = arith.constant 9360 : i32
        %dma_wait3A_111 = arith.constant 0 : i32
        %dma_wait3A_112 = tpu.memref_slice %arg3[%dma_wait3A_110, %dma_wait3A_111] : memref<10000x64xf32, #tpu.memory_space<hbm>> -> memref<640x64xf32, #tpu.memory_space<hbm>>
        tpu.wait_dma2 semaphore(%arg18 : memref<!tpu.dma_semaphore, #tpu.memory_space<semaphore_mem>>) src(%dma_wait3A_112 : memref<640x64xf32, #tpu.memory_space<hbm>>) dst(%dma_wait3A_109 : memref<640x64xf32, #tpu.memory_space<vmem_shared>>)
      } else {
      }
      %barrier3A = arith.constant 0 : index
      tpu.barrier barrier_id(%barrier3A)
      %scan3A = arith.constant 0 : i32
      %scan3A_61 = arith.constant 40 : i32
      %scan3A_62 = arith.addi %scan3A, %scan3A_61 : i32
      %scan3A_63 = arith.constant 1 : i32
      scf.for %scan3A_107 = %scan3A to %scan3A_62 step %scan3A_63  : i32 {
        %mul3A_108 = arith.constant 4 : i32
        %mul3A_109 = arith.muli %scan3A_107, %mul3A_108 : i32
        %add3A = arith.constant 0 : i32
        %add3A_110 = arith.addi %add3A, %mul3A_109 : i32
        %add3A_111 = arith.constant 0 : i32
        %add3A_112 = arith.addi %add3A_110, %add3A_111 : i32
        %add3A_113 = arith.constant 2 : i32
        %add3A_114 = arith.addi %add3A_112, %add3A_113 : i32
        %lt3A_115 = arith.constant 160 : i32
        %lt3A_116 = arith.cmpi slt, %add3A_114, %lt3A_115 : i32
        %convert_element_type3A_117 = arith.extui %lt3A_116 : i1 to i32
        %cond3A_118 = arith.constant 0 : i32
        %cond3A_119 = arith.cmpi ne, %convert_element_type3A_117, %cond3A_118 : i32
        scf.if %cond3A_119 {
          %ge3A = arith.constant 4 : i32
          %ge3A_195 = arith.cmpi sge, %add3A_114, %ge3A : i32
          %convert_element_type3A_196 = arith.extui %ge3A_195 : i1 to i32
          %cond3A_197 = arith.constant 0 : i32
          %cond3A_198 = arith.cmpi ne, %convert_element_type3A_196, %cond3A_197 : i32
          scf.if %cond3A_198 {
            %sub3A = arith.constant 4 : i32
            %sub3A_205 = arith.subi %add3A_114, %sub3A : i32
            %dma_wait3A_206 = arith.constant 0 : i32
            %dma_wait3A_207 = tpu.memref_slice %arg9[%sub3A_205, %dma_wait3A_206] : memref<160x125xi32, #tpu.memory_space<vmem>> -> memref<1x125xi32, #tpu.memory_space<vmem>>
            %dma_wait3A_208 = tpu.memref_squeeze %dma_wait3A_207 : memref<1x125xi32, #tpu.memory_space<vmem>> -> memref<125xi32, #tpu.memory_space<vmem>>
            %dma_wait3A_209 = arith.constant 0 : i32
            %dma_wait3A_210 = arith.constant 0 : i32
            %dma_wait3A_211 = tpu.memref_slice %arg22[%dma_wait3A_209, %dma_wait3A_210] : memref<10000x64xf32, #tpu.memory_space<vmem_shared>> -> memref<10000x64xf32, #tpu.memory_space<vmem_shared>>
            tpu.wait_indirect_dma semaphore(%arg20 : memref<!tpu.dma_semaphore, #tpu.memory_space<semaphore_mem>>) src(%arg12 : memref<125x64xf32, #tpu.memory_space<vmem>>) dst(%dma_wait3A_211 : memref<10000x64xf32, #tpu.memory_space<vmem_shared>>)
          } else {
          }
          %dma_start3A_199 = arith.constant 0 : i32
          %dma_start3A_200 = tpu.memref_slice %arg8[%add3A_114, %dma_start3A_199] : memref<160x125xi32, #tpu.memory_space<vmem>> -> memref<1x125xi32, #tpu.memory_space<vmem>>
          %dma_start3A_201 = tpu.memref_squeeze %dma_start3A_200 : memref<1x125xi32, #tpu.memory_space<vmem>> -> memref<125xi32, #tpu.memory_space<vmem>>
          %dma_start3A_202 = arith.constant 0 : i32
          %dma_start3A_203 = arith.constant 0 : i32
          %dma_start3A_204 = tpu.memref_slice %arg3[%dma_start3A_202, %dma_start3A_203] : memref<10000x64xf32, #tpu.memory_space<hbm>> -> memref<10000x64xf32, #tpu.memory_space<hbm>>
          tpu.enqueue_indirect_dma source(%dma_start3A_204 : memref<10000x64xf32, #tpu.memory_space<hbm>>) target(%arg12 : memref<125x64xf32, #tpu.memory_space<vmem>>) offsets(%dma_start3A_201 : memref<125xi32, #tpu.memory_space<vmem>>) semaphore(%arg16 : memref<!tpu.dma_semaphore, #tpu.memory_space<semaphore_mem>>)
        } else {
        }
        %dma_wait3A_120 = arith.constant 0 : i32
        %dma_wait3A_121 = tpu.memref_slice %arg8[%add3A_112, %dma_wait3A_120] : memref<160x125xi32, #tpu.memory_space<vmem>> -> memref<1x125xi32, #tpu.memory_space<vmem>>
        %dma_wait3A_122 = tpu.memref_squeeze %dma_wait3A_121 : memref<1x125xi32, #tpu.memory_space<vmem>> -> memref<125xi32, #tpu.memory_space<vmem>>
        %dma_wait3A_123 = arith.constant 0 : i32
        %dma_wait3A_124 = arith.constant 0 : i32
        %dma_wait3A_125 = tpu.memref_slice %arg3[%dma_wait3A_123, %dma_wait3A_124] : memref<10000x64xf32, #tpu.memory_space<hbm>> -> memref<10000x64xf32, #tpu.memory_space<hbm>>
        tpu.wait_indirect_dma semaphore(%arg14 : memref<!tpu.dma_semaphore, #tpu.memory_space<semaphore_mem>>) src(%dma_wait3A_125 : memref<10000x64xf32, #tpu.memory_space<hbm>>) dst(%arg10 : memref<125x64xf32, #tpu.memory_space<vmem>>)
        %dma_start3A_126 = arith.constant 0 : i32
        %dma_start3A_127 = tpu.memref_slice %arg9[%add3A_112, %dma_start3A_126] : memref<160x125xi32, #tpu.memory_space<vmem>> -> memref<1x125xi32, #tpu.memory_space<vmem>>
        %dma_start3A_128 = tpu.memref_squeeze %dma_start3A_127 : memref<1x125xi32, #tpu.memory_space<vmem>> -> memref<125xi32, #tpu.memory_space<vmem>>
        %dma_start3A_129 = arith.constant 0 : i32
        %dma_start3A_130 = arith.constant 0 : i32
        %dma_start3A_131 = tpu.memref_slice %arg22[%dma_start3A_129, %dma_start3A_130] : memref<10000x64xf32, #tpu.memory_space<vmem_shared>> -> memref<10000x64xf32, #tpu.memory_space<vmem_shared>>
        tpu.enqueue_indirect_dma source(%arg10 : memref<125x64xf32, #tpu.memory_space<vmem>>) target(%dma_start3A_131 : memref<10000x64xf32, #tpu.memory_space<vmem_shared>>) offsets(%dma_start3A_128 : memref<125xi32, #tpu.memory_space<vmem>>) semaphore(%arg18 : memref<!tpu.dma_semaphore, #tpu.memory_space<semaphore_mem>>) {add = true}
        %add3A_132 = arith.constant 1 : i32
        %add3A_133 = arith.addi %add3A_110, %add3A_132 : i32
        %add3A_134 = arith.constant 2 : i32
        %add3A_135 = arith.addi %add3A_133, %add3A_134 : i32
        %lt3A_136 = arith.constant 160 : i32
        %lt3A_137 = arith.cmpi slt, %add3A_135, %lt3A_136 : i32
        %convert_element_type3A_138 = arith.extui %lt3A_137 : i1 to i32
        %cond3A_139 = arith.constant 0 : i32
        %cond3A_140 = arith.cmpi ne, %convert_element_type3A_138, %cond3A_139 : i32
        scf.if %cond3A_140 {
          %ge3A = arith.constant 4 : i32
          %ge3A_195 = arith.cmpi sge, %add3A_135, %ge3A : i32
          %convert_element_type3A_196 = arith.extui %ge3A_195 : i1 to i32
          %cond3A_197 = arith.constant 0 : i32
          %cond3A_198 = arith.cmpi ne, %convert_element_type3A_196, %cond3A_197 : i32
          scf.if %cond3A_198 {
            %sub3A = arith.constant 4 : i32
            %sub3A_205 = arith.subi %add3A_135, %sub3A : i32
            %dma_wait3A_206 = arith.constant 0 : i32
            %dma_wait3A_207 = tpu.memref_slice %arg9[%sub3A_205, %dma_wait3A_206] : memref<160x125xi32, #tpu.memory_space<vmem>> -> memref<1x125xi32, #tpu.memory_space<vmem>>
            %dma_wait3A_208 = tpu.memref_squeeze %dma_wait3A_207 : memref<1x125xi32, #tpu.memory_space<vmem>> -> memref<125xi32, #tpu.memory_space<vmem>>
            %dma_wait3A_209 = arith.constant 0 : i32
            %dma_wait3A_210 = arith.constant 0 : i32
            %dma_wait3A_211 = tpu.memref_slice %arg22[%dma_wait3A_209, %dma_wait3A_210] : memref<10000x64xf32, #tpu.memory_space<vmem_shared>> -> memref<10000x64xf32, #tpu.memory_space<vmem_shared>>
            tpu.wait_indirect_dma semaphore(%arg21 : memref<!tpu.dma_semaphore, #tpu.memory_space<semaphore_mem>>) src(%arg13 : memref<125x64xf32, #tpu.memory_space<vmem>>) dst(%dma_wait3A_211 : memref<10000x64xf32, #tpu.memory_space<vmem_shared>>)
          } else {
          }
          %dma_start3A_199 = arith.constant 0 : i32
          %dma_start3A_200 = tpu.memref_slice %arg8[%add3A_135, %dma_start3A_199] : memref<160x125xi32, #tpu.memory_space<vmem>> -> memref<1x125xi32, #tpu.memory_space<vmem>>
          %dma_start3A_201 = tpu.memref_squeeze %dma_start3A_200 : memref<1x125xi32, #tpu.memory_space<vmem>> -> memref<125xi32, #tpu.memory_space<vmem>>
          %dma_start3A_202 = arith.constant 0 : i32
          %dma_start3A_203 = arith.constant 0 : i32
          %dma_start3A_204 = tpu.memref_slice %arg3[%dma_start3A_202, %dma_start3A_203] : memref<10000x64xf32, #tpu.memory_space<hbm>> -> memref<10000x64xf32, #tpu.memory_space<hbm>>
          tpu.enqueue_indirect_dma source(%dma_start3A_204 : memref<10000x64xf32, #tpu.memory_space<hbm>>) target(%arg13 : memref<125x64xf32, #tpu.memory_space<vmem>>) offsets(%dma_start3A_201 : memref<125xi32, #tpu.memory_space<vmem>>) semaphore(%arg17 : memref<!tpu.dma_semaphore, #tpu.memory_space<semaphore_mem>>)
        } else {
        }
        %dma_wait3A_141 = arith.constant 0 : i32
        %dma_wait3A_142 = tpu.memref_slice %arg8[%add3A_133, %dma_wait3A_141] : memref<160x125xi32, #tpu.memory_space<vmem>> -> memref<1x125xi32, #tpu.memory_space<vmem>>
        %dma_wait3A_143 = tpu.memref_squeeze %dma_wait3A_142 : memref<1x125xi32, #tpu.memory_space<vmem>> -> memref<125xi32, #tpu.memory_space<vmem>>
        %dma_wait3A_144 = arith.constant 0 : i32
        %dma_wait3A_145 = arith.constant 0 : i32
        %dma_wait3A_146 = tpu.memref_slice %arg3[%dma_wait3A_144, %dma_wait3A_145] : memref<10000x64xf32, #tpu.memory_space<hbm>> -> memref<10000x64xf32, #tpu.memory_space<hbm>>
        tpu.wait_indirect_dma semaphore(%arg15 : memref<!tpu.dma_semaphore, #tpu.memory_space<semaphore_mem>>) src(%dma_wait3A_146 : memref<10000x64xf32, #tpu.memory_space<hbm>>) dst(%arg11 : memref<125x64xf32, #tpu.memory_space<vmem>>)
        %dma_start3A_147 = arith.constant 0 : i32
        %dma_start3A_148 = tpu.memref_slice %arg9[%add3A_133, %dma_start3A_147] : memref<160x125xi32, #tpu.memory_space<vmem>> -> memref<1x125xi32, #tpu.memory_space<vmem>>
        %dma_start3A_149 = tpu.memref_squeeze %dma_start3A_148 : memref<1x125xi32, #tpu.memory_space<vmem>> -> memref<125xi32, #tpu.memory_space<vmem>>
        %dma_start3A_150 = arith.constant 0 : i32
        %dma_start3A_151 = arith.constant 0 : i32
        %dma_start3A_152 = tpu.memref_slice %arg22[%dma_start3A_150, %dma_start3A_151] : memref<10000x64xf32, #tpu.memory_space<vmem_shared>> -> memref<10000x64xf32, #tpu.memory_space<vmem_shared>>
        tpu.enqueue_indirect_dma source(%arg11 : memref<125x64xf32, #tpu.memory_space<vmem>>) target(%dma_start3A_152 : memref<10000x64xf32, #tpu.memory_space<vmem_shared>>) offsets(%dma_start3A_149 : memref<125xi32, #tpu.memory_space<vmem>>) semaphore(%arg19 : memref<!tpu.dma_semaphore, #tpu.memory_space<semaphore_mem>>) {add = true}
        %add3A_153 = arith.constant 2 : i32
        %add3A_154 = arith.addi %add3A_110, %add3A_153 : i32
        %add3A_155 = arith.constant 2 : i32
        %add3A_156 = arith.addi %add3A_154, %add3A_155 : i32
        %lt3A_157 = arith.constant 160 : i32
        %lt3A_158 = arith.cmpi slt, %add3A_156, %lt3A_157 : i32
        %convert_element_type3A_159 = arith.extui %lt3A_158 : i1 to i32
        %cond3A_160 = arith.constant 0 : i32
        %cond3A_161 = arith.cmpi ne, %convert_element_type3A_159, %cond3A_160 : i32
        scf.if %cond3A_161 {
          %ge3A = arith.constant 4 : i32
          %ge3A_195 = arith.cmpi sge, %add3A_156, %ge3A : i32
          %convert_element_type3A_196 = arith.extui %ge3A_195 : i1 to i32
          %cond3A_197 = arith.constant 0 : i32
          %cond3A_198 = arith.cmpi ne, %convert_element_type3A_196, %cond3A_197 : i32
          scf.if %cond3A_198 {
            %sub3A = arith.constant 4 : i32
            %sub3A_205 = arith.subi %add3A_156, %sub3A : i32
            %dma_wait3A_206 = arith.constant 0 : i32
            %dma_wait3A_207 = tpu.memref_slice %arg9[%sub3A_205, %dma_wait3A_206] : memref<160x125xi32, #tpu.memory_space<vmem>> -> memref<1x125xi32, #tpu.memory_space<vmem>>
            %dma_wait3A_208 = tpu.memref_squeeze %dma_wait3A_207 : memref<1x125xi32, #tpu.memory_space<vmem>> -> memref<125xi32, #tpu.memory_space<vmem>>
            %dma_wait3A_209 = arith.constant 0 : i32
            %dma_wait3A_210 = arith.constant 0 : i32
            %dma_wait3A_211 = tpu.memref_slice %arg22[%dma_wait3A_209, %dma_wait3A_210] : memref<10000x64xf32, #tpu.memory_space<vmem_shared>> -> memref<10000x64xf32, #tpu.memory_space<vmem_shared>>
            tpu.wait_indirect_dma semaphore(%arg18 : memref<!tpu.dma_semaphore, #tpu.memory_space<semaphore_mem>>) src(%arg10 : memref<125x64xf32, #tpu.memory_space<vmem>>) dst(%dma_wait3A_211 : memref<10000x64xf32, #tpu.memory_space<vmem_shared>>)
          } else {
          }
          %dma_start3A_199 = arith.constant 0 : i32
          %dma_start3A_200 = tpu.memref_slice %arg8[%add3A_156, %dma_start3A_199] : memref<160x125xi32, #tpu.memory_space<vmem>> -> memref<1x125xi32, #tpu.memory_space<vmem>>
          %dma_start3A_201 = tpu.memref_squeeze %dma_start3A_200 : memref<1x125xi32, #tpu.memory_space<vmem>> -> memref<125xi32, #tpu.memory_space<vmem>>
          %dma_start3A_202 = arith.constant 0 : i32
          %dma_start3A_203 = arith.constant 0 : i32
          %dma_start3A_204 = tpu.memref_slice %arg3[%dma_start3A_202, %dma_start3A_203] : memref<10000x64xf32, #tpu.memory_space<hbm>> -> memref<10000x64xf32, #tpu.memory_space<hbm>>
          tpu.enqueue_indirect_dma source(%dma_start3A_204 : memref<10000x64xf32, #tpu.memory_space<hbm>>) target(%arg10 : memref<125x64xf32, #tpu.memory_space<vmem>>) offsets(%dma_start3A_201 : memref<125xi32, #tpu.memory_space<vmem>>) semaphore(%arg14 : memref<!tpu.dma_semaphore, #tpu.memory_space<semaphore_mem>>)
        } else {
        }
        %dma_wait3A_162 = arith.constant 0 : i32
        %dma_wait3A_163 = tpu.memref_slice %arg8[%add3A_154, %dma_wait3A_162] : memref<160x125xi32, #tpu.memory_space<vmem>> -> memref<1x125xi32, #tpu.memory_space<vmem>>
        %dma_wait3A_164 = tpu.memref_squeeze %dma_wait3A_163 : memref<1x125xi32, #tpu.memory_space<vmem>> -> memref<125xi32, #tpu.memory_space<vmem>>
        %dma_wait3A_165 = arith.constant 0 : i32
        %dma_wait3A_166 = arith.constant 0 : i32
        %dma_wait3A_167 = tpu.memref_slice %arg3[%dma_wait3A_165, %dma_wait3A_166] : memref<10000x64xf32, #tpu.memory_space<hbm>> -> memref<10000x64xf32, #tpu.memory_space<hbm>>
        tpu.wait_indirect_dma semaphore(%arg16 : memref<!tpu.dma_semaphore, #tpu.memory_space<semaphore_mem>>) src(%dma_wait3A_167 : memref<10000x64xf32, #tpu.memory_space<hbm>>) dst(%arg12 : memref<125x64xf32, #tpu.memory_space<vmem>>)
        %dma_start3A_168 = arith.constant 0 : i32
        %dma_start3A_169 = tpu.memref_slice %arg9[%add3A_154, %dma_start3A_168] : memref<160x125xi32, #tpu.memory_space<vmem>> -> memref<1x125xi32, #tpu.memory_space<vmem>>
        %dma_start3A_170 = tpu.memref_squeeze %dma_start3A_169 : memref<1x125xi32, #tpu.memory_space<vmem>> -> memref<125xi32, #tpu.memory_space<vmem>>
        %dma_start3A_171 = arith.constant 0 : i32
        %dma_start3A_172 = arith.constant 0 : i32
        %dma_start3A_173 = tpu.memref_slice %arg22[%dma_start3A_171, %dma_start3A_172] : memref<10000x64xf32, #tpu.memory_space<vmem_shared>> -> memref<10000x64xf32, #tpu.memory_space<vmem_shared>>
        tpu.enqueue_indirect_dma source(%arg12 : memref<125x64xf32, #tpu.memory_space<vmem>>) target(%dma_start3A_173 : memref<10000x64xf32, #tpu.memory_space<vmem_shared>>) offsets(%dma_start3A_170 : memref<125xi32, #tpu.memory_space<vmem>>) semaphore(%arg20 : memref<!tpu.dma_semaphore, #tpu.memory_space<semaphore_mem>>) {add = true}
        %add3A_174 = arith.constant 3 : i32
        %add3A_175 = arith.addi %add3A_110, %add3A_174 : i32
        %add3A_176 = arith.constant 2 : i32
        %add3A_177 = arith.addi %add3A_175, %add3A_176 : i32
        %lt3A_178 = arith.constant 160 : i32
        %lt3A_179 = arith.cmpi slt, %add3A_177, %lt3A_178 : i32
        %convert_element_type3A_180 = arith.extui %lt3A_179 : i1 to i32
        %cond3A_181 = arith.constant 0 : i32
        %cond3A_182 = arith.cmpi ne, %convert_element_type3A_180, %cond3A_181 : i32
        scf.if %cond3A_182 {
          %ge3A = arith.constant 4 : i32
          %ge3A_195 = arith.cmpi sge, %add3A_177, %ge3A : i32
          %convert_element_type3A_196 = arith.extui %ge3A_195 : i1 to i32
          %cond3A_197 = arith.constant 0 : i32
          %cond3A_198 = arith.cmpi ne, %convert_element_type3A_196, %cond3A_197 : i32
          scf.if %cond3A_198 {
            %sub3A = arith.constant 4 : i32
            %sub3A_205 = arith.subi %add3A_177, %sub3A : i32
            %dma_wait3A_206 = arith.constant 0 : i32
            %dma_wait3A_207 = tpu.memref_slice %arg9[%sub3A_205, %dma_wait3A_206] : memref<160x125xi32, #tpu.memory_space<vmem>> -> memref<1x125xi32, #tpu.memory_space<vmem>>
            %dma_wait3A_208 = tpu.memref_squeeze %dma_wait3A_207 : memref<1x125xi32, #tpu.memory_space<vmem>> -> memref<125xi32, #tpu.memory_space<vmem>>
            %dma_wait3A_209 = arith.constant 0 : i32
            %dma_wait3A_210 = arith.constant 0 : i32
            %dma_wait3A_211 = tpu.memref_slice %arg22[%dma_wait3A_209, %dma_wait3A_210] : memref<10000x64xf32, #tpu.memory_space<vmem_shared>> -> memref<10000x64xf32, #tpu.memory_space<vmem_shared>>
            tpu.wait_indirect_dma semaphore(%arg19 : memref<!tpu.dma_semaphore, #tpu.memory_space<semaphore_mem>>) src(%arg11 : memref<125x64xf32, #tpu.memory_space<vmem>>) dst(%dma_wait3A_211 : memref<10000x64xf32, #tpu.memory_space<vmem_shared>>)
          } else {
          }
          %dma_start3A_199 = arith.constant 0 : i32
          %dma_start3A_200 = tpu.memref_slice %arg8[%add3A_177, %dma_start3A_199] : memref<160x125xi32, #tpu.memory_space<vmem>> -> memref<1x125xi32, #tpu.memory_space<vmem>>
          %dma_start3A_201 = tpu.memref_squeeze %dma_start3A_200 : memref<1x125xi32, #tpu.memory_space<vmem>> -> memref<125xi32, #tpu.memory_space<vmem>>
          %dma_start3A_202 = arith.constant 0 : i32
          %dma_start3A_203 = arith.constant 0 : i32
          %dma_start3A_204 = tpu.memref_slice %arg3[%dma_start3A_202, %dma_start3A_203] : memref<10000x64xf32, #tpu.memory_space<hbm>> -> memref<10000x64xf32, #tpu.memory_space<hbm>>
          tpu.enqueue_indirect_dma source(%dma_start3A_204 : memref<10000x64xf32, #tpu.memory_space<hbm>>) target(%arg11 : memref<125x64xf32, #tpu.memory_space<vmem>>) offsets(%dma_start3A_201 : memref<125xi32, #tpu.memory_space<vmem>>) semaphore(%arg15 : memref<!tpu.dma_semaphore, #tpu.memory_space<semaphore_mem>>)
        } else {
        }
        %dma_wait3A_183 = arith.constant 0 : i32
        %dma_wait3A_184 = tpu.memref_slice %arg8[%add3A_175, %dma_wait3A_183] : memref<160x125xi32, #tpu.memory_space<vmem>> -> memref<1x125xi32, #tpu.memory_space<vmem>>
        %dma_wait3A_185 = tpu.memref_squeeze %dma_wait3A_184 : memref<1x125xi32, #tpu.memory_space<vmem>> -> memref<125xi32, #tpu.memory_space<vmem>>
        %dma_wait3A_186 = arith.constant 0 : i32
        %dma_wait3A_187 = arith.constant 0 : i32
        %dma_wait3A_188 = tpu.memref_slice %arg3[%dma_wait3A_186, %dma_wait3A_187] : memref<10000x64xf32, #tpu.memory_space<hbm>> -> memref<10000x64xf32, #tpu.memory_space<hbm>>
        tpu.wait_indirect_dma semaphore(%arg17 : memref<!tpu.dma_semaphore, #tpu.memory_space<semaphore_mem>>) src(%dma_wait3A_188 : memref<10000x64xf32, #tpu.memory_space<hbm>>) dst(%arg13 : memref<125x64xf32, #tpu.memory_space<vmem>>)
        %dma_start3A_189 = arith.constant 0 : i32
        %dma_start3A_190 = tpu.memref_slice %arg9[%add3A_175, %dma_start3A_189] : memref<160x125xi32, #tpu.memory_space<vmem>> -> memref<1x125xi32, #tpu.memory_space<vmem>>
        %dma_start3A_191 = tpu.memref_squeeze %dma_start3A_190 : memref<1x125xi32, #tpu.memory_space<vmem>> -> memref<125xi32, #tpu.memory_space<vmem>>
        %dma_start3A_192 = arith.constant 0 : i32
        %dma_start3A_193 = arith.constant 0 : i32
        %dma_start3A_194 = tpu.memref_slice %arg22[%dma_start3A_192, %dma_start3A_193] : memref<10000x64xf32, #tpu.memory_space<vmem_shared>> -> memref<10000x64xf32, #tpu.memory_space<vmem_shared>>
        tpu.enqueue_indirect_dma source(%arg13 : memref<125x64xf32, #tpu.memory_space<vmem>>) target(%dma_start3A_194 : memref<10000x64xf32, #tpu.memory_space<vmem_shared>>) offsets(%dma_start3A_191 : memref<125xi32, #tpu.memory_space<vmem>>) semaphore(%arg21 : memref<!tpu.dma_semaphore, #tpu.memory_space<semaphore_mem>>) {add = true}
      }
      %scan3A_64 = arith.constant 40 : i32
      %dma_wait3A_65 = arith.constant 156 : i32
      %dma_wait3A_66 = arith.constant 0 : i32
      %dma_wait3A_67 = tpu.memref_slice %arg9[%dma_wait3A_65, %dma_wait3A_66] : memref<160x125xi32, #tpu.memory_space<vmem>> -> memref<1x125xi32, #tpu.memory_space<vmem>>
      %dma_wait3A_68 = tpu.memref_squeeze %dma_wait3A_67 : memref<1x125xi32, #tpu.memory_space<vmem>> -> memref<125xi32, #tpu.memory_space<vmem>>
      %dma_wait3A_69 = arith.constant 0 : i32
      %dma_wait3A_70 = arith.constant 0 : i32
      %dma_wait3A_71 = tpu.memref_slice %arg22[%dma_wait3A_69, %dma_wait3A_70] : memref<10000x64xf32, #tpu.memory_space<vmem_shared>> -> memref<10000x64xf32, #tpu.memory_space<vmem_shared>>
      tpu.wait_indirect_dma semaphore(%arg18 : memref<!tpu.dma_semaphore, #tpu.memory_space<semaphore_mem>>) src(%arg10 : memref<125x64xf32, #tpu.memory_space<vmem>>) dst(%dma_wait3A_71 : memref<10000x64xf32, #tpu.memory_space<vmem_shared>>)
      %dma_wait3A_72 = arith.constant 157 : i32
      %dma_wait3A_73 = arith.constant 0 : i32
      %dma_wait3A_74 = tpu.memref_slice %arg9[%dma_wait3A_72, %dma_wait3A_73] : memref<160x125xi32, #tpu.memory_space<vmem>> -> memref<1x125xi32, #tpu.memory_space<vmem>>
      %dma_wait3A_75 = tpu.memref_squeeze %dma_wait3A_74 : memref<1x125xi32, #tpu.memory_space<vmem>> -> memref<125xi32, #tpu.memory_space<vmem>>
      %dma_wait3A_76 = arith.constant 0 : i32
      %dma_wait3A_77 = arith.constant 0 : i32
      %dma_wait3A_78 = tpu.memref_slice %arg22[%dma_wait3A_76, %dma_wait3A_77] : memref<10000x64xf32, #tpu.memory_space<vmem_shared>> -> memref<10000x64xf32, #tpu.memory_space<vmem_shared>>
      tpu.wait_indirect_dma semaphore(%arg19 : memref<!tpu.dma_semaphore, #tpu.memory_space<semaphore_mem>>) src(%arg11 : memref<125x64xf32, #tpu.memory_space<vmem>>) dst(%dma_wait3A_78 : memref<10000x64xf32, #tpu.memory_space<vmem_shared>>)
      %dma_wait3A_79 = arith.constant 158 : i32
      %dma_wait3A_80 = arith.constant 0 : i32
      %dma_wait3A_81 = tpu.memref_slice %arg9[%dma_wait3A_79, %dma_wait3A_80] : memref<160x125xi32, #tpu.memory_space<vmem>> -> memref<1x125xi32, #tpu.memory_space<vmem>>
      %dma_wait3A_82 = tpu.memref_squeeze %dma_wait3A_81 : memref<1x125xi32, #tpu.memory_space<vmem>> -> memref<125xi32, #tpu.memory_space<vmem>>
      %dma_wait3A_83 = arith.constant 0 : i32
      %dma_wait3A_84 = arith.constant 0 : i32
      %dma_wait3A_85 = tpu.memref_slice %arg22[%dma_wait3A_83, %dma_wait3A_84] : memref<10000x64xf32, #tpu.memory_space<vmem_shared>> -> memref<10000x64xf32, #tpu.memory_space<vmem_shared>>
      tpu.wait_indirect_dma semaphore(%arg20 : memref<!tpu.dma_semaphore, #tpu.memory_space<semaphore_mem>>) src(%arg12 : memref<125x64xf32, #tpu.memory_space<vmem>>) dst(%dma_wait3A_85 : memref<10000x64xf32, #tpu.memory_space<vmem_shared>>)
      %dma_wait3A_86 = arith.constant 159 : i32
      %dma_wait3A_87 = arith.constant 0 : i32
      %dma_wait3A_88 = tpu.memref_slice %arg9[%dma_wait3A_86, %dma_wait3A_87] : memref<160x125xi32, #tpu.memory_space<vmem>> -> memref<1x125xi32, #tpu.memory_space<vmem>>
      %dma_wait3A_89 = tpu.memref_squeeze %dma_wait3A_88 : memref<1x125xi32, #tpu.memory_space<vmem>> -> memref<125xi32, #tpu.memory_space<vmem>>
      %dma_wait3A_90 = arith.constant 0 : i32
      %dma_wait3A_91 = arith.constant 0 : i32
      %dma_wait3A_92 = tpu.memref_slice %arg22[%dma_wait3A_90, %dma_wait3A_91] : memref<10000x64xf32, #tpu.memory_space<vmem_shared>> -> memref<10000x64xf32, #tpu.memory_space<vmem_shared>>
      tpu.wait_indirect_dma semaphore(%arg21 : memref<!tpu.dma_semaphore, #tpu.memory_space<semaphore_mem>>) src(%arg13 : memref<125x64xf32, #tpu.memory_space<vmem>>) dst(%dma_wait3A_92 : memref<10000x64xf32, #tpu.memory_space<vmem_shared>>)
      %barrier3A_93 = arith.constant 0 : index
      tpu.barrier barrier_id(%barrier3A_93)
      %mul3A_94 = arith.constant 624 : i32
      %mul3A_95 = arith.muli %arg1, %mul3A_94 : i32
      %multiple_of3A_96 = tpu.assume_multiple %mul3A_95, 8 : i32
      %lt3A_97 = arith.constant 15 : i32
      %lt3A_98 = arith.cmpi slt, %arg1, %lt3A_97 : i32
      %convert_element_type3A_99 = arith.extui %lt3A_98 : i1 to i32
      %cond3A_100 = arith.constant 0 : i32
      %cond3A_101 = arith.cmpi ne, %convert_element_type3A_99, %cond3A_100 : i32
      scf.if %cond3A_101 {
        "tpu.region"() ({
          %run_scoped3A = tpu.sem_alloc : memref<!tpu.dma_semaphore, #tpu.memory_space<semaphore_mem>>
          %dma_start3A_107 = arith.constant 0 : i32
          %dma_start3A_108 = tpu.memref_slice %arg7[%multiple_of3A_96, %dma_start3A_107] : memref<10000x64xf32, #tpu.memory_space<hbm>> -> memref<624x64xf32, #tpu.memory_space<hbm>>
          %dma_start3A_109 = arith.constant 0 : i32
          %dma_start3A_110 = tpu.memref_slice %arg22[%multiple_of3A_96, %dma_start3A_109] : memref<10000x64xf32, #tpu.memory_space<vmem_shared>> -> memref<624x64xf32, #tpu.memory_space<vmem_shared>>
          tpu.enqueue_dma source(%dma_start3A_110 : memref<624x64xf32, #tpu.memory_space<vmem_shared>>) target(%dma_start3A_108 : memref<624x64xf32, #tpu.memory_space<hbm>>) target_semaphore(%run_scoped3A : memref<!tpu.dma_semaphore, #tpu.memory_space<semaphore_mem>>)
          %dma_wait3A_111 = arith.constant 0 : i32
          %dma_wait3A_112 = tpu.memref_slice %arg7[%multiple_of3A_96, %dma_wait3A_111] : memref<10000x64xf32, #tpu.memory_space<hbm>> -> memref<624x64xf32, #tpu.memory_space<hbm>>
          %dma_wait3A_113 = arith.constant 0 : i32
          %dma_wait3A_114 = tpu.memref_slice %arg22[%multiple_of3A_96, %dma_wait3A_113] : memref<10000x64xf32, #tpu.memory_space<vmem_shared>> -> memref<624x64xf32, #tpu.memory_space<vmem_shared>>
          tpu.wait_dma2 semaphore(%run_scoped3A : memref<!tpu.dma_semaphore, #tpu.memory_space<semaphore_mem>>) src(%dma_wait3A_114 : memref<624x64xf32, #tpu.memory_space<vmem_shared>>) dst(%dma_wait3A_112 : memref<624x64xf32, #tpu.memory_space<hbm>>)
          tpu.yield
        }) : () -> ()
      } else {
      }
      %eq3A_102 = arith.constant 15 : i32
      %eq3A_103 = arith.cmpi eq, %arg1, %eq3A_102 : i32
      %convert_element_type3A_104 = arith.extui %eq3A_103 : i1 to i32
      %cond3A_105 = arith.constant 0 : i32
      %cond3A_106 = arith.cmpi ne, %convert_element_type3A_104, %cond3A_105 : i32
      scf.if %cond3A_106 {
        "tpu.region"() ({
          %run_scoped3A = tpu.sem_alloc : memref<!tpu.dma_semaphore, #tpu.memory_space<semaphore_mem>>
          %dma_start3A_107 = arith.constant 9360 : i32
          %dma_start3A_108 = arith.constant 0 : i32
          %dma_start3A_109 = tpu.memref_slice %arg7[%dma_start3A_107, %dma_start3A_108] : memref<10000x64xf32, #tpu.memory_space<hbm>> -> memref<640x64xf32, #tpu.memory_space<hbm>>
          %dma_start3A_110 = arith.constant 9360 : i32
          %dma_start3A_111 = arith.constant 0 : i32
          %dma_start3A_112 = tpu.memref_slice %arg22[%dma_start3A_110, %dma_start3A_111] : memref<10000x64xf32, #tpu.memory_space<vmem_shared>> -> memref<640x64xf32, #tpu.memory_space<vmem_shared>>
          tpu.enqueue_dma source(%dma_start3A_112 : memref<640x64xf32, #tpu.memory_space<vmem_shared>>) target(%dma_start3A_109 : memref<640x64xf32, #tpu.memory_space<hbm>>) target_semaphore(%run_scoped3A : memref<!tpu.dma_semaphore, #tpu.memory_space<semaphore_mem>>)
          %dma_wait3A_113 = arith.constant 9360 : i32
          %dma_wait3A_114 = arith.constant 0 : i32
          %dma_wait3A_115 = tpu.memref_slice %arg7[%dma_wait3A_113, %dma_wait3A_114] : memref<10000x64xf32, #tpu.memory_space<hbm>> -> memref<640x64xf32, #tpu.memory_space<hbm>>
          %dma_wait3A_116 = arith.constant 9360 : i32
          %dma_wait3A_117 = arith.constant 0 : i32
          %dma_wait3A_118 = tpu.memref_slice %arg22[%dma_wait3A_116, %dma_wait3A_117] : memref<10000x64xf32, #tpu.memory_space<vmem_shared>> -> memref<640x64xf32, #tpu.memory_space<vmem_shared>>
          tpu.wait_dma2 semaphore(%run_scoped3A : memref<!tpu.dma_semaphore, #tpu.memory_space<semaphore_mem>>) src(%dma_wait3A_118 : memref<640x64xf32, #tpu.memory_space<vmem_shared>>) dst(%dma_wait3A_115 : memref<640x64xf32, #tpu.memory_space<hbm>>)
          tpu.yield
        }) : () -> ()
      } else {
      }
    } else {
    }
    return
  }
}

#map = affine_map<(d0, d1) -> (0, 0)>
module attributes {stable_mosaic.version = 14 : i64} {
  func.func @k(%arg0: i32, %arg1: i32, %arg2: memref<10000x64xf32, #tpu.memory_space<hbm>>, %arg3: memref<10000x64xf32, #tpu.memory_space<hbm>>, %arg4: memref<2560x125xi32, #tpu.memory_space<hbm>>, %arg5: memref<2560x125xi32, #tpu.memory_space<hbm>>, %arg6: memref<10000x64xf32, #tpu.memory_space<hbm>>, %arg7: memref<10000x64xf32, #tpu.memory_space<hbm>>, %arg8: memref<160x125xi32, #tpu.memory_space<vmem>>, %arg9: memref<160x125xi32, #tpu.memory_space<vmem>>, %arg10: memref<125x64xf32, #tpu.memory_space<vmem>>, %arg11: memref<125x64xf32, #tpu.memory_space<vmem>>, %arg12: memref<125x64xf32, #tpu.memory_space<vmem>>, %arg13: memref<125x64xf32, #tpu.memory_space<vmem>>, %arg14: memref<!tpu.dma_semaphore, #tpu.memory_space<semaphore_mem>>, %arg15: memref<!tpu.dma_semaphore, #tpu.memory_space<semaphore_mem>>, %arg16: memref<!tpu.dma_semaphore, #tpu.memory_space<semaphore_mem>>, %arg17: memref<!tpu.dma_semaphore, #tpu.memory_space<semaphore_mem>>, %arg18: memref<!tpu.dma_semaphore, #tpu.memory_space<semaphore_mem>>, %arg19: memref<!tpu.dma_semaphore, #tpu.memory_space<semaphore_mem>>, %arg20: memref<!tpu.dma_semaphore, #tpu.memory_space<semaphore_mem>>, %arg21: memref<!tpu.dma_semaphore, #tpu.memory_space<semaphore_mem>>, %arg22: memref<10000x64xf32, #tpu.memory_space<vmem_shared>>) attributes {dimension_semantics = [#tpu.dimension_semantics<core_parallel>, #tpu.dimension_semantics<subcore_parallel>], iteration_bounds = array<i64: 2, 16>, scalar_prefetch = 0 : i64, scratch_operands = 15 : i64, tpu.core_type = #tpu.core_type<sc_vector_subcore>, window_params = [{transform_indices = #map}, {transform_indices = #map}, {transform_indices = #map}, {transform_indices = #map}, {transform_indices = #map}, {transform_indices = #map}]} {
    %mul3A = arith.constant 160 : i32
    %mul3A_0 = arith.muli %arg1, %mul3A : i32
    %multiple_of3A = tpu.assume_multiple %mul3A_0, 8 : i32
    %dma_start3A = arith.constant 0 : i32
    %dma_start3A_1 = tpu.memref_slice %arg4[%multiple_of3A, %dma_start3A] : memref<2560x125xi32, #tpu.memory_space<hbm>> -> memref<160x125xi32, #tpu.memory_space<hbm>>
    %dma_start3A_2 = arith.constant 0 : i32
    %dma_start3A_3 = tpu.memref_slice %arg4[%multiple_of3A, %dma_start3A_2] : memref<2560x125xi32, #tpu.memory_space<hbm>> -> memref<160x125xi32, #tpu.memory_space<hbm>>
    tpu.enqueue_dma source(%dma_start3A_3 : memref<160x125xi32, #tpu.memory_space<hbm>>) target(%arg8 : memref<160x125xi32, #tpu.memory_space<vmem>>) target_semaphore(%arg16 : memref<!tpu.dma_semaphore, #tpu.memory_space<semaphore_mem>>)
    %dma_start3A_4 = arith.constant 0 : i32
    %dma_start3A_5 = tpu.memref_slice %arg5[%multiple_of3A, %dma_start3A_4] : memref<2560x125xi32, #tpu.memory_space<hbm>> -> memref<160x125xi32, #tpu.memory_space<hbm>>
    %dma_start3A_6 = arith.constant 0 : i32
    %dma_start3A_7 = tpu.memref_slice %arg5[%multiple_of3A, %dma_start3A_6] : memref<2560x125xi32, #tpu.memory_space<hbm>> -> memref<160x125xi32, #tpu.memory_space<hbm>>
    tpu.enqueue_dma source(%dma_start3A_7 : memref<160x125xi32, #tpu.memory_space<hbm>>) target(%arg9 : memref<160x125xi32, #tpu.memory_space<vmem>>) target_semaphore(%arg17 : memref<!tpu.dma_semaphore, #tpu.memory_space<semaphore_mem>>)
    %eq3A = arith.constant 0 : i32
    %eq3A_8 = arith.cmpi eq, %arg0, %eq3A : i32
    %convert_element_type3A = arith.extui %eq3A_8 : i1 to i32
    %cond3A = arith.constant 0 : i32
    %cond3A_9 = arith.cmpi ne, %convert_element_type3A, %cond3A : i32
    scf.if %cond3A_9 {
      %mul3A_15 = arith.constant 624 : i32
      %mul3A_16 = arith.muli %arg1, %mul3A_15 : i32
      %multiple_of3A_17 = tpu.assume_multiple %mul3A_16, 8 : i32
      %lt3A = arith.constant 15 : i32
      %lt3A_18 = arith.cmpi slt, %arg1, %lt3A : i32
      %convert_element_type3A_19 = arith.extui %lt3A_18 : i1 to i32
      %cond3A_20 = arith.constant 0 : i32
      %cond3A_21 = arith.cmpi ne, %convert_element_type3A_19, %cond3A_20 : i32
      scf.if %cond3A_21 {
        %dma_start3A_107 = arith.constant 0 : i32
        %dma_start3A_108 = tpu.memref_slice %arg22[%multiple_of3A_17, %dma_start3A_107] : memref<10000x64xf32, #tpu.memory_space<vmem_shared>> -> memref<624x64xf32, #tpu.memory_space<vmem_shared>>
        %dma_start3A_109 = arith.constant 0 : i32
        %dma_start3A_110 = tpu.memref_slice %arg2[%multiple_of3A_17, %dma_start3A_109] : memref<10000x64xf32, #tpu.memory_space<hbm>> -> memref<624x64xf32, #tpu.memory_space<hbm>>
        tpu.enqueue_dma source(%dma_start3A_110 : memref<624x64xf32, #tpu.memory_space<hbm>>) target(%dma_start3A_108 : memref<624x64xf32, #tpu.memory_space<vmem_shared>>) target_semaphore(%arg18 : memref<!tpu.dma_semaphore, #tpu.memory_space<semaphore_mem>>)
      } else {
      }
      %eq3A_22 = arith.constant 15 : i32
      %eq3A_23 = arith.cmpi eq, %arg1, %eq3A_22 : i32
      %convert_element_type3A_24 = arith.extui %eq3A_23 : i1 to i32
      %cond3A_25 = arith.constant 0 : i32
      %cond3A_26 = arith.cmpi ne, %convert_element_type3A_24, %cond3A_25 : i32
      scf.if %cond3A_26 {
        %dma_start3A_107 = arith.constant 9360 : i32
        %dma_start3A_108 = arith.constant 0 : i32
        %dma_start3A_109 = tpu.memref_slice %arg22[%dma_start3A_107, %dma_start3A_108] : memref<10000x64xf32, #tpu.memory_space<vmem_shared>> -> memref<640x64xf32, #tpu.memory_space<vmem_shared>>
        %dma_start3A_110 = arith.constant 9360 : i32
        %dma_start3A_111 = arith.constant 0 : i32
        %dma_start3A_112 = tpu.memref_slice %arg2[%dma_start3A_110, %dma_start3A_111] : memref<10000x64xf32, #tpu.memory_space<hbm>> -> memref<640x64xf32, #tpu.memory_space<hbm>>
        tpu.enqueue_dma source(%dma_start3A_112 : memref<640x64xf32, #tpu.memory_space<hbm>>) target(%dma_start3A_109 : memref<640x64xf32, #tpu.memory_space<vmem_shared>>) target_semaphore(%arg18 : memref<!tpu.dma_semaphore, #tpu.memory_space<semaphore_mem>>)
      } else {
      }
      %dma_wait3A = arith.constant 0 : i32
      %dma_wait3A_27 = tpu.memref_slice %arg4[%multiple_of3A, %dma_wait3A] : memref<2560x125xi32, #tpu.memory_space<hbm>> -> memref<160x125xi32, #tpu.memory_space<hbm>>
      %dma_wait3A_28 = arith.constant 0 : i32
      %dma_wait3A_29 = tpu.memref_slice %arg4[%multiple_of3A, %dma_wait3A_28] : memref<2560x125xi32, #tpu.memory_space<hbm>> -> memref<160x125xi32, #tpu.memory_space<hbm>>
      tpu.wait_dma2 semaphore(%arg16 : memref<!tpu.dma_semaphore, #tpu.memory_space<semaphore_mem>>) src(%dma_wait3A_29 : memref<160x125xi32, #tpu.memory_space<hbm>>) dst(%arg8 : memref<160x125xi32, #tpu.memory_space<vmem>>)
      %dma_start3A_30 = arith.constant 0 : i32
      %dma_start3A_31 = arith.constant 0 : i32
      %dma_start3A_32 = tpu.memref_slice %arg8[%dma_start3A_30, %dma_start3A_31] : memref<160x125xi32, #tpu.memory_space<vmem>> -> memref<1x125xi32, #tpu.memory_space<vmem>>
      %dma_start3A_33 = tpu.memref_squeeze %dma_start3A_32 : memref<1x125xi32, #tpu.memory_space<vmem>> -> memref<125xi32, #tpu.memory_space<vmem>>
      %dma_start3A_34 = arith.constant 0 : i32
      %dma_start3A_35 = arith.constant 0 : i32
      %dma_start3A_36 = tpu.memref_slice %arg2[%dma_start3A_34, %dma_start3A_35] : memref<10000x64xf32, #tpu.memory_space<hbm>> -> memref<10000x64xf32, #tpu.memory_space<hbm>>
      tpu.enqueue_indirect_dma source(%dma_start3A_36 : memref<10000x64xf32, #tpu.memory_space<hbm>>) target(%arg10 : memref<125x64xf32, #tpu.memory_space<vmem>>) offsets(%dma_start3A_33 : memref<125xi32, #tpu.memory_space<vmem>>) semaphore(%arg14 : memref<!tpu.dma_semaphore, #tpu.memory_space<semaphore_mem>>)
      %dma_start3A_37 = arith.constant 1 : i32
      %dma_start3A_38 = arith.constant 0 : i32
      %dma_start3A_39 = tpu.memref_slice %arg8[%dma_start3A_37, %dma_start3A_38] : memref<160x125xi32, #tpu.memory_space<vmem>> -> memref<1x125xi32, #tpu.memory_space<vmem>>
      %dma_start3A_40 = tpu.memref_squeeze %dma_start3A_39 : memref<1x125xi32, #tpu.memory_space<vmem>> -> memref<125xi32, #tpu.memory_space<vmem>>
      %dma_start3A_41 = arith.constant 0 : i32
      %dma_start3A_42 = arith.constant 0 : i32
      %dma_start3A_43 = tpu.memref_slice %arg2[%dma_start3A_41, %dma_start3A_42] : memref<10000x64xf32, #tpu.memory_space<hbm>> -> memref<10000x64xf32, #tpu.memory_space<hbm>>
      tpu.enqueue_indirect_dma source(%dma_start3A_43 : memref<10000x64xf32, #tpu.memory_space<hbm>>) target(%arg11 : memref<125x64xf32, #tpu.memory_space<vmem>>) offsets(%dma_start3A_40 : memref<125xi32, #tpu.memory_space<vmem>>) semaphore(%arg15 : memref<!tpu.dma_semaphore, #tpu.memory_space<semaphore_mem>>)
      %dma_wait3A_44 = arith.constant 0 : i32
      %dma_wait3A_45 = tpu.memref_slice %arg5[%multiple_of3A, %dma_wait3A_44] : memref<2560x125xi32, #tpu.memory_space<hbm>> -> memref<160x125xi32, #tpu.memory_space<hbm>>
      %dma_wait3A_46 = arith.constant 0 : i32
      %dma_wait3A_47 = tpu.memref_slice %arg5[%multiple_of3A, %dma_wait3A_46] : memref<2560x125xi32, #tpu.memory_space<hbm>> -> memref<160x125xi32, #tpu.memory_space<hbm>>
      tpu.wait_dma2 semaphore(%arg17 : memref<!tpu.dma_semaphore, #tpu.memory_space<semaphore_mem>>) src(%dma_wait3A_47 : memref<160x125xi32, #tpu.memory_space<hbm>>) dst(%arg9 : memref<160x125xi32, #tpu.memory_space<vmem>>)
      %mul3A_48 = arith.constant 624 : i32
      %mul3A_49 = arith.muli %arg1, %mul3A_48 : i32
      %multiple_of3A_50 = tpu.assume_multiple %mul3A_49, 8 : i32
      %lt3A_51 = arith.constant 15 : i32
      %lt3A_52 = arith.cmpi slt, %arg1, %lt3A_51 : i32
      %convert_element_type3A_53 = arith.extui %lt3A_52 : i1 to i32
      %cond3A_54 = arith.constant 0 : i32
      %cond3A_55 = arith.cmpi ne, %convert_element_type3A_53, %cond3A_54 : i32
      scf.if %cond3A_55 {
        %dma_wait3A_107 = arith.constant 0 : i32
        %dma_wait3A_108 = tpu.memref_slice %arg22[%multiple_of3A_50, %dma_wait3A_107] : memref<10000x64xf32, #tpu.memory_space<vmem_shared>> -> memref<624x64xf32, #tpu.memory_space<vmem_shared>>
        %dma_wait3A_109 = arith.constant 0 : i32
        %dma_wait3A_110 = tpu.memref_slice %arg2[%multiple_of3A_50, %dma_wait3A_109] : memref<10000x64xf32, #tpu.memory_space<hbm>> -> memref<624x64xf32, #tpu.memory_space<hbm>>
        tpu.wait_dma2 semaphore(%arg18 : memref<!tpu.dma_semaphore, #tpu.memory_space<semaphore_mem>>) src(%dma_wait3A_110 : memref<624x64xf32, #tpu.memory_space<hbm>>) dst(%dma_wait3A_108 : memref<624x64xf32, #tpu.memory_space<vmem_shared>>)
      } else {
      }
      %eq3A_56 = arith.constant 15 : i32
      %eq3A_57 = arith.cmpi eq, %arg1, %eq3A_56 : i32
      %convert_element_type3A_58 = arith.extui %eq3A_57 : i1 to i32
      %cond3A_59 = arith.constant 0 : i32
      %cond3A_60 = arith.cmpi ne, %convert_element_type3A_58, %cond3A_59 : i32
      scf.if %cond3A_60 {
        %dma_wait3A_107 = arith.constant 9360 : i32
        %dma_wait3A_108 = arith.constant 0 : i32
        %dma_wait3A_109 = tpu.memref_slice %arg22[%dma_wait3A_107, %dma_wait3A_108] : memref<10000x64xf32, #tpu.memory_space<vmem_shared>> -> memref<640x64xf32, #tpu.memory_space<vmem_shared>>
        %dma_wait3A_110 = arith.constant 9360 : i32
        %dma_wait3A_111 = arith.constant 0 : i32
        %dma_wait3A_112 = tpu.memref_slice %arg2[%dma_wait3A_110, %dma_wait3A_111] : memref<10000x64xf32, #tpu.memory_space<hbm>> -> memref<640x64xf32, #tpu.memory_space<hbm>>
        tpu.wait_dma2 semaphore(%arg18 : memref<!tpu.dma_semaphore, #tpu.memory_space<semaphore_mem>>) src(%dma_wait3A_112 : memref<640x64xf32, #tpu.memory_space<hbm>>) dst(%dma_wait3A_109 : memref<640x64xf32, #tpu.memory_space<vmem_shared>>)
      } else {
      }
      %barrier3A = arith.constant 0 : index
      tpu.barrier barrier_id(%barrier3A)
      %scan3A = arith.constant 0 : i32
      %scan3A_61 = arith.constant 40 : i32
      %scan3A_62 = arith.addi %scan3A, %scan3A_61 : i32
      %scan3A_63 = arith.constant 1 : i32
      scf.for %scan3A_107 = %scan3A to %scan3A_62 step %scan3A_63  : i32 {
        %mul3A_108 = arith.constant 4 : i32
        %mul3A_109 = arith.muli %scan3A_107, %mul3A_108 : i32
        %add3A = arith.constant 0 : i32
        %add3A_110 = arith.addi %add3A, %mul3A_109 : i32
        %add3A_111 = arith.constant 0 : i32
        %add3A_112 = arith.addi %add3A_110, %add3A_111 : i32
        %add3A_113 = arith.constant 2 : i32
        %add3A_114 = arith.addi %add3A_112, %add3A_113 : i32
        %lt3A_115 = arith.constant 160 : i32
        %lt3A_116 = arith.cmpi slt, %add3A_114, %lt3A_115 : i32
        %convert_element_type3A_117 = arith.extui %lt3A_116 : i1 to i32
        %cond3A_118 = arith.constant 0 : i32
        %cond3A_119 = arith.cmpi ne, %convert_element_type3A_117, %cond3A_118 : i32
        scf.if %cond3A_119 {
          %ge3A = arith.constant 4 : i32
          %ge3A_195 = arith.cmpi sge, %add3A_114, %ge3A : i32
          %convert_element_type3A_196 = arith.extui %ge3A_195 : i1 to i32
          %cond3A_197 = arith.constant 0 : i32
          %cond3A_198 = arith.cmpi ne, %convert_element_type3A_196, %cond3A_197 : i32
          scf.if %cond3A_198 {
            %sub3A = arith.constant 4 : i32
            %sub3A_205 = arith.subi %add3A_114, %sub3A : i32
            %dma_wait3A_206 = arith.constant 0 : i32
            %dma_wait3A_207 = tpu.memref_slice %arg9[%sub3A_205, %dma_wait3A_206] : memref<160x125xi32, #tpu.memory_space<vmem>> -> memref<1x125xi32, #tpu.memory_space<vmem>>
            %dma_wait3A_208 = tpu.memref_squeeze %dma_wait3A_207 : memref<1x125xi32, #tpu.memory_space<vmem>> -> memref<125xi32, #tpu.memory_space<vmem>>
            %dma_wait3A_209 = arith.constant 0 : i32
            %dma_wait3A_210 = arith.constant 0 : i32
            %dma_wait3A_211 = tpu.memref_slice %arg22[%dma_wait3A_209, %dma_wait3A_210] : memref<10000x64xf32, #tpu.memory_space<vmem_shared>> -> memref<10000x64xf32, #tpu.memory_space<vmem_shared>>
            tpu.wait_indirect_dma semaphore(%arg20 : memref<!tpu.dma_semaphore, #tpu.memory_space<semaphore_mem>>) src(%arg12 : memref<125x64xf32, #tpu.memory_space<vmem>>) dst(%dma_wait3A_211 : memref<10000x64xf32, #tpu.memory_space<vmem_shared>>)
          } else {
          }
          %dma_start3A_199 = arith.constant 0 : i32
          %dma_start3A_200 = tpu.memref_slice %arg8[%add3A_114, %dma_start3A_199] : memref<160x125xi32, #tpu.memory_space<vmem>> -> memref<1x125xi32, #tpu.memory_space<vmem>>
          %dma_start3A_201 = tpu.memref_squeeze %dma_start3A_200 : memref<1x125xi32, #tpu.memory_space<vmem>> -> memref<125xi32, #tpu.memory_space<vmem>>
          %dma_start3A_202 = arith.constant 0 : i32
          %dma_start3A_203 = arith.constant 0 : i32
          %dma_start3A_204 = tpu.memref_slice %arg2[%dma_start3A_202, %dma_start3A_203] : memref<10000x64xf32, #tpu.memory_space<hbm>> -> memref<10000x64xf32, #tpu.memory_space<hbm>>
          tpu.enqueue_indirect_dma source(%dma_start3A_204 : memref<10000x64xf32, #tpu.memory_space<hbm>>) target(%arg12 : memref<125x64xf32, #tpu.memory_space<vmem>>) offsets(%dma_start3A_201 : memref<125xi32, #tpu.memory_space<vmem>>) semaphore(%arg16 : memref<!tpu.dma_semaphore, #tpu.memory_space<semaphore_mem>>)
        } else {
        }
        %dma_wait3A_120 = arith.constant 0 : i32
        %dma_wait3A_121 = tpu.memref_slice %arg8[%add3A_112, %dma_wait3A_120] : memref<160x125xi32, #tpu.memory_space<vmem>> -> memref<1x125xi32, #tpu.memory_space<vmem>>
        %dma_wait3A_122 = tpu.memref_squeeze %dma_wait3A_121 : memref<1x125xi32, #tpu.memory_space<vmem>> -> memref<125xi32, #tpu.memory_space<vmem>>
        %dma_wait3A_123 = arith.constant 0 : i32
        %dma_wait3A_124 = arith.constant 0 : i32
        %dma_wait3A_125 = tpu.memref_slice %arg2[%dma_wait3A_123, %dma_wait3A_124] : memref<10000x64xf32, #tpu.memory_space<hbm>> -> memref<10000x64xf32, #tpu.memory_space<hbm>>
        tpu.wait_indirect_dma semaphore(%arg14 : memref<!tpu.dma_semaphore, #tpu.memory_space<semaphore_mem>>) src(%dma_wait3A_125 : memref<10000x64xf32, #tpu.memory_space<hbm>>) dst(%arg10 : memref<125x64xf32, #tpu.memory_space<vmem>>)
        %dma_start3A_126 = arith.constant 0 : i32
        %dma_start3A_127 = tpu.memref_slice %arg9[%add3A_112, %dma_start3A_126] : memref<160x125xi32, #tpu.memory_space<vmem>> -> memref<1x125xi32, #tpu.memory_space<vmem>>
        %dma_start3A_128 = tpu.memref_squeeze %dma_start3A_127 : memref<1x125xi32, #tpu.memory_space<vmem>> -> memref<125xi32, #tpu.memory_space<vmem>>
        %dma_start3A_129 = arith.constant 0 : i32
        %dma_start3A_130 = arith.constant 0 : i32
        %dma_start3A_131 = tpu.memref_slice %arg22[%dma_start3A_129, %dma_start3A_130] : memref<10000x64xf32, #tpu.memory_space<vmem_shared>> -> memref<10000x64xf32, #tpu.memory_space<vmem_shared>>
        tpu.enqueue_indirect_dma source(%arg10 : memref<125x64xf32, #tpu.memory_space<vmem>>) target(%dma_start3A_131 : memref<10000x64xf32, #tpu.memory_space<vmem_shared>>) offsets(%dma_start3A_128 : memref<125xi32, #tpu.memory_space<vmem>>) semaphore(%arg18 : memref<!tpu.dma_semaphore, #tpu.memory_space<semaphore_mem>>) {add = true}
        %add3A_132 = arith.constant 1 : i32
        %add3A_133 = arith.addi %add3A_110, %add3A_132 : i32
        %add3A_134 = arith.constant 2 : i32
        %add3A_135 = arith.addi %add3A_133, %add3A_134 : i32
        %lt3A_136 = arith.constant 160 : i32
        %lt3A_137 = arith.cmpi slt, %add3A_135, %lt3A_136 : i32
        %convert_element_type3A_138 = arith.extui %lt3A_137 : i1 to i32
        %cond3A_139 = arith.constant 0 : i32
        %cond3A_140 = arith.cmpi ne, %convert_element_type3A_138, %cond3A_139 : i32
        scf.if %cond3A_140 {
          %ge3A = arith.constant 4 : i32
          %ge3A_195 = arith.cmpi sge, %add3A_135, %ge3A : i32
          %convert_element_type3A_196 = arith.extui %ge3A_195 : i1 to i32
          %cond3A_197 = arith.constant 0 : i32
          %cond3A_198 = arith.cmpi ne, %convert_element_type3A_196, %cond3A_197 : i32
          scf.if %cond3A_198 {
            %sub3A = arith.constant 4 : i32
            %sub3A_205 = arith.subi %add3A_135, %sub3A : i32
            %dma_wait3A_206 = arith.constant 0 : i32
            %dma_wait3A_207 = tpu.memref_slice %arg9[%sub3A_205, %dma_wait3A_206] : memref<160x125xi32, #tpu.memory_space<vmem>> -> memref<1x125xi32, #tpu.memory_space<vmem>>
            %dma_wait3A_208 = tpu.memref_squeeze %dma_wait3A_207 : memref<1x125xi32, #tpu.memory_space<vmem>> -> memref<125xi32, #tpu.memory_space<vmem>>
            %dma_wait3A_209 = arith.constant 0 : i32
            %dma_wait3A_210 = arith.constant 0 : i32
            %dma_wait3A_211 = tpu.memref_slice %arg22[%dma_wait3A_209, %dma_wait3A_210] : memref<10000x64xf32, #tpu.memory_space<vmem_shared>> -> memref<10000x64xf32, #tpu.memory_space<vmem_shared>>
            tpu.wait_indirect_dma semaphore(%arg21 : memref<!tpu.dma_semaphore, #tpu.memory_space<semaphore_mem>>) src(%arg13 : memref<125x64xf32, #tpu.memory_space<vmem>>) dst(%dma_wait3A_211 : memref<10000x64xf32, #tpu.memory_space<vmem_shared>>)
          } else {
          }
          %dma_start3A_199 = arith.constant 0 : i32
          %dma_start3A_200 = tpu.memref_slice %arg8[%add3A_135, %dma_start3A_199] : memref<160x125xi32, #tpu.memory_space<vmem>> -> memref<1x125xi32, #tpu.memory_space<vmem>>
          %dma_start3A_201 = tpu.memref_squeeze %dma_start3A_200 : memref<1x125xi32, #tpu.memory_space<vmem>> -> memref<125xi32, #tpu.memory_space<vmem>>
          %dma_start3A_202 = arith.constant 0 : i32
          %dma_start3A_203 = arith.constant 0 : i32
          %dma_start3A_204 = tpu.memref_slice %arg2[%dma_start3A_202, %dma_start3A_203] : memref<10000x64xf32, #tpu.memory_space<hbm>> -> memref<10000x64xf32, #tpu.memory_space<hbm>>
          tpu.enqueue_indirect_dma source(%dma_start3A_204 : memref<10000x64xf32, #tpu.memory_space<hbm>>) target(%arg13 : memref<125x64xf32, #tpu.memory_space<vmem>>) offsets(%dma_start3A_201 : memref<125xi32, #tpu.memory_space<vmem>>) semaphore(%arg17 : memref<!tpu.dma_semaphore, #tpu.memory_space<semaphore_mem>>)
        } else {
        }
        %dma_wait3A_141 = arith.constant 0 : i32
        %dma_wait3A_142 = tpu.memref_slice %arg8[%add3A_133, %dma_wait3A_141] : memref<160x125xi32, #tpu.memory_space<vmem>> -> memref<1x125xi32, #tpu.memory_space<vmem>>
        %dma_wait3A_143 = tpu.memref_squeeze %dma_wait3A_142 : memref<1x125xi32, #tpu.memory_space<vmem>> -> memref<125xi32, #tpu.memory_space<vmem>>
        %dma_wait3A_144 = arith.constant 0 : i32
        %dma_wait3A_145 = arith.constant 0 : i32
        %dma_wait3A_146 = tpu.memref_slice %arg2[%dma_wait3A_144, %dma_wait3A_145] : memref<10000x64xf32, #tpu.memory_space<hbm>> -> memref<10000x64xf32, #tpu.memory_space<hbm>>
        tpu.wait_indirect_dma semaphore(%arg15 : memref<!tpu.dma_semaphore, #tpu.memory_space<semaphore_mem>>) src(%dma_wait3A_146 : memref<10000x64xf32, #tpu.memory_space<hbm>>) dst(%arg11 : memref<125x64xf32, #tpu.memory_space<vmem>>)
        %dma_start3A_147 = arith.constant 0 : i32
        %dma_start3A_148 = tpu.memref_slice %arg9[%add3A_133, %dma_start3A_147] : memref<160x125xi32, #tpu.memory_space<vmem>> -> memref<1x125xi32, #tpu.memory_space<vmem>>
        %dma_start3A_149 = tpu.memref_squeeze %dma_start3A_148 : memref<1x125xi32, #tpu.memory_space<vmem>> -> memref<125xi32, #tpu.memory_space<vmem>>
        %dma_start3A_150 = arith.constant 0 : i32
        %dma_start3A_151 = arith.constant 0 : i32
        %dma_start3A_152 = tpu.memref_slice %arg22[%dma_start3A_150, %dma_start3A_151] : memref<10000x64xf32, #tpu.memory_space<vmem_shared>> -> memref<10000x64xf32, #tpu.memory_space<vmem_shared>>
        tpu.enqueue_indirect_dma source(%arg11 : memref<125x64xf32, #tpu.memory_space<vmem>>) target(%dma_start3A_152 : memref<10000x64xf32, #tpu.memory_space<vmem_shared>>) offsets(%dma_start3A_149 : memref<125xi32, #tpu.memory_space<vmem>>) semaphore(%arg19 : memref<!tpu.dma_semaphore, #tpu.memory_space<semaphore_mem>>) {add = true}
        %add3A_153 = arith.constant 2 : i32
        %add3A_154 = arith.addi %add3A_110, %add3A_153 : i32
        %add3A_155 = arith.constant 2 : i32
        %add3A_156 = arith.addi %add3A_154, %add3A_155 : i32
        %lt3A_157 = arith.constant 160 : i32
        %lt3A_158 = arith.cmpi slt, %add3A_156, %lt3A_157 : i32
        %convert_element_type3A_159 = arith.extui %lt3A_158 : i1 to i32
        %cond3A_160 = arith.constant 0 : i32
        %cond3A_161 = arith.cmpi ne, %convert_element_type3A_159, %cond3A_160 : i32
        scf.if %cond3A_161 {
          %ge3A = arith.constant 4 : i32
          %ge3A_195 = arith.cmpi sge, %add3A_156, %ge3A : i32
          %convert_element_type3A_196 = arith.extui %ge3A_195 : i1 to i32
          %cond3A_197 = arith.constant 0 : i32
          %cond3A_198 = arith.cmpi ne, %convert_element_type3A_196, %cond3A_197 : i32
          scf.if %cond3A_198 {
            %sub3A = arith.constant 4 : i32
            %sub3A_205 = arith.subi %add3A_156, %sub3A : i32
            %dma_wait3A_206 = arith.constant 0 : i32
            %dma_wait3A_207 = tpu.memref_slice %arg9[%sub3A_205, %dma_wait3A_206] : memref<160x125xi32, #tpu.memory_space<vmem>> -> memref<1x125xi32, #tpu.memory_space<vmem>>
            %dma_wait3A_208 = tpu.memref_squeeze %dma_wait3A_207 : memref<1x125xi32, #tpu.memory_space<vmem>> -> memref<125xi32, #tpu.memory_space<vmem>>
            %dma_wait3A_209 = arith.constant 0 : i32
            %dma_wait3A_210 = arith.constant 0 : i32
            %dma_wait3A_211 = tpu.memref_slice %arg22[%dma_wait3A_209, %dma_wait3A_210] : memref<10000x64xf32, #tpu.memory_space<vmem_shared>> -> memref<10000x64xf32, #tpu.memory_space<vmem_shared>>
            tpu.wait_indirect_dma semaphore(%arg18 : memref<!tpu.dma_semaphore, #tpu.memory_space<semaphore_mem>>) src(%arg10 : memref<125x64xf32, #tpu.memory_space<vmem>>) dst(%dma_wait3A_211 : memref<10000x64xf32, #tpu.memory_space<vmem_shared>>)
          } else {
          }
          %dma_start3A_199 = arith.constant 0 : i32
          %dma_start3A_200 = tpu.memref_slice %arg8[%add3A_156, %dma_start3A_199] : memref<160x125xi32, #tpu.memory_space<vmem>> -> memref<1x125xi32, #tpu.memory_space<vmem>>
          %dma_start3A_201 = tpu.memref_squeeze %dma_start3A_200 : memref<1x125xi32, #tpu.memory_space<vmem>> -> memref<125xi32, #tpu.memory_space<vmem>>
          %dma_start3A_202 = arith.constant 0 : i32
          %dma_start3A_203 = arith.constant 0 : i32
          %dma_start3A_204 = tpu.memref_slice %arg2[%dma_start3A_202, %dma_start3A_203] : memref<10000x64xf32, #tpu.memory_space<hbm>> -> memref<10000x64xf32, #tpu.memory_space<hbm>>
          tpu.enqueue_indirect_dma source(%dma_start3A_204 : memref<10000x64xf32, #tpu.memory_space<hbm>>) target(%arg10 : memref<125x64xf32, #tpu.memory_space<vmem>>) offsets(%dma_start3A_201 : memref<125xi32, #tpu.memory_space<vmem>>) semaphore(%arg14 : memref<!tpu.dma_semaphore, #tpu.memory_space<semaphore_mem>>)
        } else {
        }
        %dma_wait3A_162 = arith.constant 0 : i32
        %dma_wait3A_163 = tpu.memref_slice %arg8[%add3A_154, %dma_wait3A_162] : memref<160x125xi32, #tpu.memory_space<vmem>> -> memref<1x125xi32, #tpu.memory_space<vmem>>
        %dma_wait3A_164 = tpu.memref_squeeze %dma_wait3A_163 : memref<1x125xi32, #tpu.memory_space<vmem>> -> memref<125xi32, #tpu.memory_space<vmem>>
        %dma_wait3A_165 = arith.constant 0 : i32
        %dma_wait3A_166 = arith.constant 0 : i32
        %dma_wait3A_167 = tpu.memref_slice %arg2[%dma_wait3A_165, %dma_wait3A_166] : memref<10000x64xf32, #tpu.memory_space<hbm>> -> memref<10000x64xf32, #tpu.memory_space<hbm>>
        tpu.wait_indirect_dma semaphore(%arg16 : memref<!tpu.dma_semaphore, #tpu.memory_space<semaphore_mem>>) src(%dma_wait3A_167 : memref<10000x64xf32, #tpu.memory_space<hbm>>) dst(%arg12 : memref<125x64xf32, #tpu.memory_space<vmem>>)
        %dma_start3A_168 = arith.constant 0 : i32
        %dma_start3A_169 = tpu.memref_slice %arg9[%add3A_154, %dma_start3A_168] : memref<160x125xi32, #tpu.memory_space<vmem>> -> memref<1x125xi32, #tpu.memory_space<vmem>>
        %dma_start3A_170 = tpu.memref_squeeze %dma_start3A_169 : memref<1x125xi32, #tpu.memory_space<vmem>> -> memref<125xi32, #tpu.memory_space<vmem>>
        %dma_start3A_171 = arith.constant 0 : i32
        %dma_start3A_172 = arith.constant 0 : i32
        %dma_start3A_173 = tpu.memref_slice %arg22[%dma_start3A_171, %dma_start3A_172] : memref<10000x64xf32, #tpu.memory_space<vmem_shared>> -> memref<10000x64xf32, #tpu.memory_space<vmem_shared>>
        tpu.enqueue_indirect_dma source(%arg12 : memref<125x64xf32, #tpu.memory_space<vmem>>) target(%dma_start3A_173 : memref<10000x64xf32, #tpu.memory_space<vmem_shared>>) offsets(%dma_start3A_170 : memref<125xi32, #tpu.memory_space<vmem>>) semaphore(%arg20 : memref<!tpu.dma_semaphore, #tpu.memory_space<semaphore_mem>>) {add = true}
        %add3A_174 = arith.constant 3 : i32
        %add3A_175 = arith.addi %add3A_110, %add3A_174 : i32
        %add3A_176 = arith.constant 2 : i32
        %add3A_177 = arith.addi %add3A_175, %add3A_176 : i32
        %lt3A_178 = arith.constant 160 : i32
        %lt3A_179 = arith.cmpi slt, %add3A_177, %lt3A_178 : i32
        %convert_element_type3A_180 = arith.extui %lt3A_179 : i1 to i32
        %cond3A_181 = arith.constant 0 : i32
        %cond3A_182 = arith.cmpi ne, %convert_element_type3A_180, %cond3A_181 : i32
        scf.if %cond3A_182 {
          %ge3A = arith.constant 4 : i32
          %ge3A_195 = arith.cmpi sge, %add3A_177, %ge3A : i32
          %convert_element_type3A_196 = arith.extui %ge3A_195 : i1 to i32
          %cond3A_197 = arith.constant 0 : i32
          %cond3A_198 = arith.cmpi ne, %convert_element_type3A_196, %cond3A_197 : i32
          scf.if %cond3A_198 {
            %sub3A = arith.constant 4 : i32
            %sub3A_205 = arith.subi %add3A_177, %sub3A : i32
            %dma_wait3A_206 = arith.constant 0 : i32
            %dma_wait3A_207 = tpu.memref_slice %arg9[%sub3A_205, %dma_wait3A_206] : memref<160x125xi32, #tpu.memory_space<vmem>> -> memref<1x125xi32, #tpu.memory_space<vmem>>
            %dma_wait3A_208 = tpu.memref_squeeze %dma_wait3A_207 : memref<1x125xi32, #tpu.memory_space<vmem>> -> memref<125xi32, #tpu.memory_space<vmem>>
            %dma_wait3A_209 = arith.constant 0 : i32
            %dma_wait3A_210 = arith.constant 0 : i32
            %dma_wait3A_211 = tpu.memref_slice %arg22[%dma_wait3A_209, %dma_wait3A_210] : memref<10000x64xf32, #tpu.memory_space<vmem_shared>> -> memref<10000x64xf32, #tpu.memory_space<vmem_shared>>
            tpu.wait_indirect_dma semaphore(%arg19 : memref<!tpu.dma_semaphore, #tpu.memory_space<semaphore_mem>>) src(%arg11 : memref<125x64xf32, #tpu.memory_space<vmem>>) dst(%dma_wait3A_211 : memref<10000x64xf32, #tpu.memory_space<vmem_shared>>)
          } else {
          }
          %dma_start3A_199 = arith.constant 0 : i32
          %dma_start3A_200 = tpu.memref_slice %arg8[%add3A_177, %dma_start3A_199] : memref<160x125xi32, #tpu.memory_space<vmem>> -> memref<1x125xi32, #tpu.memory_space<vmem>>
          %dma_start3A_201 = tpu.memref_squeeze %dma_start3A_200 : memref<1x125xi32, #tpu.memory_space<vmem>> -> memref<125xi32, #tpu.memory_space<vmem>>
          %dma_start3A_202 = arith.constant 0 : i32
          %dma_start3A_203 = arith.constant 0 : i32
          %dma_start3A_204 = tpu.memref_slice %arg2[%dma_start3A_202, %dma_start3A_203] : memref<10000x64xf32, #tpu.memory_space<hbm>> -> memref<10000x64xf32, #tpu.memory_space<hbm>>
          tpu.enqueue_indirect_dma source(%dma_start3A_204 : memref<10000x64xf32, #tpu.memory_space<hbm>>) target(%arg11 : memref<125x64xf32, #tpu.memory_space<vmem>>) offsets(%dma_start3A_201 : memref<125xi32, #tpu.memory_space<vmem>>) semaphore(%arg15 : memref<!tpu.dma_semaphore, #tpu.memory_space<semaphore_mem>>)
        } else {
        }
        %dma_wait3A_183 = arith.constant 0 : i32
        %dma_wait3A_184 = tpu.memref_slice %arg8[%add3A_175, %dma_wait3A_183] : memref<160x125xi32, #tpu.memory_space<vmem>> -> memref<1x125xi32, #tpu.memory_space<vmem>>
        %dma_wait3A_185 = tpu.memref_squeeze %dma_wait3A_184 : memref<1x125xi32, #tpu.memory_space<vmem>> -> memref<125xi32, #tpu.memory_space<vmem>>
        %dma_wait3A_186 = arith.constant 0 : i32
        %dma_wait3A_187 = arith.constant 0 : i32
        %dma_wait3A_188 = tpu.memref_slice %arg2[%dma_wait3A_186, %dma_wait3A_187] : memref<10000x64xf32, #tpu.memory_space<hbm>> -> memref<10000x64xf32, #tpu.memory_space<hbm>>
        tpu.wait_indirect_dma semaphore(%arg17 : memref<!tpu.dma_semaphore, #tpu.memory_space<semaphore_mem>>) src(%dma_wait3A_188 : memref<10000x64xf32, #tpu.memory_space<hbm>>) dst(%arg13 : memref<125x64xf32, #tpu.memory_space<vmem>>)
        %dma_start3A_189 = arith.constant 0 : i32
        %dma_start3A_190 = tpu.memref_slice %arg9[%add3A_175, %dma_start3A_189] : memref<160x125xi32, #tpu.memory_space<vmem>> -> memref<1x125xi32, #tpu.memory_space<vmem>>
        %dma_start3A_191 = tpu.memref_squeeze %dma_start3A_190 : memref<1x125xi32, #tpu.memory_space<vmem>> -> memref<125xi32, #tpu.memory_space<vmem>>
        %dma_start3A_192 = arith.constant 0 : i32
        %dma_start3A_193 = arith.constant 0 : i32
        %dma_start3A_194 = tpu.memref_slice %arg22[%dma_start3A_192, %dma_start3A_193] : memref<10000x64xf32, #tpu.memory_space<vmem_shared>> -> memref<10000x64xf32, #tpu.memory_space<vmem_shared>>
        tpu.enqueue_indirect_dma source(%arg13 : memref<125x64xf32, #tpu.memory_space<vmem>>) target(%dma_start3A_194 : memref<10000x64xf32, #tpu.memory_space<vmem_shared>>) offsets(%dma_start3A_191 : memref<125xi32, #tpu.memory_space<vmem>>) semaphore(%arg21 : memref<!tpu.dma_semaphore, #tpu.memory_space<semaphore_mem>>) {add = true}
      }
      %scan3A_64 = arith.constant 40 : i32
      %dma_wait3A_65 = arith.constant 156 : i32
      %dma_wait3A_66 = arith.constant 0 : i32
      %dma_wait3A_67 = tpu.memref_slice %arg9[%dma_wait3A_65, %dma_wait3A_66] : memref<160x125xi32, #tpu.memory_space<vmem>> -> memref<1x125xi32, #tpu.memory_space<vmem>>
      %dma_wait3A_68 = tpu.memref_squeeze %dma_wait3A_67 : memref<1x125xi32, #tpu.memory_space<vmem>> -> memref<125xi32, #tpu.memory_space<vmem>>
      %dma_wait3A_69 = arith.constant 0 : i32
      %dma_wait3A_70 = arith.constant 0 : i32
      %dma_wait3A_71 = tpu.memref_slice %arg22[%dma_wait3A_69, %dma_wait3A_70] : memref<10000x64xf32, #tpu.memory_space<vmem_shared>> -> memref<10000x64xf32, #tpu.memory_space<vmem_shared>>
      tpu.wait_indirect_dma semaphore(%arg18 : memref<!tpu.dma_semaphore, #tpu.memory_space<semaphore_mem>>) src(%arg10 : memref<125x64xf32, #tpu.memory_space<vmem>>) dst(%dma_wait3A_71 : memref<10000x64xf32, #tpu.memory_space<vmem_shared>>)
      %dma_wait3A_72 = arith.constant 157 : i32
      %dma_wait3A_73 = arith.constant 0 : i32
      %dma_wait3A_74 = tpu.memref_slice %arg9[%dma_wait3A_72, %dma_wait3A_73] : memref<160x125xi32, #tpu.memory_space<vmem>> -> memref<1x125xi32, #tpu.memory_space<vmem>>
      %dma_wait3A_75 = tpu.memref_squeeze %dma_wait3A_74 : memref<1x125xi32, #tpu.memory_space<vmem>> -> memref<125xi32, #tpu.memory_space<vmem>>
      %dma_wait3A_76 = arith.constant 0 : i32
      %dma_wait3A_77 = arith.constant 0 : i32
      %dma_wait3A_78 = tpu.memref_slice %arg22[%dma_wait3A_76, %dma_wait3A_77] : memref<10000x64xf32, #tpu.memory_space<vmem_shared>> -> memref<10000x64xf32, #tpu.memory_space<vmem_shared>>
      tpu.wait_indirect_dma semaphore(%arg19 : memref<!tpu.dma_semaphore, #tpu.memory_space<semaphore_mem>>) src(%arg11 : memref<125x64xf32, #tpu.memory_space<vmem>>) dst(%dma_wait3A_78 : memref<10000x64xf32, #tpu.memory_space<vmem_shared>>)
      %dma_wait3A_79 = arith.constant 158 : i32
      %dma_wait3A_80 = arith.constant 0 : i32
      %dma_wait3A_81 = tpu.memref_slice %arg9[%dma_wait3A_79, %dma_wait3A_80] : memref<160x125xi32, #tpu.memory_space<vmem>> -> memref<1x125xi32, #tpu.memory_space<vmem>>
      %dma_wait3A_82 = tpu.memref_squeeze %dma_wait3A_81 : memref<1x125xi32, #tpu.memory_space<vmem>> -> memref<125xi32, #tpu.memory_space<vmem>>
      %dma_wait3A_83 = arith.constant 0 : i32
      %dma_wait3A_84 = arith.constant 0 : i32
      %dma_wait3A_85 = tpu.memref_slice %arg22[%dma_wait3A_83, %dma_wait3A_84] : memref<10000x64xf32, #tpu.memory_space<vmem_shared>> -> memref<10000x64xf32, #tpu.memory_space<vmem_shared>>
      tpu.wait_indirect_dma semaphore(%arg20 : memref<!tpu.dma_semaphore, #tpu.memory_space<semaphore_mem>>) src(%arg12 : memref<125x64xf32, #tpu.memory_space<vmem>>) dst(%dma_wait3A_85 : memref<10000x64xf32, #tpu.memory_space<vmem_shared>>)
      %dma_wait3A_86 = arith.constant 159 : i32
      %dma_wait3A_87 = arith.constant 0 : i32
      %dma_wait3A_88 = tpu.memref_slice %arg9[%dma_wait3A_86, %dma_wait3A_87] : memref<160x125xi32, #tpu.memory_space<vmem>> -> memref<1x125xi32, #tpu.memory_space<vmem>>
      %dma_wait3A_89 = tpu.memref_squeeze %dma_wait3A_88 : memref<1x125xi32, #tpu.memory_space<vmem>> -> memref<125xi32, #tpu.memory_space<vmem>>
      %dma_wait3A_90 = arith.constant 0 : i32
      %dma_wait3A_91 = arith.constant 0 : i32
      %dma_wait3A_92 = tpu.memref_slice %arg22[%dma_wait3A_90, %dma_wait3A_91] : memref<10000x64xf32, #tpu.memory_space<vmem_shared>> -> memref<10000x64xf32, #tpu.memory_space<vmem_shared>>
      tpu.wait_indirect_dma semaphore(%arg21 : memref<!tpu.dma_semaphore, #tpu.memory_space<semaphore_mem>>) src(%arg13 : memref<125x64xf32, #tpu.memory_space<vmem>>) dst(%dma_wait3A_92 : memref<10000x64xf32, #tpu.memory_space<vmem_shared>>)
      %barrier3A_93 = arith.constant 0 : index
      tpu.barrier barrier_id(%barrier3A_93)
      %mul3A_94 = arith.constant 624 : i32
      %mul3A_95 = arith.muli %arg1, %mul3A_94 : i32
      %multiple_of3A_96 = tpu.assume_multiple %mul3A_95, 8 : i32
      %lt3A_97 = arith.constant 15 : i32
      %lt3A_98 = arith.cmpi slt, %arg1, %lt3A_97 : i32
      %convert_element_type3A_99 = arith.extui %lt3A_98 : i1 to i32
      %cond3A_100 = arith.constant 0 : i32
      %cond3A_101 = arith.cmpi ne, %convert_element_type3A_99, %cond3A_100 : i32
      scf.if %cond3A_101 {
        "tpu.region"() ({
          %run_scoped3A = tpu.sem_alloc : memref<!tpu.dma_semaphore, #tpu.memory_space<semaphore_mem>>
          %dma_start3A_107 = arith.constant 0 : i32
          %dma_start3A_108 = tpu.memref_slice %arg6[%multiple_of3A_96, %dma_start3A_107] : memref<10000x64xf32, #tpu.memory_space<hbm>> -> memref<624x64xf32, #tpu.memory_space<hbm>>
          %dma_start3A_109 = arith.constant 0 : i32
          %dma_start3A_110 = tpu.memref_slice %arg22[%multiple_of3A_96, %dma_start3A_109] : memref<10000x64xf32, #tpu.memory_space<vmem_shared>> -> memref<624x64xf32, #tpu.memory_space<vmem_shared>>
          tpu.enqueue_dma source(%dma_start3A_110 : memref<624x64xf32, #tpu.memory_space<vmem_shared>>) target(%dma_start3A_108 : memref<624x64xf32, #tpu.memory_space<hbm>>) target_semaphore(%run_scoped3A : memref<!tpu.dma_semaphore, #tpu.memory_space<semaphore_mem>>)
          %dma_wait3A_111 = arith.constant 0 : i32
          %dma_wait3A_112 = tpu.memref_slice %arg6[%multiple_of3A_96, %dma_wait3A_111] : memref<10000x64xf32, #tpu.memory_space<hbm>> -> memref<624x64xf32, #tpu.memory_space<hbm>>
          %dma_wait3A_113 = arith.constant 0 : i32
          %dma_wait3A_114 = tpu.memref_slice %arg22[%multiple_of3A_96, %dma_wait3A_113] : memref<10000x64xf32, #tpu.memory_space<vmem_shared>> -> memref<624x64xf32, #tpu.memory_space<vmem_shared>>
          tpu.wait_dma2 semaphore(%run_scoped3A : memref<!tpu.dma_semaphore, #tpu.memory_space<semaphore_mem>>) src(%dma_wait3A_114 : memref<624x64xf32, #tpu.memory_space<vmem_shared>>) dst(%dma_wait3A_112 : memref<624x64xf32, #tpu.memory_space<hbm>>)
          tpu.yield
        }) : () -> ()
      } else {
      }
      %eq3A_102 = arith.constant 15 : i32
      %eq3A_103 = arith.cmpi eq, %arg1, %eq3A_102 : i32
      %convert_element_type3A_104 = arith.extui %eq3A_103 : i1 to i32
      %cond3A_105 = arith.constant 0 : i32
      %cond3A_106 = arith.cmpi ne, %convert_element_type3A_104, %cond3A_105 : i32
      scf.if %cond3A_106 {
        "tpu.region"() ({
          %run_scoped3A = tpu.sem_alloc : memref<!tpu.dma_semaphore, #tpu.memory_space<semaphore_mem>>
          %dma_start3A_107 = arith.constant 9360 : i32
          %dma_start3A_108 = arith.constant 0 : i32
          %dma_start3A_109 = tpu.memref_slice %arg6[%dma_start3A_107, %dma_start3A_108] : memref<10000x64xf32, #tpu.memory_space<hbm>> -> memref<640x64xf32, #tpu.memory_space<hbm>>
          %dma_start3A_110 = arith.constant 9360 : i32
          %dma_start3A_111 = arith.constant 0 : i32
          %dma_start3A_112 = tpu.memref_slice %arg22[%dma_start3A_110, %dma_start3A_111] : memref<10000x64xf32, #tpu.memory_space<vmem_shared>> -> memref<640x64xf32, #tpu.memory_space<vmem_shared>>
          tpu.enqueue_dma source(%dma_start3A_112 : memref<640x64xf32, #tpu.memory_space<vmem_shared>>) target(%dma_start3A_109 : memref<640x64xf32, #tpu.memory_space<hbm>>) target_semaphore(%run_scoped3A : memref<!tpu.dma_semaphore, #tpu.memory_space<semaphore_mem>>)
          %dma_wait3A_113 = arith.constant 9360 : i32
          %dma_wait3A_114 = arith.constant 0 : i32
          %dma_wait3A_115 = tpu.memref_slice %arg6[%dma_wait3A_113, %dma_wait3A_114] : memref<10000x64xf32, #tpu.memory_space<hbm>> -> memref<640x64xf32, #tpu.memory_space<hbm>>
          %dma_wait3A_116 = arith.constant 9360 : i32
          %dma_wait3A_117 = arith.constant 0 : i32
          %dma_wait3A_118 = tpu.memref_slice %arg22[%dma_wait3A_116, %dma_wait3A_117] : memref<10000x64xf32, #tpu.memory_space<vmem_shared>> -> memref<640x64xf32, #tpu.memory_space<vmem_shared>>
          tpu.wait_dma2 semaphore(%run_scoped3A : memref<!tpu.dma_semaphore, #tpu.memory_space<semaphore_mem>>) src(%dma_wait3A_118 : memref<640x64xf32, #tpu.memory_space<vmem_shared>>) dst(%dma_wait3A_115 : memref<640x64xf32, #tpu.memory_space<hbm>>)
          tpu.yield
        }) : () -> ()
      } else {
      }
    } else {
    }
    %eq3A_10 = arith.constant 1 : i32
    %eq3A_11 = arith.cmpi eq, %arg0, %eq3A_10 : i32
    %convert_element_type3A_12 = arith.extui %eq3A_11 : i1 to i32
    %cond3A_13 = arith.constant 0 : i32
    %cond3A_14 = arith.cmpi ne, %convert_element_type3A_12, %cond3A_13 : i32
    scf.if %cond3A_14 {
      %mul3A_15 = arith.constant 624 : i32
      %mul3A_16 = arith.muli %arg1, %mul3A_15 : i32
      %multiple_of3A_17 = tpu.assume_multiple %mul3A_16, 8 : i32
      %lt3A = arith.constant 15 : i32
      %lt3A_18 = arith.cmpi slt, %arg1, %lt3A : i32
      %convert_element_type3A_19 = arith.extui %lt3A_18 : i1 to i32
      %cond3A_20 = arith.constant 0 : i32
      %cond3A_21 = arith.cmpi ne, %convert_element_type3A_19, %cond3A_20 : i32
      scf.if %cond3A_21 {
        %dma_start3A_107 = arith.constant 0 : i32
        %dma_start3A_108 = tpu.memref_slice %arg22[%multiple_of3A_17, %dma_start3A_107] : memref<10000x64xf32, #tpu.memory_space<vmem_shared>> -> memref<624x64xf32, #tpu.memory_space<vmem_shared>>
        %dma_start3A_109 = arith.constant 0 : i32
        %dma_start3A_110 = tpu.memref_slice %arg3[%multiple_of3A_17, %dma_start3A_109] : memref<10000x64xf32, #tpu.memory_space<hbm>> -> memref<624x64xf32, #tpu.memory_space<hbm>>
        tpu.enqueue_dma source(%dma_start3A_110 : memref<624x64xf32, #tpu.memory_space<hbm>>) target(%dma_start3A_108 : memref<624x64xf32, #tpu.memory_space<vmem_shared>>) target_semaphore(%arg18 : memref<!tpu.dma_semaphore, #tpu.memory_space<semaphore_mem>>)
      } else {
      }
      %eq3A_22 = arith.constant 15 : i32
      %eq3A_23 = arith.cmpi eq, %arg1, %eq3A_22 : i32
      %convert_element_type3A_24 = arith.extui %eq3A_23 : i1 to i32
      %cond3A_25 = arith.constant 0 : i32
      %cond3A_26 = arith.cmpi ne, %convert_element_type3A_24, %cond3A_25 : i32
      scf.if %cond3A_26 {
        %dma_start3A_107 = arith.constant 9360 : i32
        %dma_start3A_108 = arith.constant 0 : i32
        %dma_start3A_109 = tpu.memref_slice %arg22[%dma_start3A_107, %dma_start3A_108] : memref<10000x64xf32, #tpu.memory_space<vmem_shared>> -> memref<640x64xf32, #tpu.memory_space<vmem_shared>>
        %dma_start3A_110 = arith.constant 9360 : i32
        %dma_start3A_111 = arith.constant 0 : i32
        %dma_start3A_112 = tpu.memref_slice %arg3[%dma_start3A_110, %dma_start3A_111] : memref<10000x64xf32, #tpu.memory_space<hbm>> -> memref<640x64xf32, #tpu.memory_space<hbm>>
        tpu.enqueue_dma source(%dma_start3A_112 : memref<640x64xf32, #tpu.memory_space<hbm>>) target(%dma_start3A_109 : memref<640x64xf32, #tpu.memory_space<vmem_shared>>) target_semaphore(%arg18 : memref<!tpu.dma_semaphore, #tpu.memory_space<semaphore_mem>>)
      } else {
      }
      %dma_wait3A = arith.constant 0 : i32
      %dma_wait3A_27 = tpu.memref_slice %arg4[%multiple_of3A, %dma_wait3A] : memref<2560x125xi32, #tpu.memory_space<hbm>> -> memref<160x125xi32, #tpu.memory_space<hbm>>
      %dma_wait3A_28 = arith.constant 0 : i32
      %dma_wait3A_29 = tpu.memref_slice %arg4[%multiple_of3A, %dma_wait3A_28] : memref<2560x125xi32, #tpu.memory_space<hbm>> -> memref<160x125xi32, #tpu.memory_space<hbm>>
      tpu.wait_dma2 semaphore(%arg16 : memref<!tpu.dma_semaphore, #tpu.memory_space<semaphore_mem>>) src(%dma_wait3A_29 : memref<160x125xi32, #tpu.memory_space<hbm>>) dst(%arg8 : memref<160x125xi32, #tpu.memory_space<vmem>>)
      %dma_start3A_30 = arith.constant 0 : i32
      %dma_start3A_31 = arith.constant 0 : i32
      %dma_start3A_32 = tpu.memref_slice %arg8[%dma_start3A_30, %dma_start3A_31] : memref<160x125xi32, #tpu.memory_space<vmem>> -> memref<1x125xi32, #tpu.memory_space<vmem>>
      %dma_start3A_33 = tpu.memref_squeeze %dma_start3A_32 : memref<1x125xi32, #tpu.memory_space<vmem>> -> memref<125xi32, #tpu.memory_space<vmem>>
      %dma_start3A_34 = arith.constant 0 : i32
      %dma_start3A_35 = arith.constant 0 : i32
      %dma_start3A_36 = tpu.memref_slice %arg3[%dma_start3A_34, %dma_start3A_35] : memref<10000x64xf32, #tpu.memory_space<hbm>> -> memref<10000x64xf32, #tpu.memory_space<hbm>>
      tpu.enqueue_indirect_dma source(%dma_start3A_36 : memref<10000x64xf32, #tpu.memory_space<hbm>>) target(%arg10 : memref<125x64xf32, #tpu.memory_space<vmem>>) offsets(%dma_start3A_33 : memref<125xi32, #tpu.memory_space<vmem>>) semaphore(%arg14 : memref<!tpu.dma_semaphore, #tpu.memory_space<semaphore_mem>>)
      %dma_start3A_37 = arith.constant 1 : i32
      %dma_start3A_38 = arith.constant 0 : i32
      %dma_start3A_39 = tpu.memref_slice %arg8[%dma_start3A_37, %dma_start3A_38] : memref<160x125xi32, #tpu.memory_space<vmem>> -> memref<1x125xi32, #tpu.memory_space<vmem>>
      %dma_start3A_40 = tpu.memref_squeeze %dma_start3A_39 : memref<1x125xi32, #tpu.memory_space<vmem>> -> memref<125xi32, #tpu.memory_space<vmem>>
      %dma_start3A_41 = arith.constant 0 : i32
      %dma_start3A_42 = arith.constant 0 : i32
      %dma_start3A_43 = tpu.memref_slice %arg3[%dma_start3A_41, %dma_start3A_42] : memref<10000x64xf32, #tpu.memory_space<hbm>> -> memref<10000x64xf32, #tpu.memory_space<hbm>>
      tpu.enqueue_indirect_dma source(%dma_start3A_43 : memref<10000x64xf32, #tpu.memory_space<hbm>>) target(%arg11 : memref<125x64xf32, #tpu.memory_space<vmem>>) offsets(%dma_start3A_40 : memref<125xi32, #tpu.memory_space<vmem>>) semaphore(%arg15 : memref<!tpu.dma_semaphore, #tpu.memory_space<semaphore_mem>>)
      %dma_wait3A_44 = arith.constant 0 : i32
      %dma_wait3A_45 = tpu.memref_slice %arg5[%multiple_of3A, %dma_wait3A_44] : memref<2560x125xi32, #tpu.memory_space<hbm>> -> memref<160x125xi32, #tpu.memory_space<hbm>>
      %dma_wait3A_46 = arith.constant 0 : i32
      %dma_wait3A_47 = tpu.memref_slice %arg5[%multiple_of3A, %dma_wait3A_46] : memref<2560x125xi32, #tpu.memory_space<hbm>> -> memref<160x125xi32, #tpu.memory_space<hbm>>
      tpu.wait_dma2 semaphore(%arg17 : memref<!tpu.dma_semaphore, #tpu.memory_space<semaphore_mem>>) src(%dma_wait3A_47 : memref<160x125xi32, #tpu.memory_space<hbm>>) dst(%arg9 : memref<160x125xi32, #tpu.memory_space<vmem>>)
      %mul3A_48 = arith.constant 624 : i32
      %mul3A_49 = arith.muli %arg1, %mul3A_48 : i32
      %multiple_of3A_50 = tpu.assume_multiple %mul3A_49, 8 : i32
      %lt3A_51 = arith.constant 15 : i32
      %lt3A_52 = arith.cmpi slt, %arg1, %lt3A_51 : i32
      %convert_element_type3A_53 = arith.extui %lt3A_52 : i1 to i32
      %cond3A_54 = arith.constant 0 : i32
      %cond3A_55 = arith.cmpi ne, %convert_element_type3A_53, %cond3A_54 : i32
      scf.if %cond3A_55 {
        %dma_wait3A_107 = arith.constant 0 : i32
        %dma_wait3A_108 = tpu.memref_slice %arg22[%multiple_of3A_50, %dma_wait3A_107] : memref<10000x64xf32, #tpu.memory_space<vmem_shared>> -> memref<624x64xf32, #tpu.memory_space<vmem_shared>>
        %dma_wait3A_109 = arith.constant 0 : i32
        %dma_wait3A_110 = tpu.memref_slice %arg3[%multiple_of3A_50, %dma_wait3A_109] : memref<10000x64xf32, #tpu.memory_space<hbm>> -> memref<624x64xf32, #tpu.memory_space<hbm>>
        tpu.wait_dma2 semaphore(%arg18 : memref<!tpu.dma_semaphore, #tpu.memory_space<semaphore_mem>>) src(%dma_wait3A_110 : memref<624x64xf32, #tpu.memory_space<hbm>>) dst(%dma_wait3A_108 : memref<624x64xf32, #tpu.memory_space<vmem_shared>>)
      } else {
      }
      %eq3A_56 = arith.constant 15 : i32
      %eq3A_57 = arith.cmpi eq, %arg1, %eq3A_56 : i32
      %convert_element_type3A_58 = arith.extui %eq3A_57 : i1 to i32
      %cond3A_59 = arith.constant 0 : i32
      %cond3A_60 = arith.cmpi ne, %convert_element_type3A_58, %cond3A_59 : i32
      scf.if %cond3A_60 {
        %dma_wait3A_107 = arith.constant 9360 : i32
        %dma_wait3A_108 = arith.constant 0 : i32
        %dma_wait3A_109 = tpu.memref_slice %arg22[%dma_wait3A_107, %dma_wait3A_108] : memref<10000x64xf32, #tpu.memory_space<vmem_shared>> -> memref<640x64xf32, #tpu.memory_space<vmem_shared>>
        %dma_wait3A_110 = arith.constant 9360 : i32
        %dma_wait3A_111 = arith.constant 0 : i32
        %dma_wait3A_112 = tpu.memref_slice %arg3[%dma_wait3A_110, %dma_wait3A_111] : memref<10000x64xf32, #tpu.memory_space<hbm>> -> memref<640x64xf32, #tpu.memory_space<hbm>>
        tpu.wait_dma2 semaphore(%arg18 : memref<!tpu.dma_semaphore, #tpu.memory_space<semaphore_mem>>) src(%dma_wait3A_112 : memref<640x64xf32, #tpu.memory_space<hbm>>) dst(%dma_wait3A_109 : memref<640x64xf32, #tpu.memory_space<vmem_shared>>)
      } else {
      }
      %barrier3A = arith.constant 0 : index
      tpu.barrier barrier_id(%barrier3A)
      %scan3A = arith.constant 0 : i32
      %scan3A_61 = arith.constant 40 : i32
      %scan3A_62 = arith.addi %scan3A, %scan3A_61 : i32
      %scan3A_63 = arith.constant 1 : i32
      scf.for %scan3A_107 = %scan3A to %scan3A_62 step %scan3A_63  : i32 {
        %mul3A_108 = arith.constant 4 : i32
        %mul3A_109 = arith.muli %scan3A_107, %mul3A_108 : i32
        %add3A = arith.constant 0 : i32
        %add3A_110 = arith.addi %add3A, %mul3A_109 : i32
        %add3A_111 = arith.constant 0 : i32
        %add3A_112 = arith.addi %add3A_110, %add3A_111 : i32
        %add3A_113 = arith.constant 2 : i32
        %add3A_114 = arith.addi %add3A_112, %add3A_113 : i32
        %lt3A_115 = arith.constant 160 : i32
        %lt3A_116 = arith.cmpi slt, %add3A_114, %lt3A_115 : i32
        %convert_element_type3A_117 = arith.extui %lt3A_116 : i1 to i32
        %cond3A_118 = arith.constant 0 : i32
        %cond3A_119 = arith.cmpi ne, %convert_element_type3A_117, %cond3A_118 : i32
        scf.if %cond3A_119 {
          %ge3A = arith.constant 4 : i32
          %ge3A_195 = arith.cmpi sge, %add3A_114, %ge3A : i32
          %convert_element_type3A_196 = arith.extui %ge3A_195 : i1 to i32
          %cond3A_197 = arith.constant 0 : i32
          %cond3A_198 = arith.cmpi ne, %convert_element_type3A_196, %cond3A_197 : i32
          scf.if %cond3A_198 {
            %sub3A = arith.constant 4 : i32
            %sub3A_205 = arith.subi %add3A_114, %sub3A : i32
            %dma_wait3A_206 = arith.constant 0 : i32
            %dma_wait3A_207 = tpu.memref_slice %arg9[%sub3A_205, %dma_wait3A_206] : memref<160x125xi32, #tpu.memory_space<vmem>> -> memref<1x125xi32, #tpu.memory_space<vmem>>
            %dma_wait3A_208 = tpu.memref_squeeze %dma_wait3A_207 : memref<1x125xi32, #tpu.memory_space<vmem>> -> memref<125xi32, #tpu.memory_space<vmem>>
            %dma_wait3A_209 = arith.constant 0 : i32
            %dma_wait3A_210 = arith.constant 0 : i32
            %dma_wait3A_211 = tpu.memref_slice %arg22[%dma_wait3A_209, %dma_wait3A_210] : memref<10000x64xf32, #tpu.memory_space<vmem_shared>> -> memref<10000x64xf32, #tpu.memory_space<vmem_shared>>
            tpu.wait_indirect_dma semaphore(%arg20 : memref<!tpu.dma_semaphore, #tpu.memory_space<semaphore_mem>>) src(%arg12 : memref<125x64xf32, #tpu.memory_space<vmem>>) dst(%dma_wait3A_211 : memref<10000x64xf32, #tpu.memory_space<vmem_shared>>)
          } else {
          }
          %dma_start3A_199 = arith.constant 0 : i32
          %dma_start3A_200 = tpu.memref_slice %arg8[%add3A_114, %dma_start3A_199] : memref<160x125xi32, #tpu.memory_space<vmem>> -> memref<1x125xi32, #tpu.memory_space<vmem>>
          %dma_start3A_201 = tpu.memref_squeeze %dma_start3A_200 : memref<1x125xi32, #tpu.memory_space<vmem>> -> memref<125xi32, #tpu.memory_space<vmem>>
          %dma_start3A_202 = arith.constant 0 : i32
          %dma_start3A_203 = arith.constant 0 : i32
          %dma_start3A_204 = tpu.memref_slice %arg3[%dma_start3A_202, %dma_start3A_203] : memref<10000x64xf32, #tpu.memory_space<hbm>> -> memref<10000x64xf32, #tpu.memory_space<hbm>>
          tpu.enqueue_indirect_dma source(%dma_start3A_204 : memref<10000x64xf32, #tpu.memory_space<hbm>>) target(%arg12 : memref<125x64xf32, #tpu.memory_space<vmem>>) offsets(%dma_start3A_201 : memref<125xi32, #tpu.memory_space<vmem>>) semaphore(%arg16 : memref<!tpu.dma_semaphore, #tpu.memory_space<semaphore_mem>>)
        } else {
        }
        %dma_wait3A_120 = arith.constant 0 : i32
        %dma_wait3A_121 = tpu.memref_slice %arg8[%add3A_112, %dma_wait3A_120] : memref<160x125xi32, #tpu.memory_space<vmem>> -> memref<1x125xi32, #tpu.memory_space<vmem>>
        %dma_wait3A_122 = tpu.memref_squeeze %dma_wait3A_121 : memref<1x125xi32, #tpu.memory_space<vmem>> -> memref<125xi32, #tpu.memory_space<vmem>>
        %dma_wait3A_123 = arith.constant 0 : i32
        %dma_wait3A_124 = arith.constant 0 : i32
        %dma_wait3A_125 = tpu.memref_slice %arg3[%dma_wait3A_123, %dma_wait3A_124] : memref<10000x64xf32, #tpu.memory_space<hbm>> -> memref<10000x64xf32, #tpu.memory_space<hbm>>
        tpu.wait_indirect_dma semaphore(%arg14 : memref<!tpu.dma_semaphore, #tpu.memory_space<semaphore_mem>>) src(%dma_wait3A_125 : memref<10000x64xf32, #tpu.memory_space<hbm>>) dst(%arg10 : memref<125x64xf32, #tpu.memory_space<vmem>>)
        %dma_start3A_126 = arith.constant 0 : i32
        %dma_start3A_127 = tpu.memref_slice %arg9[%add3A_112, %dma_start3A_126] : memref<160x125xi32, #tpu.memory_space<vmem>> -> memref<1x125xi32, #tpu.memory_space<vmem>>
        %dma_start3A_128 = tpu.memref_squeeze %dma_start3A_127 : memref<1x125xi32, #tpu.memory_space<vmem>> -> memref<125xi32, #tpu.memory_space<vmem>>
        %dma_start3A_129 = arith.constant 0 : i32
        %dma_start3A_130 = arith.constant 0 : i32
        %dma_start3A_131 = tpu.memref_slice %arg22[%dma_start3A_129, %dma_start3A_130] : memref<10000x64xf32, #tpu.memory_space<vmem_shared>> -> memref<10000x64xf32, #tpu.memory_space<vmem_shared>>
        tpu.enqueue_indirect_dma source(%arg10 : memref<125x64xf32, #tpu.memory_space<vmem>>) target(%dma_start3A_131 : memref<10000x64xf32, #tpu.memory_space<vmem_shared>>) offsets(%dma_start3A_128 : memref<125xi32, #tpu.memory_space<vmem>>) semaphore(%arg18 : memref<!tpu.dma_semaphore, #tpu.memory_space<semaphore_mem>>) {add = true}
        %add3A_132 = arith.constant 1 : i32
        %add3A_133 = arith.addi %add3A_110, %add3A_132 : i32
        %add3A_134 = arith.constant 2 : i32
        %add3A_135 = arith.addi %add3A_133, %add3A_134 : i32
        %lt3A_136 = arith.constant 160 : i32
        %lt3A_137 = arith.cmpi slt, %add3A_135, %lt3A_136 : i32
        %convert_element_type3A_138 = arith.extui %lt3A_137 : i1 to i32
        %cond3A_139 = arith.constant 0 : i32
        %cond3A_140 = arith.cmpi ne, %convert_element_type3A_138, %cond3A_139 : i32
        scf.if %cond3A_140 {
          %ge3A = arith.constant 4 : i32
          %ge3A_195 = arith.cmpi sge, %add3A_135, %ge3A : i32
          %convert_element_type3A_196 = arith.extui %ge3A_195 : i1 to i32
          %cond3A_197 = arith.constant 0 : i32
          %cond3A_198 = arith.cmpi ne, %convert_element_type3A_196, %cond3A_197 : i32
          scf.if %cond3A_198 {
            %sub3A = arith.constant 4 : i32
            %sub3A_205 = arith.subi %add3A_135, %sub3A : i32
            %dma_wait3A_206 = arith.constant 0 : i32
            %dma_wait3A_207 = tpu.memref_slice %arg9[%sub3A_205, %dma_wait3A_206] : memref<160x125xi32, #tpu.memory_space<vmem>> -> memref<1x125xi32, #tpu.memory_space<vmem>>
            %dma_wait3A_208 = tpu.memref_squeeze %dma_wait3A_207 : memref<1x125xi32, #tpu.memory_space<vmem>> -> memref<125xi32, #tpu.memory_space<vmem>>
            %dma_wait3A_209 = arith.constant 0 : i32
            %dma_wait3A_210 = arith.constant 0 : i32
            %dma_wait3A_211 = tpu.memref_slice %arg22[%dma_wait3A_209, %dma_wait3A_210] : memref<10000x64xf32, #tpu.memory_space<vmem_shared>> -> memref<10000x64xf32, #tpu.memory_space<vmem_shared>>
            tpu.wait_indirect_dma semaphore(%arg21 : memref<!tpu.dma_semaphore, #tpu.memory_space<semaphore_mem>>) src(%arg13 : memref<125x64xf32, #tpu.memory_space<vmem>>) dst(%dma_wait3A_211 : memref<10000x64xf32, #tpu.memory_space<vmem_shared>>)
          } else {
          }
          %dma_start3A_199 = arith.constant 0 : i32
          %dma_start3A_200 = tpu.memref_slice %arg8[%add3A_135, %dma_start3A_199] : memref<160x125xi32, #tpu.memory_space<vmem>> -> memref<1x125xi32, #tpu.memory_space<vmem>>
          %dma_start3A_201 = tpu.memref_squeeze %dma_start3A_200 : memref<1x125xi32, #tpu.memory_space<vmem>> -> memref<125xi32, #tpu.memory_space<vmem>>
          %dma_start3A_202 = arith.constant 0 : i32
          %dma_start3A_203 = arith.constant 0 : i32
          %dma_start3A_204 = tpu.memref_slice %arg3[%dma_start3A_202, %dma_start3A_203] : memref<10000x64xf32, #tpu.memory_space<hbm>> -> memref<10000x64xf32, #tpu.memory_space<hbm>>
          tpu.enqueue_indirect_dma source(%dma_start3A_204 : memref<10000x64xf32, #tpu.memory_space<hbm>>) target(%arg13 : memref<125x64xf32, #tpu.memory_space<vmem>>) offsets(%dma_start3A_201 : memref<125xi32, #tpu.memory_space<vmem>>) semaphore(%arg17 : memref<!tpu.dma_semaphore, #tpu.memory_space<semaphore_mem>>)
        } else {
        }
        %dma_wait3A_141 = arith.constant 0 : i32
        %dma_wait3A_142 = tpu.memref_slice %arg8[%add3A_133, %dma_wait3A_141] : memref<160x125xi32, #tpu.memory_space<vmem>> -> memref<1x125xi32, #tpu.memory_space<vmem>>
        %dma_wait3A_143 = tpu.memref_squeeze %dma_wait3A_142 : memref<1x125xi32, #tpu.memory_space<vmem>> -> memref<125xi32, #tpu.memory_space<vmem>>
        %dma_wait3A_144 = arith.constant 0 : i32
        %dma_wait3A_145 = arith.constant 0 : i32
        %dma_wait3A_146 = tpu.memref_slice %arg3[%dma_wait3A_144, %dma_wait3A_145] : memref<10000x64xf32, #tpu.memory_space<hbm>> -> memref<10000x64xf32, #tpu.memory_space<hbm>>
        tpu.wait_indirect_dma semaphore(%arg15 : memref<!tpu.dma_semaphore, #tpu.memory_space<semaphore_mem>>) src(%dma_wait3A_146 : memref<10000x64xf32, #tpu.memory_space<hbm>>) dst(%arg11 : memref<125x64xf32, #tpu.memory_space<vmem>>)
        %dma_start3A_147 = arith.constant 0 : i32
        %dma_start3A_148 = tpu.memref_slice %arg9[%add3A_133, %dma_start3A_147] : memref<160x125xi32, #tpu.memory_space<vmem>> -> memref<1x125xi32, #tpu.memory_space<vmem>>
        %dma_start3A_149 = tpu.memref_squeeze %dma_start3A_148 : memref<1x125xi32, #tpu.memory_space<vmem>> -> memref<125xi32, #tpu.memory_space<vmem>>
        %dma_start3A_150 = arith.constant 0 : i32
        %dma_start3A_151 = arith.constant 0 : i32
        %dma_start3A_152 = tpu.memref_slice %arg22[%dma_start3A_150, %dma_start3A_151] : memref<10000x64xf32, #tpu.memory_space<vmem_shared>> -> memref<10000x64xf32, #tpu.memory_space<vmem_shared>>
        tpu.enqueue_indirect_dma source(%arg11 : memref<125x64xf32, #tpu.memory_space<vmem>>) target(%dma_start3A_152 : memref<10000x64xf32, #tpu.memory_space<vmem_shared>>) offsets(%dma_start3A_149 : memref<125xi32, #tpu.memory_space<vmem>>) semaphore(%arg19 : memref<!tpu.dma_semaphore, #tpu.memory_space<semaphore_mem>>) {add = true}
        %add3A_153 = arith.constant 2 : i32
        %add3A_154 = arith.addi %add3A_110, %add3A_153 : i32
        %add3A_155 = arith.constant 2 : i32
        %add3A_156 = arith.addi %add3A_154, %add3A_155 : i32
        %lt3A_157 = arith.constant 160 : i32
        %lt3A_158 = arith.cmpi slt, %add3A_156, %lt3A_157 : i32
        %convert_element_type3A_159 = arith.extui %lt3A_158 : i1 to i32
        %cond3A_160 = arith.constant 0 : i32
        %cond3A_161 = arith.cmpi ne, %convert_element_type3A_159, %cond3A_160 : i32
        scf.if %cond3A_161 {
          %ge3A = arith.constant 4 : i32
          %ge3A_195 = arith.cmpi sge, %add3A_156, %ge3A : i32
          %convert_element_type3A_196 = arith.extui %ge3A_195 : i1 to i32
          %cond3A_197 = arith.constant 0 : i32
          %cond3A_198 = arith.cmpi ne, %convert_element_type3A_196, %cond3A_197 : i32
          scf.if %cond3A_198 {
            %sub3A = arith.constant 4 : i32
            %sub3A_205 = arith.subi %add3A_156, %sub3A : i32
            %dma_wait3A_206 = arith.constant 0 : i32
            %dma_wait3A_207 = tpu.memref_slice %arg9[%sub3A_205, %dma_wait3A_206] : memref<160x125xi32, #tpu.memory_space<vmem>> -> memref<1x125xi32, #tpu.memory_space<vmem>>
            %dma_wait3A_208 = tpu.memref_squeeze %dma_wait3A_207 : memref<1x125xi32, #tpu.memory_space<vmem>> -> memref<125xi32, #tpu.memory_space<vmem>>
            %dma_wait3A_209 = arith.constant 0 : i32
            %dma_wait3A_210 = arith.constant 0 : i32
            %dma_wait3A_211 = tpu.memref_slice %arg22[%dma_wait3A_209, %dma_wait3A_210] : memref<10000x64xf32, #tpu.memory_space<vmem_shared>> -> memref<10000x64xf32, #tpu.memory_space<vmem_shared>>
            tpu.wait_indirect_dma semaphore(%arg18 : memref<!tpu.dma_semaphore, #tpu.memory_space<semaphore_mem>>) src(%arg10 : memref<125x64xf32, #tpu.memory_space<vmem>>) dst(%dma_wait3A_211 : memref<10000x64xf32, #tpu.memory_space<vmem_shared>>)
          } else {
          }
          %dma_start3A_199 = arith.constant 0 : i32
          %dma_start3A_200 = tpu.memref_slice %arg8[%add3A_156, %dma_start3A_199] : memref<160x125xi32, #tpu.memory_space<vmem>> -> memref<1x125xi32, #tpu.memory_space<vmem>>
          %dma_start3A_201 = tpu.memref_squeeze %dma_start3A_200 : memref<1x125xi32, #tpu.memory_space<vmem>> -> memref<125xi32, #tpu.memory_space<vmem>>
          %dma_start3A_202 = arith.constant 0 : i32
          %dma_start3A_203 = arith.constant 0 : i32
          %dma_start3A_204 = tpu.memref_slice %arg3[%dma_start3A_202, %dma_start3A_203] : memref<10000x64xf32, #tpu.memory_space<hbm>> -> memref<10000x64xf32, #tpu.memory_space<hbm>>
          tpu.enqueue_indirect_dma source(%dma_start3A_204 : memref<10000x64xf32, #tpu.memory_space<hbm>>) target(%arg10 : memref<125x64xf32, #tpu.memory_space<vmem>>) offsets(%dma_start3A_201 : memref<125xi32, #tpu.memory_space<vmem>>) semaphore(%arg14 : memref<!tpu.dma_semaphore, #tpu.memory_space<semaphore_mem>>)
        } else {
        }
        %dma_wait3A_162 = arith.constant 0 : i32
        %dma_wait3A_163 = tpu.memref_slice %arg8[%add3A_154, %dma_wait3A_162] : memref<160x125xi32, #tpu.memory_space<vmem>> -> memref<1x125xi32, #tpu.memory_space<vmem>>
        %dma_wait3A_164 = tpu.memref_squeeze %dma_wait3A_163 : memref<1x125xi32, #tpu.memory_space<vmem>> -> memref<125xi32, #tpu.memory_space<vmem>>
        %dma_wait3A_165 = arith.constant 0 : i32
        %dma_wait3A_166 = arith.constant 0 : i32
        %dma_wait3A_167 = tpu.memref_slice %arg3[%dma_wait3A_165, %dma_wait3A_166] : memref<10000x64xf32, #tpu.memory_space<hbm>> -> memref<10000x64xf32, #tpu.memory_space<hbm>>
        tpu.wait_indirect_dma semaphore(%arg16 : memref<!tpu.dma_semaphore, #tpu.memory_space<semaphore_mem>>) src(%dma_wait3A_167 : memref<10000x64xf32, #tpu.memory_space<hbm>>) dst(%arg12 : memref<125x64xf32, #tpu.memory_space<vmem>>)
        %dma_start3A_168 = arith.constant 0 : i32
        %dma_start3A_169 = tpu.memref_slice %arg9[%add3A_154, %dma_start3A_168] : memref<160x125xi32, #tpu.memory_space<vmem>> -> memref<1x125xi32, #tpu.memory_space<vmem>>
        %dma_start3A_170 = tpu.memref_squeeze %dma_start3A_169 : memref<1x125xi32, #tpu.memory_space<vmem>> -> memref<125xi32, #tpu.memory_space<vmem>>
        %dma_start3A_171 = arith.constant 0 : i32
        %dma_start3A_172 = arith.constant 0 : i32
        %dma_start3A_173 = tpu.memref_slice %arg22[%dma_start3A_171, %dma_start3A_172] : memref<10000x64xf32, #tpu.memory_space<vmem_shared>> -> memref<10000x64xf32, #tpu.memory_space<vmem_shared>>
        tpu.enqueue_indirect_dma source(%arg12 : memref<125x64xf32, #tpu.memory_space<vmem>>) target(%dma_start3A_173 : memref<10000x64xf32, #tpu.memory_space<vmem_shared>>) offsets(%dma_start3A_170 : memref<125xi32, #tpu.memory_space<vmem>>) semaphore(%arg20 : memref<!tpu.dma_semaphore, #tpu.memory_space<semaphore_mem>>) {add = true}
        %add3A_174 = arith.constant 3 : i32
        %add3A_175 = arith.addi %add3A_110, %add3A_174 : i32
        %add3A_176 = arith.constant 2 : i32
        %add3A_177 = arith.addi %add3A_175, %add3A_176 : i32
        %lt3A_178 = arith.constant 160 : i32
        %lt3A_179 = arith.cmpi slt, %add3A_177, %lt3A_178 : i32
        %convert_element_type3A_180 = arith.extui %lt3A_179 : i1 to i32
        %cond3A_181 = arith.constant 0 : i32
        %cond3A_182 = arith.cmpi ne, %convert_element_type3A_180, %cond3A_181 : i32
        scf.if %cond3A_182 {
          %ge3A = arith.constant 4 : i32
          %ge3A_195 = arith.cmpi sge, %add3A_177, %ge3A : i32
          %convert_element_type3A_196 = arith.extui %ge3A_195 : i1 to i32
          %cond3A_197 = arith.constant 0 : i32
          %cond3A_198 = arith.cmpi ne, %convert_element_type3A_196, %cond3A_197 : i32
          scf.if %cond3A_198 {
            %sub3A = arith.constant 4 : i32
            %sub3A_205 = arith.subi %add3A_177, %sub3A : i32
            %dma_wait3A_206 = arith.constant 0 : i32
            %dma_wait3A_207 = tpu.memref_slice %arg9[%sub3A_205, %dma_wait3A_206] : memref<160x125xi32, #tpu.memory_space<vmem>> -> memref<1x125xi32, #tpu.memory_space<vmem>>
            %dma_wait3A_208 = tpu.memref_squeeze %dma_wait3A_207 : memref<1x125xi32, #tpu.memory_space<vmem>> -> memref<125xi32, #tpu.memory_space<vmem>>
            %dma_wait3A_209 = arith.constant 0 : i32
            %dma_wait3A_210 = arith.constant 0 : i32
            %dma_wait3A_211 = tpu.memref_slice %arg22[%dma_wait3A_209, %dma_wait3A_210] : memref<10000x64xf32, #tpu.memory_space<vmem_shared>> -> memref<10000x64xf32, #tpu.memory_space<vmem_shared>>
            tpu.wait_indirect_dma semaphore(%arg19 : memref<!tpu.dma_semaphore, #tpu.memory_space<semaphore_mem>>) src(%arg11 : memref<125x64xf32, #tpu.memory_space<vmem>>) dst(%dma_wait3A_211 : memref<10000x64xf32, #tpu.memory_space<vmem_shared>>)
          } else {
          }
          %dma_start3A_199 = arith.constant 0 : i32
          %dma_start3A_200 = tpu.memref_slice %arg8[%add3A_177, %dma_start3A_199] : memref<160x125xi32, #tpu.memory_space<vmem>> -> memref<1x125xi32, #tpu.memory_space<vmem>>
          %dma_start3A_201 = tpu.memref_squeeze %dma_start3A_200 : memref<1x125xi32, #tpu.memory_space<vmem>> -> memref<125xi32, #tpu.memory_space<vmem>>
          %dma_start3A_202 = arith.constant 0 : i32
          %dma_start3A_203 = arith.constant 0 : i32
          %dma_start3A_204 = tpu.memref_slice %arg3[%dma_start3A_202, %dma_start3A_203] : memref<10000x64xf32, #tpu.memory_space<hbm>> -> memref<10000x64xf32, #tpu.memory_space<hbm>>
          tpu.enqueue_indirect_dma source(%dma_start3A_204 : memref<10000x64xf32, #tpu.memory_space<hbm>>) target(%arg11 : memref<125x64xf32, #tpu.memory_space<vmem>>) offsets(%dma_start3A_201 : memref<125xi32, #tpu.memory_space<vmem>>) semaphore(%arg15 : memref<!tpu.dma_semaphore, #tpu.memory_space<semaphore_mem>>)
        } else {
        }
        %dma_wait3A_183 = arith.constant 0 : i32
        %dma_wait3A_184 = tpu.memref_slice %arg8[%add3A_175, %dma_wait3A_183] : memref<160x125xi32, #tpu.memory_space<vmem>> -> memref<1x125xi32, #tpu.memory_space<vmem>>
        %dma_wait3A_185 = tpu.memref_squeeze %dma_wait3A_184 : memref<1x125xi32, #tpu.memory_space<vmem>> -> memref<125xi32, #tpu.memory_space<vmem>>
        %dma_wait3A_186 = arith.constant 0 : i32
        %dma_wait3A_187 = arith.constant 0 : i32
        %dma_wait3A_188 = tpu.memref_slice %arg3[%dma_wait3A_186, %dma_wait3A_187] : memref<10000x64xf32, #tpu.memory_space<hbm>> -> memref<10000x64xf32, #tpu.memory_space<hbm>>
        tpu.wait_indirect_dma semaphore(%arg17 : memref<!tpu.dma_semaphore, #tpu.memory_space<semaphore_mem>>) src(%dma_wait3A_188 : memref<10000x64xf32, #tpu.memory_space<hbm>>) dst(%arg13 : memref<125x64xf32, #tpu.memory_space<vmem>>)
        %dma_start3A_189 = arith.constant 0 : i32
        %dma_start3A_190 = tpu.memref_slice %arg9[%add3A_175, %dma_start3A_189] : memref<160x125xi32, #tpu.memory_space<vmem>> -> memref<1x125xi32, #tpu.memory_space<vmem>>
        %dma_start3A_191 = tpu.memref_squeeze %dma_start3A_190 : memref<1x125xi32, #tpu.memory_space<vmem>> -> memref<125xi32, #tpu.memory_space<vmem>>
        %dma_start3A_192 = arith.constant 0 : i32
        %dma_start3A_193 = arith.constant 0 : i32
        %dma_start3A_194 = tpu.memref_slice %arg22[%dma_start3A_192, %dma_start3A_193] : memref<10000x64xf32, #tpu.memory_space<vmem_shared>> -> memref<10000x64xf32, #tpu.memory_space<vmem_shared>>
        tpu.enqueue_indirect_dma source(%arg13 : memref<125x64xf32, #tpu.memory_space<vmem>>) target(%dma_start3A_194 : memref<10000x64xf32, #tpu.memory_space<vmem_shared>>) offsets(%dma_start3A_191 : memref<125xi32, #tpu.memory_space<vmem>>) semaphore(%arg21 : memref<!tpu.dma_semaphore, #tpu.memory_space<semaphore_mem>>) {add = true}
      }
      %scan3A_64 = arith.constant 40 : i32
      %dma_wait3A_65 = arith.constant 156 : i32
      %dma_wait3A_66 = arith.constant 0 : i32
      %dma_wait3A_67 = tpu.memref_slice %arg9[%dma_wait3A_65, %dma_wait3A_66] : memref<160x125xi32, #tpu.memory_space<vmem>> -> memref<1x125xi32, #tpu.memory_space<vmem>>
      %dma_wait3A_68 = tpu.memref_squeeze %dma_wait3A_67 : memref<1x125xi32, #tpu.memory_space<vmem>> -> memref<125xi32, #tpu.memory_space<vmem>>
      %dma_wait3A_69 = arith.constant 0 : i32
      %dma_wait3A_70 = arith.constant 0 : i32
      %dma_wait3A_71 = tpu.memref_slice %arg22[%dma_wait3A_69, %dma_wait3A_70] : memref<10000x64xf32, #tpu.memory_space<vmem_shared>> -> memref<10000x64xf32, #tpu.memory_space<vmem_shared>>
      tpu.wait_indirect_dma semaphore(%arg18 : memref<!tpu.dma_semaphore, #tpu.memory_space<semaphore_mem>>) src(%arg10 : memref<125x64xf32, #tpu.memory_space<vmem>>) dst(%dma_wait3A_71 : memref<10000x64xf32, #tpu.memory_space<vmem_shared>>)
      %dma_wait3A_72 = arith.constant 157 : i32
      %dma_wait3A_73 = arith.constant 0 : i32
      %dma_wait3A_74 = tpu.memref_slice %arg9[%dma_wait3A_72, %dma_wait3A_73] : memref<160x125xi32, #tpu.memory_space<vmem>> -> memref<1x125xi32, #tpu.memory_space<vmem>>
      %dma_wait3A_75 = tpu.memref_squeeze %dma_wait3A_74 : memref<1x125xi32, #tpu.memory_space<vmem>> -> memref<125xi32, #tpu.memory_space<vmem>>
      %dma_wait3A_76 = arith.constant 0 : i32
      %dma_wait3A_77 = arith.constant 0 : i32
      %dma_wait3A_78 = tpu.memref_slice %arg22[%dma_wait3A_76, %dma_wait3A_77] : memref<10000x64xf32, #tpu.memory_space<vmem_shared>> -> memref<10000x64xf32, #tpu.memory_space<vmem_shared>>
      tpu.wait_indirect_dma semaphore(%arg19 : memref<!tpu.dma_semaphore, #tpu.memory_space<semaphore_mem>>) src(%arg11 : memref<125x64xf32, #tpu.memory_space<vmem>>) dst(%dma_wait3A_78 : memref<10000x64xf32, #tpu.memory_space<vmem_shared>>)
      %dma_wait3A_79 = arith.constant 158 : i32
      %dma_wait3A_80 = arith.constant 0 : i32
      %dma_wait3A_81 = tpu.memref_slice %arg9[%dma_wait3A_79, %dma_wait3A_80] : memref<160x125xi32, #tpu.memory_space<vmem>> -> memref<1x125xi32, #tpu.memory_space<vmem>>
      %dma_wait3A_82 = tpu.memref_squeeze %dma_wait3A_81 : memref<1x125xi32, #tpu.memory_space<vmem>> -> memref<125xi32, #tpu.memory_space<vmem>>
      %dma_wait3A_83 = arith.constant 0 : i32
      %dma_wait3A_84 = arith.constant 0 : i32
      %dma_wait3A_85 = tpu.memref_slice %arg22[%dma_wait3A_83, %dma_wait3A_84] : memref<10000x64xf32, #tpu.memory_space<vmem_shared>> -> memref<10000x64xf32, #tpu.memory_space<vmem_shared>>
      tpu.wait_indirect_dma semaphore(%arg20 : memref<!tpu.dma_semaphore, #tpu.memory_space<semaphore_mem>>) src(%arg12 : memref<125x64xf32, #tpu.memory_space<vmem>>) dst(%dma_wait3A_85 : memref<10000x64xf32, #tpu.memory_space<vmem_shared>>)
      %dma_wait3A_86 = arith.constant 159 : i32
      %dma_wait3A_87 = arith.constant 0 : i32
      %dma_wait3A_88 = tpu.memref_slice %arg9[%dma_wait3A_86, %dma_wait3A_87] : memref<160x125xi32, #tpu.memory_space<vmem>> -> memref<1x125xi32, #tpu.memory_space<vmem>>
      %dma_wait3A_89 = tpu.memref_squeeze %dma_wait3A_88 : memref<1x125xi32, #tpu.memory_space<vmem>> -> memref<125xi32, #tpu.memory_space<vmem>>
      %dma_wait3A_90 = arith.constant 0 : i32
      %dma_wait3A_91 = arith.constant 0 : i32
      %dma_wait3A_92 = tpu.memref_slice %arg22[%dma_wait3A_90, %dma_wait3A_91] : memref<10000x64xf32, #tpu.memory_space<vmem_shared>> -> memref<10000x64xf32, #tpu.memory_space<vmem_shared>>
      tpu.wait_indirect_dma semaphore(%arg21 : memref<!tpu.dma_semaphore, #tpu.memory_space<semaphore_mem>>) src(%arg13 : memref<125x64xf32, #tpu.memory_space<vmem>>) dst(%dma_wait3A_92 : memref<10000x64xf32, #tpu.memory_space<vmem_shared>>)
      %barrier3A_93 = arith.constant 0 : index
      tpu.barrier barrier_id(%barrier3A_93)
      %mul3A_94 = arith.constant 624 : i32
      %mul3A_95 = arith.muli %arg1, %mul3A_94 : i32
      %multiple_of3A_96 = tpu.assume_multiple %mul3A_95, 8 : i32
      %lt3A_97 = arith.constant 15 : i32
      %lt3A_98 = arith.cmpi slt, %arg1, %lt3A_97 : i32
      %convert_element_type3A_99 = arith.extui %lt3A_98 : i1 to i32
      %cond3A_100 = arith.constant 0 : i32
      %cond3A_101 = arith.cmpi ne, %convert_element_type3A_99, %cond3A_100 : i32
      scf.if %cond3A_101 {
        "tpu.region"() ({
          %run_scoped3A = tpu.sem_alloc : memref<!tpu.dma_semaphore, #tpu.memory_space<semaphore_mem>>
          %dma_start3A_107 = arith.constant 0 : i32
          %dma_start3A_108 = tpu.memref_slice %arg7[%multiple_of3A_96, %dma_start3A_107] : memref<10000x64xf32, #tpu.memory_space<hbm>> -> memref<624x64xf32, #tpu.memory_space<hbm>>
          %dma_start3A_109 = arith.constant 0 : i32
          %dma_start3A_110 = tpu.memref_slice %arg22[%multiple_of3A_96, %dma_start3A_109] : memref<10000x64xf32, #tpu.memory_space<vmem_shared>> -> memref<624x64xf32, #tpu.memory_space<vmem_shared>>
          tpu.enqueue_dma source(%dma_start3A_110 : memref<624x64xf32, #tpu.memory_space<vmem_shared>>) target(%dma_start3A_108 : memref<624x64xf32, #tpu.memory_space<hbm>>) target_semaphore(%run_scoped3A : memref<!tpu.dma_semaphore, #tpu.memory_space<semaphore_mem>>)
          %dma_wait3A_111 = arith.constant 0 : i32
          %dma_wait3A_112 = tpu.memref_slice %arg7[%multiple_of3A_96, %dma_wait3A_111] : memref<10000x64xf32, #tpu.memory_space<hbm>> -> memref<624x64xf32, #tpu.memory_space<hbm>>
          %dma_wait3A_113 = arith.constant 0 : i32
          %dma_wait3A_114 = tpu.memref_slice %arg22[%multiple_of3A_96, %dma_wait3A_113] : memref<10000x64xf32, #tpu.memory_space<vmem_shared>> -> memref<624x64xf32, #tpu.memory_space<vmem_shared>>
          tpu.wait_dma2 semaphore(%run_scoped3A : memref<!tpu.dma_semaphore, #tpu.memory_space<semaphore_mem>>) src(%dma_wait3A_114 : memref<624x64xf32, #tpu.memory_space<vmem_shared>>) dst(%dma_wait3A_112 : memref<624x64xf32, #tpu.memory_space<hbm>>)
          tpu.yield
        }) : () -> ()
      } else {
      }
      %eq3A_102 = arith.constant 15 : i32
      %eq3A_103 = arith.cmpi eq, %arg1, %eq3A_102 : i32
      %convert_element_type3A_104 = arith.extui %eq3A_103 : i1 to i32
      %cond3A_105 = arith.constant 0 : i32
      %cond3A_106 = arith.cmpi ne, %convert_element_type3A_104, %cond3A_105 : i32
      scf.if %cond3A_106 {
        "tpu.region"() ({
          %run_scoped3A = tpu.sem_alloc : memref<!tpu.dma_semaphore, #tpu.memory_space<semaphore_mem>>
          %dma_start3A_107 = arith.constant 9360 : i32
          %dma_start3A_108 = arith.constant 0 : i32
          %dma_start3A_109 = tpu.memref_slice %arg7[%dma_start3A_107, %dma_start3A_108] : memref<10000x64xf32, #tpu.memory_space<hbm>> -> memref<640x64xf32, #tpu.memory_space<hbm>>
          %dma_start3A_110 = arith.constant 9360 : i32
          %dma_start3A_111 = arith.constant 0 : i32
          %dma_start3A_112 = tpu.memref_slice %arg22[%dma_start3A_110, %dma_start3A_111] : memref<10000x64xf32, #tpu.memory_space<vmem_shared>> -> memref<640x64xf32, #tpu.memory_space<vmem_shared>>
          tpu.enqueue_dma source(%dma_start3A_112 : memref<640x64xf32, #tpu.memory_space<vmem_shared>>) target(%dma_start3A_109 : memref<640x64xf32, #tpu.memory_space<hbm>>) target_semaphore(%run_scoped3A : memref<!tpu.dma_semaphore, #tpu.memory_space<semaphore_mem>>)
          %dma_wait3A_113 = arith.constant 9360 : i32
          %dma_wait3A_114 = arith.constant 0 : i32
          %dma_wait3A_115 = tpu.memref_slice %arg7[%dma_wait3A_113, %dma_wait3A_114] : memref<10000x64xf32, #tpu.memory_space<hbm>> -> memref<640x64xf32, #tpu.memory_space<hbm>>
          %dma_wait3A_116 = arith.constant 9360 : i32
          %dma_wait3A_117 = arith.constant 0 : i32
          %dma_wait3A_118 = tpu.memref_slice %arg22[%dma_wait3A_116, %dma_wait3A_117] : memref<10000x64xf32, #tpu.memory_space<vmem_shared>> -> memref<640x64xf32, #tpu.memory_space<vmem_shared>>
          tpu.wait_dma2 semaphore(%run_scoped3A : memref<!tpu.dma_semaphore, #tpu.memory_space<semaphore_mem>>) src(%dma_wait3A_118 : memref<640x64xf32, #tpu.memory_space<vmem_shared>>) dst(%dma_wait3A_115 : memref<640x64xf32, #tpu.memory_space<hbm>>)
          tpu.yield
        }) : () -> ()
      } else {
      }
    } else {
    }
    return
  }
}

#map = affine_map<(d0, d1) -> (0, 0)>
module attributes {stable_mosaic.version = 14 : i64} {
  func.func @k(%arg0: i32, %arg1: i32, %arg2: memref<10000x64xf32, #tpu.memory_space<hbm>>, %arg3: memref<10000x64xf32, #tpu.memory_space<hbm>>, %arg4: memref<2560x125xi32, #tpu.memory_space<hbm>>, %arg5: memref<2560x125xi32, #tpu.memory_space<hbm>>, %arg6: memref<10000x64xf32, #tpu.memory_space<hbm>>, %arg7: memref<10000x64xf32, #tpu.memory_space<hbm>>, %arg8: memref<160x125xi32, #tpu.memory_space<vmem>>, %arg9: memref<160x125xi32, #tpu.memory_space<vmem>>, %arg10: memref<125x64xf32, #tpu.memory_space<vmem>>, %arg11: memref<125x64xf32, #tpu.memory_space<vmem>>, %arg12: memref<125x64xf32, #tpu.memory_space<vmem>>, %arg13: memref<125x64xf32, #tpu.memory_space<vmem>>, %arg14: memref<!tpu.dma_semaphore, #tpu.memory_space<semaphore_mem>>, %arg15: memref<!tpu.dma_semaphore, #tpu.memory_space<semaphore_mem>>, %arg16: memref<!tpu.dma_semaphore, #tpu.memory_space<semaphore_mem>>, %arg17: memref<!tpu.dma_semaphore, #tpu.memory_space<semaphore_mem>>, %arg18: memref<!tpu.dma_semaphore, #tpu.memory_space<semaphore_mem>>, %arg19: memref<!tpu.dma_semaphore, #tpu.memory_space<semaphore_mem>>, %arg20: memref<!tpu.dma_semaphore, #tpu.memory_space<semaphore_mem>>, %arg21: memref<!tpu.dma_semaphore, #tpu.memory_space<semaphore_mem>>, %arg22: memref<10000x64xf32, #tpu.memory_space<vmem_shared>>) attributes {dimension_semantics = [#tpu.dimension_semantics<core_parallel>, #tpu.dimension_semantics<subcore_parallel>], iteration_bounds = array<i64: 2, 16>, scalar_prefetch = 0 : i64, scratch_operands = 15 : i64, tpu.core_type = #tpu.core_type<sc_vector_subcore>, window_params = [{transform_indices = #map}, {transform_indices = #map}, {transform_indices = #map}, {transform_indices = #map}, {transform_indices = #map}, {transform_indices = #map}]} {
    %mul3A = arith.constant 160 : i32
    %mul3A_0 = arith.muli %arg1, %mul3A : i32
    %multiple_of3A = tpu.assume_multiple %mul3A_0, 8 : i32
    %dma_start3A = arith.constant 0 : i32
    %dma_start3A_1 = tpu.memref_slice %arg4[%multiple_of3A, %dma_start3A] : memref<2560x125xi32, #tpu.memory_space<hbm>> -> memref<160x125xi32, #tpu.memory_space<hbm>>
    %dma_start3A_2 = arith.constant 0 : i32
    %dma_start3A_3 = tpu.memref_slice %arg4[%multiple_of3A, %dma_start3A_2] : memref<2560x125xi32, #tpu.memory_space<hbm>> -> memref<160x125xi32, #tpu.memory_space<hbm>>
    tpu.enqueue_dma source(%dma_start3A_3 : memref<160x125xi32, #tpu.memory_space<hbm>>) target(%arg8 : memref<160x125xi32, #tpu.memory_space<vmem>>) target_semaphore(%arg16 : memref<!tpu.dma_semaphore, #tpu.memory_space<semaphore_mem>>)
    %dma_start3A_4 = arith.constant 0 : i32
    %dma_start3A_5 = tpu.memref_slice %arg5[%multiple_of3A, %dma_start3A_4] : memref<2560x125xi32, #tpu.memory_space<hbm>> -> memref<160x125xi32, #tpu.memory_space<hbm>>
    %dma_start3A_6 = arith.constant 0 : i32
    %dma_start3A_7 = tpu.memref_slice %arg5[%multiple_of3A, %dma_start3A_6] : memref<2560x125xi32, #tpu.memory_space<hbm>> -> memref<160x125xi32, #tpu.memory_space<hbm>>
    tpu.enqueue_dma source(%dma_start3A_7 : memref<160x125xi32, #tpu.memory_space<hbm>>) target(%arg9 : memref<160x125xi32, #tpu.memory_space<vmem>>) target_semaphore(%arg17 : memref<!tpu.dma_semaphore, #tpu.memory_space<semaphore_mem>>)
    %eq3A = arith.constant 0 : i32
    %eq3A_8 = arith.cmpi eq, %arg0, %eq3A : i32
    %convert_element_type3A = arith.extui %eq3A_8 : i1 to i32
    %cond3A = arith.constant 0 : i32
    %cond3A_9 = arith.cmpi ne, %convert_element_type3A, %cond3A : i32
    scf.if %cond3A_9 {
      %mul3A_15 = arith.constant 624 : i32
      %mul3A_16 = arith.muli %arg1, %mul3A_15 : i32
      %multiple_of3A_17 = tpu.assume_multiple %mul3A_16, 8 : i32
      %lt3A = arith.constant 15 : i32
      %lt3A_18 = arith.cmpi slt, %arg1, %lt3A : i32
      %convert_element_type3A_19 = arith.extui %lt3A_18 : i1 to i32
      %cond3A_20 = arith.constant 0 : i32
      %cond3A_21 = arith.cmpi ne, %convert_element_type3A_19, %cond3A_20 : i32
      scf.if %cond3A_21 {
        %dma_start3A_107 = arith.constant 0 : i32
        %dma_start3A_108 = tpu.memref_slice %arg22[%multiple_of3A_17, %dma_start3A_107] : memref<10000x64xf32, #tpu.memory_space<vmem_shared>> -> memref<624x64xf32, #tpu.memory_space<vmem_shared>>
        %dma_start3A_109 = arith.constant 0 : i32
        %dma_start3A_110 = tpu.memref_slice %arg2[%multiple_of3A_17, %dma_start3A_109] : memref<10000x64xf32, #tpu.memory_space<hbm>> -> memref<624x64xf32, #tpu.memory_space<hbm>>
        tpu.enqueue_dma source(%dma_start3A_110 : memref<624x64xf32, #tpu.memory_space<hbm>>) target(%dma_start3A_108 : memref<624x64xf32, #tpu.memory_space<vmem_shared>>) target_semaphore(%arg18 : memref<!tpu.dma_semaphore, #tpu.memory_space<semaphore_mem>>)
      } else {
      }
      %eq3A_22 = arith.constant 15 : i32
      %eq3A_23 = arith.cmpi eq, %arg1, %eq3A_22 : i32
      %convert_element_type3A_24 = arith.extui %eq3A_23 : i1 to i32
      %cond3A_25 = arith.constant 0 : i32
      %cond3A_26 = arith.cmpi ne, %convert_element_type3A_24, %cond3A_25 : i32
      scf.if %cond3A_26 {
        %dma_start3A_107 = arith.constant 9360 : i32
        %dma_start3A_108 = arith.constant 0 : i32
        %dma_start3A_109 = tpu.memref_slice %arg22[%dma_start3A_107, %dma_start3A_108] : memref<10000x64xf32, #tpu.memory_space<vmem_shared>> -> memref<640x64xf32, #tpu.memory_space<vmem_shared>>
        %dma_start3A_110 = arith.constant 9360 : i32
        %dma_start3A_111 = arith.constant 0 : i32
        %dma_start3A_112 = tpu.memref_slice %arg2[%dma_start3A_110, %dma_start3A_111] : memref<10000x64xf32, #tpu.memory_space<hbm>> -> memref<640x64xf32, #tpu.memory_space<hbm>>
        tpu.enqueue_dma source(%dma_start3A_112 : memref<640x64xf32, #tpu.memory_space<hbm>>) target(%dma_start3A_109 : memref<640x64xf32, #tpu.memory_space<vmem_shared>>) target_semaphore(%arg18 : memref<!tpu.dma_semaphore, #tpu.memory_space<semaphore_mem>>)
      } else {
      }
      %dma_wait3A = arith.constant 0 : i32
      %dma_wait3A_27 = tpu.memref_slice %arg4[%multiple_of3A, %dma_wait3A] : memref<2560x125xi32, #tpu.memory_space<hbm>> -> memref<160x125xi32, #tpu.memory_space<hbm>>
      %dma_wait3A_28 = arith.constant 0 : i32
      %dma_wait3A_29 = tpu.memref_slice %arg4[%multiple_of3A, %dma_wait3A_28] : memref<2560x125xi32, #tpu.memory_space<hbm>> -> memref<160x125xi32, #tpu.memory_space<hbm>>
      tpu.wait_dma2 semaphore(%arg16 : memref<!tpu.dma_semaphore, #tpu.memory_space<semaphore_mem>>) src(%dma_wait3A_29 : memref<160x125xi32, #tpu.memory_space<hbm>>) dst(%arg8 : memref<160x125xi32, #tpu.memory_space<vmem>>)
      %dma_start3A_30 = arith.constant 0 : i32
      %dma_start3A_31 = arith.constant 0 : i32
      %dma_start3A_32 = tpu.memref_slice %arg8[%dma_start3A_30, %dma_start3A_31] : memref<160x125xi32, #tpu.memory_space<vmem>> -> memref<1x125xi32, #tpu.memory_space<vmem>>
      %dma_start3A_33 = tpu.memref_squeeze %dma_start3A_32 : memref<1x125xi32, #tpu.memory_space<vmem>> -> memref<125xi32, #tpu.memory_space<vmem>>
      %dma_start3A_34 = arith.constant 0 : i32
      %dma_start3A_35 = arith.constant 0 : i32
      %dma_start3A_36 = tpu.memref_slice %arg2[%dma_start3A_34, %dma_start3A_35] : memref<10000x64xf32, #tpu.memory_space<hbm>> -> memref<10000x64xf32, #tpu.memory_space<hbm>>
      tpu.enqueue_indirect_dma source(%dma_start3A_36 : memref<10000x64xf32, #tpu.memory_space<hbm>>) target(%arg10 : memref<125x64xf32, #tpu.memory_space<vmem>>) offsets(%dma_start3A_33 : memref<125xi32, #tpu.memory_space<vmem>>) semaphore(%arg14 : memref<!tpu.dma_semaphore, #tpu.memory_space<semaphore_mem>>)
      %dma_start3A_37 = arith.constant 1 : i32
      %dma_start3A_38 = arith.constant 0 : i32
      %dma_start3A_39 = tpu.memref_slice %arg8[%dma_start3A_37, %dma_start3A_38] : memref<160x125xi32, #tpu.memory_space<vmem>> -> memref<1x125xi32, #tpu.memory_space<vmem>>
      %dma_start3A_40 = tpu.memref_squeeze %dma_start3A_39 : memref<1x125xi32, #tpu.memory_space<vmem>> -> memref<125xi32, #tpu.memory_space<vmem>>
      %dma_start3A_41 = arith.constant 0 : i32
      %dma_start3A_42 = arith.constant 0 : i32
      %dma_start3A_43 = tpu.memref_slice %arg2[%dma_start3A_41, %dma_start3A_42] : memref<10000x64xf32, #tpu.memory_space<hbm>> -> memref<10000x64xf32, #tpu.memory_space<hbm>>
      tpu.enqueue_indirect_dma source(%dma_start3A_43 : memref<10000x64xf32, #tpu.memory_space<hbm>>) target(%arg11 : memref<125x64xf32, #tpu.memory_space<vmem>>) offsets(%dma_start3A_40 : memref<125xi32, #tpu.memory_space<vmem>>) semaphore(%arg15 : memref<!tpu.dma_semaphore, #tpu.memory_space<semaphore_mem>>)
      %dma_wait3A_44 = arith.constant 0 : i32
      %dma_wait3A_45 = tpu.memref_slice %arg5[%multiple_of3A, %dma_wait3A_44] : memref<2560x125xi32, #tpu.memory_space<hbm>> -> memref<160x125xi32, #tpu.memory_space<hbm>>
      %dma_wait3A_46 = arith.constant 0 : i32
      %dma_wait3A_47 = tpu.memref_slice %arg5[%multiple_of3A, %dma_wait3A_46] : memref<2560x125xi32, #tpu.memory_space<hbm>> -> memref<160x125xi32, #tpu.memory_space<hbm>>
      tpu.wait_dma2 semaphore(%arg17 : memref<!tpu.dma_semaphore, #tpu.memory_space<semaphore_mem>>) src(%dma_wait3A_47 : memref<160x125xi32, #tpu.memory_space<hbm>>) dst(%arg9 : memref<160x125xi32, #tpu.memory_space<vmem>>)
      %mul3A_48 = arith.constant 624 : i32
      %mul3A_49 = arith.muli %arg1, %mul3A_48 : i32
      %multiple_of3A_50 = tpu.assume_multiple %mul3A_49, 8 : i32
      %lt3A_51 = arith.constant 15 : i32
      %lt3A_52 = arith.cmpi slt, %arg1, %lt3A_51 : i32
      %convert_element_type3A_53 = arith.extui %lt3A_52 : i1 to i32
      %cond3A_54 = arith.constant 0 : i32
      %cond3A_55 = arith.cmpi ne, %convert_element_type3A_53, %cond3A_54 : i32
      scf.if %cond3A_55 {
        %dma_wait3A_107 = arith.constant 0 : i32
        %dma_wait3A_108 = tpu.memref_slice %arg22[%multiple_of3A_50, %dma_wait3A_107] : memref<10000x64xf32, #tpu.memory_space<vmem_shared>> -> memref<624x64xf32, #tpu.memory_space<vmem_shared>>
        %dma_wait3A_109 = arith.constant 0 : i32
        %dma_wait3A_110 = tpu.memref_slice %arg2[%multiple_of3A_50, %dma_wait3A_109] : memref<10000x64xf32, #tpu.memory_space<hbm>> -> memref<624x64xf32, #tpu.memory_space<hbm>>
        tpu.wait_dma2 semaphore(%arg18 : memref<!tpu.dma_semaphore, #tpu.memory_space<semaphore_mem>>) src(%dma_wait3A_110 : memref<624x64xf32, #tpu.memory_space<hbm>>) dst(%dma_wait3A_108 : memref<624x64xf32, #tpu.memory_space<vmem_shared>>)
      } else {
      }
      %eq3A_56 = arith.constant 15 : i32
      %eq3A_57 = arith.cmpi eq, %arg1, %eq3A_56 : i32
      %convert_element_type3A_58 = arith.extui %eq3A_57 : i1 to i32
      %cond3A_59 = arith.constant 0 : i32
      %cond3A_60 = arith.cmpi ne, %convert_element_type3A_58, %cond3A_59 : i32
      scf.if %cond3A_60 {
        %dma_wait3A_107 = arith.constant 9360 : i32
        %dma_wait3A_108 = arith.constant 0 : i32
        %dma_wait3A_109 = tpu.memref_slice %arg22[%dma_wait3A_107, %dma_wait3A_108] : memref<10000x64xf32, #tpu.memory_space<vmem_shared>> -> memref<640x64xf32, #tpu.memory_space<vmem_shared>>
        %dma_wait3A_110 = arith.constant 9360 : i32
        %dma_wait3A_111 = arith.constant 0 : i32
        %dma_wait3A_112 = tpu.memref_slice %arg2[%dma_wait3A_110, %dma_wait3A_111] : memref<10000x64xf32, #tpu.memory_space<hbm>> -> memref<640x64xf32, #tpu.memory_space<hbm>>
        tpu.wait_dma2 semaphore(%arg18 : memref<!tpu.dma_semaphore, #tpu.memory_space<semaphore_mem>>) src(%dma_wait3A_112 : memref<640x64xf32, #tpu.memory_space<hbm>>) dst(%dma_wait3A_109 : memref<640x64xf32, #tpu.memory_space<vmem_shared>>)
      } else {
      }
      %barrier3A = arith.constant 0 : index
      tpu.barrier barrier_id(%barrier3A)
      %scan3A = arith.constant 0 : i32
      %scan3A_61 = arith.constant 40 : i32
      %scan3A_62 = arith.addi %scan3A, %scan3A_61 : i32
      %scan3A_63 = arith.constant 1 : i32
      scf.for %scan3A_107 = %scan3A to %scan3A_62 step %scan3A_63  : i32 {
        %mul3A_108 = arith.constant 4 : i32
        %mul3A_109 = arith.muli %scan3A_107, %mul3A_108 : i32
        %add3A = arith.constant 0 : i32
        %add3A_110 = arith.addi %add3A, %mul3A_109 : i32
        %add3A_111 = arith.constant 0 : i32
        %add3A_112 = arith.addi %add3A_110, %add3A_111 : i32
        %add3A_113 = arith.constant 2 : i32
        %add3A_114 = arith.addi %add3A_112, %add3A_113 : i32
        %lt3A_115 = arith.constant 160 : i32
        %lt3A_116 = arith.cmpi slt, %add3A_114, %lt3A_115 : i32
        %convert_element_type3A_117 = arith.extui %lt3A_116 : i1 to i32
        %cond3A_118 = arith.constant 0 : i32
        %cond3A_119 = arith.cmpi ne, %convert_element_type3A_117, %cond3A_118 : i32
        scf.if %cond3A_119 {
          %ge3A = arith.constant 4 : i32
          %ge3A_195 = arith.cmpi sge, %add3A_114, %ge3A : i32
          %convert_element_type3A_196 = arith.extui %ge3A_195 : i1 to i32
          %cond3A_197 = arith.constant 0 : i32
          %cond3A_198 = arith.cmpi ne, %convert_element_type3A_196, %cond3A_197 : i32
          scf.if %cond3A_198 {
            %sub3A = arith.constant 4 : i32
            %sub3A_205 = arith.subi %add3A_114, %sub3A : i32
            %dma_wait3A_206 = arith.constant 0 : i32
            %dma_wait3A_207 = tpu.memref_slice %arg9[%sub3A_205, %dma_wait3A_206] : memref<160x125xi32, #tpu.memory_space<vmem>> -> memref<1x125xi32, #tpu.memory_space<vmem>>
            %dma_wait3A_208 = tpu.memref_squeeze %dma_wait3A_207 : memref<1x125xi32, #tpu.memory_space<vmem>> -> memref<125xi32, #tpu.memory_space<vmem>>
            %dma_wait3A_209 = arith.constant 0 : i32
            %dma_wait3A_210 = arith.constant 0 : i32
            %dma_wait3A_211 = tpu.memref_slice %arg22[%dma_wait3A_209, %dma_wait3A_210] : memref<10000x64xf32, #tpu.memory_space<vmem_shared>> -> memref<10000x64xf32, #tpu.memory_space<vmem_shared>>
            tpu.wait_indirect_dma semaphore(%arg20 : memref<!tpu.dma_semaphore, #tpu.memory_space<semaphore_mem>>) src(%arg12 : memref<125x64xf32, #tpu.memory_space<vmem>>) dst(%dma_wait3A_211 : memref<10000x64xf32, #tpu.memory_space<vmem_shared>>)
          } else {
          }
          %dma_start3A_199 = arith.constant 0 : i32
          %dma_start3A_200 = tpu.memref_slice %arg8[%add3A_114, %dma_start3A_199] : memref<160x125xi32, #tpu.memory_space<vmem>> -> memref<1x125xi32, #tpu.memory_space<vmem>>
          %dma_start3A_201 = tpu.memref_squeeze %dma_start3A_200 : memref<1x125xi32, #tpu.memory_space<vmem>> -> memref<125xi32, #tpu.memory_space<vmem>>
          %dma_start3A_202 = arith.constant 0 : i32
          %dma_start3A_203 = arith.constant 0 : i32
          %dma_start3A_204 = tpu.memref_slice %arg2[%dma_start3A_202, %dma_start3A_203] : memref<10000x64xf32, #tpu.memory_space<hbm>> -> memref<10000x64xf32, #tpu.memory_space<hbm>>
          tpu.enqueue_indirect_dma source(%dma_start3A_204 : memref<10000x64xf32, #tpu.memory_space<hbm>>) target(%arg12 : memref<125x64xf32, #tpu.memory_space<vmem>>) offsets(%dma_start3A_201 : memref<125xi32, #tpu.memory_space<vmem>>) semaphore(%arg16 : memref<!tpu.dma_semaphore, #tpu.memory_space<semaphore_mem>>)
        } else {
        }
        %dma_wait3A_120 = arith.constant 0 : i32
        %dma_wait3A_121 = tpu.memref_slice %arg8[%add3A_112, %dma_wait3A_120] : memref<160x125xi32, #tpu.memory_space<vmem>> -> memref<1x125xi32, #tpu.memory_space<vmem>>
        %dma_wait3A_122 = tpu.memref_squeeze %dma_wait3A_121 : memref<1x125xi32, #tpu.memory_space<vmem>> -> memref<125xi32, #tpu.memory_space<vmem>>
        %dma_wait3A_123 = arith.constant 0 : i32
        %dma_wait3A_124 = arith.constant 0 : i32
        %dma_wait3A_125 = tpu.memref_slice %arg2[%dma_wait3A_123, %dma_wait3A_124] : memref<10000x64xf32, #tpu.memory_space<hbm>> -> memref<10000x64xf32, #tpu.memory_space<hbm>>
        tpu.wait_indirect_dma semaphore(%arg14 : memref<!tpu.dma_semaphore, #tpu.memory_space<semaphore_mem>>) src(%dma_wait3A_125 : memref<10000x64xf32, #tpu.memory_space<hbm>>) dst(%arg10 : memref<125x64xf32, #tpu.memory_space<vmem>>)
        %dma_start3A_126 = arith.constant 0 : i32
        %dma_start3A_127 = tpu.memref_slice %arg9[%add3A_112, %dma_start3A_126] : memref<160x125xi32, #tpu.memory_space<vmem>> -> memref<1x125xi32, #tpu.memory_space<vmem>>
        %dma_start3A_128 = tpu.memref_squeeze %dma_start3A_127 : memref<1x125xi32, #tpu.memory_space<vmem>> -> memref<125xi32, #tpu.memory_space<vmem>>
        %dma_start3A_129 = arith.constant 0 : i32
        %dma_start3A_130 = arith.constant 0 : i32
        %dma_start3A_131 = tpu.memref_slice %arg22[%dma_start3A_129, %dma_start3A_130] : memref<10000x64xf32, #tpu.memory_space<vmem_shared>> -> memref<10000x64xf32, #tpu.memory_space<vmem_shared>>
        tpu.enqueue_indirect_dma source(%arg10 : memref<125x64xf32, #tpu.memory_space<vmem>>) target(%dma_start3A_131 : memref<10000x64xf32, #tpu.memory_space<vmem_shared>>) offsets(%dma_start3A_128 : memref<125xi32, #tpu.memory_space<vmem>>) semaphore(%arg18 : memref<!tpu.dma_semaphore, #tpu.memory_space<semaphore_mem>>) {add = true}
        %add3A_132 = arith.constant 1 : i32
        %add3A_133 = arith.addi %add3A_110, %add3A_132 : i32
        %add3A_134 = arith.constant 2 : i32
        %add3A_135 = arith.addi %add3A_133, %add3A_134 : i32
        %lt3A_136 = arith.constant 160 : i32
        %lt3A_137 = arith.cmpi slt, %add3A_135, %lt3A_136 : i32
        %convert_element_type3A_138 = arith.extui %lt3A_137 : i1 to i32
        %cond3A_139 = arith.constant 0 : i32
        %cond3A_140 = arith.cmpi ne, %convert_element_type3A_138, %cond3A_139 : i32
        scf.if %cond3A_140 {
          %ge3A = arith.constant 4 : i32
          %ge3A_195 = arith.cmpi sge, %add3A_135, %ge3A : i32
          %convert_element_type3A_196 = arith.extui %ge3A_195 : i1 to i32
          %cond3A_197 = arith.constant 0 : i32
          %cond3A_198 = arith.cmpi ne, %convert_element_type3A_196, %cond3A_197 : i32
          scf.if %cond3A_198 {
            %sub3A = arith.constant 4 : i32
            %sub3A_205 = arith.subi %add3A_135, %sub3A : i32
            %dma_wait3A_206 = arith.constant 0 : i32
            %dma_wait3A_207 = tpu.memref_slice %arg9[%sub3A_205, %dma_wait3A_206] : memref<160x125xi32, #tpu.memory_space<vmem>> -> memref<1x125xi32, #tpu.memory_space<vmem>>
            %dma_wait3A_208 = tpu.memref_squeeze %dma_wait3A_207 : memref<1x125xi32, #tpu.memory_space<vmem>> -> memref<125xi32, #tpu.memory_space<vmem>>
            %dma_wait3A_209 = arith.constant 0 : i32
            %dma_wait3A_210 = arith.constant 0 : i32
            %dma_wait3A_211 = tpu.memref_slice %arg22[%dma_wait3A_209, %dma_wait3A_210] : memref<10000x64xf32, #tpu.memory_space<vmem_shared>> -> memref<10000x64xf32, #tpu.memory_space<vmem_shared>>
            tpu.wait_indirect_dma semaphore(%arg21 : memref<!tpu.dma_semaphore, #tpu.memory_space<semaphore_mem>>) src(%arg13 : memref<125x64xf32, #tpu.memory_space<vmem>>) dst(%dma_wait3A_211 : memref<10000x64xf32, #tpu.memory_space<vmem_shared>>)
          } else {
          }
          %dma_start3A_199 = arith.constant 0 : i32
          %dma_start3A_200 = tpu.memref_slice %arg8[%add3A_135, %dma_start3A_199] : memref<160x125xi32, #tpu.memory_space<vmem>> -> memref<1x125xi32, #tpu.memory_space<vmem>>
          %dma_start3A_201 = tpu.memref_squeeze %dma_start3A_200 : memref<1x125xi32, #tpu.memory_space<vmem>> -> memref<125xi32, #tpu.memory_space<vmem>>
          %dma_start3A_202 = arith.constant 0 : i32
          %dma_start3A_203 = arith.constant 0 : i32
          %dma_start3A_204 = tpu.memref_slice %arg2[%dma_start3A_202, %dma_start3A_203] : memref<10000x64xf32, #tpu.memory_space<hbm>> -> memref<10000x64xf32, #tpu.memory_space<hbm>>
          tpu.enqueue_indirect_dma source(%dma_start3A_204 : memref<10000x64xf32, #tpu.memory_space<hbm>>) target(%arg13 : memref<125x64xf32, #tpu.memory_space<vmem>>) offsets(%dma_start3A_201 : memref<125xi32, #tpu.memory_space<vmem>>) semaphore(%arg17 : memref<!tpu.dma_semaphore, #tpu.memory_space<semaphore_mem>>)
        } else {
        }
        %dma_wait3A_141 = arith.constant 0 : i32
        %dma_wait3A_142 = tpu.memref_slice %arg8[%add3A_133, %dma_wait3A_141] : memref<160x125xi32, #tpu.memory_space<vmem>> -> memref<1x125xi32, #tpu.memory_space<vmem>>
        %dma_wait3A_143 = tpu.memref_squeeze %dma_wait3A_142 : memref<1x125xi32, #tpu.memory_space<vmem>> -> memref<125xi32, #tpu.memory_space<vmem>>
        %dma_wait3A_144 = arith.constant 0 : i32
        %dma_wait3A_145 = arith.constant 0 : i32
        %dma_wait3A_146 = tpu.memref_slice %arg2[%dma_wait3A_144, %dma_wait3A_145] : memref<10000x64xf32, #tpu.memory_space<hbm>> -> memref<10000x64xf32, #tpu.memory_space<hbm>>
        tpu.wait_indirect_dma semaphore(%arg15 : memref<!tpu.dma_semaphore, #tpu.memory_space<semaphore_mem>>) src(%dma_wait3A_146 : memref<10000x64xf32, #tpu.memory_space<hbm>>) dst(%arg11 : memref<125x64xf32, #tpu.memory_space<vmem>>)
        %dma_start3A_147 = arith.constant 0 : i32
        %dma_start3A_148 = tpu.memref_slice %arg9[%add3A_133, %dma_start3A_147] : memref<160x125xi32, #tpu.memory_space<vmem>> -> memref<1x125xi32, #tpu.memory_space<vmem>>
        %dma_start3A_149 = tpu.memref_squeeze %dma_start3A_148 : memref<1x125xi32, #tpu.memory_space<vmem>> -> memref<125xi32, #tpu.memory_space<vmem>>
        %dma_start3A_150 = arith.constant 0 : i32
        %dma_start3A_151 = arith.constant 0 : i32
        %dma_start3A_152 = tpu.memref_slice %arg22[%dma_start3A_150, %dma_start3A_151] : memref<10000x64xf32, #tpu.memory_space<vmem_shared>> -> memref<10000x64xf32, #tpu.memory_space<vmem_shared>>
        tpu.enqueue_indirect_dma source(%arg11 : memref<125x64xf32, #tpu.memory_space<vmem>>) target(%dma_start3A_152 : memref<10000x64xf32, #tpu.memory_space<vmem_shared>>) offsets(%dma_start3A_149 : memref<125xi32, #tpu.memory_space<vmem>>) semaphore(%arg19 : memref<!tpu.dma_semaphore, #tpu.memory_space<semaphore_mem>>) {add = true}
        %add3A_153 = arith.constant 2 : i32
        %add3A_154 = arith.addi %add3A_110, %add3A_153 : i32
        %add3A_155 = arith.constant 2 : i32
        %add3A_156 = arith.addi %add3A_154, %add3A_155 : i32
        %lt3A_157 = arith.constant 160 : i32
        %lt3A_158 = arith.cmpi slt, %add3A_156, %lt3A_157 : i32
        %convert_element_type3A_159 = arith.extui %lt3A_158 : i1 to i32
        %cond3A_160 = arith.constant 0 : i32
        %cond3A_161 = arith.cmpi ne, %convert_element_type3A_159, %cond3A_160 : i32
        scf.if %cond3A_161 {
          %ge3A = arith.constant 4 : i32
          %ge3A_195 = arith.cmpi sge, %add3A_156, %ge3A : i32
          %convert_element_type3A_196 = arith.extui %ge3A_195 : i1 to i32
          %cond3A_197 = arith.constant 0 : i32
          %cond3A_198 = arith.cmpi ne, %convert_element_type3A_196, %cond3A_197 : i32
          scf.if %cond3A_198 {
            %sub3A = arith.constant 4 : i32
            %sub3A_205 = arith.subi %add3A_156, %sub3A : i32
            %dma_wait3A_206 = arith.constant 0 : i32
            %dma_wait3A_207 = tpu.memref_slice %arg9[%sub3A_205, %dma_wait3A_206] : memref<160x125xi32, #tpu.memory_space<vmem>> -> memref<1x125xi32, #tpu.memory_space<vmem>>
            %dma_wait3A_208 = tpu.memref_squeeze %dma_wait3A_207 : memref<1x125xi32, #tpu.memory_space<vmem>> -> memref<125xi32, #tpu.memory_space<vmem>>
            %dma_wait3A_209 = arith.constant 0 : i32
            %dma_wait3A_210 = arith.constant 0 : i32
            %dma_wait3A_211 = tpu.memref_slice %arg22[%dma_wait3A_209, %dma_wait3A_210] : memref<10000x64xf32, #tpu.memory_space<vmem_shared>> -> memref<10000x64xf32, #tpu.memory_space<vmem_shared>>
            tpu.wait_indirect_dma semaphore(%arg18 : memref<!tpu.dma_semaphore, #tpu.memory_space<semaphore_mem>>) src(%arg10 : memref<125x64xf32, #tpu.memory_space<vmem>>) dst(%dma_wait3A_211 : memref<10000x64xf32, #tpu.memory_space<vmem_shared>>)
          } else {
          }
          %dma_start3A_199 = arith.constant 0 : i32
          %dma_start3A_200 = tpu.memref_slice %arg8[%add3A_156, %dma_start3A_199] : memref<160x125xi32, #tpu.memory_space<vmem>> -> memref<1x125xi32, #tpu.memory_space<vmem>>
          %dma_start3A_201 = tpu.memref_squeeze %dma_start3A_200 : memref<1x125xi32, #tpu.memory_space<vmem>> -> memref<125xi32, #tpu.memory_space<vmem>>
          %dma_start3A_202 = arith.constant 0 : i32
          %dma_start3A_203 = arith.constant 0 : i32
          %dma_start3A_204 = tpu.memref_slice %arg2[%dma_start3A_202, %dma_start3A_203] : memref<10000x64xf32, #tpu.memory_space<hbm>> -> memref<10000x64xf32, #tpu.memory_space<hbm>>
          tpu.enqueue_indirect_dma source(%dma_start3A_204 : memref<10000x64xf32, #tpu.memory_space<hbm>>) target(%arg10 : memref<125x64xf32, #tpu.memory_space<vmem>>) offsets(%dma_start3A_201 : memref<125xi32, #tpu.memory_space<vmem>>) semaphore(%arg14 : memref<!tpu.dma_semaphore, #tpu.memory_space<semaphore_mem>>)
        } else {
        }
        %dma_wait3A_162 = arith.constant 0 : i32
        %dma_wait3A_163 = tpu.memref_slice %arg8[%add3A_154, %dma_wait3A_162] : memref<160x125xi32, #tpu.memory_space<vmem>> -> memref<1x125xi32, #tpu.memory_space<vmem>>
        %dma_wait3A_164 = tpu.memref_squeeze %dma_wait3A_163 : memref<1x125xi32, #tpu.memory_space<vmem>> -> memref<125xi32, #tpu.memory_space<vmem>>
        %dma_wait3A_165 = arith.constant 0 : i32
        %dma_wait3A_166 = arith.constant 0 : i32
        %dma_wait3A_167 = tpu.memref_slice %arg2[%dma_wait3A_165, %dma_wait3A_166] : memref<10000x64xf32, #tpu.memory_space<hbm>> -> memref<10000x64xf32, #tpu.memory_space<hbm>>
        tpu.wait_indirect_dma semaphore(%arg16 : memref<!tpu.dma_semaphore, #tpu.memory_space<semaphore_mem>>) src(%dma_wait3A_167 : memref<10000x64xf32, #tpu.memory_space<hbm>>) dst(%arg12 : memref<125x64xf32, #tpu.memory_space<vmem>>)
        %dma_start3A_168 = arith.constant 0 : i32
        %dma_start3A_169 = tpu.memref_slice %arg9[%add3A_154, %dma_start3A_168] : memref<160x125xi32, #tpu.memory_space<vmem>> -> memref<1x125xi32, #tpu.memory_space<vmem>>
        %dma_start3A_170 = tpu.memref_squeeze %dma_start3A_169 : memref<1x125xi32, #tpu.memory_space<vmem>> -> memref<125xi32, #tpu.memory_space<vmem>>
        %dma_start3A_171 = arith.constant 0 : i32
        %dma_start3A_172 = arith.constant 0 : i32
        %dma_start3A_173 = tpu.memref_slice %arg22[%dma_start3A_171, %dma_start3A_172] : memref<10000x64xf32, #tpu.memory_space<vmem_shared>> -> memref<10000x64xf32, #tpu.memory_space<vmem_shared>>
        tpu.enqueue_indirect_dma source(%arg12 : memref<125x64xf32, #tpu.memory_space<vmem>>) target(%dma_start3A_173 : memref<10000x64xf32, #tpu.memory_space<vmem_shared>>) offsets(%dma_start3A_170 : memref<125xi32, #tpu.memory_space<vmem>>) semaphore(%arg20 : memref<!tpu.dma_semaphore, #tpu.memory_space<semaphore_mem>>) {add = true}
        %add3A_174 = arith.constant 3 : i32
        %add3A_175 = arith.addi %add3A_110, %add3A_174 : i32
        %add3A_176 = arith.constant 2 : i32
        %add3A_177 = arith.addi %add3A_175, %add3A_176 : i32
        %lt3A_178 = arith.constant 160 : i32
        %lt3A_179 = arith.cmpi slt, %add3A_177, %lt3A_178 : i32
        %convert_element_type3A_180 = arith.extui %lt3A_179 : i1 to i32
        %cond3A_181 = arith.constant 0 : i32
        %cond3A_182 = arith.cmpi ne, %convert_element_type3A_180, %cond3A_181 : i32
        scf.if %cond3A_182 {
          %ge3A = arith.constant 4 : i32
          %ge3A_195 = arith.cmpi sge, %add3A_177, %ge3A : i32
          %convert_element_type3A_196 = arith.extui %ge3A_195 : i1 to i32
          %cond3A_197 = arith.constant 0 : i32
          %cond3A_198 = arith.cmpi ne, %convert_element_type3A_196, %cond3A_197 : i32
          scf.if %cond3A_198 {
            %sub3A = arith.constant 4 : i32
            %sub3A_205 = arith.subi %add3A_177, %sub3A : i32
            %dma_wait3A_206 = arith.constant 0 : i32
            %dma_wait3A_207 = tpu.memref_slice %arg9[%sub3A_205, %dma_wait3A_206] : memref<160x125xi32, #tpu.memory_space<vmem>> -> memref<1x125xi32, #tpu.memory_space<vmem>>
            %dma_wait3A_208 = tpu.memref_squeeze %dma_wait3A_207 : memref<1x125xi32, #tpu.memory_space<vmem>> -> memref<125xi32, #tpu.memory_space<vmem>>
            %dma_wait3A_209 = arith.constant 0 : i32
            %dma_wait3A_210 = arith.constant 0 : i32
            %dma_wait3A_211 = tpu.memref_slice %arg22[%dma_wait3A_209, %dma_wait3A_210] : memref<10000x64xf32, #tpu.memory_space<vmem_shared>> -> memref<10000x64xf32, #tpu.memory_space<vmem_shared>>
            tpu.wait_indirect_dma semaphore(%arg19 : memref<!tpu.dma_semaphore, #tpu.memory_space<semaphore_mem>>) src(%arg11 : memref<125x64xf32, #tpu.memory_space<vmem>>) dst(%dma_wait3A_211 : memref<10000x64xf32, #tpu.memory_space<vmem_shared>>)
          } else {
          }
          %dma_start3A_199 = arith.constant 0 : i32
          %dma_start3A_200 = tpu.memref_slice %arg8[%add3A_177, %dma_start3A_199] : memref<160x125xi32, #tpu.memory_space<vmem>> -> memref<1x125xi32, #tpu.memory_space<vmem>>
          %dma_start3A_201 = tpu.memref_squeeze %dma_start3A_200 : memref<1x125xi32, #tpu.memory_space<vmem>> -> memref<125xi32, #tpu.memory_space<vmem>>
          %dma_start3A_202 = arith.constant 0 : i32
          %dma_start3A_203 = arith.constant 0 : i32
          %dma_start3A_204 = tpu.memref_slice %arg2[%dma_start3A_202, %dma_start3A_203] : memref<10000x64xf32, #tpu.memory_space<hbm>> -> memref<10000x64xf32, #tpu.memory_space<hbm>>
          tpu.enqueue_indirect_dma source(%dma_start3A_204 : memref<10000x64xf32, #tpu.memory_space<hbm>>) target(%arg11 : memref<125x64xf32, #tpu.memory_space<vmem>>) offsets(%dma_start3A_201 : memref<125xi32, #tpu.memory_space<vmem>>) semaphore(%arg15 : memref<!tpu.dma_semaphore, #tpu.memory_space<semaphore_mem>>)
        } else {
        }
        %dma_wait3A_183 = arith.constant 0 : i32
        %dma_wait3A_184 = tpu.memref_slice %arg8[%add3A_175, %dma_wait3A_183] : memref<160x125xi32, #tpu.memory_space<vmem>> -> memref<1x125xi32, #tpu.memory_space<vmem>>
        %dma_wait3A_185 = tpu.memref_squeeze %dma_wait3A_184 : memref<1x125xi32, #tpu.memory_space<vmem>> -> memref<125xi32, #tpu.memory_space<vmem>>
        %dma_wait3A_186 = arith.constant 0 : i32
        %dma_wait3A_187 = arith.constant 0 : i32
        %dma_wait3A_188 = tpu.memref_slice %arg2[%dma_wait3A_186, %dma_wait3A_187] : memref<10000x64xf32, #tpu.memory_space<hbm>> -> memref<10000x64xf32, #tpu.memory_space<hbm>>
        tpu.wait_indirect_dma semaphore(%arg17 : memref<!tpu.dma_semaphore, #tpu.memory_space<semaphore_mem>>) src(%dma_wait3A_188 : memref<10000x64xf32, #tpu.memory_space<hbm>>) dst(%arg13 : memref<125x64xf32, #tpu.memory_space<vmem>>)
        %dma_start3A_189 = arith.constant 0 : i32
        %dma_start3A_190 = tpu.memref_slice %arg9[%add3A_175, %dma_start3A_189] : memref<160x125xi32, #tpu.memory_space<vmem>> -> memref<1x125xi32, #tpu.memory_space<vmem>>
        %dma_start3A_191 = tpu.memref_squeeze %dma_start3A_190 : memref<1x125xi32, #tpu.memory_space<vmem>> -> memref<125xi32, #tpu.memory_space<vmem>>
        %dma_start3A_192 = arith.constant 0 : i32
        %dma_start3A_193 = arith.constant 0 : i32
        %dma_start3A_194 = tpu.memref_slice %arg22[%dma_start3A_192, %dma_start3A_193] : memref<10000x64xf32, #tpu.memory_space<vmem_shared>> -> memref<10000x64xf32, #tpu.memory_space<vmem_shared>>
        tpu.enqueue_indirect_dma source(%arg13 : memref<125x64xf32, #tpu.memory_space<vmem>>) target(%dma_start3A_194 : memref<10000x64xf32, #tpu.memory_space<vmem_shared>>) offsets(%dma_start3A_191 : memref<125xi32, #tpu.memory_space<vmem>>) semaphore(%arg21 : memref<!tpu.dma_semaphore, #tpu.memory_space<semaphore_mem>>) {add = true}
      }
      %scan3A_64 = arith.constant 40 : i32
      %dma_wait3A_65 = arith.constant 156 : i32
      %dma_wait3A_66 = arith.constant 0 : i32
      %dma_wait3A_67 = tpu.memref_slice %arg9[%dma_wait3A_65, %dma_wait3A_66] : memref<160x125xi32, #tpu.memory_space<vmem>> -> memref<1x125xi32, #tpu.memory_space<vmem>>
      %dma_wait3A_68 = tpu.memref_squeeze %dma_wait3A_67 : memref<1x125xi32, #tpu.memory_space<vmem>> -> memref<125xi32, #tpu.memory_space<vmem>>
      %dma_wait3A_69 = arith.constant 0 : i32
      %dma_wait3A_70 = arith.constant 0 : i32
      %dma_wait3A_71 = tpu.memref_slice %arg22[%dma_wait3A_69, %dma_wait3A_70] : memref<10000x64xf32, #tpu.memory_space<vmem_shared>> -> memref<10000x64xf32, #tpu.memory_space<vmem_shared>>
      tpu.wait_indirect_dma semaphore(%arg18 : memref<!tpu.dma_semaphore, #tpu.memory_space<semaphore_mem>>) src(%arg10 : memref<125x64xf32, #tpu.memory_space<vmem>>) dst(%dma_wait3A_71 : memref<10000x64xf32, #tpu.memory_space<vmem_shared>>)
      %dma_wait3A_72 = arith.constant 157 : i32
      %dma_wait3A_73 = arith.constant 0 : i32
      %dma_wait3A_74 = tpu.memref_slice %arg9[%dma_wait3A_72, %dma_wait3A_73] : memref<160x125xi32, #tpu.memory_space<vmem>> -> memref<1x125xi32, #tpu.memory_space<vmem>>
      %dma_wait3A_75 = tpu.memref_squeeze %dma_wait3A_74 : memref<1x125xi32, #tpu.memory_space<vmem>> -> memref<125xi32, #tpu.memory_space<vmem>>
      %dma_wait3A_76 = arith.constant 0 : i32
      %dma_wait3A_77 = arith.constant 0 : i32
      %dma_wait3A_78 = tpu.memref_slice %arg22[%dma_wait3A_76, %dma_wait3A_77] : memref<10000x64xf32, #tpu.memory_space<vmem_shared>> -> memref<10000x64xf32, #tpu.memory_space<vmem_shared>>
      tpu.wait_indirect_dma semaphore(%arg19 : memref<!tpu.dma_semaphore, #tpu.memory_space<semaphore_mem>>) src(%arg11 : memref<125x64xf32, #tpu.memory_space<vmem>>) dst(%dma_wait3A_78 : memref<10000x64xf32, #tpu.memory_space<vmem_shared>>)
      %dma_wait3A_79 = arith.constant 158 : i32
      %dma_wait3A_80 = arith.constant 0 : i32
      %dma_wait3A_81 = tpu.memref_slice %arg9[%dma_wait3A_79, %dma_wait3A_80] : memref<160x125xi32, #tpu.memory_space<vmem>> -> memref<1x125xi32, #tpu.memory_space<vmem>>
      %dma_wait3A_82 = tpu.memref_squeeze %dma_wait3A_81 : memref<1x125xi32, #tpu.memory_space<vmem>> -> memref<125xi32, #tpu.memory_space<vmem>>
      %dma_wait3A_83 = arith.constant 0 : i32
      %dma_wait3A_84 = arith.constant 0 : i32
      %dma_wait3A_85 = tpu.memref_slice %arg22[%dma_wait3A_83, %dma_wait3A_84] : memref<10000x64xf32, #tpu.memory_space<vmem_shared>> -> memref<10000x64xf32, #tpu.memory_space<vmem_shared>>
      tpu.wait_indirect_dma semaphore(%arg20 : memref<!tpu.dma_semaphore, #tpu.memory_space<semaphore_mem>>) src(%arg12 : memref<125x64xf32, #tpu.memory_space<vmem>>) dst(%dma_wait3A_85 : memref<10000x64xf32, #tpu.memory_space<vmem_shared>>)
      %dma_wait3A_86 = arith.constant 159 : i32
      %dma_wait3A_87 = arith.constant 0 : i32
      %dma_wait3A_88 = tpu.memref_slice %arg9[%dma_wait3A_86, %dma_wait3A_87] : memref<160x125xi32, #tpu.memory_space<vmem>> -> memref<1x125xi32, #tpu.memory_space<vmem>>
      %dma_wait3A_89 = tpu.memref_squeeze %dma_wait3A_88 : memref<1x125xi32, #tpu.memory_space<vmem>> -> memref<125xi32, #tpu.memory_space<vmem>>
      %dma_wait3A_90 = arith.constant 0 : i32
      %dma_wait3A_91 = arith.constant 0 : i32
      %dma_wait3A_92 = tpu.memref_slice %arg22[%dma_wait3A_90, %dma_wait3A_91] : memref<10000x64xf32, #tpu.memory_space<vmem_shared>> -> memref<10000x64xf32, #tpu.memory_space<vmem_shared>>
      tpu.wait_indirect_dma semaphore(%arg21 : memref<!tpu.dma_semaphore, #tpu.memory_space<semaphore_mem>>) src(%arg13 : memref<125x64xf32, #tpu.memory_space<vmem>>) dst(%dma_wait3A_92 : memref<10000x64xf32, #tpu.memory_space<vmem_shared>>)
      %barrier3A_93 = arith.constant 0 : index
      tpu.barrier barrier_id(%barrier3A_93)
      %mul3A_94 = arith.constant 624 : i32
      %mul3A_95 = arith.muli %arg1, %mul3A_94 : i32
      %multiple_of3A_96 = tpu.assume_multiple %mul3A_95, 8 : i32
      %lt3A_97 = arith.constant 15 : i32
      %lt3A_98 = arith.cmpi slt, %arg1, %lt3A_97 : i32
      %convert_element_type3A_99 = arith.extui %lt3A_98 : i1 to i32
      %cond3A_100 = arith.constant 0 : i32
      %cond3A_101 = arith.cmpi ne, %convert_element_type3A_99, %cond3A_100 : i32
      scf.if %cond3A_101 {
        "tpu.region"() ({
          %run_scoped3A = tpu.sem_alloc : memref<!tpu.dma_semaphore, #tpu.memory_space<semaphore_mem>>
          %dma_start3A_107 = arith.constant 0 : i32
          %dma_start3A_108 = tpu.memref_slice %arg6[%multiple_of3A_96, %dma_start3A_107] : memref<10000x64xf32, #tpu.memory_space<hbm>> -> memref<624x64xf32, #tpu.memory_space<hbm>>
          %dma_start3A_109 = arith.constant 0 : i32
          %dma_start3A_110 = tpu.memref_slice %arg22[%multiple_of3A_96, %dma_start3A_109] : memref<10000x64xf32, #tpu.memory_space<vmem_shared>> -> memref<624x64xf32, #tpu.memory_space<vmem_shared>>
          tpu.enqueue_dma source(%dma_start3A_110 : memref<624x64xf32, #tpu.memory_space<vmem_shared>>) target(%dma_start3A_108 : memref<624x64xf32, #tpu.memory_space<hbm>>) target_semaphore(%run_scoped3A : memref<!tpu.dma_semaphore, #tpu.memory_space<semaphore_mem>>)
          %dma_wait3A_111 = arith.constant 0 : i32
          %dma_wait3A_112 = tpu.memref_slice %arg6[%multiple_of3A_96, %dma_wait3A_111] : memref<10000x64xf32, #tpu.memory_space<hbm>> -> memref<624x64xf32, #tpu.memory_space<hbm>>
          %dma_wait3A_113 = arith.constant 0 : i32
          %dma_wait3A_114 = tpu.memref_slice %arg22[%multiple_of3A_96, %dma_wait3A_113] : memref<10000x64xf32, #tpu.memory_space<vmem_shared>> -> memref<624x64xf32, #tpu.memory_space<vmem_shared>>
          tpu.wait_dma2 semaphore(%run_scoped3A : memref<!tpu.dma_semaphore, #tpu.memory_space<semaphore_mem>>) src(%dma_wait3A_114 : memref<624x64xf32, #tpu.memory_space<vmem_shared>>) dst(%dma_wait3A_112 : memref<624x64xf32, #tpu.memory_space<hbm>>)
          tpu.yield
        }) : () -> ()
      } else {
      }
      %eq3A_102 = arith.constant 15 : i32
      %eq3A_103 = arith.cmpi eq, %arg1, %eq3A_102 : i32
      %convert_element_type3A_104 = arith.extui %eq3A_103 : i1 to i32
      %cond3A_105 = arith.constant 0 : i32
      %cond3A_106 = arith.cmpi ne, %convert_element_type3A_104, %cond3A_105 : i32
      scf.if %cond3A_106 {
        "tpu.region"() ({
          %run_scoped3A = tpu.sem_alloc : memref<!tpu.dma_semaphore, #tpu.memory_space<semaphore_mem>>
          %dma_start3A_107 = arith.constant 9360 : i32
          %dma_start3A_108 = arith.constant 0 : i32
          %dma_start3A_109 = tpu.memref_slice %arg6[%dma_start3A_107, %dma_start3A_108] : memref<10000x64xf32, #tpu.memory_space<hbm>> -> memref<640x64xf32, #tpu.memory_space<hbm>>
          %dma_start3A_110 = arith.constant 9360 : i32
          %dma_start3A_111 = arith.constant 0 : i32
          %dma_start3A_112 = tpu.memref_slice %arg22[%dma_start3A_110, %dma_start3A_111] : memref<10000x64xf32, #tpu.memory_space<vmem_shared>> -> memref<640x64xf32, #tpu.memory_space<vmem_shared>>
          tpu.enqueue_dma source(%dma_start3A_112 : memref<640x64xf32, #tpu.memory_space<vmem_shared>>) target(%dma_start3A_109 : memref<640x64xf32, #tpu.memory_space<hbm>>) target_semaphore(%run_scoped3A : memref<!tpu.dma_semaphore, #tpu.memory_space<semaphore_mem>>)
          %dma_wait3A_113 = arith.constant 9360 : i32
          %dma_wait3A_114 = arith.constant 0 : i32
          %dma_wait3A_115 = tpu.memref_slice %arg6[%dma_wait3A_113, %dma_wait3A_114] : memref<10000x64xf32, #tpu.memory_space<hbm>> -> memref<640x64xf32, #tpu.memory_space<hbm>>
          %dma_wait3A_116 = arith.constant 9360 : i32
          %dma_wait3A_117 = arith.constant 0 : i32
          %dma_wait3A_118 = tpu.memref_slice %arg22[%dma_wait3A_116, %dma_wait3A_117] : memref<10000x64xf32, #tpu.memory_space<vmem_shared>> -> memref<640x64xf32, #tpu.memory_space<vmem_shared>>
          tpu.wait_dma2 semaphore(%run_scoped3A : memref<!tpu.dma_semaphore, #tpu.memory_space<semaphore_mem>>) src(%dma_wait3A_118 : memref<640x64xf32, #tpu.memory_space<vmem_shared>>) dst(%dma_wait3A_115 : memref<640x64xf32, #tpu.memory_space<hbm>>)
          tpu.yield
        }) : () -> ()
      } else {
      }
    } else {
    }
    %eq3A_10 = arith.constant 1 : i32
    %eq3A_11 = arith.cmpi eq, %arg0, %eq3A_10 : i32
    %convert_element_type3A_12 = arith.extui %eq3A_11 : i1 to i32
    %cond3A_13 = arith.constant 0 : i32
    %cond3A_14 = arith.cmpi ne, %convert_element_type3A_12, %cond3A_13 : i32
    scf.if %cond3A_14 {
      %mul3A_15 = arith.constant 624 : i32
      %mul3A_16 = arith.muli %arg1, %mul3A_15 : i32
      %multiple_of3A_17 = tpu.assume_multiple %mul3A_16, 8 : i32
      %lt3A = arith.constant 15 : i32
      %lt3A_18 = arith.cmpi slt, %arg1, %lt3A : i32
      %convert_element_type3A_19 = arith.extui %lt3A_18 : i1 to i32
      %cond3A_20 = arith.constant 0 : i32
      %cond3A_21 = arith.cmpi ne, %convert_element_type3A_19, %cond3A_20 : i32
      scf.if %cond3A_21 {
        %dma_start3A_107 = arith.constant 0 : i32
        %dma_start3A_108 = tpu.memref_slice %arg22[%multiple_of3A_17, %dma_start3A_107] : memref<10000x64xf32, #tpu.memory_space<vmem_shared>> -> memref<624x64xf32, #tpu.memory_space<vmem_shared>>
        %dma_start3A_109 = arith.constant 0 : i32
        %dma_start3A_110 = tpu.memref_slice %arg3[%multiple_of3A_17, %dma_start3A_109] : memref<10000x64xf32, #tpu.memory_space<hbm>> -> memref<624x64xf32, #tpu.memory_space<hbm>>
        tpu.enqueue_dma source(%dma_start3A_110 : memref<624x64xf32, #tpu.memory_space<hbm>>) target(%dma_start3A_108 : memref<624x64xf32, #tpu.memory_space<vmem_shared>>) target_semaphore(%arg18 : memref<!tpu.dma_semaphore, #tpu.memory_space<semaphore_mem>>)
      } else {
      }
      %eq3A_22 = arith.constant 15 : i32
      %eq3A_23 = arith.cmpi eq, %arg1, %eq3A_22 : i32
      %convert_element_type3A_24 = arith.extui %eq3A_23 : i1 to i32
      %cond3A_25 = arith.constant 0 : i32
      %cond3A_26 = arith.cmpi ne, %convert_element_type3A_24, %cond3A_25 : i32
      scf.if %cond3A_26 {
        %dma_start3A_107 = arith.constant 9360 : i32
        %dma_start3A_108 = arith.constant 0 : i32
        %dma_start3A_109 = tpu.memref_slice %arg22[%dma_start3A_107, %dma_start3A_108] : memref<10000x64xf32, #tpu.memory_space<vmem_shared>> -> memref<640x64xf32, #tpu.memory_space<vmem_shared>>
        %dma_start3A_110 = arith.constant 9360 : i32
        %dma_start3A_111 = arith.constant 0 : i32
        %dma_start3A_112 = tpu.memref_slice %arg3[%dma_start3A_110, %dma_start3A_111] : memref<10000x64xf32, #tpu.memory_space<hbm>> -> memref<640x64xf32, #tpu.memory_space<hbm>>
        tpu.enqueue_dma source(%dma_start3A_112 : memref<640x64xf32, #tpu.memory_space<hbm>>) target(%dma_start3A_109 : memref<640x64xf32, #tpu.memory_space<vmem_shared>>) target_semaphore(%arg18 : memref<!tpu.dma_semaphore, #tpu.memory_space<semaphore_mem>>)
      } else {
      }
      %dma_wait3A = arith.constant 0 : i32
      %dma_wait3A_27 = tpu.memref_slice %arg4[%multiple_of3A, %dma_wait3A] : memref<2560x125xi32, #tpu.memory_space<hbm>> -> memref<160x125xi32, #tpu.memory_space<hbm>>
      %dma_wait3A_28 = arith.constant 0 : i32
      %dma_wait3A_29 = tpu.memref_slice %arg4[%multiple_of3A, %dma_wait3A_28] : memref<2560x125xi32, #tpu.memory_space<hbm>> -> memref<160x125xi32, #tpu.memory_space<hbm>>
      tpu.wait_dma2 semaphore(%arg16 : memref<!tpu.dma_semaphore, #tpu.memory_space<semaphore_mem>>) src(%dma_wait3A_29 : memref<160x125xi32, #tpu.memory_space<hbm>>) dst(%arg8 : memref<160x125xi32, #tpu.memory_space<vmem>>)
      %dma_start3A_30 = arith.constant 0 : i32
      %dma_start3A_31 = arith.constant 0 : i32
      %dma_start3A_32 = tpu.memref_slice %arg8[%dma_start3A_30, %dma_start3A_31] : memref<160x125xi32, #tpu.memory_space<vmem>> -> memref<1x125xi32, #tpu.memory_space<vmem>>
      %dma_start3A_33 = tpu.memref_squeeze %dma_start3A_32 : memref<1x125xi32, #tpu.memory_space<vmem>> -> memref<125xi32, #tpu.memory_space<vmem>>
      %dma_start3A_34 = arith.constant 0 : i32
      %dma_start3A_35 = arith.constant 0 : i32
      %dma_start3A_36 = tpu.memref_slice %arg3[%dma_start3A_34, %dma_start3A_35] : memref<10000x64xf32, #tpu.memory_space<hbm>> -> memref<10000x64xf32, #tpu.memory_space<hbm>>
      tpu.enqueue_indirect_dma source(%dma_start3A_36 : memref<10000x64xf32, #tpu.memory_space<hbm>>) target(%arg10 : memref<125x64xf32, #tpu.memory_space<vmem>>) offsets(%dma_start3A_33 : memref<125xi32, #tpu.memory_space<vmem>>) semaphore(%arg14 : memref<!tpu.dma_semaphore, #tpu.memory_space<semaphore_mem>>)
      %dma_start3A_37 = arith.constant 1 : i32
      %dma_start3A_38 = arith.constant 0 : i32
      %dma_start3A_39 = tpu.memref_slice %arg8[%dma_start3A_37, %dma_start3A_38] : memref<160x125xi32, #tpu.memory_space<vmem>> -> memref<1x125xi32, #tpu.memory_space<vmem>>
      %dma_start3A_40 = tpu.memref_squeeze %dma_start3A_39 : memref<1x125xi32, #tpu.memory_space<vmem>> -> memref<125xi32, #tpu.memory_space<vmem>>
      %dma_start3A_41 = arith.constant 0 : i32
      %dma_start3A_42 = arith.constant 0 : i32
      %dma_start3A_43 = tpu.memref_slice %arg3[%dma_start3A_41, %dma_start3A_42] : memref<10000x64xf32, #tpu.memory_space<hbm>> -> memref<10000x64xf32, #tpu.memory_space<hbm>>
      tpu.enqueue_indirect_dma source(%dma_start3A_43 : memref<10000x64xf32, #tpu.memory_space<hbm>>) target(%arg11 : memref<125x64xf32, #tpu.memory_space<vmem>>) offsets(%dma_start3A_40 : memref<125xi32, #tpu.memory_space<vmem>>) semaphore(%arg15 : memref<!tpu.dma_semaphore, #tpu.memory_space<semaphore_mem>>)
      %dma_wait3A_44 = arith.constant 0 : i32
      %dma_wait3A_45 = tpu.memref_slice %arg5[%multiple_of3A, %dma_wait3A_44] : memref<2560x125xi32, #tpu.memory_space<hbm>> -> memref<160x125xi32, #tpu.memory_space<hbm>>
      %dma_wait3A_46 = arith.constant 0 : i32
      %dma_wait3A_47 = tpu.memref_slice %arg5[%multiple_of3A, %dma_wait3A_46] : memref<2560x125xi32, #tpu.memory_space<hbm>> -> memref<160x125xi32, #tpu.memory_space<hbm>>
      tpu.wait_dma2 semaphore(%arg17 : memref<!tpu.dma_semaphore, #tpu.memory_space<semaphore_mem>>) src(%dma_wait3A_47 : memref<160x125xi32, #tpu.memory_space<hbm>>) dst(%arg9 : memref<160x125xi32, #tpu.memory_space<vmem>>)
      %mul3A_48 = arith.constant 624 : i32
      %mul3A_49 = arith.muli %arg1, %mul3A_48 : i32
      %multiple_of3A_50 = tpu.assume_multiple %mul3A_49, 8 : i32
      %lt3A_51 = arith.constant 15 : i32
      %lt3A_52 = arith.cmpi slt, %arg1, %lt3A_51 : i32
      %convert_element_type3A_53 = arith.extui %lt3A_52 : i1 to i32
      %cond3A_54 = arith.constant 0 : i32
      %cond3A_55 = arith.cmpi ne, %convert_element_type3A_53, %cond3A_54 : i32
      scf.if %cond3A_55 {
        %dma_wait3A_107 = arith.constant 0 : i32
        %dma_wait3A_108 = tpu.memref_slice %arg22[%multiple_of3A_50, %dma_wait3A_107] : memref<10000x64xf32, #tpu.memory_space<vmem_shared>> -> memref<624x64xf32, #tpu.memory_space<vmem_shared>>
        %dma_wait3A_109 = arith.constant 0 : i32
        %dma_wait3A_110 = tpu.memref_slice %arg3[%multiple_of3A_50, %dma_wait3A_109] : memref<10000x64xf32, #tpu.memory_space<hbm>> -> memref<624x64xf32, #tpu.memory_space<hbm>>
        tpu.wait_dma2 semaphore(%arg18 : memref<!tpu.dma_semaphore, #tpu.memory_space<semaphore_mem>>) src(%dma_wait3A_110 : memref<624x64xf32, #tpu.memory_space<hbm>>) dst(%dma_wait3A_108 : memref<624x64xf32, #tpu.memory_space<vmem_shared>>)
      } else {
      }
      %eq3A_56 = arith.constant 15 : i32
      %eq3A_57 = arith.cmpi eq, %arg1, %eq3A_56 : i32
      %convert_element_type3A_58 = arith.extui %eq3A_57 : i1 to i32
      %cond3A_59 = arith.constant 0 : i32
      %cond3A_60 = arith.cmpi ne, %convert_element_type3A_58, %cond3A_59 : i32
      scf.if %cond3A_60 {
        %dma_wait3A_107 = arith.constant 9360 : i32
        %dma_wait3A_108 = arith.constant 0 : i32
        %dma_wait3A_109 = tpu.memref_slice %arg22[%dma_wait3A_107, %dma_wait3A_108] : memref<10000x64xf32, #tpu.memory_space<vmem_shared>> -> memref<640x64xf32, #tpu.memory_space<vmem_shared>>
        %dma_wait3A_110 = arith.constant 9360 : i32
        %dma_wait3A_111 = arith.constant 0 : i32
        %dma_wait3A_112 = tpu.memref_slice %arg3[%dma_wait3A_110, %dma_wait3A_111] : memref<10000x64xf32, #tpu.memory_space<hbm>> -> memref<640x64xf32, #tpu.memory_space<hbm>>
        tpu.wait_dma2 semaphore(%arg18 : memref<!tpu.dma_semaphore, #tpu.memory_space<semaphore_mem>>) src(%dma_wait3A_112 : memref<640x64xf32, #tpu.memory_space<hbm>>) dst(%dma_wait3A_109 : memref<640x64xf32, #tpu.memory_space<vmem_shared>>)
      } else {
      }
      %barrier3A = arith.constant 0 : index
      tpu.barrier barrier_id(%barrier3A)
      %scan3A = arith.constant 0 : i32
      %scan3A_61 = arith.constant 40 : i32
      %scan3A_62 = arith.addi %scan3A, %scan3A_61 : i32
      %scan3A_63 = arith.constant 1 : i32
      scf.for %scan3A_107 = %scan3A to %scan3A_62 step %scan3A_63  : i32 {
        %mul3A_108 = arith.constant 4 : i32
        %mul3A_109 = arith.muli %scan3A_107, %mul3A_108 : i32
        %add3A = arith.constant 0 : i32
        %add3A_110 = arith.addi %add3A, %mul3A_109 : i32
        %add3A_111 = arith.constant 0 : i32
        %add3A_112 = arith.addi %add3A_110, %add3A_111 : i32
        %add3A_113 = arith.constant 2 : i32
        %add3A_114 = arith.addi %add3A_112, %add3A_113 : i32
        %lt3A_115 = arith.constant 160 : i32
        %lt3A_116 = arith.cmpi slt, %add3A_114, %lt3A_115 : i32
        %convert_element_type3A_117 = arith.extui %lt3A_116 : i1 to i32
        %cond3A_118 = arith.constant 0 : i32
        %cond3A_119 = arith.cmpi ne, %convert_element_type3A_117, %cond3A_118 : i32
        scf.if %cond3A_119 {
          %ge3A = arith.constant 4 : i32
          %ge3A_195 = arith.cmpi sge, %add3A_114, %ge3A : i32
          %convert_element_type3A_196 = arith.extui %ge3A_195 : i1 to i32
          %cond3A_197 = arith.constant 0 : i32
          %cond3A_198 = arith.cmpi ne, %convert_element_type3A_196, %cond3A_197 : i32
          scf.if %cond3A_198 {
            %sub3A = arith.constant 4 : i32
            %sub3A_205 = arith.subi %add3A_114, %sub3A : i32
            %dma_wait3A_206 = arith.constant 0 : i32
            %dma_wait3A_207 = tpu.memref_slice %arg9[%sub3A_205, %dma_wait3A_206] : memref<160x125xi32, #tpu.memory_space<vmem>> -> memref<1x125xi32, #tpu.memory_space<vmem>>
            %dma_wait3A_208 = tpu.memref_squeeze %dma_wait3A_207 : memref<1x125xi32, #tpu.memory_space<vmem>> -> memref<125xi32, #tpu.memory_space<vmem>>
            %dma_wait3A_209 = arith.constant 0 : i32
            %dma_wait3A_210 = arith.constant 0 : i32
            %dma_wait3A_211 = tpu.memref_slice %arg22[%dma_wait3A_209, %dma_wait3A_210] : memref<10000x64xf32, #tpu.memory_space<vmem_shared>> -> memref<10000x64xf32, #tpu.memory_space<vmem_shared>>
            tpu.wait_indirect_dma semaphore(%arg20 : memref<!tpu.dma_semaphore, #tpu.memory_space<semaphore_mem>>) src(%arg12 : memref<125x64xf32, #tpu.memory_space<vmem>>) dst(%dma_wait3A_211 : memref<10000x64xf32, #tpu.memory_space<vmem_shared>>)
          } else {
          }
          %dma_start3A_199 = arith.constant 0 : i32
          %dma_start3A_200 = tpu.memref_slice %arg8[%add3A_114, %dma_start3A_199] : memref<160x125xi32, #tpu.memory_space<vmem>> -> memref<1x125xi32, #tpu.memory_space<vmem>>
          %dma_start3A_201 = tpu.memref_squeeze %dma_start3A_200 : memref<1x125xi32, #tpu.memory_space<vmem>> -> memref<125xi32, #tpu.memory_space<vmem>>
          %dma_start3A_202 = arith.constant 0 : i32
          %dma_start3A_203 = arith.constant 0 : i32
          %dma_start3A_204 = tpu.memref_slice %arg3[%dma_start3A_202, %dma_start3A_203] : memref<10000x64xf32, #tpu.memory_space<hbm>> -> memref<10000x64xf32, #tpu.memory_space<hbm>>
          tpu.enqueue_indirect_dma source(%dma_start3A_204 : memref<10000x64xf32, #tpu.memory_space<hbm>>) target(%arg12 : memref<125x64xf32, #tpu.memory_space<vmem>>) offsets(%dma_start3A_201 : memref<125xi32, #tpu.memory_space<vmem>>) semaphore(%arg16 : memref<!tpu.dma_semaphore, #tpu.memory_space<semaphore_mem>>)
        } else {
        }
        %dma_wait3A_120 = arith.constant 0 : i32
        %dma_wait3A_121 = tpu.memref_slice %arg8[%add3A_112, %dma_wait3A_120] : memref<160x125xi32, #tpu.memory_space<vmem>> -> memref<1x125xi32, #tpu.memory_space<vmem>>
        %dma_wait3A_122 = tpu.memref_squeeze %dma_wait3A_121 : memref<1x125xi32, #tpu.memory_space<vmem>> -> memref<125xi32, #tpu.memory_space<vmem>>
        %dma_wait3A_123 = arith.constant 0 : i32
        %dma_wait3A_124 = arith.constant 0 : i32
        %dma_wait3A_125 = tpu.memref_slice %arg3[%dma_wait3A_123, %dma_wait3A_124] : memref<10000x64xf32, #tpu.memory_space<hbm>> -> memref<10000x64xf32, #tpu.memory_space<hbm>>
        tpu.wait_indirect_dma semaphore(%arg14 : memref<!tpu.dma_semaphore, #tpu.memory_space<semaphore_mem>>) src(%dma_wait3A_125 : memref<10000x64xf32, #tpu.memory_space<hbm>>) dst(%arg10 : memref<125x64xf32, #tpu.memory_space<vmem>>)
        %dma_start3A_126 = arith.constant 0 : i32
        %dma_start3A_127 = tpu.memref_slice %arg9[%add3A_112, %dma_start3A_126] : memref<160x125xi32, #tpu.memory_space<vmem>> -> memref<1x125xi32, #tpu.memory_space<vmem>>
        %dma_start3A_128 = tpu.memref_squeeze %dma_start3A_127 : memref<1x125xi32, #tpu.memory_space<vmem>> -> memref<125xi32, #tpu.memory_space<vmem>>
        %dma_start3A_129 = arith.constant 0 : i32
        %dma_start3A_130 = arith.constant 0 : i32
        %dma_start3A_131 = tpu.memref_slice %arg22[%dma_start3A_129, %dma_start3A_130] : memref<10000x64xf32, #tpu.memory_space<vmem_shared>> -> memref<10000x64xf32, #tpu.memory_space<vmem_shared>>
        tpu.enqueue_indirect_dma source(%arg10 : memref<125x64xf32, #tpu.memory_space<vmem>>) target(%dma_start3A_131 : memref<10000x64xf32, #tpu.memory_space<vmem_shared>>) offsets(%dma_start3A_128 : memref<125xi32, #tpu.memory_space<vmem>>) semaphore(%arg18 : memref<!tpu.dma_semaphore, #tpu.memory_space<semaphore_mem>>) {add = true}
        %add3A_132 = arith.constant 1 : i32
        %add3A_133 = arith.addi %add3A_110, %add3A_132 : i32
        %add3A_134 = arith.constant 2 : i32
        %add3A_135 = arith.addi %add3A_133, %add3A_134 : i32
        %lt3A_136 = arith.constant 160 : i32
        %lt3A_137 = arith.cmpi slt, %add3A_135, %lt3A_136 : i32
        %convert_element_type3A_138 = arith.extui %lt3A_137 : i1 to i32
        %cond3A_139 = arith.constant 0 : i32
        %cond3A_140 = arith.cmpi ne, %convert_element_type3A_138, %cond3A_139 : i32
        scf.if %cond3A_140 {
          %ge3A = arith.constant 4 : i32
          %ge3A_195 = arith.cmpi sge, %add3A_135, %ge3A : i32
          %convert_element_type3A_196 = arith.extui %ge3A_195 : i1 to i32
          %cond3A_197 = arith.constant 0 : i32
          %cond3A_198 = arith.cmpi ne, %convert_element_type3A_196, %cond3A_197 : i32
          scf.if %cond3A_198 {
            %sub3A = arith.constant 4 : i32
            %sub3A_205 = arith.subi %add3A_135, %sub3A : i32
            %dma_wait3A_206 = arith.constant 0 : i32
            %dma_wait3A_207 = tpu.memref_slice %arg9[%sub3A_205, %dma_wait3A_206] : memref<160x125xi32, #tpu.memory_space<vmem>> -> memref<1x125xi32, #tpu.memory_space<vmem>>
            %dma_wait3A_208 = tpu.memref_squeeze %dma_wait3A_207 : memref<1x125xi32, #tpu.memory_space<vmem>> -> memref<125xi32, #tpu.memory_space<vmem>>
            %dma_wait3A_209 = arith.constant 0 : i32
            %dma_wait3A_210 = arith.constant 0 : i32
            %dma_wait3A_211 = tpu.memref_slice %arg22[%dma_wait3A_209, %dma_wait3A_210] : memref<10000x64xf32, #tpu.memory_space<vmem_shared>> -> memref<10000x64xf32, #tpu.memory_space<vmem_shared>>
            tpu.wait_indirect_dma semaphore(%arg21 : memref<!tpu.dma_semaphore, #tpu.memory_space<semaphore_mem>>) src(%arg13 : memref<125x64xf32, #tpu.memory_space<vmem>>) dst(%dma_wait3A_211 : memref<10000x64xf32, #tpu.memory_space<vmem_shared>>)
          } else {
          }
          %dma_start3A_199 = arith.constant 0 : i32
          %dma_start3A_200 = tpu.memref_slice %arg8[%add3A_135, %dma_start3A_199] : memref<160x125xi32, #tpu.memory_space<vmem>> -> memref<1x125xi32, #tpu.memory_space<vmem>>
          %dma_start3A_201 = tpu.memref_squeeze %dma_start3A_200 : memref<1x125xi32, #tpu.memory_space<vmem>> -> memref<125xi32, #tpu.memory_space<vmem>>
          %dma_start3A_202 = arith.constant 0 : i32
          %dma_start3A_203 = arith.constant 0 : i32
          %dma_start3A_204 = tpu.memref_slice %arg3[%dma_start3A_202, %dma_start3A_203] : memref<10000x64xf32, #tpu.memory_space<hbm>> -> memref<10000x64xf32, #tpu.memory_space<hbm>>
          tpu.enqueue_indirect_dma source(%dma_start3A_204 : memref<10000x64xf32, #tpu.memory_space<hbm>>) target(%arg13 : memref<125x64xf32, #tpu.memory_space<vmem>>) offsets(%dma_start3A_201 : memref<125xi32, #tpu.memory_space<vmem>>) semaphore(%arg17 : memref<!tpu.dma_semaphore, #tpu.memory_space<semaphore_mem>>)
        } else {
        }
        %dma_wait3A_141 = arith.constant 0 : i32
        %dma_wait3A_142 = tpu.memref_slice %arg8[%add3A_133, %dma_wait3A_141] : memref<160x125xi32, #tpu.memory_space<vmem>> -> memref<1x125xi32, #tpu.memory_space<vmem>>
        %dma_wait3A_143 = tpu.memref_squeeze %dma_wait3A_142 : memref<1x125xi32, #tpu.memory_space<vmem>> -> memref<125xi32, #tpu.memory_space<vmem>>
        %dma_wait3A_144 = arith.constant 0 : i32
        %dma_wait3A_145 = arith.constant 0 : i32
        %dma_wait3A_146 = tpu.memref_slice %arg3[%dma_wait3A_144, %dma_wait3A_145] : memref<10000x64xf32, #tpu.memory_space<hbm>> -> memref<10000x64xf32, #tpu.memory_space<hbm>>
        tpu.wait_indirect_dma semaphore(%arg15 : memref<!tpu.dma_semaphore, #tpu.memory_space<semaphore_mem>>) src(%dma_wait3A_146 : memref<10000x64xf32, #tpu.memory_space<hbm>>) dst(%arg11 : memref<125x64xf32, #tpu.memory_space<vmem>>)
        %dma_start3A_147 = arith.constant 0 : i32
        %dma_start3A_148 = tpu.memref_slice %arg9[%add3A_133, %dma_start3A_147] : memref<160x125xi32, #tpu.memory_space<vmem>> -> memref<1x125xi32, #tpu.memory_space<vmem>>
        %dma_start3A_149 = tpu.memref_squeeze %dma_start3A_148 : memref<1x125xi32, #tpu.memory_space<vmem>> -> memref<125xi32, #tpu.memory_space<vmem>>
        %dma_start3A_150 = arith.constant 0 : i32
        %dma_start3A_151 = arith.constant 0 : i32
        %dma_start3A_152 = tpu.memref_slice %arg22[%dma_start3A_150, %dma_start3A_151] : memref<10000x64xf32, #tpu.memory_space<vmem_shared>> -> memref<10000x64xf32, #tpu.memory_space<vmem_shared>>
        tpu.enqueue_indirect_dma source(%arg11 : memref<125x64xf32, #tpu.memory_space<vmem>>) target(%dma_start3A_152 : memref<10000x64xf32, #tpu.memory_space<vmem_shared>>) offsets(%dma_start3A_149 : memref<125xi32, #tpu.memory_space<vmem>>) semaphore(%arg19 : memref<!tpu.dma_semaphore, #tpu.memory_space<semaphore_mem>>) {add = true}
        %add3A_153 = arith.constant 2 : i32
        %add3A_154 = arith.addi %add3A_110, %add3A_153 : i32
        %add3A_155 = arith.constant 2 : i32
        %add3A_156 = arith.addi %add3A_154, %add3A_155 : i32
        %lt3A_157 = arith.constant 160 : i32
        %lt3A_158 = arith.cmpi slt, %add3A_156, %lt3A_157 : i32
        %convert_element_type3A_159 = arith.extui %lt3A_158 : i1 to i32
        %cond3A_160 = arith.constant 0 : i32
        %cond3A_161 = arith.cmpi ne, %convert_element_type3A_159, %cond3A_160 : i32
        scf.if %cond3A_161 {
          %ge3A = arith.constant 4 : i32
          %ge3A_195 = arith.cmpi sge, %add3A_156, %ge3A : i32
          %convert_element_type3A_196 = arith.extui %ge3A_195 : i1 to i32
          %cond3A_197 = arith.constant 0 : i32
          %cond3A_198 = arith.cmpi ne, %convert_element_type3A_196, %cond3A_197 : i32
          scf.if %cond3A_198 {
            %sub3A = arith.constant 4 : i32
            %sub3A_205 = arith.subi %add3A_156, %sub3A : i32
            %dma_wait3A_206 = arith.constant 0 : i32
            %dma_wait3A_207 = tpu.memref_slice %arg9[%sub3A_205, %dma_wait3A_206] : memref<160x125xi32, #tpu.memory_space<vmem>> -> memref<1x125xi32, #tpu.memory_space<vmem>>
            %dma_wait3A_208 = tpu.memref_squeeze %dma_wait3A_207 : memref<1x125xi32, #tpu.memory_space<vmem>> -> memref<125xi32, #tpu.memory_space<vmem>>
            %dma_wait3A_209 = arith.constant 0 : i32
            %dma_wait3A_210 = arith.constant 0 : i32
            %dma_wait3A_211 = tpu.memref_slice %arg22[%dma_wait3A_209, %dma_wait3A_210] : memref<10000x64xf32, #tpu.memory_space<vmem_shared>> -> memref<10000x64xf32, #tpu.memory_space<vmem_shared>>
            tpu.wait_indirect_dma semaphore(%arg18 : memref<!tpu.dma_semaphore, #tpu.memory_space<semaphore_mem>>) src(%arg10 : memref<125x64xf32, #tpu.memory_space<vmem>>) dst(%dma_wait3A_211 : memref<10000x64xf32, #tpu.memory_space<vmem_shared>>)
          } else {
          }
          %dma_start3A_199 = arith.constant 0 : i32
          %dma_start3A_200 = tpu.memref_slice %arg8[%add3A_156, %dma_start3A_199] : memref<160x125xi32, #tpu.memory_space<vmem>> -> memref<1x125xi32, #tpu.memory_space<vmem>>
          %dma_start3A_201 = tpu.memref_squeeze %dma_start3A_200 : memref<1x125xi32, #tpu.memory_space<vmem>> -> memref<125xi32, #tpu.memory_space<vmem>>
          %dma_start3A_202 = arith.constant 0 : i32
          %dma_start3A_203 = arith.constant 0 : i32
          %dma_start3A_204 = tpu.memref_slice %arg3[%dma_start3A_202, %dma_start3A_203] : memref<10000x64xf32, #tpu.memory_space<hbm>> -> memref<10000x64xf32, #tpu.memory_space<hbm>>
          tpu.enqueue_indirect_dma source(%dma_start3A_204 : memref<10000x64xf32, #tpu.memory_space<hbm>>) target(%arg10 : memref<125x64xf32, #tpu.memory_space<vmem>>) offsets(%dma_start3A_201 : memref<125xi32, #tpu.memory_space<vmem>>) semaphore(%arg14 : memref<!tpu.dma_semaphore, #tpu.memory_space<semaphore_mem>>)
        } else {
        }
        %dma_wait3A_162 = arith.constant 0 : i32
        %dma_wait3A_163 = tpu.memref_slice %arg8[%add3A_154, %dma_wait3A_162] : memref<160x125xi32, #tpu.memory_space<vmem>> -> memref<1x125xi32, #tpu.memory_space<vmem>>
        %dma_wait3A_164 = tpu.memref_squeeze %dma_wait3A_163 : memref<1x125xi32, #tpu.memory_space<vmem>> -> memref<125xi32, #tpu.memory_space<vmem>>
        %dma_wait3A_165 = arith.constant 0 : i32
        %dma_wait3A_166 = arith.constant 0 : i32
        %dma_wait3A_167 = tpu.memref_slice %arg3[%dma_wait3A_165, %dma_wait3A_166] : memref<10000x64xf32, #tpu.memory_space<hbm>> -> memref<10000x64xf32, #tpu.memory_space<hbm>>
        tpu.wait_indirect_dma semaphore(%arg16 : memref<!tpu.dma_semaphore, #tpu.memory_space<semaphore_mem>>) src(%dma_wait3A_167 : memref<10000x64xf32, #tpu.memory_space<hbm>>) dst(%arg12 : memref<125x64xf32, #tpu.memory_space<vmem>>)
        %dma_start3A_168 = arith.constant 0 : i32
        %dma_start3A_169 = tpu.memref_slice %arg9[%add3A_154, %dma_start3A_168] : memref<160x125xi32, #tpu.memory_space<vmem>> -> memref<1x125xi32, #tpu.memory_space<vmem>>
        %dma_start3A_170 = tpu.memref_squeeze %dma_start3A_169 : memref<1x125xi32, #tpu.memory_space<vmem>> -> memref<125xi32, #tpu.memory_space<vmem>>
        %dma_start3A_171 = arith.constant 0 : i32
        %dma_start3A_172 = arith.constant 0 : i32
        %dma_start3A_173 = tpu.memref_slice %arg22[%dma_start3A_171, %dma_start3A_172] : memref<10000x64xf32, #tpu.memory_space<vmem_shared>> -> memref<10000x64xf32, #tpu.memory_space<vmem_shared>>
        tpu.enqueue_indirect_dma source(%arg12 : memref<125x64xf32, #tpu.memory_space<vmem>>) target(%dma_start3A_173 : memref<10000x64xf32, #tpu.memory_space<vmem_shared>>) offsets(%dma_start3A_170 : memref<125xi32, #tpu.memory_space<vmem>>) semaphore(%arg20 : memref<!tpu.dma_semaphore, #tpu.memory_space<semaphore_mem>>) {add = true}
        %add3A_174 = arith.constant 3 : i32
        %add3A_175 = arith.addi %add3A_110, %add3A_174 : i32
        %add3A_176 = arith.constant 2 : i32
        %add3A_177 = arith.addi %add3A_175, %add3A_176 : i32
        %lt3A_178 = arith.constant 160 : i32
        %lt3A_179 = arith.cmpi slt, %add3A_177, %lt3A_178 : i32
        %convert_element_type3A_180 = arith.extui %lt3A_179 : i1 to i32
        %cond3A_181 = arith.constant 0 : i32
        %cond3A_182 = arith.cmpi ne, %convert_element_type3A_180, %cond3A_181 : i32
        scf.if %cond3A_182 {
          %ge3A = arith.constant 4 : i32
          %ge3A_195 = arith.cmpi sge, %add3A_177, %ge3A : i32
          %convert_element_type3A_196 = arith.extui %ge3A_195 : i1 to i32
          %cond3A_197 = arith.constant 0 : i32
          %cond3A_198 = arith.cmpi ne, %convert_element_type3A_196, %cond3A_197 : i32
          scf.if %cond3A_198 {
            %sub3A = arith.constant 4 : i32
            %sub3A_205 = arith.subi %add3A_177, %sub3A : i32
            %dma_wait3A_206 = arith.constant 0 : i32
            %dma_wait3A_207 = tpu.memref_slice %arg9[%sub3A_205, %dma_wait3A_206] : memref<160x125xi32, #tpu.memory_space<vmem>> -> memref<1x125xi32, #tpu.memory_space<vmem>>
            %dma_wait3A_208 = tpu.memref_squeeze %dma_wait3A_207 : memref<1x125xi32, #tpu.memory_space<vmem>> -> memref<125xi32, #tpu.memory_space<vmem>>
            %dma_wait3A_209 = arith.constant 0 : i32
            %dma_wait3A_210 = arith.constant 0 : i32
            %dma_wait3A_211 = tpu.memref_slice %arg22[%dma_wait3A_209, %dma_wait3A_210] : memref<10000x64xf32, #tpu.memory_space<vmem_shared>> -> memref<10000x64xf32, #tpu.memory_space<vmem_shared>>
            tpu.wait_indirect_dma semaphore(%arg19 : memref<!tpu.dma_semaphore, #tpu.memory_space<semaphore_mem>>) src(%arg11 : memref<125x64xf32, #tpu.memory_space<vmem>>) dst(%dma_wait3A_211 : memref<10000x64xf32, #tpu.memory_space<vmem_shared>>)
          } else {
          }
          %dma_start3A_199 = arith.constant 0 : i32
          %dma_start3A_200 = tpu.memref_slice %arg8[%add3A_177, %dma_start3A_199] : memref<160x125xi32, #tpu.memory_space<vmem>> -> memref<1x125xi32, #tpu.memory_space<vmem>>
          %dma_start3A_201 = tpu.memref_squeeze %dma_start3A_200 : memref<1x125xi32, #tpu.memory_space<vmem>> -> memref<125xi32, #tpu.memory_space<vmem>>
          %dma_start3A_202 = arith.constant 0 : i32
          %dma_start3A_203 = arith.constant 0 : i32
          %dma_start3A_204 = tpu.memref_slice %arg3[%dma_start3A_202, %dma_start3A_203] : memref<10000x64xf32, #tpu.memory_space<hbm>> -> memref<10000x64xf32, #tpu.memory_space<hbm>>
          tpu.enqueue_indirect_dma source(%dma_start3A_204 : memref<10000x64xf32, #tpu.memory_space<hbm>>) target(%arg11 : memref<125x64xf32, #tpu.memory_space<vmem>>) offsets(%dma_start3A_201 : memref<125xi32, #tpu.memory_space<vmem>>) semaphore(%arg15 : memref<!tpu.dma_semaphore, #tpu.memory_space<semaphore_mem>>)
        } else {
        }
        %dma_wait3A_183 = arith.constant 0 : i32
        %dma_wait3A_184 = tpu.memref_slice %arg8[%add3A_175, %dma_wait3A_183] : memref<160x125xi32, #tpu.memory_space<vmem>> -> memref<1x125xi32, #tpu.memory_space<vmem>>
        %dma_wait3A_185 = tpu.memref_squeeze %dma_wait3A_184 : memref<1x125xi32, #tpu.memory_space<vmem>> -> memref<125xi32, #tpu.memory_space<vmem>>
        %dma_wait3A_186 = arith.constant 0 : i32
        %dma_wait3A_187 = arith.constant 0 : i32
        %dma_wait3A_188 = tpu.memref_slice %arg3[%dma_wait3A_186, %dma_wait3A_187] : memref<10000x64xf32, #tpu.memory_space<hbm>> -> memref<10000x64xf32, #tpu.memory_space<hbm>>
        tpu.wait_indirect_dma semaphore(%arg17 : memref<!tpu.dma_semaphore, #tpu.memory_space<semaphore_mem>>) src(%dma_wait3A_188 : memref<10000x64xf32, #tpu.memory_space<hbm>>) dst(%arg13 : memref<125x64xf32, #tpu.memory_space<vmem>>)
        %dma_start3A_189 = arith.constant 0 : i32
        %dma_start3A_190 = tpu.memref_slice %arg9[%add3A_175, %dma_start3A_189] : memref<160x125xi32, #tpu.memory_space<vmem>> -> memref<1x125xi32, #tpu.memory_space<vmem>>
        %dma_start3A_191 = tpu.memref_squeeze %dma_start3A_190 : memref<1x125xi32, #tpu.memory_space<vmem>> -> memref<125xi32, #tpu.memory_space<vmem>>
        %dma_start3A_192 = arith.constant 0 : i32
        %dma_start3A_193 = arith.constant 0 : i32
        %dma_start3A_194 = tpu.memref_slice %arg22[%dma_start3A_192, %dma_start3A_193] : memref<10000x64xf32, #tpu.memory_space<vmem_shared>> -> memref<10000x64xf32, #tpu.memory_space<vmem_shared>>
        tpu.enqueue_indirect_dma source(%arg13 : memref<125x64xf32, #tpu.memory_space<vmem>>) target(%dma_start3A_194 : memref<10000x64xf32, #tpu.memory_space<vmem_shared>>) offsets(%dma_start3A_191 : memref<125xi32, #tpu.memory_space<vmem>>) semaphore(%arg21 : memref<!tpu.dma_semaphore, #tpu.memory_space<semaphore_mem>>) {add = true}
      }
      %scan3A_64 = arith.constant 40 : i32
      %dma_wait3A_65 = arith.constant 156 : i32
      %dma_wait3A_66 = arith.constant 0 : i32
      %dma_wait3A_67 = tpu.memref_slice %arg9[%dma_wait3A_65, %dma_wait3A_66] : memref<160x125xi32, #tpu.memory_space<vmem>> -> memref<1x125xi32, #tpu.memory_space<vmem>>
      %dma_wait3A_68 = tpu.memref_squeeze %dma_wait3A_67 : memref<1x125xi32, #tpu.memory_space<vmem>> -> memref<125xi32, #tpu.memory_space<vmem>>
      %dma_wait3A_69 = arith.constant 0 : i32
      %dma_wait3A_70 = arith.constant 0 : i32
      %dma_wait3A_71 = tpu.memref_slice %arg22[%dma_wait3A_69, %dma_wait3A_70] : memref<10000x64xf32, #tpu.memory_space<vmem_shared>> -> memref<10000x64xf32, #tpu.memory_space<vmem_shared>>
      tpu.wait_indirect_dma semaphore(%arg18 : memref<!tpu.dma_semaphore, #tpu.memory_space<semaphore_mem>>) src(%arg10 : memref<125x64xf32, #tpu.memory_space<vmem>>) dst(%dma_wait3A_71 : memref<10000x64xf32, #tpu.memory_space<vmem_shared>>)
      %dma_wait3A_72 = arith.constant 157 : i32
      %dma_wait3A_73 = arith.constant 0 : i32
      %dma_wait3A_74 = tpu.memref_slice %arg9[%dma_wait3A_72, %dma_wait3A_73] : memref<160x125xi32, #tpu.memory_space<vmem>> -> memref<1x125xi32, #tpu.memory_space<vmem>>
      %dma_wait3A_75 = tpu.memref_squeeze %dma_wait3A_74 : memref<1x125xi32, #tpu.memory_space<vmem>> -> memref<125xi32, #tpu.memory_space<vmem>>
      %dma_wait3A_76 = arith.constant 0 : i32
      %dma_wait3A_77 = arith.constant 0 : i32
      %dma_wait3A_78 = tpu.memref_slice %arg22[%dma_wait3A_76, %dma_wait3A_77] : memref<10000x64xf32, #tpu.memory_space<vmem_shared>> -> memref<10000x64xf32, #tpu.memory_space<vmem_shared>>
      tpu.wait_indirect_dma semaphore(%arg19 : memref<!tpu.dma_semaphore, #tpu.memory_space<semaphore_mem>>) src(%arg11 : memref<125x64xf32, #tpu.memory_space<vmem>>) dst(%dma_wait3A_78 : memref<10000x64xf32, #tpu.memory_space<vmem_shared>>)
      %dma_wait3A_79 = arith.constant 158 : i32
      %dma_wait3A_80 = arith.constant 0 : i32
      %dma_wait3A_81 = tpu.memref_slice %arg9[%dma_wait3A_79, %dma_wait3A_80] : memref<160x125xi32, #tpu.memory_space<vmem>> -> memref<1x125xi32, #tpu.memory_space<vmem>>
      %dma_wait3A_82 = tpu.memref_squeeze %dma_wait3A_81 : memref<1x125xi32, #tpu.memory_space<vmem>> -> memref<125xi32, #tpu.memory_space<vmem>>
      %dma_wait3A_83 = arith.constant 0 : i32
      %dma_wait3A_84 = arith.constant 0 : i32
      %dma_wait3A_85 = tpu.memref_slice %arg22[%dma_wait3A_83, %dma_wait3A_84] : memref<10000x64xf32, #tpu.memory_space<vmem_shared>> -> memref<10000x64xf32, #tpu.memory_space<vmem_shared>>
      tpu.wait_indirect_dma semaphore(%arg20 : memref<!tpu.dma_semaphore, #tpu.memory_space<semaphore_mem>>) src(%arg12 : memref<125x64xf32, #tpu.memory_space<vmem>>) dst(%dma_wait3A_85 : memref<10000x64xf32, #tpu.memory_space<vmem_shared>>)
      %dma_wait3A_86 = arith.constant 159 : i32
      %dma_wait3A_87 = arith.constant 0 : i32
      %dma_wait3A_88 = tpu.memref_slice %arg9[%dma_wait3A_86, %dma_wait3A_87] : memref<160x125xi32, #tpu.memory_space<vmem>> -> memref<1x125xi32, #tpu.memory_space<vmem>>
      %dma_wait3A_89 = tpu.memref_squeeze %dma_wait3A_88 : memref<1x125xi32, #tpu.memory_space<vmem>> -> memref<125xi32, #tpu.memory_space<vmem>>
      %dma_wait3A_90 = arith.constant 0 : i32
      %dma_wait3A_91 = arith.constant 0 : i32
      %dma_wait3A_92 = tpu.memref_slice %arg22[%dma_wait3A_90, %dma_wait3A_91] : memref<10000x64xf32, #tpu.memory_space<vmem_shared>> -> memref<10000x64xf32, #tpu.memory_space<vmem_shared>>
      tpu.wait_indirect_dma semaphore(%arg21 : memref<!tpu.dma_semaphore, #tpu.memory_space<semaphore_mem>>) src(%arg13 : memref<125x64xf32, #tpu.memory_space<vmem>>) dst(%dma_wait3A_92 : memref<10000x64xf32, #tpu.memory_space<vmem_shared>>)
      %barrier3A_93 = arith.constant 0 : index
      tpu.barrier barrier_id(%barrier3A_93)
      %mul3A_94 = arith.constant 624 : i32
      %mul3A_95 = arith.muli %arg1, %mul3A_94 : i32
      %multiple_of3A_96 = tpu.assume_multiple %mul3A_95, 8 : i32
      %lt3A_97 = arith.constant 15 : i32
      %lt3A_98 = arith.cmpi slt, %arg1, %lt3A_97 : i32
      %convert_element_type3A_99 = arith.extui %lt3A_98 : i1 to i32
      %cond3A_100 = arith.constant 0 : i32
      %cond3A_101 = arith.cmpi ne, %convert_element_type3A_99, %cond3A_100 : i32
      scf.if %cond3A_101 {
        "tpu.region"() ({
          %run_scoped3A = tpu.sem_alloc : memref<!tpu.dma_semaphore, #tpu.memory_space<semaphore_mem>>
          %dma_start3A_107 = arith.constant 0 : i32
          %dma_start3A_108 = tpu.memref_slice %arg7[%multiple_of3A_96, %dma_start3A_107] : memref<10000x64xf32, #tpu.memory_space<hbm>> -> memref<624x64xf32, #tpu.memory_space<hbm>>
          %dma_start3A_109 = arith.constant 0 : i32
          %dma_start3A_110 = tpu.memref_slice %arg22[%multiple_of3A_96, %dma_start3A_109] : memref<10000x64xf32, #tpu.memory_space<vmem_shared>> -> memref<624x64xf32, #tpu.memory_space<vmem_shared>>
          tpu.enqueue_dma source(%dma_start3A_110 : memref<624x64xf32, #tpu.memory_space<vmem_shared>>) target(%dma_start3A_108 : memref<624x64xf32, #tpu.memory_space<hbm>>) target_semaphore(%run_scoped3A : memref<!tpu.dma_semaphore, #tpu.memory_space<semaphore_mem>>)
          %dma_wait3A_111 = arith.constant 0 : i32
          %dma_wait3A_112 = tpu.memref_slice %arg7[%multiple_of3A_96, %dma_wait3A_111] : memref<10000x64xf32, #tpu.memory_space<hbm>> -> memref<624x64xf32, #tpu.memory_space<hbm>>
          %dma_wait3A_113 = arith.constant 0 : i32
          %dma_wait3A_114 = tpu.memref_slice %arg22[%multiple_of3A_96, %dma_wait3A_113] : memref<10000x64xf32, #tpu.memory_space<vmem_shared>> -> memref<624x64xf32, #tpu.memory_space<vmem_shared>>
          tpu.wait_dma2 semaphore(%run_scoped3A : memref<!tpu.dma_semaphore, #tpu.memory_space<semaphore_mem>>) src(%dma_wait3A_114 : memref<624x64xf32, #tpu.memory_space<vmem_shared>>) dst(%dma_wait3A_112 : memref<624x64xf32, #tpu.memory_space<hbm>>)
          tpu.yield
        }) : () -> ()
      } else {
      }
      %eq3A_102 = arith.constant 15 : i32
      %eq3A_103 = arith.cmpi eq, %arg1, %eq3A_102 : i32
      %convert_element_type3A_104 = arith.extui %eq3A_103 : i1 to i32
      %cond3A_105 = arith.constant 0 : i32
      %cond3A_106 = arith.cmpi ne, %convert_element_type3A_104, %cond3A_105 : i32
      scf.if %cond3A_106 {
        "tpu.region"() ({
          %run_scoped3A = tpu.sem_alloc : memref<!tpu.dma_semaphore, #tpu.memory_space<semaphore_mem>>
          %dma_start3A_107 = arith.constant 9360 : i32
          %dma_start3A_108 = arith.constant 0 : i32
          %dma_start3A_109 = tpu.memref_slice %arg7[%dma_start3A_107, %dma_start3A_108] : memref<10000x64xf32, #tpu.memory_space<hbm>> -> memref<640x64xf32, #tpu.memory_space<hbm>>
          %dma_start3A_110 = arith.constant 9360 : i32
          %dma_start3A_111 = arith.constant 0 : i32
          %dma_start3A_112 = tpu.memref_slice %arg22[%dma_start3A_110, %dma_start3A_111] : memref<10000x64xf32, #tpu.memory_space<vmem_shared>> -> memref<640x64xf32, #tpu.memory_space<vmem_shared>>
          tpu.enqueue_dma source(%dma_start3A_112 : memref<640x64xf32, #tpu.memory_space<vmem_shared>>) target(%dma_start3A_109 : memref<640x64xf32, #tpu.memory_space<hbm>>) target_semaphore(%run_scoped3A : memref<!tpu.dma_semaphore, #tpu.memory_space<semaphore_mem>>)
          %dma_wait3A_113 = arith.constant 9360 : i32
          %dma_wait3A_114 = arith.constant 0 : i32
          %dma_wait3A_115 = tpu.memref_slice %arg7[%dma_wait3A_113, %dma_wait3A_114] : memref<10000x64xf32, #tpu.memory_space<hbm>> -> memref<640x64xf32, #tpu.memory_space<hbm>>
          %dma_wait3A_116 = arith.constant 9360 : i32
          %dma_wait3A_117 = arith.constant 0 : i32
          %dma_wait3A_118 = tpu.memref_slice %arg22[%dma_wait3A_116, %dma_wait3A_117] : memref<10000x64xf32, #tpu.memory_space<vmem_shared>> -> memref<640x64xf32, #tpu.memory_space<vmem_shared>>
          tpu.wait_dma2 semaphore(%run_scoped3A : memref<!tpu.dma_semaphore, #tpu.memory_space<semaphore_mem>>) src(%dma_wait3A_118 : memref<640x64xf32, #tpu.memory_space<vmem_shared>>) dst(%dma_wait3A_115 : memref<640x64xf32, #tpu.memory_space<hbm>>)
          tpu.yield
        }) : () -> ()
      } else {
      }
    } else {
    }
    return
  }
}

module attributes {stable_mosaic.version = 14 : i64} {
  func.func @body(%arg0: i32, %arg1: memref<2000x128xf32, #tpu.memory_space<vmem>>, %arg2: memref<2x2000x8xf32, #tpu.memory_space<vmem>>, %arg3: memref<128x128xf32, #tpu.memory_space<vmem>>, %arg4: memref<1x128xf32, #tpu.memory_space<vmem>>, %arg5: memref<2000x64xf32, #tpu.memory_space<vmem>>, %arg6: memref<2000x64xf32, #tpu.memory_space<vmem>>) attributes {dimension_semantics = [#tpu.dimension_semantics<arbitrary>], iteration_bounds = array<i64: 5>, scalar_prefetch = 0 : i64, scratch_operands = 0 : i64, tpu.core_type = #tpu.core_type<tc>, window_params = [{transform_indices = @transform_0, window_bounds = array<i64: 2000, 128>}, {transform_indices = @transform_1, window_bounds = array<i64: 2, 2000, 8>}, {pipeline_mode = #tpu.pipeline_mode<synchronous>, transform_indices = @transform_2, window_bounds = array<i64: 128, 128>}, {pipeline_mode = #tpu.pipeline_mode<synchronous>, transform_indices = @transform_3, window_bounds = array<i64: 1, 128>}, {transform_indices = @transform_4, window_bounds = array<i64: 2000, 64>}, {transform_indices = @transform_5, window_bounds = array<i64: 2000, 64>}]} {
    %get3A = arith.constant 0 : index
    %get3A_0 = arith.constant 0 : index
    %get3A_1 = arith.constant 0 : index
    %get3A_2 = vector.load %arg2[%get3A, %get3A_0, %get3A_1] : memref<2x2000x8xf32, #tpu.memory_space<vmem>>, vector<1x2000x1xf32>
    %get3A_3 = vector.shape_cast %get3A_2 : vector<1x2000x1xf32> to vector<2000x1xf32>
    %get3A_4 = arith.constant 1 : index
    %get3A_5 = arith.constant 0 : index
    %get3A_6 = arith.constant 0 : index
    %get3A_7 = vector.load %arg2[%get3A_4, %get3A_5, %get3A_6] : memref<2x2000x8xf32, #tpu.memory_space<vmem>>, vector<1x2000x1xf32>
    %get3A_8 = vector.shape_cast %get3A_7 : vector<1x2000x1xf32> to vector<2000x1xf32>
    %add3A = arith.addf %get3A_3, %get3A_8 : vector<2000x1xf32>
    %add3A_9 = arith.constant 1.000000e+00 : f32
    %add3A_10 = vector.broadcast %add3A_9 : f32 to vector<2000x1xf32>
    %add3A_11 = arith.addf %add3A, %add3A_10 : vector<2000x1xf32>
    %rsqrt3A = math.rsqrt %add3A_11 : vector<2000x1xf32>
    %get3A_12 = arith.constant 0 : index
    %get3A_13 = arith.constant 0 : index
    %get3A_14 = vector.load %arg1[%get3A_12, %get3A_13] : memref<2000x128xf32, #tpu.memory_space<vmem>>, vector<2000x128xf32>
    %get3A_15 = arith.constant 0 : index
    %get3A_16 = arith.constant 0 : index
    %get3A_17 = vector.load %arg3[%get3A_15, %get3A_16] : memref<128x128xf32, #tpu.memory_space<vmem>>, vector<128x128xf32>
    %dot_general3A = arith.constant dense<0.000000e+00> : vector<2000x128xf32>
    %dot_general3A_18 = tpu.matmul %get3A_14, %get3A_17, %dot_general3A {dimension_numbers = #tpu.dot_dimension_numbers<[1], [0], [0], [1], [0, 0, 1, 1], [], []>, transpose_lhs_hint = false} : vector<2000x128xf32>, vector<128x128xf32>, vector<2000x128xf32> -> vector<2000x128xf32>
    %get3A_19 = arith.constant 0 : index
    %get3A_20 = arith.constant 0 : index
    %get3A_21 = vector.load %arg4[%get3A_19, %get3A_20] : memref<1x128xf32, #tpu.memory_space<vmem>>, vector<1x128xf32>
    %add3A_22 = vector.broadcast %get3A_21 : vector<1x128xf32> to vector<2000x128xf32>
    %add3A_23 = arith.addf %dot_general3A_18, %add3A_22 : vector<2000x128xf32>
    %mul3A = vector.broadcast %rsqrt3A : vector<2000x1xf32> to vector<2000x128xf32>
    %mul3A_24 = arith.mulf %add3A_23, %mul3A : vector<2000x128xf32>
    %slice3A = vector.extract_strided_slice %mul3A_24 {offsets = [0, 0], sizes = [2000, 64], strides = [1, 1]} : vector<2000x128xf32> to vector<2000x64xf32>
    %swap3A = arith.constant 0 : index
    %swap3A_25 = arith.constant 0 : index
    %swap3A_26 = vector.load %arg5[%swap3A, %swap3A_25] : memref<2000x64xf32, #tpu.memory_space<vmem>>, vector<2000x64xf32>
    tpu.vector_store %arg5[%swap3A, %swap3A_25], %slice3A {strides = array<i32>} : memref<2000x64xf32, #tpu.memory_space<vmem>>, vector<2000x64xf32>,
    %slice3A_27 = vector.extract_strided_slice %mul3A_24 {offsets = [0, 64], sizes = [2000, 64], strides = [1, 1]} : vector<2000x128xf32> to vector<2000x64xf32>
    %swap3A_28 = arith.constant 0 : index
    %swap3A_29 = arith.constant 0 : index
    %swap3A_30 = vector.load %arg6[%swap3A_28, %swap3A_29] : memref<2000x64xf32, #tpu.memory_space<vmem>>, vector<2000x64xf32>
    tpu.vector_store %arg6[%swap3A_28, %swap3A_29], %slice3A_27 {strides = array<i32>} : memref<2000x64xf32, #tpu.memory_space<vmem>>, vector<2000x64xf32>,
    return
  }
  func.func @transform_0(%arg0: i32) -> (i32, i32) {
    %c0_i32 = arith.constant 0 : i32
    %c0_i32_0 = arith.constant 0 : i32
    return %arg0, %c0_i32 : i32, i32
  }
  func.func @transform_1(%arg0: i32) -> (i32, i32, i32) {
    %c0_i32 = arith.constant 0 : i32
    %c0_i32_0 = arith.constant 0 : i32
    %c0_i32_1 = arith.constant 0 : i32
    return %c0_i32, %arg0, %c0_i32_0 : i32, i32, i32
  }
  func.func @transform_2(%arg0: i32) -> (i32, i32) {
    %c0_i32 = arith.constant 0 : i32
    %c0_i32_0 = arith.constant 0 : i32
    %c0_i32_1 = arith.constant 0 : i32
    return %c0_i32, %c0_i32_0 : i32, i32
  }
  func.func @transform_3(%arg0: i32) -> (i32, i32) {
    %c0_i32 = arith.constant 0 : i32
    %c0_i32_0 = arith.constant 0 : i32
    %c0_i32_1 = arith.constant 0 : i32
    return %c0_i32, %c0_i32_0 : i32, i32
  }
  func.func @transform_4(%arg0: i32) -> (i32, i32) {
    %c0_i32 = arith.constant 0 : i32
    %c0_i32_0 = arith.constant 0 : i32
    return %arg0, %c0_i32 : i32, i32
  }
  func.func @transform_5(%arg0: i32) -> (i32, i32) {
    %c0_i32 = arith.constant 0 : i32
    %c0_i32_0 = arith.constant 0 : i32
    return %arg0, %c0_i32 : i32, i32
  }
}

module attributes {stable_mosaic.version = 14 : i64} {
  func.func @body(%arg0: i32, %arg1: memref<2000x64xf32, #tpu.memory_space<vmem>>, %arg2: memref<2000x64xf32, #tpu.memory_space<vmem>>, %arg3: memref<2x2000x8xf32, #tpu.memory_space<vmem>>, %arg4: memref<128x128xf32, #tpu.memory_space<vmem>>, %arg5: memref<1x128xf32, #tpu.memory_space<vmem>>, %arg6: memref<2000x64xf32, #tpu.memory_space<vmem>>, %arg7: memref<2000x64xf32, #tpu.memory_space<vmem>>) attributes {dimension_semantics = [#tpu.dimension_semantics<arbitrary>], iteration_bounds = array<i64: 5>, scalar_prefetch = 0 : i64, scratch_operands = 0 : i64, tpu.core_type = #tpu.core_type<tc>, window_params = [{transform_indices = @transform_0, window_bounds = array<i64: 2000, 64>}, {transform_indices = @transform_1, window_bounds = array<i64: 2000, 64>}, {transform_indices = @transform_2, window_bounds = array<i64: 2, 2000, 8>}, {pipeline_mode = #tpu.pipeline_mode<synchronous>, transform_indices = @transform_3, window_bounds = array<i64: 128, 128>}, {pipeline_mode = #tpu.pipeline_mode<synchronous>, transform_indices = @transform_4, window_bounds = array<i64: 1, 128>}, {transform_indices = @transform_5, window_bounds = array<i64: 2000, 64>}, {transform_indices = @transform_6, window_bounds = array<i64: 2000, 64>}]} {
    %get3A = arith.constant 0 : index
    %get3A_0 = arith.constant 0 : index
    %get3A_1 = arith.constant 0 : index
    %get3A_2 = vector.load %arg3[%get3A, %get3A_0, %get3A_1] : memref<2x2000x8xf32, #tpu.memory_space<vmem>>, vector<1x2000x1xf32>
    %get3A_3 = vector.shape_cast %get3A_2 : vector<1x2000x1xf32> to vector<2000x1xf32>
    %get3A_4 = arith.constant 1 : index
    %get3A_5 = arith.constant 0 : index
    %get3A_6 = arith.constant 0 : index
    %get3A_7 = vector.load %arg3[%get3A_4, %get3A_5, %get3A_6] : memref<2x2000x8xf32, #tpu.memory_space<vmem>>, vector<1x2000x1xf32>
    %get3A_8 = vector.shape_cast %get3A_7 : vector<1x2000x1xf32> to vector<2000x1xf32>
    %add3A = arith.addf %get3A_3, %get3A_8 : vector<2000x1xf32>
    %add3A_9 = arith.constant 1.000000e+00 : f32
    %add3A_10 = vector.broadcast %add3A_9 : f32 to vector<2000x1xf32>
    %add3A_11 = arith.addf %add3A, %add3A_10 : vector<2000x1xf32>
    %rsqrt3A = math.rsqrt %add3A_11 : vector<2000x1xf32>
    %get3A_12 = arith.constant 0 : index
    %get3A_13 = arith.constant 0 : index
    %get3A_14 = vector.load %arg1[%get3A_12, %get3A_13] : memref<2000x64xf32, #tpu.memory_space<vmem>>, vector<2000x64xf32>
    %get3A_15 = arith.constant 0 : index
    %get3A_16 = arith.constant 0 : index
    %get3A_17 = vector.load %arg2[%get3A_15, %get3A_16] : memref<2000x64xf32, #tpu.memory_space<vmem>>, vector<2000x64xf32>
    %concatenate3A = tpu.concatenate %get3A_14, %get3A_17 in 1 : vector<2000x64xf32>, vector<2000x64xf32> -> vector<2000x128xf32>
    %mul3A = vector.broadcast %rsqrt3A : vector<2000x1xf32> to vector<2000x128xf32>
    %mul3A_18 = arith.mulf %concatenate3A, %mul3A : vector<2000x128xf32>
    %max3A = arith.constant 0.000000e+00 : f32
    %max3A_19 = vector.broadcast %max3A : f32 to vector<2000x128xf32>
    %max3A_20 = arith.maximumf %mul3A_18, %max3A_19 : vector<2000x128xf32>
    %get3A_21 = arith.constant 0 : index
    %get3A_22 = arith.constant 0 : index
    %get3A_23 = vector.load %arg4[%get3A_21, %get3A_22] : memref<128x128xf32, #tpu.memory_space<vmem>>, vector<128x128xf32>
    %dot_general3A = arith.constant dense<0.000000e+00> : vector<2000x128xf32>
    %dot_general3A_24 = tpu.matmul %max3A_20, %get3A_23, %dot_general3A {dimension_numbers = #tpu.dot_dimension_numbers<[1], [0], [0], [1], [0, 0, 1, 1], [], []>, transpose_lhs_hint = false} : vector<2000x128xf32>, vector<128x128xf32>, vector<2000x128xf32> -> vector<2000x128xf32>
    %get3A_25 = arith.constant 0 : index
    %get3A_26 = arith.constant 0 : index
    %get3A_27 = vector.load %arg5[%get3A_25, %get3A_26] : memref<1x128xf32, #tpu.memory_space<vmem>>, vector<1x128xf32>
    %add3A_28 = vector.broadcast %get3A_27 : vector<1x128xf32> to vector<2000x128xf32>
    %add3A_29 = arith.addf %dot_general3A_24, %add3A_28 : vector<2000x128xf32>
    %mul3A_30 = vector.broadcast %rsqrt3A : vector<2000x1xf32> to vector<2000x128xf32>
    %mul3A_31 = arith.mulf %add3A_29, %mul3A_30 : vector<2000x128xf32>
    %slice3A = vector.extract_strided_slice %mul3A_31 {offsets = [0, 0], sizes = [2000, 64], strides = [1, 1]} : vector<2000x128xf32> to vector<2000x64xf32>
    %swap3A = arith.constant 0 : index
    %swap3A_32 = arith.constant 0 : index
    %swap3A_33 = vector.load %arg6[%swap3A, %swap3A_32] : memref<2000x64xf32, #tpu.memory_space<vmem>>, vector<2000x64xf32>
    tpu.vector_store %arg6[%swap3A, %swap3A_32], %slice3A {strides = array<i32>} : memref<2000x64xf32, #tpu.memory_space<vmem>>, vector<2000x64xf32>,
    %slice3A_34 = vector.extract_strided_slice %mul3A_31 {offsets = [0, 64], sizes = [2000, 64], strides = [1, 1]} : vector<2000x128xf32> to vector<2000x64xf32>
    %swap3A_35 = arith.constant 0 : index
    %swap3A_36 = arith.constant 0 : index
    %swap3A_37 = vector.load %arg7[%swap3A_35, %swap3A_36] : memref<2000x64xf32, #tpu.memory_space<vmem>>, vector<2000x64xf32>
    tpu.vector_store %arg7[%swap3A_35, %swap3A_36], %slice3A_34 {strides = array<i32>} : memref<2000x64xf32, #tpu.memory_space<vmem>>, vector<2000x64xf32>,
    return
  }
  func.func @transform_0(%arg0: i32) -> (i32, i32) {
    %c0_i32 = arith.constant 0 : i32
    %c0_i32_0 = arith.constant 0 : i32
    return %arg0, %c0_i32 : i32, i32
  }
  func.func @transform_1(%arg0: i32) -> (i32, i32) {
    %c0_i32 = arith.constant 0 : i32
    %c0_i32_0 = arith.constant 0 : i32
    return %arg0, %c0_i32 : i32, i32
  }
  func.func @transform_2(%arg0: i32) -> (i32, i32, i32) {
    %c0_i32 = arith.constant 0 : i32
    %c0_i32_0 = arith.constant 0 : i32
    %c0_i32_1 = arith.constant 0 : i32
    return %c0_i32, %arg0, %c0_i32_0 : i32, i32, i32
  }
  func.func @transform_3(%arg0: i32) -> (i32, i32) {
    %c0_i32 = arith.constant 0 : i32
    %c0_i32_0 = arith.constant 0 : i32
    %c0_i32_1 = arith.constant 0 : i32
    return %c0_i32, %c0_i32_0 : i32, i32
  }
  func.func @transform_4(%arg0: i32) -> (i32, i32) {
    %c0_i32 = arith.constant 0 : i32
    %c0_i32_0 = arith.constant 0 : i32
    %c0_i32_1 = arith.constant 0 : i32
    return %c0_i32, %c0_i32_0 : i32, i32
  }
  func.func @transform_5(%arg0: i32) -> (i32, i32) {
    %c0_i32 = arith.constant 0 : i32
    %c0_i32_0 = arith.constant 0 : i32
    return %arg0, %c0_i32 : i32, i32
  }
  func.func @transform_6(%arg0: i32) -> (i32, i32) {
    %c0_i32 = arith.constant 0 : i32
    %c0_i32_0 = arith.constant 0 : i32
    return %arg0, %c0_i32 : i32, i32
  }
}

module attributes {stable_mosaic.version = 14 : i64} {
  func.func @body(%arg0: i32, %arg1: memref<400x64xf32, #tpu.memory_space<vmem>>, %arg2: memref<400x64xf32, #tpu.memory_space<vmem>>, %arg3: memref<2x400x8xf32, #tpu.memory_space<vmem>>, %arg4: memref<1x1x400xi32, #tpu.memory_space<vmem>>, %arg5: memref<400x1xi32, #tpu.memory_space<vmem>>, %arg6: memref<256x128xf32, #tpu.memory_space<vmem>>, %arg7: memref<1x128xf32, #tpu.memory_space<vmem>>, %arg8: memref<128x10xf32, #tpu.memory_space<vmem>>, %arg9: memref<1x10xf32, #tpu.memory_space<vmem>>, %arg10: memref<64x10xf32, #tpu.memory_space<vmem>>, %arg11: memref<64x128xf32, #tpu.memory_space<vmem>>, %arg12: memref<64x128xf32, #tpu.memory_space<vmem>>, %arg13: memref<64x1xf32, #tpu.memory_space<vmem>>) attributes {dimension_semantics = [#tpu.dimension_semantics<arbitrary>], iteration_bounds = array<i64: 25>, scalar_prefetch = 0 : i64, scratch_operands = 3 : i64, tpu.core_type = #tpu.core_type<tc>, window_params = [{transform_indices = @transform_0, window_bounds = array<i64: 400, 64>}, {transform_indices = @transform_1, window_bounds = array<i64: 400, 64>}, {transform_indices = @transform_2, window_bounds = array<i64: 2, 400, 8>}, {transform_indices = @transform_3, window_bounds = array<i64: 1, 1, 400>}, {transform_indices = @transform_4, window_bounds = array<i64: 400, 1>}, {pipeline_mode = #tpu.pipeline_mode<synchronous>, transform_indices = @transform_5, window_bounds = array<i64: 256, 128>}, {pipeline_mode = #tpu.pipeline_mode<synchronous>, transform_indices = @transform_6, window_bounds = array<i64: 1, 128>}, {pipeline_mode = #tpu.pipeline_mode<synchronous>, transform_indices = @transform_7, window_bounds = array<i64: 128, 10>}, {pipeline_mode = #tpu.pipeline_mode<synchronous>, transform_indices = @transform_8, window_bounds = array<i64: 1, 10>}, {pipeline_mode = #tpu.pipeline_mode<synchronous>, transform_indices = @transform_9, window_bounds = array<i64: 64, 10>}]} {
    %eq3A = arith.constant 0 : i32
    %eq3A_0 = arith.cmpi eq, %arg0, %eq3A : i32
    %convert_element_type3A = arith.extui %eq3A_0 : i1 to i32
    %cond3A = arith.constant 0 : i32
    %cond3A_1 = arith.cmpi ne, %convert_element_type3A, %cond3A : i32
    scf.if %cond3A_1 {
      %broadcast_in_dim3A_75 = arith.constant 0.000000e+00 : f32
      %broadcast_in_dim3A_76 = vector.broadcast %broadcast_in_dim3A_75 : f32 to vector<64x128xf32>
      %swap3A_77 = arith.constant 0 : index
      %swap3A_78 = arith.constant 0 : index
      %swap3A_79 = vector.load %arg11[%swap3A_77, %swap3A_78] : memref<64x128xf32, #tpu.memory_space<vmem>>, vector<64x128xf32>
      tpu.vector_store %arg11[%swap3A_77, %swap3A_78], %broadcast_in_dim3A_76 {strides = array<i32>} : memref<64x128xf32, #tpu.memory_space<vmem>>, vector<64x128xf32>,
      %broadcast_in_dim3A_80 = arith.constant 0.000000e+00 : f32
      %broadcast_in_dim3A_81 = vector.broadcast %broadcast_in_dim3A_80 : f32 to vector<64x1xf32>
      %swap3A_82 = arith.constant 0 : index
      %swap3A_83 = arith.constant 0 : index
      %swap3A_84 = vector.load %arg13[%swap3A_82, %swap3A_83] : memref<64x1xf32, #tpu.memory_space<vmem>>, vector<64x1xf32>
      tpu.vector_store %arg13[%swap3A_82, %swap3A_83], %broadcast_in_dim3A_81 {strides = array<i32>} : memref<64x1xf32, #tpu.memory_space<vmem>>, vector<64x1xf32>,
      %broadcast_in_dim3A_85 = arith.constant 0xFF800000 : f32
      %broadcast_in_dim3A_86 = vector.broadcast %broadcast_in_dim3A_85 : f32 to vector<64x128xf32>
      %swap3A_87 = arith.constant 0 : index
      %swap3A_88 = arith.constant 0 : index
      %swap3A_89 = vector.load %arg12[%swap3A_87, %swap3A_88] : memref<64x128xf32, #tpu.memory_space<vmem>>, vector<64x128xf32>
      tpu.vector_store %arg12[%swap3A_87, %swap3A_88], %broadcast_in_dim3A_86 {strides = array<i32>} : memref<64x128xf32, #tpu.memory_space<vmem>>, vector<64x128xf32>,
    } else {
    }
    %get3A = arith.constant 0 : index
    %get3A_2 = arith.constant 0 : index
    %get3A_3 = arith.constant 0 : index
    %get3A_4 = vector.load %arg3[%get3A, %get3A_2, %get3A_3] : memref<2x400x8xf32, #tpu.memory_space<vmem>>, vector<1x400x1xf32>
    %get3A_5 = vector.shape_cast %get3A_4 : vector<1x400x1xf32> to vector<400x1xf32>
    %get3A_6 = arith.constant 1 : index
    %get3A_7 = arith.constant 0 : index
    %get3A_8 = arith.constant 0 : index
    %get3A_9 = vector.load %arg3[%get3A_6, %get3A_7, %get3A_8] : memref<2x400x8xf32, #tpu.memory_space<vmem>>, vector<1x400x1xf32>
    %get3A_10 = vector.shape_cast %get3A_9 : vector<1x400x1xf32> to vector<400x1xf32>
    %add3A = arith.addf %get3A_5, %get3A_10 : vector<400x1xf32>
    %add3A_11 = arith.constant 1.000000e+00 : f32
    %add3A_12 = vector.broadcast %add3A_11 : f32 to vector<400x1xf32>
    %add3A_13 = arith.addf %add3A, %add3A_12 : vector<400x1xf32>
    %rsqrt3A = math.rsqrt %add3A_13 : vector<400x1xf32>
    %get3A_14 = arith.constant 0 : index
    %get3A_15 = arith.constant 0 : index
    %get3A_16 = vector.load %arg1[%get3A_14, %get3A_15] : memref<400x64xf32, #tpu.memory_space<vmem>>, vector<400x64xf32>
    %get3A_17 = arith.constant 0 : index
    %get3A_18 = arith.constant 0 : index
    %get3A_19 = vector.load %arg2[%get3A_17, %get3A_18] : memref<400x64xf32, #tpu.memory_space<vmem>>, vector<400x64xf32>
    %concatenate3A = tpu.concatenate %get3A_16, %get3A_19 in 1 : vector<400x64xf32>, vector<400x64xf32> -> vector<400x128xf32>
    %mul3A = vector.broadcast %rsqrt3A : vector<400x1xf32> to vector<400x128xf32>
    %mul3A_20 = arith.mulf %concatenate3A, %mul3A : vector<400x128xf32>
    %max3A = arith.constant 0.000000e+00 : f32
    %max3A_21 = vector.broadcast %max3A : f32 to vector<400x128xf32>
    %max3A_22 = arith.maximumf %mul3A_20, %max3A_21 : vector<400x128xf32>
    %get3A_23 = arith.constant 0 : index
    %get3A_24 = arith.constant 0 : index
    %get3A_25 = arith.constant 0 : index
    %get3A_26 = vector.load %arg4[%get3A_23, %get3A_24, %get3A_25] : memref<1x1x400xi32, #tpu.memory_space<vmem>>, vector<1x1x400xi32>
    %get3A_27 = vector.shape_cast %get3A_26 : vector<1x1x400xi32> to vector<1x400xi32>
    %iota3A = tpu.iota {dimensions = array<i32: 0>} : vector<64x400xi32>
    %eq3A_28 = vector.broadcast %get3A_27 : vector<1x400xi32> to vector<64x400xi32>
    %eq3A_29 = arith.cmpi eq, %iota3A, %eq3A_28 : vector<64x400xi32>
    %convert_element_type3A_30 = arith.extui %eq3A_29 : vector<64x400xi1> to vector<64x400xi32>
    %convert_element_type3A_31 = arith.sitofp %convert_element_type3A_30 : vector<64x400xi32> to vector<64x400xf32>
    %get3A_32 = arith.constant 0 : index
    %get3A_33 = arith.constant 0 : index
    %get3A_34 = vector.load %arg11[%get3A_32, %get3A_33] : memref<64x128xf32, #tpu.memory_space<vmem>>, vector<64x128xf32>
    %dot_general3A = arith.constant dense<0.000000e+00> : vector<64x128xf32>
    %dot_general3A_35 = tpu.matmul %convert_element_type3A_31, %max3A_22, %dot_general3A {dimension_numbers = #tpu.dot_dimension_numbers<[1], [0], [0], [1], [0, 0, 1, 1], [], []>, transpose_lhs_hint = false} : vector<64x400xf32>, vector<400x128xf32>, vector<64x128xf32> -> vector<64x128xf32>
    %add3A_36 = arith.addf %get3A_34, %dot_general3A_35 : vector<64x128xf32>
    %swap3A = arith.constant 0 : index
    %swap3A_37 = arith.constant 0 : index
    %swap3A_38 = vector.load %arg11[%swap3A, %swap3A_37] : memref<64x128xf32, #tpu.memory_space<vmem>>, vector<64x128xf32>
    tpu.vector_store %arg11[%swap3A, %swap3A_37], %add3A_36 {strides = array<i32>} : memref<64x128xf32, #tpu.memory_space<vmem>>, vector<64x128xf32>,
    %get3A_39 = arith.constant 0 : index
    %get3A_40 = arith.constant 0 : index
    %get3A_41 = vector.load %arg13[%get3A_39, %get3A_40] : memref<64x1xf32, #tpu.memory_space<vmem>>, vector<64x1xf32>
    %reduce_sum3A = arith.constant dense<0.000000e+00> : vector<64xf32>
    %reduce_sum3A_42 = vector.multi_reduction <add>, %convert_element_type3A_31, %reduce_sum3A [1] : vector<64x400xf32> to vector<64xf32>
    %broadcast_in_dim3A = vector.shape_cast %reduce_sum3A_42 : vector<64xf32> to vector<64x1xf32>
    %add3A_43 = arith.addf %get3A_41, %broadcast_in_dim3A : vector<64x1xf32>
    %swap3A_44 = arith.constant 0 : index
    %swap3A_45 = arith.constant 0 : index
    %swap3A_46 = vector.load %arg13[%swap3A_44, %swap3A_45] : memref<64x1xf32, #tpu.memory_space<vmem>>, vector<64x1xf32>
    tpu.vector_store %arg13[%swap3A_44, %swap3A_45], %add3A_43 {strides = array<i32>} : memref<64x1xf32, #tpu.memory_space<vmem>>, vector<64x1xf32>,
    %get3A_47 = arith.constant 0 : index
    %get3A_48 = arith.constant 0 : index
    %get3A_49 = vector.load %arg5[%get3A_47, %get3A_48] : memref<400x1xi32, #tpu.memory_space<vmem>>, vector<400x1xi32>
    %get3A_50 = arith.constant 0 : index
    %get3A_51 = arith.constant 0 : index
    %get3A_52 = vector.load %arg5[%get3A_50, %get3A_51] : memref<400x1xi32, #tpu.memory_space<vmem>>, vector<1x1xi32>
    %get3A_53 = vector.extract %get3A_52[0, 0] : i32 from vector<1x1xi32>
    %get3A_54 = arith.constant 399 : index
    %get3A_55 = arith.constant 0 : index
    %get3A_56 = vector.load %arg5[%get3A_54, %get3A_55] : memref<400x1xi32, #tpu.memory_space<vmem>>, vector<1x1xi32>
    %get3A_57 = vector.extract %get3A_56[0, 0] : i32 from vector<1x1xi32>
    %add3A_58 = arith.constant 1 : i32
    %add3A_59 = arith.addi %get3A_57, %add3A_58 : i32
    %while3A = arith.constant 0 : i32
    %while3A_60 = arith.subi %add3A_59, %get3A_53 : i32
    %while3A_61 = arith.addi %get3A_53, %while3A_60 : i32
    %while3A_62 = arith.constant 1 : i32
    %while3A_63 = arith.divsi %while3A_60, %while3A_62 : i32
    %while3A_64 = arith.muli %while3A_63, %while3A_62 : i32
    %while3A_65 = arith.addi %get3A_53, %while3A_64 : i32
    %while3A_66 = arith.constant 1 : i32
    %while3A_67 = scf.for %while3A_75 = %get3A_53 to %while3A_65 step %while3A_66 iter_args(%while3A_76 = %while3A) -> (i32)  : i32 {
      %eq3A_77 = vector.broadcast %while3A_75 : i32 to vector<400x1xi32>
      %eq3A_78 = arith.cmpi eq, %get3A_49, %eq3A_77 : vector<400x1xi32>
      %jit3A = arith.constant 0xFF800000 : f32
      %broadcast_in_dim3A_79 = vector.shape_cast %eq3A_78 : vector<400x1xi1> to vector<400x1xi1>
      %broadcast_in_dim3A_80 = vector.broadcast %broadcast_in_dim3A_79 : vector<400x1xi1> to vector<400x128xi1>
      %broadcast_in_dim3A_81 = vector.broadcast %jit3A : f32 to vector<400x128xf32>
      %select_n3A = arith.select %broadcast_in_dim3A_80, %max3A_22, %broadcast_in_dim3A_81 : vector<400x128xi1>, vector<400x128xf32>
      %reduce_max3A = arith.constant dense<0xFF800000> : vector<128xf32>
      %reduce_max3A_82 = vector.multi_reduction <maximumf>, %select_n3A, %reduce_max3A [0] : vector<400x128xf32> to vector<128xf32>
      %broadcast_in_dim3A_83 = vector.shape_cast %reduce_max3A_82 : vector<128xf32> to vector<1x128xf32>
      %get3A_84 = arith.index_cast %while3A_75 : i32 to index
      %get3A_85 = arith.constant 0 : index
      %get3A_86 = vector.load %arg12[%get3A_84, %get3A_85] : memref<64x128xf32, #tpu.memory_space<vmem>>, vector<1x128xf32>
      %max3A_87 = arith.maximumf %get3A_86, %broadcast_in_dim3A_83 : vector<1x128xf32>
      %swap3A_88 = arith.index_cast %while3A_75 : i32 to index
      %swap3A_89 = arith.constant 0 : index
      %swap3A_90 = vector.load %arg12[%swap3A_88, %swap3A_89] : memref<64x128xf32, #tpu.memory_space<vmem>>, vector<1x128xf32>
      tpu.vector_store %arg12[%swap3A_88, %swap3A_89], %max3A_87 {strides = array<i32>} : memref<64x128xf32, #tpu.memory_space<vmem>>, vector<1x128xf32>,
      %while3A_91 = arith.constant 0 : i32
      scf.yield %while3A_91 : i32
    }
    %while3A_68 = arith.constant 1 : i32
    %while3A_69 = scf.for %while3A_75 = %while3A_65 to %while3A_61 step %while3A_68 iter_args(%while3A_76 = %while3A_67) -> (i32)  : i32 {
      %eq3A_77 = vector.broadcast %while3A_75 : i32 to vector<400x1xi32>
      %eq3A_78 = arith.cmpi eq, %get3A_49, %eq3A_77 : vector<400x1xi32>
      %jit3A = arith.constant 0xFF800000 : f32
      %broadcast_in_dim3A_79 = vector.shape_cast %eq3A_78 : vector<400x1xi1> to vector<400x1xi1>
      %broadcast_in_dim3A_80 = vector.broadcast %broadcast_in_dim3A_79 : vector<400x1xi1> to vector<400x128xi1>
      %broadcast_in_dim3A_81 = vector.broadcast %jit3A : f32 to vector<400x128xf32>
      %select_n3A = arith.select %broadcast_in_dim3A_80, %max3A_22, %broadcast_in_dim3A_81 : vector<400x128xi1>, vector<400x128xf32>
      %reduce_max3A = arith.constant dense<0xFF800000> : vector<128xf32>
      %reduce_max3A_82 = vector.multi_reduction <maximumf>, %select_n3A, %reduce_max3A [0] : vector<400x128xf32> to vector<128xf32>
      %broadcast_in_dim3A_83 = vector.shape_cast %reduce_max3A_82 : vector<128xf32> to vector<1x128xf32>
      %get3A_84 = arith.index_cast %while3A_75 : i32 to index
      %get3A_85 = arith.constant 0 : index
      %get3A_86 = vector.load %arg12[%get3A_84, %get3A_85] : memref<64x128xf32, #tpu.memory_space<vmem>>, vector<1x128xf32>
      %max3A_87 = arith.maximumf %get3A_86, %broadcast_in_dim3A_83 : vector<1x128xf32>
      %swap3A_88 = arith.index_cast %while3A_75 : i32 to index
      %swap3A_89 = arith.constant 0 : index
      %swap3A_90 = vector.load %arg12[%swap3A_88, %swap3A_89] : memref<64x128xf32, #tpu.memory_space<vmem>>, vector<1x128xf32>
      tpu.vector_store %arg12[%swap3A_88, %swap3A_89], %max3A_87 {strides = array<i32>} : memref<64x128xf32, #tpu.memory_space<vmem>>, vector<1x128xf32>,
      %while3A_91 = arith.constant 0 : i32
      scf.yield %while3A_91 : i32
    }
    %eq3A_70 = arith.constant 24 : i32
    %eq3A_71 = arith.cmpi eq, %arg0, %eq3A_70 : i32
    %convert_element_type3A_72 = arith.extui %eq3A_71 : i1 to i32
    %cond3A_73 = arith.constant 0 : i32
    %cond3A_74 = arith.cmpi ne, %convert_element_type3A_72, %cond3A_73 : i32
    scf.if %cond3A_74 {
      %get3A_75 = arith.constant 0 : index
      %get3A_76 = arith.constant 0 : index
      %get3A_77 = vector.load %arg11[%get3A_75, %get3A_76] : memref<64x128xf32, #tpu.memory_space<vmem>>, vector<64x128xf32>
      %get3A_78 = arith.constant 0 : index
      %get3A_79 = arith.constant 0 : index
      %get3A_80 = vector.load %arg13[%get3A_78, %get3A_79] : memref<64x1xf32, #tpu.memory_space<vmem>>, vector<64x1xf32>
      %add3A_81 = arith.constant 9.99999996E-13 : f32
      %add3A_82 = vector.broadcast %add3A_81 : f32 to vector<64x1xf32>
      %add3A_83 = arith.addf %get3A_80, %add3A_82 : vector<64x1xf32>
      %div3A = vector.broadcast %add3A_83 : vector<64x1xf32> to vector<64x128xf32>
      %div3A_84 = arith.divf %get3A_77, %div3A : vector<64x128xf32>
      %get3A_85 = arith.constant 0 : index
      %get3A_86 = arith.constant 0 : index
      %get3A_87 = vector.load %arg12[%get3A_85, %get3A_86] : memref<64x128xf32, #tpu.memory_space<vmem>>, vector<64x128xf32>
      %concatenate3A_88 = tpu.concatenate %div3A_84, %get3A_87 in 1 : vector<64x128xf32>, vector<64x128xf32> -> vector<64x256xf32>
      %get3A_89 = arith.constant 0 : index
      %get3A_90 = arith.constant 0 : index
      %get3A_91 = vector.load %arg6[%get3A_89, %get3A_90] : memref<256x128xf32, #tpu.memory_space<vmem>>, vector<256x128xf32>
      %dot_general3A_92 = arith.constant dense<0.000000e+00> : vector<64x128xf32>
      %dot_general3A_93 = tpu.matmul %concatenate3A_88, %get3A_91, %dot_general3A_92 {dimension_numbers = #tpu.dot_dimension_numbers<[1], [0], [0], [1], [0, 0, 1, 1], [], []>, transpose_lhs_hint = false} : vector<64x256xf32>, vector<256x128xf32>, vector<64x128xf32> -> vector<64x128xf32>
      %get3A_94 = arith.constant 0 : index
      %get3A_95 = arith.constant 0 : index
      %get3A_96 = vector.load %arg7[%get3A_94, %get3A_95] : memref<1x128xf32, #tpu.memory_space<vmem>>, vector<1x128xf32>
      %add3A_97 = vector.broadcast %get3A_96 : vector<1x128xf32> to vector<64x128xf32>
      %add3A_98 = arith.addf %dot_general3A_93, %add3A_97 : vector<64x128xf32>
      %max3A_99 = arith.constant 0.000000e+00 : f32
      %max3A_100 = vector.broadcast %max3A_99 : f32 to vector<64x128xf32>
      %max3A_101 = arith.maximumf %add3A_98, %max3A_100 : vector<64x128xf32>
      %get3A_102 = arith.constant 0 : index
      %get3A_103 = arith.constant 0 : index
      %get3A_104 = vector.load %arg8[%get3A_102, %get3A_103] : memref<128x10xf32, #tpu.memory_space<vmem>>, vector<128x10xf32>
      %dot_general3A_105 = arith.constant dense<0.000000e+00> : vector<64x10xf32>
      %dot_general3A_106 = tpu.matmul %max3A_101, %get3A_104, %dot_general3A_105 {dimension_numbers = #tpu.dot_dimension_numbers<[1], [0], [0], [1], [0, 0, 1, 1], [], []>, transpose_lhs_hint = false} : vector<64x128xf32>, vector<128x10xf32>, vector<64x10xf32> -> vector<64x10xf32>
      %get3A_107 = arith.constant 0 : index
      %get3A_108 = arith.constant 0 : index
      %get3A_109 = vector.load %arg9[%get3A_107, %get3A_108] : memref<1x10xf32, #tpu.memory_space<vmem>>, vector<1x10xf32>
      %add3A_110 = vector.broadcast %get3A_109 : vector<1x10xf32> to vector<64x10xf32>
      %add3A_111 = arith.addf %dot_general3A_106, %add3A_110 : vector<64x10xf32>
      %swap3A_112 = arith.constant 0 : index
      %swap3A_113 = arith.constant 0 : index
      %swap3A_114 = vector.load %arg10[%swap3A_112, %swap3A_113] : memref<64x10xf32, #tpu.memory_space<vmem>>, vector<64x10xf32>
      tpu.vector_store %arg10[%swap3A_112, %swap3A_113], %add3A_111 {strides = array<i32>} : memref<64x10xf32, #tpu.memory_space<vmem>>, vector<64x10xf32>,
    } else {
    }
    return
  }
  func.func @transform_0(%arg0: i32) -> (i32, i32) {
    %c0_i32 = arith.constant 0 : i32
    %c0_i32_0 = arith.constant 0 : i32
    return %arg0, %c0_i32 : i32, i32
  }
  func.func @transform_1(%arg0: i32) -> (i32, i32) {
    %c0_i32 = arith.constant 0 : i32
    %c0_i32_0 = arith.constant 0 : i32
    return %arg0, %c0_i32 : i32, i32
  }
  func.func @transform_2(%arg0: i32) -> (i32, i32, i32) {
    %c0_i32 = arith.constant 0 : i32
    %c0_i32_0 = arith.constant 0 : i32
    %c0_i32_1 = arith.constant 0 : i32
    return %c0_i32, %arg0, %c0_i32_0 : i32, i32, i32
  }
  func.func @transform_3(%arg0: i32) -> (i32, i32, i32) {
    %c0_i32 = arith.constant 0 : i32
    %c0_i32_0 = arith.constant 0 : i32
    %c0_i32_1 = arith.constant 0 : i32
    return %arg0, %c0_i32, %c0_i32_0 : i32, i32, i32
  }
  func.func @transform_4(%arg0: i32) -> (i32, i32) {
    %c0_i32 = arith.constant 0 : i32
    %c0_i32_0 = arith.constant 0 : i32
    return %arg0, %c0_i32 : i32, i32
  }
  func.func @transform_5(%arg0: i32) -> (i32, i32) {
    %c0_i32 = arith.constant 0 : i32
    %c0_i32_0 = arith.constant 0 : i32
    %c0_i32_1 = arith.constant 0 : i32
    return %c0_i32, %c0_i32_0 : i32, i32
  }
  func.func @transform_6(%arg0: i32) -> (i32, i32) {
    %c0_i32 = arith.constant 0 : i32
    %c0_i32_0 = arith.constant 0 : i32
    %c0_i32_1 = arith.constant 0 : i32
    return %c0_i32, %c0_i32_0 : i32, i32
  }
  func.func @transform_7(%arg0: i32) -> (i32, i32) {
    %c0_i32 = arith.constant 0 : i32
    %c0_i32_0 = arith.constant 0 : i32
    %c0_i32_1 = arith.constant 0 : i32
    return %c0_i32, %c0_i32_0 : i32, i32
  }
  func.func @transform_8(%arg0: i32) -> (i32, i32) {
    %c0_i32 = arith.constant 0 : i32
    %c0_i32_0 = arith.constant 0 : i32
    %c0_i32_1 = arith.constant 0 : i32
    return %c0_i32, %c0_i32_0 : i32, i32
  }
  func.func @transform_9(%arg0: i32) -> (i32, i32) {
    %c0_i32 = arith.constant 0 : i32
    %c0_i32_0 = arith.constant 0 : i32
    %c0_i32_1 = arith.constant 0 : i32
    return %c0_i32, %c0_i32_0 : i32, i32
  }
}

</mosaic_0001>

<sc_bundles>
// kernel: kernel.10.cloned.1.call-start
scs
__scs_entry_jumppad:
0x0: {  	(pc) =	sbr.rel $0x88, $3  }
0x1: {  	(tag) =	ssettag $0x0;
	lr =	simm.s32 $0x1  }
0x2: {  	[smem:$0x3F94] =	sst lr;
	_ =	strace $0xD0000000  }
0x3: {  	_ = 	snop  }
0x4: {  	_ = 	snop  }
0x5: {  	_ = 	snop  }
0x6: {  	_ = 	snop  }
0x7: {  	_ = 	snop  }
__scs_overlays_trampoline_lowered:
0x8: {  	[smem:$0x3FA3] =	sst s0  }
0x9: {  	[smem:$0x3FA4] =	sst s1  }
0xa: {  	[smem:$0x3FA5] =	sst s2  }
0xb: {  	[smem:$0x3FA6] =	sst s3  }
0xc: {  	[smem:$0x3FA7] =	sst s4  }
0xd: {  	[smem:$0x3FA8] =	sst s5  }
0xe: {  	[smem:$0x3FA9] =	sst s6  }
0xf: {  	[smem:$0x3FAA] =	sst s7  }
0x10: {  	[smem:$0x3FAB] =	sst s8  }
0x11: {  	[smem:$0x3FAC] =	sst s9;
	s0 =	simm.s32 @!p0 $0x0  }
0x12: {  	s1 =	sld [smem:$0x3F92];
	s0 =	simm.s32 @p0 $0x1  }
0x13: {  	[smem:$0x3FAD] =	sst s0;
	s0 =	simm.s32 @!p1 $0x0  }
0x14: {  	s2 =	sld [smem:$0x3F91];
	s0 =	simm.s32 @p1 $0x1  }
0x15: {  	[smem:$0x3FAE] =	sst s0;
	s0 =	simm.s32 @!p2 $0x0  }
0x16: {  	s3 =	sld [smem:$0x3FDB];
	s0 =	simm.s32 @p2 $0x1  }
0x17: {  	s4 =	simm.s32 $0x1BF5;
	[smem:$0x3FB0] =	sst s0  }
0x18: {  	s0 =	sld [smem:$0x3F93];
	_ =	swait.ge [sflag:s4], $0x0  }
0x19: {  	s7 =	sld [smem:$0x3F94]  }
0x1a: {  	s8 =	sadd.s32 $0xFFFFE003, lr  }
0x1b: {  	s9 =	sadd.s32 $0xFFFFFEF7, lr;
	s5 =	simm.s32 $0xFFFFFFFF;
	p2 =	slt.u32 s8, $0xFFFFF086  }
0x1c: {  	p1 =	slt.u32 s9, $0xF7A;
	s5 =	simm.s32 @!p2 $0x0  }
0x1d: {  	s5 =	simm.s32 @p1 $0x1;
	p0 =	seq.s32 s7, s2  }
0x1e: {  	s7 =	smul.u32 @!p0 $0xF7A, s2;
	p2 =	seq.s32 @!p0 s5, $0x0  }
0x1f: {  	s9 =	smul.u32 $0xF7A, s1;
	s8 =	simm.s32 @!p0 $0x1BF5;
	p2 =	por !p2, p0  }
0x20: {  	[sflag:s8] =	ssyncset.s32 @!p0 $0xFFFFF086;
	s6 =	sadd.s32 @!p0 s3, s7;
	s7 =	simm.s32 @!p0 $0x108  }
0x21: {  	s3 =	sadd.s32 s3, s9;
	s6 =	sadd.s32 @!p0 $0x88, s6;
	s7 =	simm.s32 @p2 $0x1082  }
0x22: {  	[simem:s7], [sflag:s8] =	dma.local @!p0 [hbm:s6], $0xF7A  }
0x23: {  	s9 =	sor.u32 $0xD0000000, s2;
	s6 =	simm.s32 $0x108;
	_ =	swait.ge @!p0 [sflag:s8], $0x0  }
0x24: {  	s3 =	sadd.s32 $0x88, s3;
	s6 =	simm.s32 @!p1 $0x1082;
	[sflag:s4] =	ssyncset.s32 $0xFFFFF086  }
0x25: {  	[simem:s6], [sflag:s4] =	dma.local [hbm:s3], $0xF7A  }
0x26: {  	[smem:$0x3F94] =	sst s1;
	(tag) =	ssettag s2;
	_ =	strace s9  }
0x27: {  	s1 =	sld [smem:$0x3FA4]  }
0x28: {  	s2 =	sld [smem:$0x3FA5]  }
0x29: {  	s4 =	sld [smem:$0x3FA7]  }
0x2a: {  	p0 =	seq.s32 s5, $0x0;
	s5 =	sld [smem:$0x3FA8]  }
0x2b: {  	s6 =	sld [smem:$0x3FA9]  }
0x2c: {  	s7 =	sld [smem:$0x3FAA]  }
0x2d: {  	s3 =	simm.s32 $0x108;
	s8 =	sld [smem:$0x3FAB]  }
0x2e: {  	s3 =	simm.s32 @!p0 $0x1082;
	s9 =	sld [smem:$0x3FAC]  }
0x2f: {  	lr =	sadd.s32 s0, s3;
	s0 =	sld [smem:$0x3FA3]  }
0x30: {  	s3 =	sld [smem:$0x3FA6]  }
0x31: {  	[smem:$0x3FAF] =	sst s10  }
0x32: {  	s10 =	sld [smem:$0x3FAD];
	_ =	sdelay $0x3  }
0x33: {  	p0 =	seq.s32 s10, $0x1;
	s10 =	sld [smem:$0x3FAF];
	_ =	sdelay $0x3  }
0x34: {  	[smem:$0x3FAF] =	sst s10  }
0x35: {  	s10 =	sld [smem:$0x3FAE];
	_ =	sdelay $0x3  }
0x36: {  	p1 =	seq.s32 s10, $0x1;
	s10 =	sld [smem:$0x3FAF];
	_ =	sdelay $0x3  }
0x37: {  	[smem:$0x3FAF] =	sst s10  }
0x38: {  	s10 =	sld [smem:$0x3FB0]  }
0x39: {  	_ = 	snop;
	(pc) =	sbr.ind lr, $3  }
0x3a: {  	_ = 	snop  }
0x3b: {  	_ = 	snop  }
0x3c: {  	p2 =	seq.s32 s10, $0x1;
	s10 =	sld [smem:$0x3FAF]  }
0x3d: {  	_ =	shalt  }
0x3e: {  	_ =	shalt  }
0x3f: {  	_ =	shalt  }
0x40: {  	_ =	shalt  }
0x41: {  	_ =	shalt  }
0x42: {  	_ =	shalt  }
0x43: {  	_ =	shalt  }
0x44: {  	_ =	shalt  }
0x45: {  	_ =	shalt  }
0x46: {  	_ =	shalt  }
0x47: {  	_ =	shalt  }
0x48: {  	_ =	shalt  }
0x49: {  	_ =	shalt  }
0x4a: {  	_ =	shalt  }
0x4b: {  	_ =	shalt  }
0x4c: {  	_ =	shalt  }
0x4d: {  	_ =	shalt  }
0x4e: {  	_ =	shalt  }
0x4f: {  	_ =	shalt  }
0x50: {  	_ =	shalt  }
0x51: {  	_ =	shalt  }
0x52: {  	_ =	shalt  }
0x53: {  	_ =	shalt  }
0x54: {  	_ =	shalt  }
0x55: {  	_ =	shalt  }
0x56: {  	_ =	shalt  }
0x57: {  	_ =	shalt  }
0x58: {  	_ =	shalt  }
0x59: {  	_ =	shalt  }
0x5a: {  	_ =	shalt  }
0x5b: {  	_ =	shalt  }
0x5c: {  	_ =	shalt  }
0x5d: {  	_ =	shalt  }
0x5e: {  	_ =	shalt  }
0x5f: {  	_ =	shalt  }
0x60: {  	_ =	shalt  }
0x61: {  	_ =	shalt  }
0x62: {  	_ =	shalt  }
0x63: {  	_ =	shalt  }
0x64: {  	_ =	shalt  }
0x65: {  	_ =	shalt  }
0x66: {  	_ =	shalt  }
0x67: {  	_ =	shalt  }
0x68: {  	_ =	shalt  }
0x69: {  	_ =	shalt  }
0x6a: {  	_ =	shalt  }
0x6b: {  	_ =	shalt  }
0x6c: {  	_ =	shalt  }
0x6d: {  	_ =	shalt  }
0x6e: {  	_ =	shalt  }
0x6f: {  	_ =	shalt  }
0x70: {  	_ =	shalt  }
0x71: {  	_ =	shalt  }
0x72: {  	_ =	shalt  }
0x73: {  	_ =	shalt  }
0x74: {  	_ =	shalt  }
0x75: {  	_ =	shalt  }
0x76: {  	_ =	shalt  }
0x77: {  	_ =	shalt  }
0x78: {  	_ =	shalt  }
0x79: {  	_ =	shalt  }
0x7a: {  	_ =	shalt  }
0x7b: {  	_ =	shalt  }
0x7c: {  	_ =	shalt  }
0x7d: {  	_ =	shalt  }
0x7e: {  	_ =	shalt  }
0x7f: {  	_ =	shalt  }
0x80: {  	_ =	shalt  }
0x81: {  	_ =	shalt  }
0x82: {  	_ =	shalt  }
0x83: {  	_ =	shalt  }
0x84: {  	_ =	shalt  }
0x85: {  	_ =	shalt  }
0x86: {  	_ =	shalt  }
0x87: {  	_ =	shalt  }
.Lfunc_end0:
.L_simem_size_0:
called_computation_lowered:
.L_overlay_start_0:
0x88: {  	s2 =	sld [smem:$0x3FD9]  }
0x89: {  	s3 =	sld [smem:$0x3FFE];
	_ =	sdelay $0x1  }
0x8a: {  	s1 =	srdreg.scid  }
0x8b: {  	s0 =	sand.u32 $0x1, s1  }
0x8c: {  	s17 =	sshll.u32 s0, $0xA;
	s2 =	sadd.s32 s3, s2  }
0x8d: {  	s2 =	sadd.s32 s2, s17  }
0x8e: {  	[smem:$0x3FBB] =	sst s2  }
0x8f: {  	_ = 	snop  }
0x90: {  	s2 =	sld [smem:$0x3FD0];
	(tm) =	ssettm $0x1  }
0x91: {  	s18 =	sld [smem:$0x3FFB];
	_ =	sdelay $0x3  }
0x92: {  	_ =	strace s18  }
0x93: {  	s3 =	sld [smem:$0x3FFC];
	_ =	sdelay $0x3  }
0x94: {  	_ =	strace s3  }
0x95: {  	s3 =	sld [smem:$0x3FFD];
	_ =	sdelay $0x3  }
0x96: {  	_ =	strace s3  }
0x97: {  	_ =	strace $0x8FFFFFFF  }
0x98: {  	s19 =	sld [smem:$0x3FDB];
	_ =	sdelay $0x1  }
0x99: {  	s4 =	simm.s32 $_scs_section_size  }
0x9a: {  	s5 =	simm.s32 $_size__tile_overlayer_lowered;
	s6 =	simm.s32 $_tile_overlayer_lowered  }
0x9b: {  	s22 =	simm.s32 $0x1BFF;
	s21 =	sshll.u32 s6, $0x1;
	s3 =	sadd.s32 s4, s19  }
0x9c: {  	s7 =	simm.s32 $0x0;
	s20 =	sshll.u32 s5, $0x1;
	s5 =	sadd.s32 s21, s3  }
0x9d: {  	[timem:s7], [sflag:s22] =	dma.local [hbm:s5], s20  }
0x9e: {  	_ =	swait.ge [sflag:s22], s20  }
0x9f: {  	s4 =	ssub.s32 $0x0, s20;
	[sflag:s22] =	ssyncset.done $0x0  }
0xa0: {  	[sflag:s22] =	ssyncadd.s32 s4;
	_ =	sdelay $0x1  }
0xa1: {  	s23 =	simm.s32 $0x1B8B  }
0xa2: {  	_ =	swait.ge [sflag:s23], $0x1  }
0xa3: {  	[sflag:s23] =	ssyncset.done $0x0  }
0xa4: {  	s25 =	simm.s32 $0x1B8E;
	s24 =	sld [smem:$0x3FFE];
	[sflag:s23] =	ssyncadd.s32 $0xFFFFFFFF  }
0xa5: {  	s26 =	simm.s32 $execute0_lowered;
	[smem:$0x3FD2] =	sst s25  }
0xa6: {  	s5 =	sshll.u32 s26, $0x1;
	_ =	strace $0x80000046;
	[dreg:$0x1] =	wrdreg $0xFFFFFFFF  }
0xa7: {  	s28 =	simm.s32 $_size_execute0_lowered;
	s3 =	sadd.s32 s3, s5;
	[dreg:$0x0] =	wrdreg $0x0  }
0xa8: {  	s5 =	sshll.u32 s28, $0x1;
	[dreg:$0x2] =	wrdreg s3  }
0xa9: {  	[dreg:$0x3] =	wrdreg s5  }
0xaa: {  	[dreg:$0x4] =	wrdreg $0xC0  }
0xab: {  	_ =	task [dreg:s7], $0x5FFFF  }
0xac: {  	[dreg:$0x1] =	wrdreg $0xFFFFFFFF  }
0xad: {  	[dreg:$0x0] =	wrdreg $0x60  }
0xae: {  	[dreg:$0x2] =	wrdreg s24  }
0xaf: {  	[dreg:$0x3] =	wrdreg s2  }
0xb0: {  	[dreg:$0x4] =	wrdreg $0x2BE80  }
0xb1: {  	[dreg:$0x5] =	wrdreg $0x9  }
0xb2: {  	_ =	task.clear_ibuf [dreg:s7], $0x6FFFF;
	_ =	strace $0x90000046  }
0xb3: {  	s29 =	simm.s32 $0x9;
	_ =	strace $0x80000048  }
0xb4: {  	_ =	swait.ge [sflag:s29], $0x1  }
0xb5: {  	[sflag:s29] =	ssyncadd.s32 $0xFFFFFFFF  }
0xb6: {  	_ =	strace $0x90000048  }
0xb7: {  	_ =	sfence  }
0xb8: {  	s30 =	sld [smem:$0x0];
	_ =	sdelay $0x2  }
0xb9: {  	s31 =	sshll.u32 s1, $0xD;
	s1 =	sshrl.u32 s1, $0x2  }
0xba: {  	s3 =	sand.u32 $0x4000, s31;
	s1 =	sadd.s32 s1, s30  }
0xbb: {  	s0 =	sor.u32 s3, s0;
	s1 =	sshll.u32 s1, $0x11  }
0xbc: {  	s0 =	sor.u32 s1, s0  }
0xbd: {  	s0 =	sadd.s32 $0x8F2B, s0  }
0xbe: {  	[sflag:s0] =	ssyncadd.remote.s32 $0x1  }
0xbf: {  	_ =	sfence.sel $0xFFFF  }
0xc0: {  	[dreg:$0x0] =	wrdreg $0xFFFFFFFF;
	(pc) =	sbr.abs _section_cstart, $3  }
0xc1: {  	[dreg:$0x1] =	wrdreg $0xFFFFFFFF  }
0xc2: {  	_ =	task.clear_ibuf [dreg:s7], $0x2FFFF;
	_ =	strace $0x9FFFFFFF  }
0xc3: {  	(tm) =	ssettm $0x7FFFFFFF  }
tec
execute0_lowered:
.L_overlay_start_1:
0x0: {  	(tag) =	ssettag $0x1  }
0x1: {  	s7 =	rddreg [dreg:$0x0]  }
0x2: {  	s2 =	rddreg [dreg:$0x1]  }
0x3: {  	s0 =	srdreg.scid;
	s3 =	rddreg [dreg:$0x2];
	s4 =	simm.s32 $0x0  }
0x4: {  	s17 =	simm.s32 $0x1;
	s18 =	simm.s32 $0x0;
	s5 =	sand.u32 $0x1, s0  }
0x5: {  	s0 =	stileid.u32;
	[smem:$0x7FF] =	sst s4;
	s13 =	sadd.s32 $0x10600, s7  }
0x6: {  	s14 =	sadd.s32 $0x12480, s3;
	s1 =	sshll.u32 s5, $0x4;
	s8 =	smul.u32 $0x1380, s0  }
0x7: {  	s10 =	ssub.s32 $0x2, s5;
	s12 =	smul.u32 $0x13880, s5;
	p0 =	seq.s32 s0, $0xF  }
0x8: {  	s6 =	sor.u32 s0, s1;
	s1 =	rddreg [dreg:$0x3];
	_ =	strace $0x80000047  }
0x9: {  	s11 =	sshrl.u32 s10, $0x1;
	s16 =	sshll.u32 @!p0 s0, $0x6;
	s6 =	smul.u32 $0x500, s6  }
0xa: {  	s9 =	sshrl.u32 s8, $0x3;
	s10 =	ssub.s32 s10, s11;
	s15 =	sadd.s32 s8, s3  }
0xb: {  	s8 =	sadd.s32 s8, s12;
	s31 =	sshrl.u32 s12, $0x3;
	s11 =	simm.s32 $0x2  }
0xc: {  	s12 =	simm.s32 $0x2800;
	s9 =	sadd.s32 s9, s7;
	s8 =	sshrl.u32 s8, $0x3  }
0xd: {  	s10 =	smax.u32 s10, $0x1;
	s15 =	sshrl.u32 @!p0 s15, $0x3;
	s6 =	sadd.s32 s6, s7  }
0xe: {  	s7 =	sadd.s32 $0x10290, s7;
	s8 =	sadd.s32 s13, s8;
	s5 =	sadd.s32 $0x3E00, s6  }
0xf: {  	s6 =	sadd.s32 $0xDE00, s9;
	s9 =	sadd.s32 s13, s31;
	s13 =	sshrl.u32 @p0 s14, $0x3  }
0x10: {  	s14 =	sor.u32 @!p0 $0x1C02, s16;
	s16 =	simm.s32 $0x7D;
	s9 =	sadd.s32 $0x2490, s9  }
.LBB2_1:
0x11: {  	[tilespmem:s4], [sflag:$0x2] =	stream.linear.gather [hbm4b:s5+s4], $0x2800, $0x38;
	[tilespmem:$0x3F70] =	vst v63  }
0x12: {  	_ =	swait.ge [sflag:s11], $0x2800  }
0x13: {  	[sflag:s11] =	ssyncset.done $0x0  }
0x14: {  	[sflag:s11] =	ssyncadd.s32 $0xFFFFD800  }
0x15: {  	[tilespmem:s12], [sflag:$0x2] =	stream.linear.gather [hbm4b:s2+s4], $0x3E8, $0x38;
	[tilespmem:$0x3F70] =	vst v63  }
0x16: {  	_ =	swait.ge [sflag:s11], $0x3E8  }
0x17: {  	[sflag:s11] =	ssyncset.done $0x0  }
0x18: {  	s19 =	simm.s32 @p0 $0x1FC2;
	[sflag:s11] =	ssyncadd.s32 $0xFFFFFC18  }
0x19: {  	[spmem:s13], [sflag:s19] =	dma.local @p0 [hbm:s7], $0x280  }
0x1a: {  	s19 =	simm.s32 @p0 $0x2  }
0x1b: {  	_ =	swait.ge @p0 [sflag:s19], $0x280  }
0x1c: {  	[sflag:s19] =	ssyncset.done @p0 $0x0  }
0x1d: {  	[sflag:s19] =	ssyncadd.s32 @p0 $0xFFFFFD80;
	s19 =	simm.s32 @!p0 $0x2  }
0x1e: {  	[spmem:s15], [sflag:s14] =	dma.local @!p0 [hbm:s6], $0x270  }
0x1f: {  	_ =	swait.ge @!p0 [sflag:s19], $0x270  }
0x20: {  	[sflag:s19] =	ssyncset.done @!p0 $0x0  }
0x21: {  	[sflag:s19] =	ssyncadd.s32 @!p0 $0xFFFFFD90  }
0x22: {  	s19 =	simm.s32 $0x0;
	[bflag:$0x0] =	sbarrier.arrive $0xFFFF  }
.LBB2_2:
0x23: {  	p1 =	sne.s32 s19, $0x9E00  }
.Ltmp0:
0x24: {  	_ = 	snop;
	(pc) =	sbr.rel @p1 .LBB2_2-.Ltmp0, $3  }
0x25: {  	_ =	sdelay $0x1  }
0x26: {  	s20 =	sshra.s32 s19, $0x2;
	s19 =	sadd.s32 $0x200, s19  }
0x27: {  	[spmem:s3] =	stream.indirect.scatter.add.f32 [tilespmem:s12], [sflag:$0x1], $0x8, s20, s16, $0xb8;
	[tilespmem:$0x3F70] =	vst v63  }
0x28: {  	_ =	swait.ge [sflag:s17], $0x3E8  }
0x29: {  	s19 =	simm.s32 $0x4F;
	[sflag:s17] =	ssyncset.done $0x0  }
.LBB2_4:
0x2a: {  	p1 =	sne.s32 s19, $0x1;
	s19 =	sadd.s32 $0xFFFFFFFF, s19;
	[sflag:s17] =	ssyncadd.s32 $0xFFFFFC18  }
.Ltmp1:
0x2b: {  	(pc) =	sbr.rel @p1 .LBB2_4-.Ltmp1, $3  }
0x2c: {  	_ =	sdelay $0x1  }
0x2d: {  	_ =	swait.ge [sflag:s17], $0x3E8  }
0x2e: {  	[sflag:s17] =	ssyncset.done $0x0  }
0x2f: {  	[sflag:s17] =	ssyncadd.s32 $0xFFFFFC18  }
0x30: {  	s19 =	simm.s32 @p0 $0x1FC2;
	[bflag:$0x0] =	sbarrier.arrive $0xFFFF  }
0x31: {  	[hbm:s9], [sflag:s19] =	dma.local @p0 [spmem:s13], $0x280  }
0x32: {  	s19 =	simm.s32 @p0 $0x2  }
0x33: {  	s18 =	sadd.s32 $0x1, s18;
	_ =	swait.ge @p0 [sflag:s19], $0x280  }
0x34: {  	p1 =	sne.s32 s18, s10;
	[sflag:s19] =	ssyncset.done @p0 $0x0  }
.Ltmp2:
0x35: {  	[sflag:s19] =	ssyncadd.s32 @p0 $0xFFFFFD80;
	s19 =	simm.s32 @!p0 $0x2;
	(pc) =	sbr.rel @p1 .LBB2_1-.Ltmp2, $4  }
0x36: {  	[hbm:s8], [sflag:s14] =	dma.local @!p0 [spmem:s15], $0x270  }
0x37: {  	_ =	swait.ge @!p0 [sflag:s19], $0x270  }
0x38: {  	[sflag:s19] =	ssyncset.done @!p0 $0x0  }
0x39: {  	[sflag:s19] =	ssyncadd.s32 @!p0 $0xFFFFFD90  }
0x3a: {  	_ =	sfence.sel $0x180000  }
0x3b: {  	[bflag:$0x0] =	sbarrier.arrive $0xFFFF  }
0x3c: {  	p0 =	sne.s32 s0, $0x0;
	_ =	strace $0x90000047  }
0x3d: {  	s0 =	sadd.s32 @!p0 $0x100000, s1;
	[bflag:$0x2] =	sbarrier.arrive $0xFFFF  }
0x3e: {  	[sflag:s0] =	ssyncadd.tile.s32 @!p0 $0x1;
	_ =	shalt  }
.Lfunc_end2:
_tile_overlayer_lowered:
.L_overlay_start_2:
0x3f: {  	(tag) =	ssettag $0x2  }
0x40: {  	s0 =	rddreg [dreg:$0x0];
	s2 =	stileid.u32  }
0x41: {  	s1 =	rddreg [dreg:$0x1];
	p0 =	sne.s32 s2, $0x0  }
0x42: {  	s3 =	rddreg [dreg:$0x2];
	[bflag:$0x3] =	sbarrier.arrive $0xFFFF;
	s2 =	simm.s32 @!p0 $0x1C02  }
0x43: {  	[timem:s3], [sflag:s2] =	dma.local @!p0 [hbm:s0], s1  }
0x44: {  	s0 =	simm.s32 @!p0 $0x2  }
0x45: {  	_ =	swait.ge @!p0 [sflag:s0], s1  }
0x46: {  	s1 =	ssub.s32 @!p0 $0x0, s1;
	[sflag:s0] =	ssyncset.done @!p0 $0x0  }
0x47: {  	[sflag:s0] =	ssyncadd.s32 @!p0 s1  }
0x48: {  	[bflag:$0x3] =	sbarrier.arrive $0xFFFF  }
0x49: {  	_ =	shalt  }

// kernel: kernel.13.cloned.1.call-start
scs
__scs_entry_jumppad:
0x0: {  	(pc) =	sbr.rel $0x88, $3  }
0x1: {  	(tag) =	ssettag $0x0;
	lr =	simm.s32 $0x1  }
0x2: {  	[smem:$0x3F94] =	sst lr;
	_ =	strace $0xD0000000  }
0x3: {  	_ = 	snop  }
0x4: {  	_ = 	snop  }
0x5: {  	_ = 	snop  }
0x6: {  	_ = 	snop  }
0x7: {  	_ = 	snop  }
__scs_overlays_trampoline_lowered:
0x8: {  	[smem:$0x3FA3] =	sst s0  }
0x9: {  	[smem:$0x3FA4] =	sst s1  }
0xa: {  	[smem:$0x3FA5] =	sst s2  }
0xb: {  	[smem:$0x3FA6] =	sst s3  }
0xc: {  	[smem:$0x3FA7] =	sst s4  }
0xd: {  	[smem:$0x3FA8] =	sst s5  }
0xe: {  	[smem:$0x3FA9] =	sst s6  }
0xf: {  	[smem:$0x3FAA] =	sst s7  }
0x10: {  	[smem:$0x3FAB] =	sst s8  }
0x11: {  	[smem:$0x3FAC] =	sst s9;
	s0 =	simm.s32 @!p0 $0x0  }
0x12: {  	s1 =	sld [smem:$0x3F92];
	s0 =	simm.s32 @p0 $0x1  }
0x13: {  	[smem:$0x3FAD] =	sst s0;
	s0 =	simm.s32 @!p1 $0x0  }
0x14: {  	s2 =	sld [smem:$0x3F91];
	s0 =	simm.s32 @p1 $0x1  }
0x15: {  	[smem:$0x3FAE] =	sst s0;
	s0 =	simm.s32 @!p2 $0x0  }
0x16: {  	s3 =	sld [smem:$0x3FDB];
	s0 =	simm.s32 @p2 $0x1  }
0x17: {  	s4 =	simm.s32 $0x1BF5;
	[smem:$0x3FB0] =	sst s0  }
0x18: {  	s0 =	sld [smem:$0x3F93];
	_ =	swait.ge [sflag:s4], $0x0  }
0x19: {  	s7 =	sld [smem:$0x3F94]  }
0x1a: {  	s8 =	sadd.s32 $0xFFFFE003, lr  }
0x1b: {  	s9 =	sadd.s32 $0xFFFFFEF7, lr;
	s5 =	simm.s32 $0xFFFFFFFF;
	p2 =	slt.u32 s8, $0xFFFFF086  }
0x1c: {  	p1 =	slt.u32 s9, $0xF7A;
	s5 =	simm.s32 @!p2 $0x0  }
0x1d: {  	s5 =	simm.s32 @p1 $0x1;
	p0 =	seq.s32 s7, s2  }
0x1e: {  	s7 =	smul.u32 @!p0 $0xF7A, s2;
	p2 =	seq.s32 @!p0 s5, $0x0  }
0x1f: {  	s9 =	smul.u32 $0xF7A, s1;
	s8 =	simm.s32 @!p0 $0x1BF5;
	p2 =	por !p2, p0  }
0x20: {  	[sflag:s8] =	ssyncset.s32 @!p0 $0xFFFFF086;
	s6 =	sadd.s32 @!p0 s3, s7;
	s7 =	simm.s32 @!p0 $0x108  }
0x21: {  	s3 =	sadd.s32 s3, s9;
	s6 =	sadd.s32 @!p0 $0x88, s6;
	s7 =	simm.s32 @p2 $0x1082  }
0x22: {  	[simem:s7], [sflag:s8] =	dma.local @!p0 [hbm:s6], $0xF7A  }
0x23: {  	s9 =	sor.u32 $0xD0000000, s2;
	s6 =	simm.s32 $0x108;
	_ =	swait.ge @!p0 [sflag:s8], $0x0  }
0x24: {  	s3 =	sadd.s32 $0x88, s3;
	s6 =	simm.s32 @!p1 $0x1082;
	[sflag:s4] =	ssyncset.s32 $0xFFFFF086  }
0x25: {  	[simem:s6], [sflag:s4] =	dma.local [hbm:s3], $0xF7A  }
0x26: {  	[smem:$0x3F94] =	sst s1;
	(tag) =	ssettag s2;
	_ =	strace s9  }
0x27: {  	s1 =	sld [smem:$0x3FA4]  }
0x28: {  	s2 =	sld [smem:$0x3FA5]  }
0x29: {  	s4 =	sld [smem:$0x3FA7]  }
0x2a: {  	p0 =	seq.s32 s5, $0x0;
	s5 =	sld [smem:$0x3FA8]  }
0x2b: {  	s6 =	sld [smem:$0x3FA9]  }
0x2c: {  	s7 =	sld [smem:$0x3FAA]  }
0x2d: {  	s3 =	simm.s32 $0x108;
	s8 =	sld [smem:$0x3FAB]  }
0x2e: {  	s3 =	simm.s32 @!p0 $0x1082;
	s9 =	sld [smem:$0x3FAC]  }
0x2f: {  	lr =	sadd.s32 s0, s3;
	s0 =	sld [smem:$0x3FA3]  }
0x30: {  	s3 =	sld [smem:$0x3FA6]  }
0x31: {  	[smem:$0x3FAF] =	sst s10  }
0x32: {  	s10 =	sld [smem:$0x3FAD];
	_ =	sdelay $0x3  }
0x33: {  	p0 =	seq.s32 s10, $0x1;
	s10 =	sld [smem:$0x3FAF];
	_ =	sdelay $0x3  }
0x34: {  	[smem:$0x3FAF] =	sst s10  }
0x35: {  	s10 =	sld [smem:$0x3FAE];
	_ =	sdelay $0x3  }
0x36: {  	p1 =	seq.s32 s10, $0x1;
	s10 =	sld [smem:$0x3FAF];
	_ =	sdelay $0x3  }
0x37: {  	[smem:$0x3FAF] =	sst s10  }
0x38: {  	s10 =	sld [smem:$0x3FB0]  }
0x39: {  	_ = 	snop;
	(pc) =	sbr.ind lr, $3  }
0x3a: {  	_ = 	snop  }
0x3b: {  	_ = 	snop  }
0x3c: {  	p2 =	seq.s32 s10, $0x1;
	s10 =	sld [smem:$0x3FAF]  }
0x3d: {  	_ =	shalt  }
0x3e: {  	_ =	shalt  }
0x3f: {  	_ =	shalt  }
0x40: {  	_ =	shalt  }
0x41: {  	_ =	shalt  }
0x42: {  	_ =	shalt  }
0x43: {  	_ =	shalt  }
0x44: {  	_ =	shalt  }
0x45: {  	_ =	shalt  }
0x46: {  	_ =	shalt  }
0x47: {  	_ =	shalt  }
0x48: {  	_ =	shalt  }
0x49: {  	_ =	shalt  }
0x4a: {  	_ =	shalt  }
0x4b: {  	_ =	shalt  }
0x4c: {  	_ =	shalt  }
0x4d: {  	_ =	shalt  }
0x4e: {  	_ =	shalt  }
0x4f: {  	_ =	shalt  }
0x50: {  	_ =	shalt  }
0x51: {  	_ =	shalt  }
0x52: {  	_ =	shalt  }
0x53: {  	_ =	shalt  }
0x54: {  	_ =	shalt  }
0x55: {  	_ =	shalt  }
0x56: {  	_ =	shalt  }
0x57: {  	_ =	shalt  }
0x58: {  	_ =	shalt  }
0x59: {  	_ =	shalt  }
0x5a: {  	_ =	shalt  }
0x5b: {  	_ =	shalt  }
0x5c: {  	_ =	shalt  }
0x5d: {  	_ =	shalt  }
0x5e: {  	_ =	shalt  }
0x5f: {  	_ =	shalt  }
0x60: {  	_ =	shalt  }
0x61: {  	_ =	shalt  }
0x62: {  	_ =	shalt  }
0x63: {  	_ =	shalt  }
0x64: {  	_ =	shalt  }
0x65: {  	_ =	shalt  }
0x66: {  	_ =	shalt  }
0x67: {  	_ =	shalt  }
0x68: {  	_ =	shalt  }
0x69: {  	_ =	shalt  }
0x6a: {  	_ =	shalt  }
0x6b: {  	_ =	shalt  }
0x6c: {  	_ =	shalt  }
0x6d: {  	_ =	shalt  }
0x6e: {  	_ =	shalt  }
0x6f: {  	_ =	shalt  }
0x70: {  	_ =	shalt  }
0x71: {  	_ =	shalt  }
0x72: {  	_ =	shalt  }
0x73: {  	_ =	shalt  }
0x74: {  	_ =	shalt  }
0x75: {  	_ =	shalt  }
0x76: {  	_ =	shalt  }
0x77: {  	_ =	shalt  }
0x78: {  	_ =	shalt  }
0x79: {  	_ =	shalt  }
0x7a: {  	_ =	shalt  }
0x7b: {  	_ =	shalt  }
0x7c: {  	_ =	shalt  }
0x7d: {  	_ =	shalt  }
0x7e: {  	_ =	shalt  }
0x7f: {  	_ =	shalt  }
0x80: {  	_ =	shalt  }
0x81: {  	_ =	shalt  }
0x82: {  	_ =	shalt  }
0x83: {  	_ =	shalt  }
0x84: {  	_ =	shalt  }
0x85: {  	_ =	shalt  }
0x86: {  	_ =	shalt  }
0x87: {  	_ =	shalt  }
.Lfunc_end0:
.L_simem_size_0:
called_computation.1_lowered:
.L_overlay_start_0:
0x88: {  	s2 =	sld [smem:$0x3FD9]  }
0x89: {  	s3 =	sld [smem:$0x3FFE];
	_ =	sdelay $0x1  }
0x8a: {  	s1 =	srdreg.scid  }
0x8b: {  	s0 =	sand.u32 $0x1, s1  }
0x8c: {  	s16 =	sshll.u32 s0, $0xA;
	s2 =	sadd.s32 s3, s2  }
0x8d: {  	s2 =	sadd.s32 s2, s16  }
0x8e: {  	[smem:$0x3FBB] =	sst s2  }
0x8f: {  	_ = 	snop  }
0x90: {  	(tm) =	ssettm $0x1  }
0x91: {  	s17 =	sld [smem:$0x3FFB];
	_ =	sdelay $0x3  }
0x92: {  	_ =	strace s17  }
0x93: {  	s2 =	sld [smem:$0x3FFC];
	_ =	sdelay $0x3  }
0x94: {  	_ =	strace s2  }
0x95: {  	s2 =	sld [smem:$0x3FFD];
	_ =	sdelay $0x3  }
0x96: {  	_ =	strace s2  }
0x97: {  	_ =	strace $0x8FFFFFFF  }
0x98: {  	s18 =	sld [smem:$0x3FDB];
	_ =	sdelay $0x1  }
0x99: {  	s19 =	simm.s32 $_scs_section_size  }
0x9a: {  	s4 =	simm.s32 $_size__tile_overlayer_lowered;
	s5 =	simm.s32 $_tile_overlayer_lowered  }
0x9b: {  	s22 =	simm.s32 $0x1BFF;
	s21 =	sshll.u32 s5, $0x1;
	s2 =	sadd.s32 s19, s18  }
0x9c: {  	s6 =	simm.s32 $0x0;
	s20 =	sshll.u32 s4, $0x1;
	s4 =	sadd.s32 s21, s2  }
0x9d: {  	[timem:s6], [sflag:s22] =	dma.local [hbm:s4], s20  }
0x9e: {  	_ =	swait.ge [sflag:s22], s20  }
0x9f: {  	s3 =	ssub.s32 $0x0, s20;
	[sflag:s22] =	ssyncset.done $0x0  }
0xa0: {  	[sflag:s22] =	ssyncadd.s32 s3;
	_ =	sdelay $0x1  }
0xa1: {  	s23 =	simm.s32 $0x1B8B  }
0xa2: {  	_ =	swait.ge [sflag:s23], $0x1  }
0xa3: {  	[sflag:s23] =	ssyncset.done $0x0  }
0xa4: {  	s25 =	simm.s32 $0x1B8E;
	s24 =	sld [smem:$0x3FFE];
	[sflag:s23] =	ssyncadd.s32 $0xFFFFFFFF  }
0xa5: {  	s26 =	simm.s32 $execute0_lowered;
	[smem:$0x3FD2] =	sst s25  }
0xa6: {  	s4 =	sshll.u32 s26, $0x1;
	_ =	strace $0x80000049;
	[dreg:$0x1] =	wrdreg $0xFFFFFFFF  }
0xa7: {  	s28 =	simm.s32 $_size_execute0_lowered;
	s2 =	sadd.s32 s2, s4;
	[dreg:$0x0] =	wrdreg $0x0  }
0xa8: {  	s4 =	sshll.u32 s28, $0x1;
	[dreg:$0x2] =	wrdreg s2  }
0xa9: {  	[dreg:$0x3] =	wrdreg s4  }
0xaa: {  	[dreg:$0x4] =	wrdreg $0xC0  }
0xab: {  	_ =	task [dreg:s6], $0x5FFFF  }
0xac: {  	[dreg:$0x1] =	wrdreg $0xFFFFFFFF  }
0xad: {  	[dreg:$0x0] =	wrdreg $0x60  }
0xae: {  	[dreg:$0x2] =	wrdreg s24  }
0xaf: {  	[dreg:$0x3] =	wrdreg $0x11D000  }
0xb0: {  	[dreg:$0x4] =	wrdreg $0x9  }
0xb1: {  	_ =	task.clear_ibuf [dreg:s6], $0x5FFFF;
	_ =	strace $0x90000049  }
0xb2: {  	s29 =	simm.s32 $0x9;
	_ =	strace $0x8000004B  }
0xb3: {  	_ =	swait.ge [sflag:s29], $0x1  }
0xb4: {  	[sflag:s29] =	ssyncadd.s32 $0xFFFFFFFF  }
0xb5: {  	_ =	strace $0x9000004B  }
0xb6: {  	_ =	sfence  }
0xb7: {  	s30 =	sld [smem:$0x0];
	_ =	sdelay $0x2  }
0xb8: {  	s31 =	sshll.u32 s1, $0xD;
	s1 =	sshrl.u32 s1, $0x2  }
0xb9: {  	s3 =	sand.u32 $0x4000, s31;
	s1 =	sadd.s32 s1, s30  }
0xba: {  	s0 =	sor.u32 s3, s0;
	s1 =	sshll.u32 s1, $0x11  }
0xbb: {  	s0 =	sor.u32 s1, s0  }
0xbc: {  	s0 =	sadd.s32 $0x8F2B, s0  }
0xbd: {  	[sflag:s0] =	ssyncadd.remote.s32 $0x1  }
0xbe: {  	_ =	sfence.sel $0xFFFF  }
0xbf: {  	[dreg:$0x0] =	wrdreg $0xFFFFFFFF;
	(pc) =	sbr.abs _section_cstart, $3  }
0xc0: {  	[dreg:$0x1] =	wrdreg $0xFFFFFFFF  }
0xc1: {  	_ =	task.clear_ibuf [dreg:s6], $0x2FFFF;
	_ =	strace $0x9FFFFFFF  }
0xc2: {  	(tm) =	ssettm $0x7FFFFFFF  }
0xc3: {  	_ =	shalt  }
tec
execute0_lowered:
.L_overlay_start_1:
0x0: {  	(tag) =	ssettag $0x1  }
0x1: {  	s0 =	rddreg [dreg:$0x0]  }
0x2: {  	s2 =	rddreg [dreg:$0x1]  }
0x3: {  	s3 =	simm.s32 $0x0;
	s13 =	stileid.u32;
	s1 =	srdreg.scid  }
0x4: {  	s17 =	simm.s32 $0x5000;
	s28 =	simm.s32 $0x4;
	s30 =	simm.s32 $0xDE80  }
0x5: {  	s31 =	simm.s32 $0x1;
	s29 =	simm.s32 $0x7;
	s15 =	simm.s32 $0x8  }
0x6: {  	s14 =	simm.s32 $0x9F80;
	[smem:$0x7FF] =	sst s3;
	s8 =	smul.u32 $0x9C00, s13  }
0x7: {  	s1 =	sand.u32 $0x1, s1;
	s4 =	sadd.s32 $0x81200, s0;
	s6 =	smul.u32 $0xA00, s13  }
0x8: {  	s5 =	sadd.s32 $0x6D800, s0;
	s22 =	sadd.s32 $0x93680, s0;
	s24 =	sadd.s32 $0xBAA80, s0  }
0x9: {  	s25 =	sadd.s32 $0x7FC80, s0;
	_ =	strace $0x8000004A;
	[dreg:$0x4] =	wrdreg s22  }
0xa: {  	p1 =	seq.s32 s13, $0xF;
	s7 =	ssub.s32 $0x2, s1;
	[dreg:$0x6] =	wrdreg s24  }
0xb: {  	p0 =	seq.s32 s1, $0x1;
	[dreg:$0x8] =	wrdreg s25;
	s19 =	sshll.u32 @!p1 s13, $0x6  }
0xc: {  	s22 =	simm.s32 $0x3;
	s24 =	simm.s32 $0xA000;
	s9 =	sshrl.u32 s8, $0x3  }
0xd: {  	s10 =	sshrl.u32 s7, $0x1;
	s11 =	sadd.s32 s6, s0;
	s1 =	sadd.s32 s8, s2  }
0xe: {  	s8 =	sadd.s32 $0x92400, s2;
	s20 =	sor.u32 @!p1 $0x1C05, s19;
	s12 =	sadd.s32 s9, s0  }
0xf: {  	s10 =	ssub.s32 s7, s10;
	s6 =	sadd.s32 $0x15600, s11;
	s7 =	sadd.s32 $0x3E00, s11  }
0x10: {  	s21 =	sadd.s32 s4, s9;
	s9 =	sadd.s32 s5, s9;
	s0 =	sadd.s32 $0xA7080, s0  }
0x11: {  	s18 =	sshrl.u32 @p1 s8, $0x3;
	s8 =	simm.s32 $0x2;
	[dreg:$0x3] =	wrdreg s21  }
.Ltmp0:
0x12: {  	s23 =	sadd.s32 $0xA8600, s12;
	[dreg:$0x7] =	wrdreg s9;
	(pc) =	sbr.rel .LBB2_1-.Ltmp0, $4  }
0x13: {  	s26 =	sadd.s32 $0x94C00, s12;
	[dreg:$0xa] =	wrdreg s0;
	s16 =	smax.u32 s10, $0x1  }
0x14: {  	s21 =	sshrl.u32 @!p1 s1, $0x3;
	s1 =	simm.s32 $0xFDC0;
	s10 =	simm.s32 $0x5  }
0x15: {  	s12 =	simm.s32 $0x6;
	s0 =	simm.s32 $0x0;
	[dreg:$0x5] =	wrdreg s23  }
0x16: {  	[dreg:$0x9] =	wrdreg s26;
	s23 =	simm.s32 $0x7D;
	s26 =	simm.s32 $0xBF40  }
.LBB2_7:
0x17: {  	[spmem:s2] =	stream.indirect.scatter.add.f32 [tilespmem:s1], [sflag:$0x8], $0x40, s25, s23, $0xb8;
	[tilespmem:$0x1B940] =	vst v63  }
0x18: {  	_ =	swait.ge [sflag:s29], $0x1F40  }
0x19: {  	[sflag:s29] =	ssyncset.done $0x0  }
0x1a: {  	s11 =	simm.s32 $0x4F00;
	[sflag:s29] =	ssyncadd.s32 $0xFFFFE0C0  }
0x1b: {  	[tilespmem:s30], [sflag:$0x3] =	stream.indirect.gather [hbm4b:s5+s23], $0x40, s11, s23, $0xb8;
	[tilespmem:$0x1B940] =	vst v63  }
0x1c: {  	_ =	swait.ge [sflag:s31], $0x1F40  }
0x1d: {  	[sflag:s31] =	ssyncset.done $0x0  }
0x1e: {  	s13 =	simm.s32 $0x9E00;
	[sflag:s31] =	ssyncadd.s32 $0xFFFFE0C0  }
0x1f: {  	[spmem:s2] =	stream.indirect.scatter.add.f32 [tilespmem:s24], [sflag:$0x5], $0x40, s13, s23, $0xb8;
	[tilespmem:$0x1B940] =	vst v63  }
0x20: {  	_ =	swait.ge [sflag:s15], $0x1F40  }
0x21: {  	[sflag:s15] =	ssyncset.done $0x0  }
0x22: {  	s25 =	simm.s32 $0x4F80;
	[sflag:s15] =	ssyncadd.s32 $0xFFFFE0C0  }
0x23: {  	[tilespmem:s1], [sflag:$0x4] =	stream.indirect.gather [hbm4b:s5+s23], $0x40, s25, s23, $0xb8;
	[tilespmem:$0x1B940] =	vst v63  }
0x24: {  	_ =	swait.ge [sflag:s8], $0x1F40  }
0x25: {  	[sflag:s8] =	ssyncset.done $0x0  }
0x26: {  	s13 =	simm.s32 $0x9E80;
	[sflag:s8] =	ssyncadd.s32 $0xFFFFE0C0  }
0x27: {  	[spmem:s2] =	stream.indirect.scatter.add.f32 [tilespmem:s26], [sflag:$0x6], $0x40, s13, s23, $0xb8;
	[tilespmem:$0x1B940] =	vst v63  }
0x28: {  	_ =	swait.ge [sflag:s22], $0x1F40  }
0x29: {  	[sflag:s22] =	ssyncset.done $0x0  }
0x2a: {  	s25 =	simm.s32 $0x9F00;
	[sflag:s22] =	ssyncadd.s32 $0xFFFFE0C0  }
0x2b: {  	[spmem:s2] =	stream.indirect.scatter.add.f32 [tilespmem:s30], [sflag:$0x7], $0x40, s25, s23, $0xb8;
	[tilespmem:$0x1B940] =	vst v63  }
0x2c: {  	_ =	swait.ge [sflag:s28], $0x1F40  }
0x2d: {  	[sflag:s28] =	ssyncset.done $0x0  }
0x2e: {  	[sflag:s28] =	ssyncadd.s32 $0xFFFFE0C0  }
0x2f: {  	[spmem:s2] =	stream.indirect.scatter.add.f32 [tilespmem:s1], [sflag:$0x8], $0x40, s14, s23, $0xb8;
	[tilespmem:$0x1B940] =	vst v63  }
0x30: {  	_ =	swait.ge [sflag:s10], $0x1F40  }
0x31: {  	[sflag:s10] =	ssyncset.done $0x0  }
0x32: {  	[sflag:s10] =	ssyncadd.s32 $0xFFFFE0C0  }
0x33: {  	_ =	swait.ge [sflag:s12], $0x1F40  }
0x34: {  	[sflag:s12] =	ssyncset.done $0x0  }
0x35: {  	[sflag:s12] =	ssyncadd.s32 $0xFFFFE0C0  }
0x36: {  	_ =	swait.ge [sflag:s29], $0x1F40  }
0x37: {  	[sflag:s29] =	ssyncset.done $0x0  }
0x38: {  	[sflag:s29] =	ssyncadd.s32 $0xFFFFE0C0  }
0x39: {  	_ =	swait.ge [sflag:s15], $0x1F40  }
0x3a: {  	[sflag:s15] =	ssyncset.done $0x0  }
0x3b: {  	[sflag:s15] =	ssyncadd.s32 $0xFFFFE0C0  }
0x3c: {  	[bflag:$0x0] =	sbarrier.arrive $0xFFFF  }
0x3d: {  	s11 =	simm.s32 @p1 $0x1FC9;
	s13 =	rddreg [dreg:$0xa]  }
0x3e: {  	[hbm:s13], [sflag:s11] =	dma.local @p1 [spmem:s18], $0x1400  }
0x3f: {  	s11 =	simm.s32 @p1 $0x9  }
0x40: {  	_ =	swait.ge @p1 [sflag:s11], $0x1400  }
0x41: {  	[sflag:s11] =	ssyncset.done @p1 $0x0  }
0x42: {  	[sflag:s11] =	ssyncadd.s32 @p1 $0xFFFFEC00;
	s11 =	rddreg [dreg:$0x9]  }
0x43: {  	[hbm:s11], [sflag:s9] =	dma.local @!p1 [spmem:s21], $0x1380  }
0x44: {  	s9 =	simm.s32 @!p1 $0x9  }
0x45: {  	_ =	swait.ge @!p1 [sflag:s9], $0x1380  }
0x46: {  	[sflag:s9] =	ssyncset.done @!p1 $0x0  }
0x47: {  	[sflag:s9] =	ssyncadd.s32 @!p1 $0xFFFFEC80  }
.LBB2_8:
0x48: {  	s0 =	sadd.s32 $0x1, s0  }
0x49: {  	p2 =	sne.s32 s0, s16  }
.Ltmp1:
0x4a: {  	_ = 	snop;
	(pc) =	sbr.rel @!p2 .LBB2_9-.Ltmp1, $1  }
0x4b: {  	_ =	sdelay $0x3  }
.LBB2_1:
.Ltmp2:
0x4c: {  	(pc) =	sbr.rel @!p0 .LBB2_2-.Ltmp2, $4  }
0x4d: {  	_ = 	snop  }
0x4e: {  	[tilespmem:s3], [sflag:$0x3] =	stream.linear.gather [hbm4b:s6+s3], $0x5000, $0x38;
	[tilespmem:$0x1B940] =	vst v63  }
0x4f: {  	s9 =	sor.u32 @!p1 $0x1C09, s19  }
0x50: {  	[tilespmem:s17], [sflag:$0x4] =	stream.linear.gather [hbm4b:s7+s3], $0x5000, $0x38;
	[tilespmem:$0x1B940] =	vst v63  }
0x51: {  	s11 =	simm.s32 @p1 $0x1FC5;
	s13 =	rddreg [dreg:$0x8]  }
0x52: {  	[spmem:s18], [sflag:s11] =	dma.local @p1 [hbm:s13], $0x1400  }
0x53: {  	s11 =	rddreg [dreg:$0x7]  }
0x54: {  	[spmem:s21], [sflag:s20] =	dma.local @!p1 [hbm:s11], $0x1380  }
0x55: {  	_ =	swait.ge [sflag:s22], $0x5000  }
0x56: {  	[sflag:s22] =	ssyncset.done $0x0  }
0x57: {  	[sflag:s22] =	ssyncadd.s32 $0xFFFFB000  }
0x58: {  	[tilespmem:s24], [sflag:$0x1] =	stream.indirect.gather [hbm4b:s5+s23], $0x40, s3, s23, $0xb8;
	[tilespmem:$0x1B940] =	vst v63  }
0x59: {  	s25 =	simm.s32 $0x80  }
0x5a: {  	[tilespmem:s26], [sflag:$0x2] =	stream.indirect.gather [hbm4b:s5+s23], $0x40, s25, s23, $0xb8;
	[tilespmem:$0x1B940] =	vst v63  }
0x5b: {  	_ =	swait.ge [sflag:s28], $0x5000  }
0x5c: {  	[sflag:s28] =	ssyncset.done $0x0  }
0x5d: {  	s11 =	simm.s32 @p1 $0x5;
	[sflag:s28] =	ssyncadd.s32 $0xFFFFB000  }
0x5e: {  	_ =	swait.ge @p1 [sflag:s11], $0x1400  }
0x5f: {  	[sflag:s11] =	ssyncset.done @p1 $0x0  }
0x60: {  	[sflag:s11] =	ssyncadd.s32 @p1 $0xFFFFEC00;
	s11 =	simm.s32 @!p1 $0x5  }
0x61: {  	_ =	swait.ge @!p1 [sflag:s11], $0x1380  }
0x62: {  	[sflag:s11] =	ssyncset.done @!p1 $0x0  }
0x63: {  	[sflag:s11] =	ssyncadd.s32 @!p1 $0xFFFFEC80  }
0x64: {  	s13 =	simm.s32 $0x100;
	[bflag:$0x0] =	sbarrier.arrive $0xFFFF  }
0x65: {  	[tilespmem:s30], [sflag:$0x3] =	stream.indirect.gather [hbm4b:s5+s23], $0x40, s13, s23, $0xb8;
	[tilespmem:$0x1B940] =	vst v63  }
0x66: {  	_ =	swait.ge [sflag:s31], $0x1F40  }
0x67: {  	[sflag:s31] =	ssyncset.done $0x0  }
0x68: {  	[sflag:s31] =	ssyncadd.s32 $0xFFFFE0C0  }
0x69: {  	[spmem:s2] =	stream.indirect.scatter.add.f32 [tilespmem:s24], [sflag:$0x5], $0x40, s17, s23, $0xb8;
	[tilespmem:$0x1B940] =	vst v63  }
0x6a: {  	s25 =	simm.s32 $0x180  }
0x6b: {  	[tilespmem:s1], [sflag:$0x4] =	stream.indirect.gather [hbm4b:s5+s23], $0x40, s25, s23, $0xb8;
	[tilespmem:$0x1B940] =	vst v63  }
0x6c: {  	_ =	swait.ge [sflag:s8], $0x1F40  }
0x6d: {  	[sflag:s8] =	ssyncset.done $0x0  }
0x6e: {  	s13 =	simm.s32 $0x5080;
	[sflag:s8] =	ssyncadd.s32 $0xFFFFE0C0  }
0x6f: {  	[spmem:s2] =	stream.indirect.scatter.add.f32 [tilespmem:s26], [sflag:$0x6], $0x40, s13, s23, $0xb8;
	[tilespmem:$0x1B940] =	vst v63  }
0x70: {  	_ =	swait.ge [sflag:s10], $0x1F40  }
0x71: {  	[sflag:s10] =	ssyncset.done $0x0  }
0x72: {  	s25 =	simm.s32 $0x200;
	[sflag:s10] =	ssyncadd.s32 $0xFFFFE0C0  }
0x73: {  	[tilespmem:s24], [sflag:$0x1] =	stream.indirect.gather [hbm4b:s5+s23], $0x40, s25, s23, $0xb8;
	[tilespmem:$0x1B940] =	vst v63  }
0x74: {  	_ =	swait.ge [sflag:s22], $0x1F40  }
0x75: {  	[sflag:s22] =	ssyncset.done $0x0  }
0x76: {  	s13 =	simm.s32 $0x5100;
	[sflag:s22] =	ssyncadd.s32 $0xFFFFE0C0  }
0x77: {  	[spmem:s2] =	stream.indirect.scatter.add.f32 [tilespmem:s30], [sflag:$0x7], $0x40, s13, s23, $0xb8;
	[tilespmem:$0x1B940] =	vst v63  }
0x78: {  	_ =	swait.ge [sflag:s12], $0x1F40  }
0x79: {  	[sflag:s12] =	ssyncset.done $0x0  }
0x7a: {  	s25 =	simm.s32 $0x280;
	[sflag:s12] =	ssyncadd.s32 $0xFFFFE0C0  }
0x7b: {  	[tilespmem:s26], [sflag:$0x2] =	stream.indirect.gather [hbm4b:s5+s23], $0x40, s25, s23, $0xb8;
	[tilespmem:$0x1B940] =	vst v63  }
0x7c: {  	_ =	swait.ge [sflag:s28], $0x1F40  }
0x7d: {  	[sflag:s28] =	ssyncset.done $0x0  }
0x7e: {  	s13 =	simm.s32 $0x5180;
	[sflag:s28] =	ssyncadd.s32 $0xFFFFE0C0  }
0x7f: {  	[spmem:s2] =	stream.indirect.scatter.add.f32 [tilespmem:s1], [sflag:$0x8], $0x40, s13, s23, $0xb8;
	[tilespmem:$0x1B940] =	vst v63  }
0x80: {  	_ =	swait.ge [sflag:s29], $0x1F40  }
0x81: {  	[sflag:s29] =	ssyncset.done $0x0  }
0x82: {  	s25 =	simm.s32 $0x300;
	[sflag:s29] =	ssyncadd.s32 $0xFFFFE0C0  }
0x83: {  	[tilespmem:s30], [sflag:$0x3] =	stream.indirect.gather [hbm4b:s5+s23], $0x40, s25, s23, $0xb8;
	[tilespmem:$0x1B940] =	vst v63  }
0x84: {  	_ =	swait.ge [sflag:s31], $0x1F40  }
0x85: {  	[sflag:s31] =	ssyncset.done $0x0  }
0x86: {  	s13 =	simm.s32 $0x5200;
	[sflag:s31] =	ssyncadd.s32 $0xFFFFE0C0  }
0x87: {  	[spmem:s2] =	stream.indirect.scatter.add.f32 [tilespmem:s24], [sflag:$0x5], $0x40, s13, s23, $0xb8;
	[tilespmem:$0x1B940] =	vst v63  }
0x88: {  	_ =	swait.ge [sflag:s15], $0x1F40  }
0x89: {  	[sflag:s15] =	ssyncset.done $0x0  }
0x8a: {  	s25 =	simm.s32 $0x380;
	[sflag:s15] =	ssyncadd.s32 $0xFFFFE0C0  }
0x8b: {  	[tilespmem:s1], [sflag:$0x4] =	stream.indirect.gather [hbm4b:s5+s23], $0x40, s25, s23, $0xb8;
	[tilespmem:$0x1B940] =	vst v63  }
0x8c: {  	_ =	swait.ge [sflag:s8], $0x1F40  }
0x8d: {  	[sflag:s8] =	ssyncset.done $0x0  }
0x8e: {  	s13 =	simm.s32 $0x5280;
	[sflag:s8] =	ssyncadd.s32 $0xFFFFE0C0  }
0x8f: {  	[spmem:s2] =	stream.indirect.scatter.add.f32 [tilespmem:s26], [sflag:$0x6], $0x40, s13, s23, $0xb8;
	[tilespmem:$0x1B940] =	vst v63  }
0x90: {  	_ =	swait.ge [sflag:s10], $0x1F40  }
0x91: {  	[sflag:s10] =	ssyncset.done $0x0  }
0x92: {  	s25 =	simm.s32 $0x400;
	[sflag:s10] =	ssyncadd.s32 $0xFFFFE0C0  }
0x93: {  	[tilespmem:s24], [sflag:$0x1] =	stream.indirect.gather [hbm4b:s5+s23], $0x40, s25, s23, $0xb8;
	[tilespmem:$0x1B940] =	vst v63  }
0x94: {  	_ =	swait.ge [sflag:s22], $0x1F40  }
0x95: {  	[sflag:s22] =	ssyncset.done $0x0  }
0x96: {  	s13 =	simm.s32 $0x5300;
	[sflag:s22] =	ssyncadd.s32 $0xFFFFE0C0  }
0x97: {  	[spmem:s2] =	stream.indirect.scatter.add.f32 [tilespmem:s30], [sflag:$0x7], $0x40, s13, s23, $0xb8;
	[tilespmem:$0x1B940] =	vst v63  }
0x98: {  	_ =	swait.ge [sflag:s12], $0x1F40  }
0x99: {  	[sflag:s12] =	ssyncset.done $0x0  }
0x9a: {  	s25 =	simm.s32 $0x480;
	[sflag:s12] =	ssyncadd.s32 $0xFFFFE0C0  }
0x9b: {  	[tilespmem:s26], [sflag:$0x2] =	stream.indirect.gather [hbm4b:s5+s23], $0x40, s25, s23, $0xb8;
	[tilespmem:$0x1B940] =	vst v63  }
0x9c: {  	_ =	swait.ge [sflag:s28], $0x1F40  }
0x9d: {  	[sflag:s28] =	ssyncset.done $0x0  }
0x9e: {  	s11 =	simm.s32 $0x800;
	s25 =	simm.s32 $0x5380;
	[sflag:s28] =	ssyncadd.s32 $0xFFFFE0C0  }
.LBB2_6:
0x9f: {  	[spmem:s2] =	stream.indirect.scatter.add.f32 [tilespmem:s1], [sflag:$0x8], $0x40, s25, s23, $0xb8;
	[tilespmem:$0x1B940] =	vst v63  }
0xa0: {  	s13 =	smov.u32 s11  }
0xa1: {  	p2 =	sne.s32 s11, $0x12800;
	s11 =	sadd.s32 $0x800, s11;
	_ =	swait.ge [sflag:s29], $0x1F40  }
0xa2: {  	s25 =	sshra.s32 s13, $0x2;
	[sflag:s29] =	ssyncset.done $0x0  }
0xa3: {  	s13 =	sadd.s32 $0x300, s25;
	[sflag:s29] =	ssyncadd.s32 $0xFFFFE0C0  }
0xa4: {  	[tilespmem:s30], [sflag:$0x3] =	stream.indirect.gather [hbm4b:s5+s23], $0x40, s13, s23, $0xb8;
	[tilespmem:$0x1B940] =	vst v63  }
0xa5: {  	_ =	swait.ge [sflag:s31], $0x1F40  }
0xa6: {  	[sflag:s31] =	ssyncset.done $0x0  }
0xa7: {  	s13 =	sadd.s32 $0x5200, s25;
	[sflag:s31] =	ssyncadd.s32 $0xFFFFE0C0  }
0xa8: {  	[spmem:s2] =	stream.indirect.scatter.add.f32 [tilespmem:s24], [sflag:$0x5], $0x40, s13, s23, $0xb8;
	[tilespmem:$0x1B940] =	vst v63  }
0xa9: {  	_ =	swait.ge [sflag:s15], $0x1F40  }
0xaa: {  	[sflag:s15] =	ssyncset.done $0x0  }
0xab: {  	s13 =	sadd.s32 $0x380, s25;
	[sflag:s15] =	ssyncadd.s32 $0xFFFFE0C0  }
0xac: {  	[tilespmem:s1], [sflag:$0x4] =	stream.indirect.gather [hbm4b:s5+s23], $0x40, s13, s23, $0xb8;
	[tilespmem:$0x1B940] =	vst v63  }
0xad: {  	_ =	swait.ge [sflag:s8], $0x1F40  }
0xae: {  	[sflag:s8] =	ssyncset.done $0x0  }
0xaf: {  	s13 =	sadd.s32 $0x5280, s25;
	[sflag:s8] =	ssyncadd.s32 $0xFFFFE0C0  }
0xb0: {  	[spmem:s2] =	stream.indirect.scatter.add.f32 [tilespmem:s26], [sflag:$0x6], $0x40, s13, s23, $0xb8;
	[tilespmem:$0x1B940] =	vst v63  }
0xb1: {  	_ =	swait.ge [sflag:s10], $0x1F40  }
0xb2: {  	[sflag:s10] =	ssyncset.done $0x0  }
0xb3: {  	s13 =	sadd.s32 $0x400, s25;
	[sflag:s10] =	ssyncadd.s32 $0xFFFFE0C0  }
0xb4: {  	[tilespmem:s24], [sflag:$0x1] =	stream.indirect.gather [hbm4b:s5+s23], $0x40, s13, s23, $0xb8;
	[tilespmem:$0x1B940] =	vst v63  }
0xb5: {  	_ =	swait.ge [sflag:s22], $0x1F40  }
0xb6: {  	[sflag:s22] =	ssyncset.done $0x0  }
0xb7: {  	s13 =	sadd.s32 $0x5300, s25;
	[sflag:s22] =	ssyncadd.s32 $0xFFFFE0C0  }
0xb8: {  	[spmem:s2] =	stream.indirect.scatter.add.f32 [tilespmem:s30], [sflag:$0x7], $0x40, s13, s23, $0xb8;
	[tilespmem:$0x1B940] =	vst v63  }
0xb9: {  	_ =	swait.ge [sflag:s12], $0x1F40  }
0xba: {  	[sflag:s12] =	ssyncset.done $0x0  }
.Ltmp3:
0xbb: {  	s13 =	sadd.s32 $0x480, s25;
	[sflag:s12] =	ssyncadd.s32 $0xFFFFE0C0;
	(pc) =	sbr.rel @p2 .LBB2_6-.Ltmp3, $4  }
0xbc: {  	[tilespmem:s26], [sflag:$0x2] =	stream.indirect.gather [hbm4b:s5+s23], $0x40, s13, s23, $0xb8;
	[tilespmem:$0x1B940] =	vst v63  }
0xbd: {  	_ =	swait.ge [sflag:s28], $0x1F40  }
0xbe: {  	[sflag:s28] =	ssyncset.done $0x0  }
0xbf: {  	s25 =	sadd.s32 $0x5380, s25;
	[sflag:s28] =	ssyncadd.s32 $0xFFFFE0C0  }
.Ltmp4:
0xc0: {  	_ = 	snop;
	(pc) =	sbr.rel .LBB2_7-.Ltmp4, $1  }
0xc1: {  	_ =	sdelay $0x3  }
.LBB2_2:
0xc2: {  	s11 =	simm.s32 @p1 $0x1FC5;
	s13 =	rddreg [dreg:$0x4]  }
0xc3: {  	[spmem:s18], [sflag:s11] =	dma.local @p1 [hbm:s13], $0x1400  }
0xc4: {  	s11 =	rddreg [dreg:$0x3]  }
0xc5: {  	[spmem:s21], [sflag:s20] =	dma.local @!p1 [hbm:s11], $0x1380  }
0xc6: {  	_ =	swait.ge [sflag:s22], $0x5000  }
0xc7: {  	[sflag:s22] =	ssyncset.done $0x0  }
0xc8: {  	[sflag:s22] =	ssyncadd.s32 $0xFFFFB000  }
0xc9: {  	[tilespmem:s24], [sflag:$0x1] =	stream.indirect.gather [hbm4b:s4+s23], $0x40, s3, s23, $0xb8;
	[tilespmem:$0x1B940] =	vst v63  }
0xca: {  	s25 =	simm.s32 $0x80  }
0xcb: {  	[tilespmem:s26], [sflag:$0x2] =	stream.indirect.gather [hbm4b:s4+s23], $0x40, s25, s23, $0xb8;
	[tilespmem:$0x1B940] =	vst v63  }
0xcc: {  	_ =	swait.ge [sflag:s28], $0x5000  }
0xcd: {  	[sflag:s28] =	ssyncset.done $0x0  }
0xce: {  	s11 =	simm.s32 @p1 $0x5;
	[sflag:s28] =	ssyncadd.s32 $0xFFFFB000  }
0xcf: {  	_ =	swait.ge @p1 [sflag:s11], $0x1400  }
0xd0: {  	[sflag:s11] =	ssyncset.done @p1 $0x0  }
0xd1: {  	[sflag:s11] =	ssyncadd.s32 @p1 $0xFFFFEC00;
	s11 =	simm.s32 @!p1 $0x5  }
0xd2: {  	_ =	swait.ge @!p1 [sflag:s11], $0x1380  }
0xd3: {  	[sflag:s11] =	ssyncset.done @!p1 $0x0  }
0xd4: {  	[sflag:s11] =	ssyncadd.s32 @!p1 $0xFFFFEC80  }
0xd5: {  	s13 =	simm.s32 $0x100;
	[bflag:$0x0] =	sbarrier.arrive $0xFFFF  }
0xd6: {  	[tilespmem:s30], [sflag:$0x3] =	stream.indirect.gather [hbm4b:s4+s23], $0x40, s13, s23, $0xb8;
	[tilespmem:$0x1B940] =	vst v63  }
0xd7: {  	_ =	swait.ge [sflag:s31], $0x1F40  }
0xd8: {  	[sflag:s31] =	ssyncset.done $0x0  }
0xd9: {  	[sflag:s31] =	ssyncadd.s32 $0xFFFFE0C0  }
0xda: {  	[spmem:s2] =	stream.indirect.scatter.add.f32 [tilespmem:s24], [sflag:$0x5], $0x40, s17, s23, $0xb8;
	[tilespmem:$0x1B940] =	vst v63  }
0xdb: {  	s25 =	simm.s32 $0x180  }
0xdc: {  	[tilespmem:s1], [sflag:$0x4] =	stream.indirect.gather [hbm4b:s4+s23], $0x40, s25, s23, $0xb8;
	[tilespmem:$0x1B940] =	vst v63  }
0xdd: {  	_ =	swait.ge [sflag:s8], $0x1F40  }
0xde: {  	[sflag:s8] =	ssyncset.done $0x0  }
0xdf: {  	s13 =	simm.s32 $0x5080;
	[sflag:s8] =	ssyncadd.s32 $0xFFFFE0C0  }
0xe0: {  	[spmem:s2] =	stream.indirect.scatter.add.f32 [tilespmem:s26], [sflag:$0x6], $0x40, s13, s23, $0xb8;
	[tilespmem:$0x1B940] =	vst v63  }
0xe1: {  	_ =	swait.ge [sflag:s10], $0x1F40  }
0xe2: {  	[sflag:s10] =	ssyncset.done $0x0  }
0xe3: {  	s25 =	simm.s32 $0x200;
	[sflag:s10] =	ssyncadd.s32 $0xFFFFE0C0  }
0xe4: {  	[tilespmem:s24], [sflag:$0x1] =	stream.indirect.gather [hbm4b:s4+s23], $0x40, s25, s23, $0xb8;
	[tilespmem:$0x1B940] =	vst v63  }
0xe5: {  	_ =	swait.ge [sflag:s22], $0x1F40  }
0xe6: {  	[sflag:s22] =	ssyncset.done $0x0  }
0xe7: {  	s13 =	simm.s32 $0x5100;
	[sflag:s22] =	ssyncadd.s32 $0xFFFFE0C0  }
0xe8: {  	[spmem:s2] =	stream.indirect.scatter.add.f32 [tilespmem:s30], [sflag:$0x7], $0x40, s13, s23, $0xb8;
	[tilespmem:$0x1B940] =	vst v63  }
0xe9: {  	_ =	swait.ge [sflag:s12], $0x1F40  }
0xea: {  	[sflag:s12] =	ssyncset.done $0x0  }
0xeb: {  	s25 =	simm.s32 $0x280;
	[sflag:s12] =	ssyncadd.s32 $0xFFFFE0C0  }
0xec: {  	[tilespmem:s26], [sflag:$0x2] =	stream.indirect.gather [hbm4b:s4+s23], $0x40, s25, s23, $0xb8;
	[tilespmem:$0x1B940] =	vst v63  }
0xed: {  	_ =	swait.ge [sflag:s28], $0x1F40  }
0xee: {  	[sflag:s28] =	ssyncset.done $0x0  }
0xef: {  	s13 =	simm.s32 $0x5180;
	[sflag:s28] =	ssyncadd.s32 $0xFFFFE0C0  }
0xf0: {  	[spmem:s2] =	stream.indirect.scatter.add.f32 [tilespmem:s1], [sflag:$0x8], $0x40, s13, s23, $0xb8;
	[tilespmem:$0x1B940] =	vst v63  }
0xf1: {  	_ =	swait.ge [sflag:s29], $0x1F40  }
0xf2: {  	[sflag:s29] =	ssyncset.done $0x0  }
0xf3: {  	s25 =	simm.s32 $0x300;
	[sflag:s29] =	ssyncadd.s32 $0xFFFFE0C0  }
0xf4: {  	[tilespmem:s30], [sflag:$0x3] =	stream.indirect.gather [hbm4b:s4+s23], $0x40, s25, s23, $0xb8;
	[tilespmem:$0x1B940] =	vst v63  }
0xf5: {  	_ =	swait.ge [sflag:s31], $0x1F40  }
0xf6: {  	[sflag:s31] =	ssyncset.done $0x0  }
0xf7: {  	s13 =	simm.s32 $0x5200;
	[sflag:s31] =	ssyncadd.s32 $0xFFFFE0C0  }
0xf8: {  	[spmem:s2] =	stream.indirect.scatter.add.f32 [tilespmem:s24], [sflag:$0x5], $0x40, s13, s23, $0xb8;
	[tilespmem:$0x1B940] =	vst v63  }
0xf9: {  	_ =	swait.ge [sflag:s15], $0x1F40  }
0xfa: {  	[sflag:s15] =	ssyncset.done $0x0  }
0xfb: {  	s25 =	simm.s32 $0x380;
	[sflag:s15] =	ssyncadd.s32 $0xFFFFE0C0  }
0xfc: {  	[tilespmem:s1], [sflag:$0x4] =	stream.indirect.gather [hbm4b:s4+s23], $0x40, s25, s23, $0xb8;
	[tilespmem:$0x1B940] =	vst v63  }
0xfd: {  	_ =	swait.ge [sflag:s8], $0x1F40  }
0xfe: {  	[sflag:s8] =	ssyncset.done $0x0  }
0xff: {  	s13 =	simm.s32 $0x5280;
	[sflag:s8] =	ssyncadd.s32 $0xFFFFE0C0  }
0x100: {  	[spmem:s2] =	stream.indirect.scatter.add.f32 [tilespmem:s26], [sflag:$0x6], $0x40, s13, s23, $0xb8;
	[tilespmem:$0x1B940] =	vst v63  }
0x101: {  	_ =	swait.ge [sflag:s10], $0x1F40  }
0x102: {  	[sflag:s10] =	ssyncset.done $0x0  }
0x103: {  	s25 =	simm.s32 $0x400;
	[sflag:s10] =	ssyncadd.s32 $0xFFFFE0C0  }
0x104: {  	[tilespmem:s24], [sflag:$0x1] =	stream.indirect.gather [hbm4b:s4+s23], $0x40, s25, s23, $0xb8;
	[tilespmem:$0x1B940] =	vst v63  }
0x105: {  	_ =	swait.ge [sflag:s22], $0x1F40  }
0x106: {  	[sflag:s22] =	ssyncset.done $0x0  }
0x107: {  	s13 =	simm.s32 $0x5300;
	[sflag:s22] =	ssyncadd.s32 $0xFFFFE0C0  }
0x108: {  	[spmem:s2] =	stream.indirect.scatter.add.f32 [tilespmem:s30], [sflag:$0x7], $0x40, s13, s23, $0xb8;
	[tilespmem:$0x1B940] =	vst v63  }
0x109: {  	_ =	swait.ge [sflag:s12], $0x1F40  }
0x10a: {  	[sflag:s12] =	ssyncset.done $0x0  }
0x10b: {  	s25 =	simm.s32 $0x480;
	[sflag:s12] =	ssyncadd.s32 $0xFFFFE0C0  }
0x10c: {  	[tilespmem:s26], [sflag:$0x2] =	stream.indirect.gather [hbm4b:s4+s23], $0x40, s25, s23, $0xb8;
	[tilespmem:$0x1B940] =	vst v63  }
0x10d: {  	_ =	swait.ge [sflag:s28], $0x1F40  }
0x10e: {  	[sflag:s28] =	ssyncset.done $0x0  }
0x10f: {  	s11 =	simm.s32 $0x800;
	s25 =	simm.s32 $0x5380;
	[sflag:s28] =	ssyncadd.s32 $0xFFFFE0C0  }
.LBB2_3:
0x110: {  	[spmem:s2] =	stream.indirect.scatter.add.f32 [tilespmem:s1], [sflag:$0x8], $0x40, s25, s23, $0xb8;
	[tilespmem:$0x1B940] =	vst v63  }
0x111: {  	s25 =	smov.u32 s11  }
0x112: {  	p2 =	sne.s32 s11, $0x12800;
	s11 =	sadd.s32 $0x800, s11;
	_ =	swait.ge [sflag:s29], $0x1F40  }
0x113: {  	s25 =	sshra.s32 s25, $0x2;
	[sflag:s29] =	ssyncset.done $0x0  }
0x114: {  	s13 =	sadd.s32 $0x300, s25;
	[sflag:s29] =	ssyncadd.s32 $0xFFFFE0C0  }
0x115: {  	[tilespmem:s30], [sflag:$0x3] =	stream.indirect.gather [hbm4b:s4+s23], $0x40, s13, s23, $0xb8;
	[tilespmem:$0x1B940] =	vst v63  }
0x116: {  	_ =	swait.ge [sflag:s31], $0x1F40  }
0x117: {  	[sflag:s31] =	ssyncset.done $0x0  }
0x118: {  	s13 =	sadd.s32 $0x5200, s25;
	[sflag:s31] =	ssyncadd.s32 $0xFFFFE0C0  }
0x119: {  	[spmem:s2] =	stream.indirect.scatter.add.f32 [tilespmem:s24], [sflag:$0x5], $0x40, s13, s23, $0xb8;
	[tilespmem:$0x1B940] =	vst v63  }
0x11a: {  	_ =	swait.ge [sflag:s15], $0x1F40  }
0x11b: {  	[sflag:s15] =	ssyncset.done $0x0  }
0x11c: {  	s13 =	sadd.s32 $0x380, s25;
	[sflag:s15] =	ssyncadd.s32 $0xFFFFE0C0  }
0x11d: {  	[tilespmem:s1], [sflag:$0x4] =	stream.indirect.gather [hbm4b:s4+s23], $0x40, s13, s23, $0xb8;
	[tilespmem:$0x1B940] =	vst v63  }
0x11e: {  	_ =	swait.ge [sflag:s8], $0x1F40  }
0x11f: {  	[sflag:s8] =	ssyncset.done $0x0  }
0x120: {  	s13 =	sadd.s32 $0x5280, s25;
	[sflag:s8] =	ssyncadd.s32 $0xFFFFE0C0  }
0x121: {  	[spmem:s2] =	stream.indirect.scatter.add.f32 [tilespmem:s26], [sflag:$0x6], $0x40, s13, s23, $0xb8;
	[tilespmem:$0x1B940] =	vst v63  }
0x122: {  	_ =	swait.ge [sflag:s10], $0x1F40  }
0x123: {  	[sflag:s10] =	ssyncset.done $0x0  }
0x124: {  	s13 =	sadd.s32 $0x400, s25;
	[sflag:s10] =	ssyncadd.s32 $0xFFFFE0C0  }
0x125: {  	[tilespmem:s24], [sflag:$0x1] =	stream.indirect.gather [hbm4b:s4+s23], $0x40, s13, s23, $0xb8;
	[tilespmem:$0x1B940] =	vst v63  }
0x126: {  	_ =	swait.ge [sflag:s22], $0x1F40  }
0x127: {  	[sflag:s22] =	ssyncset.done $0x0  }
0x128: {  	s13 =	sadd.s32 $0x5300, s25;
	[sflag:s22] =	ssyncadd.s32 $0xFFFFE0C0  }
0x129: {  	[spmem:s2] =	stream.indirect.scatter.add.f32 [tilespmem:s30], [sflag:$0x7], $0x40, s13, s23, $0xb8;
	[tilespmem:$0x1B940] =	vst v63  }
0x12a: {  	_ =	swait.ge [sflag:s12], $0x1F40  }
0x12b: {  	[sflag:s12] =	ssyncset.done $0x0  }
.Ltmp5:
0x12c: {  	s13 =	sadd.s32 $0x480, s25;
	[sflag:s12] =	ssyncadd.s32 $0xFFFFE0C0;
	(pc) =	sbr.rel @p2 .LBB2_3-.Ltmp5, $4  }
0x12d: {  	[tilespmem:s26], [sflag:$0x2] =	stream.indirect.gather [hbm4b:s4+s23], $0x40, s13, s23, $0xb8;
	[tilespmem:$0x1B940] =	vst v63  }
0x12e: {  	_ =	swait.ge [sflag:s28], $0x1F40  }
0x12f: {  	[sflag:s28] =	ssyncset.done $0x0  }
0x130: {  	s25 =	sadd.s32 $0x5380, s25;
	[sflag:s28] =	ssyncadd.s32 $0xFFFFE0C0  }
0x131: {  	[spmem:s2] =	stream.indirect.scatter.add.f32 [tilespmem:s1], [sflag:$0x8], $0x40, s25, s23, $0xb8;
	[tilespmem:$0x1B940] =	vst v63  }
0x132: {  	_ =	swait.ge [sflag:s29], $0x1F40  }
0x133: {  	[sflag:s29] =	ssyncset.done $0x0  }
0x134: {  	s11 =	simm.s32 $0x4F00;
	[sflag:s29] =	ssyncadd.s32 $0xFFFFE0C0  }
0x135: {  	[tilespmem:s30], [sflag:$0x3] =	stream.indirect.gather [hbm4b:s4+s23], $0x40, s11, s23, $0xb8;
	[tilespmem:$0x1B940] =	vst v63  }
0x136: {  	_ =	swait.ge [sflag:s31], $0x1F40  }
0x137: {  	[sflag:s31] =	ssyncset.done $0x0  }
0x138: {  	s13 =	simm.s32 $0x9E00;
	[sflag:s31] =	ssyncadd.s32 $0xFFFFE0C0  }
0x139: {  	[spmem:s2] =	stream.indirect.scatter.add.f32 [tilespmem:s24], [sflag:$0x5], $0x40, s13, s23, $0xb8;
	[tilespmem:$0x1B940] =	vst v63  }
0x13a: {  	_ =	swait.ge [sflag:s15], $0x1F40  }
0x13b: {  	[sflag:s15] =	ssyncset.done $0x0  }
0x13c: {  	s25 =	simm.s32 $0x4F80;
	[sflag:s15] =	ssyncadd.s32 $0xFFFFE0C0  }
0x13d: {  	[tilespmem:s1], [sflag:$0x4] =	stream.indirect.gather [hbm4b:s4+s23], $0x40, s25, s23, $0xb8;
	[tilespmem:$0x1B940] =	vst v63  }
0x13e: {  	_ =	swait.ge [sflag:s8], $0x1F40  }
0x13f: {  	[sflag:s8] =	ssyncset.done $0x0  }
0x140: {  	s13 =	simm.s32 $0x9E80;
	[sflag:s8] =	ssyncadd.s32 $0xFFFFE0C0  }
0x141: {  	[spmem:s2] =	stream.indirect.scatter.add.f32 [tilespmem:s26], [sflag:$0x6], $0x40, s13, s23, $0xb8;
	[tilespmem:$0x1B940] =	vst v63  }
0x142: {  	_ =	swait.ge [sflag:s22], $0x1F40  }
0x143: {  	[sflag:s22] =	ssyncset.done $0x0  }
0x144: {  	s25 =	simm.s32 $0x9F00;
	[sflag:s22] =	ssyncadd.s32 $0xFFFFE0C0  }
0x145: {  	[spmem:s2] =	stream.indirect.scatter.add.f32 [tilespmem:s30], [sflag:$0x7], $0x40, s25, s23, $0xb8;
	[tilespmem:$0x1B940] =	vst v63  }
0x146: {  	_ =	swait.ge [sflag:s28], $0x1F40  }
0x147: {  	[sflag:s28] =	ssyncset.done $0x0  }
0x148: {  	[sflag:s28] =	ssyncadd.s32 $0xFFFFE0C0  }
0x149: {  	[spmem:s2] =	stream.indirect.scatter.add.f32 [tilespmem:s1], [sflag:$0x8], $0x40, s14, s23, $0xb8;
	[tilespmem:$0x1B940] =	vst v63  }
0x14a: {  	_ =	swait.ge [sflag:s10], $0x1F40  }
0x14b: {  	[sflag:s10] =	ssyncset.done $0x0  }
0x14c: {  	[sflag:s10] =	ssyncadd.s32 $0xFFFFE0C0  }
0x14d: {  	_ =	swait.ge [sflag:s12], $0x1F40  }
0x14e: {  	[sflag:s12] =	ssyncset.done $0x0  }
0x14f: {  	[sflag:s12] =	ssyncadd.s32 $0xFFFFE0C0  }
0x150: {  	_ =	swait.ge [sflag:s29], $0x1F40  }
0x151: {  	[sflag:s29] =	ssyncset.done $0x0  }
0x152: {  	[sflag:s29] =	ssyncadd.s32 $0xFFFFE0C0  }
0x153: {  	_ =	swait.ge [sflag:s15], $0x1F40  }
0x154: {  	[sflag:s15] =	ssyncset.done $0x0  }
0x155: {  	[sflag:s15] =	ssyncadd.s32 $0xFFFFE0C0  }
0x156: {  	[bflag:$0x0] =	sbarrier.arrive $0xFFFF  }
0x157: {  	s11 =	simm.s32 @p1 $0x1FC9;
	s13 =	rddreg [dreg:$0x6]  }
0x158: {  	[hbm:s13], [sflag:s11] =	dma.local @p1 [spmem:s18], $0x1400  }
0x159: {  	s11 =	simm.s32 @p1 $0x9  }
0x15a: {  	_ =	swait.ge @p1 [sflag:s11], $0x1400  }
0x15b: {  	[sflag:s11] =	ssyncset.done @p1 $0x0  }
0x15c: {  	[sflag:s11] =	ssyncadd.s32 @p1 $0xFFFFEC00;
	s11 =	rddreg [dreg:$0x5]  }
0x15d: {  	[hbm:s11], [sflag:s9] =	dma.local @!p1 [spmem:s21], $0x1380  }
.Ltmp6:
0x15e: {  	_ = 	snop;
	(pc) =	sbr.rel .LBB2_8-.Ltmp6, $4  }
0x15f: {  	s9 =	simm.s32 @!p1 $0x9  }
0x160: {  	_ =	swait.ge @!p1 [sflag:s9], $0x1380  }
0x161: {  	[sflag:s9] =	ssyncset.done @!p1 $0x0  }
0x162: {  	[sflag:s9] =	ssyncadd.s32 @!p1 $0xFFFFEC80  }
.LBB2_9:
0x163: {  	_ =	sfence.sel $0x180000  }
0x164: {  	[bflag:$0x0] =	sbarrier.arrive $0xFFFF  }
0x165: {  	_ =	strace $0x9000004A  }
0x166: {  	s0 =	stileid.u32;
	[bflag:$0x2] =	sbarrier.arrive $0xFFFF  }
0x167: {  	p0 =	sne.s32 s0, $0x0;
	s0 =	rddreg [dreg:$0x2]  }
0x168: {  	s0 =	sadd.s32 @!p0 $0x100000, s0  }
0x169: {  	[sflag:s0] =	ssyncadd.tile.s32 @!p0 $0x1;
	_ =	shalt  }
.Lfunc_end2:
_tile_overlayer_lowered:
.L_overlay_start_2:
0x16a: {  	(tag) =	ssettag $0x2  }
0x16b: {  	s0 =	rddreg [dreg:$0x0];
	s2 =	stileid.u32  }
0x16c: {  	s1 =	rddreg [dreg:$0x1];
	p0 =	sne.s32 s2, $0x0  }
0x16d: {  	s3 =	rddreg [dreg:$0x2];
	[bflag:$0x3] =	sbarrier.arrive $0xFFFF;
	s2 =	simm.s32 @!p0 $0x1C09  }
0x16e: {  	[timem:s3], [sflag:s2] =	dma.local @!p0 [hbm:s0], s1  }
0x16f: {  	s0 =	simm.s32 @!p0 $0x9  }
0x170: {  	_ =	swait.ge @!p0 [sflag:s0], s1  }
0x171: {  	s1 =	ssub.s32 @!p0 $0x0, s1;
	[sflag:s0] =	ssyncset.done @!p0 $0x0  }
0x172: {  	[sflag:s0] =	ssyncadd.s32 @!p0 s1  }
0x173: {  	[bflag:$0x3] =	sbarrier.arrive $0xFFFF  }
0x174: {  	_ =	shalt  }

// kernel: kernel.16.cloned.1.call-start
scs
__scs_entry_jumppad:
0x0: {  	(pc) =	sbr.rel $0x88, $3  }
0x1: {  	(tag) =	ssettag $0x0;
	lr =	simm.s32 $0x1  }
0x2: {  	[smem:$0x3F94] =	sst lr;
	_ =	strace $0xD0000000  }
0x3: {  	_ = 	snop  }
0x4: {  	_ = 	snop  }
0x5: {  	_ = 	snop  }
0x6: {  	_ = 	snop  }
0x7: {  	_ = 	snop  }
__scs_overlays_trampoline_lowered:
0x8: {  	[smem:$0x3FA3] =	sst s0  }
0x9: {  	[smem:$0x3FA4] =	sst s1  }
0xa: {  	[smem:$0x3FA5] =	sst s2  }
0xb: {  	[smem:$0x3FA6] =	sst s3  }
0xc: {  	[smem:$0x3FA7] =	sst s4  }
0xd: {  	[smem:$0x3FA8] =	sst s5  }
0xe: {  	[smem:$0x3FA9] =	sst s6  }
0xf: {  	[smem:$0x3FAA] =	sst s7  }
0x10: {  	[smem:$0x3FAB] =	sst s8  }
0x11: {  	[smem:$0x3FAC] =	sst s9;
	s0 =	simm.s32 @!p0 $0x0  }
0x12: {  	s1 =	sld [smem:$0x3F92];
	s0 =	simm.s32 @p0 $0x1  }
0x13: {  	[smem:$0x3FAD] =	sst s0;
	s0 =	simm.s32 @!p1 $0x0  }
0x14: {  	s2 =	sld [smem:$0x3F91];
	s0 =	simm.s32 @p1 $0x1  }
0x15: {  	[smem:$0x3FAE] =	sst s0;
	s0 =	simm.s32 @!p2 $0x0  }
0x16: {  	s3 =	sld [smem:$0x3FDB];
	s0 =	simm.s32 @p2 $0x1  }
0x17: {  	s4 =	simm.s32 $0x1BF5;
	[smem:$0x3FB0] =	sst s0  }
0x18: {  	s0 =	sld [smem:$0x3F93];
	_ =	swait.ge [sflag:s4], $0x0  }
0x19: {  	s7 =	sld [smem:$0x3F94]  }
0x1a: {  	s8 =	sadd.s32 $0xFFFFE003, lr  }
0x1b: {  	s9 =	sadd.s32 $0xFFFFFEF7, lr;
	s5 =	simm.s32 $0xFFFFFFFF;
	p2 =	slt.u32 s8, $0xFFFFF086  }
0x1c: {  	p1 =	slt.u32 s9, $0xF7A;
	s5 =	simm.s32 @!p2 $0x0  }
0x1d: {  	s5 =	simm.s32 @p1 $0x1;
	p0 =	seq.s32 s7, s2  }
0x1e: {  	s7 =	smul.u32 @!p0 $0xF7A, s2;
	p2 =	seq.s32 @!p0 s5, $0x0  }
0x1f: {  	s9 =	smul.u32 $0xF7A, s1;
	s8 =	simm.s32 @!p0 $0x1BF5;
	p2 =	por !p2, p0  }
0x20: {  	[sflag:s8] =	ssyncset.s32 @!p0 $0xFFFFF086;
	s6 =	sadd.s32 @!p0 s3, s7;
	s7 =	simm.s32 @!p0 $0x108  }
0x21: {  	s3 =	sadd.s32 s3, s9;
	s6 =	sadd.s32 @!p0 $0x88, s6;
	s7 =	simm.s32 @p2 $0x1082  }
0x22: {  	[simem:s7], [sflag:s8] =	dma.local @!p0 [hbm:s6], $0xF7A  }
0x23: {  	s9 =	sor.u32 $0xD0000000, s2;
	s6 =	simm.s32 $0x108;
	_ =	swait.ge @!p0 [sflag:s8], $0x0  }
0x24: {  	s3 =	sadd.s32 $0x88, s3;
	s6 =	simm.s32 @!p1 $0x1082;
	[sflag:s4] =	ssyncset.s32 $0xFFFFF086  }
0x25: {  	[simem:s6], [sflag:s4] =	dma.local [hbm:s3], $0xF7A  }
0x26: {  	[smem:$0x3F94] =	sst s1;
	(tag) =	ssettag s2;
	_ =	strace s9  }
0x27: {  	s1 =	sld [smem:$0x3FA4]  }
0x28: {  	s2 =	sld [smem:$0x3FA5]  }
0x29: {  	s4 =	sld [smem:$0x3FA7]  }
0x2a: {  	p0 =	seq.s32 s5, $0x0;
	s5 =	sld [smem:$0x3FA8]  }
0x2b: {  	s6 =	sld [smem:$0x3FA9]  }
0x2c: {  	s7 =	sld [smem:$0x3FAA]  }
0x2d: {  	s3 =	simm.s32 $0x108;
	s8 =	sld [smem:$0x3FAB]  }
0x2e: {  	s3 =	simm.s32 @!p0 $0x1082;
	s9 =	sld [smem:$0x3FAC]  }
0x2f: {  	lr =	sadd.s32 s0, s3;
	s0 =	sld [smem:$0x3FA3]  }
0x30: {  	s3 =	sld [smem:$0x3FA6]  }
0x31: {  	[smem:$0x3FAF] =	sst s10  }
0x32: {  	s10 =	sld [smem:$0x3FAD];
	_ =	sdelay $0x3  }
0x33: {  	p0 =	seq.s32 s10, $0x1;
	s10 =	sld [smem:$0x3FAF];
	_ =	sdelay $0x3  }
0x34: {  	[smem:$0x3FAF] =	sst s10  }
0x35: {  	s10 =	sld [smem:$0x3FAE];
	_ =	sdelay $0x3  }
0x36: {  	p1 =	seq.s32 s10, $0x1;
	s10 =	sld [smem:$0x3FAF];
	_ =	sdelay $0x3  }
0x37: {  	[smem:$0x3FAF] =	sst s10  }
0x38: {  	s10 =	sld [smem:$0x3FB0]  }
0x39: {  	_ = 	snop;
	(pc) =	sbr.ind lr, $3  }
0x3a: {  	_ = 	snop  }
0x3b: {  	_ = 	snop  }
0x3c: {  	p2 =	seq.s32 s10, $0x1;
	s10 =	sld [smem:$0x3FAF]  }
0x3d: {  	_ =	shalt  }
0x3e: {  	_ =	shalt  }
0x3f: {  	_ =	shalt  }
0x40: {  	_ =	shalt  }
0x41: {  	_ =	shalt  }
0x42: {  	_ =	shalt  }
0x43: {  	_ =	shalt  }
0x44: {  	_ =	shalt  }
0x45: {  	_ =	shalt  }
0x46: {  	_ =	shalt  }
0x47: {  	_ =	shalt  }
0x48: {  	_ =	shalt  }
0x49: {  	_ =	shalt  }
0x4a: {  	_ =	shalt  }
0x4b: {  	_ =	shalt  }
0x4c: {  	_ =	shalt  }
0x4d: {  	_ =	shalt  }
0x4e: {  	_ =	shalt  }
0x4f: {  	_ =	shalt  }
0x50: {  	_ =	shalt  }
0x51: {  	_ =	shalt  }
0x52: {  	_ =	shalt  }
0x53: {  	_ =	shalt  }
0x54: {  	_ =	shalt  }
0x55: {  	_ =	shalt  }
0x56: {  	_ =	shalt  }
0x57: {  	_ =	shalt  }
0x58: {  	_ =	shalt  }
0x59: {  	_ =	shalt  }
0x5a: {  	_ =	shalt  }
0x5b: {  	_ =	shalt  }
0x5c: {  	_ =	shalt  }
0x5d: {  	_ =	shalt  }
0x5e: {  	_ =	shalt  }
0x5f: {  	_ =	shalt  }
0x60: {  	_ =	shalt  }
0x61: {  	_ =	shalt  }
0x62: {  	_ =	shalt  }
0x63: {  	_ =	shalt  }
0x64: {  	_ =	shalt  }
0x65: {  	_ =	shalt  }
0x66: {  	_ =	shalt  }
0x67: {  	_ =	shalt  }
0x68: {  	_ =	shalt  }
0x69: {  	_ =	shalt  }
0x6a: {  	_ =	shalt  }
0x6b: {  	_ =	shalt  }
0x6c: {  	_ =	shalt  }
0x6d: {  	_ =	shalt  }
0x6e: {  	_ =	shalt  }
0x6f: {  	_ =	shalt  }
0x70: {  	_ =	shalt  }
0x71: {  	_ =	shalt  }
0x72: {  	_ =	shalt  }
0x73: {  	_ =	shalt  }
0x74: {  	_ =	shalt  }
0x75: {  	_ =	shalt  }
0x76: {  	_ =	shalt  }
0x77: {  	_ =	shalt  }
0x78: {  	_ =	shalt  }
0x79: {  	_ =	shalt  }
0x7a: {  	_ =	shalt  }
0x7b: {  	_ =	shalt  }
0x7c: {  	_ =	shalt  }
0x7d: {  	_ =	shalt  }
0x7e: {  	_ =	shalt  }
0x7f: {  	_ =	shalt  }
0x80: {  	_ =	shalt  }
0x81: {  	_ =	shalt  }
0x82: {  	_ =	shalt  }
0x83: {  	_ =	shalt  }
0x84: {  	_ =	shalt  }
0x85: {  	_ =	shalt  }
0x86: {  	_ =	shalt  }
0x87: {  	_ =	shalt  }
.Lfunc_end0:
.L_simem_size_0:
called_computation.2_lowered:
.L_overlay_start_0:
0x88: {  	s2 =	sld [smem:$0x3FD9]  }
0x89: {  	s3 =	sld [smem:$0x3FFE];
	_ =	sdelay $0x1  }
0x8a: {  	s1 =	srdreg.scid  }
0x8b: {  	s0 =	sand.u32 $0x1, s1  }
0x8c: {  	s16 =	sshll.u32 s0, $0xA;
	s2 =	sadd.s32 s3, s2  }
0x8d: {  	s2 =	sadd.s32 s2, s16  }
0x8e: {  	[smem:$0x3FBB] =	sst s2  }
0x8f: {  	_ = 	snop  }
0x90: {  	(tm) =	ssettm $0x1  }
0x91: {  	s17 =	sld [smem:$0x3FFB];
	_ =	sdelay $0x3  }
0x92: {  	_ =	strace s17  }
0x93: {  	s2 =	sld [smem:$0x3FFC];
	_ =	sdelay $0x3  }
0x94: {  	_ =	strace s2  }
0x95: {  	s2 =	sld [smem:$0x3FFD];
	_ =	sdelay $0x3  }
0x96: {  	_ =	strace s2  }
0x97: {  	_ =	strace $0x8FFFFFFF  }
0x98: {  	s18 =	sld [smem:$0x3FDB];
	_ =	sdelay $0x1  }
0x99: {  	s19 =	simm.s32 $_scs_section_size  }
0x9a: {  	s4 =	simm.s32 $_size__tile_overlayer_lowered;
	s5 =	simm.s32 $_tile_overlayer_lowered  }
0x9b: {  	s22 =	simm.s32 $0x1BFF;
	s21 =	sshll.u32 s5, $0x1;
	s2 =	sadd.s32 s19, s18  }
0x9c: {  	s6 =	simm.s32 $0x0;
	s20 =	sshll.u32 s4, $0x1;
	s4 =	sadd.s32 s21, s2  }
0x9d: {  	[timem:s6], [sflag:s22] =	dma.local [hbm:s4], s20  }
0x9e: {  	_ =	swait.ge [sflag:s22], s20  }
0x9f: {  	s3 =	ssub.s32 $0x0, s20;
	[sflag:s22] =	ssyncset.done $0x0  }
0xa0: {  	[sflag:s22] =	ssyncadd.s32 s3;
	_ =	sdelay $0x1  }
0xa1: {  	s23 =	simm.s32 $0x1B8B  }
0xa2: {  	_ =	swait.ge [sflag:s23], $0x1  }
0xa3: {  	[sflag:s23] =	ssyncset.done $0x0  }
0xa4: {  	s25 =	simm.s32 $0x1B8E;
	s24 =	sld [smem:$0x3FFE];
	[sflag:s23] =	ssyncadd.s32 $0xFFFFFFFF  }
0xa5: {  	s26 =	simm.s32 $execute0_lowered;
	[smem:$0x3FD2] =	sst s25  }
0xa6: {  	s4 =	sshll.u32 s26, $0x1;
	_ =	strace $0x8000004C;
	[dreg:$0x1] =	wrdreg $0xFFFFFFFF  }
0xa7: {  	s28 =	simm.s32 $_size_execute0_lowered;
	s2 =	sadd.s32 s2, s4;
	[dreg:$0x0] =	wrdreg $0x0  }
0xa8: {  	s4 =	sshll.u32 s28, $0x1;
	[dreg:$0x2] =	wrdreg s2  }
0xa9: {  	[dreg:$0x3] =	wrdreg s4  }
0xaa: {  	[dreg:$0x4] =	wrdreg $0xC0  }
0xab: {  	_ =	task [dreg:s6], $0x5FFFF  }
0xac: {  	[dreg:$0x1] =	wrdreg $0xFFFFFFFF  }
0xad: {  	[dreg:$0x0] =	wrdreg $0x60  }
0xae: {  	[dreg:$0x2] =	wrdreg s24  }
0xaf: {  	[dreg:$0x3] =	wrdreg $0x11D000  }
0xb0: {  	[dreg:$0x4] =	wrdreg $0x9  }
0xb1: {  	_ =	task.clear_ibuf [dreg:s6], $0x5FFFF;
	_ =	strace $0x9000004C  }
0xb2: {  	s29 =	simm.s32 $0x9;
	_ =	strace $0x8000004E  }
0xb3: {  	_ =	swait.ge [sflag:s29], $0x1  }
0xb4: {  	[sflag:s29] =	ssyncadd.s32 $0xFFFFFFFF  }
0xb5: {  	_ =	strace $0x9000004E  }
0xb6: {  	_ =	sfence  }
0xb7: {  	s30 =	sld [smem:$0x0];
	_ =	sdelay $0x2  }
0xb8: {  	s31 =	sshll.u32 s1, $0xD;
	s1 =	sshrl.u32 s1, $0x2  }
0xb9: {  	s3 =	sand.u32 $0x4000, s31;
	s1 =	sadd.s32 s1, s30  }
0xba: {  	s0 =	sor.u32 s3, s0;
	s1 =	sshll.u32 s1, $0x11  }
0xbb: {  	s0 =	sor.u32 s1, s0  }
0xbc: {  	s0 =	sadd.s32 $0x8F2B, s0  }
0xbd: {  	[sflag:s0] =	ssyncadd.remote.s32 $0x1  }
0xbe: {  	_ =	sfence.sel $0xFFFF  }
0xbf: {  	[dreg:$0x0] =	wrdreg $0xFFFFFFFF;
	(pc) =	sbr.abs _section_cstart, $3  }
0xc0: {  	[dreg:$0x1] =	wrdreg $0xFFFFFFFF  }
0xc1: {  	_ =	task.clear_ibuf [dreg:s6], $0x2FFFF;
	_ =	strace $0x9FFFFFFF  }
0xc2: {  	(tm) =	ssettm $0x7FFFFFFF  }
0xc3: {  	_ =	shalt  }
tec
execute0_lowered:
.L_overlay_start_1:
0x0: {  	(tag) =	ssettag $0x1  }
0x1: {  	s0 =	rddreg [dreg:$0x0]  }
0x2: {  	s2 =	rddreg [dreg:$0x1]  }
0x3: {  	s3 =	simm.s32 $0x0;
	s13 =	stileid.u32;
	s1 =	srdreg.scid  }
0x4: {  	s17 =	simm.s32 $0x5000;
	s28 =	simm.s32 $0x4;
	s30 =	simm.s32 $0xDE80  }
0x5: {  	s31 =	simm.s32 $0x1;
	s29 =	simm.s32 $0x7;
	s15 =	simm.s32 $0x8  }
0x6: {  	s14 =	simm.s32 $0x9F80;
	[smem:$0x7FF] =	sst s3;
	s8 =	smul.u32 $0x9C00, s13  }
0x7: {  	s1 =	sand.u32 $0x1, s1;
	s4 =	sadd.s32 $0x81200, s0;
	s6 =	smul.u32 $0xA00, s13  }
0x8: {  	s5 =	sadd.s32 $0x6D800, s0;
	s22 =	sadd.s32 $0x93680, s0;
	s24 =	sadd.s32 $0xBAA80, s0  }
0x9: {  	s25 =	sadd.s32 $0x7FC80, s0;
	_ =	strace $0x8000004D;
	[dreg:$0x4] =	wrdreg s22  }
0xa: {  	p1 =	seq.s32 s13, $0xF;
	s7 =	ssub.s32 $0x2, s1;
	[dreg:$0x6] =	wrdreg s24  }
0xb: {  	p0 =	seq.s32 s1, $0x1;
	[dreg:$0x8] =	wrdreg s25;
	s19 =	sshll.u32 @!p1 s13, $0x6  }
0xc: {  	s22 =	simm.s32 $0x3;
	s24 =	simm.s32 $0xA000;
	s9 =	sshrl.u32 s8, $0x3  }
0xd: {  	s10 =	sshrl.u32 s7, $0x1;
	s11 =	sadd.s32 s6, s0;
	s1 =	sadd.s32 s8, s2  }
0xe: {  	s8 =	sadd.s32 $0x92400, s2;
	s20 =	sor.u32 @!p1 $0x1C05, s19;
	s12 =	sadd.s32 s9, s0  }
0xf: {  	s10 =	ssub.s32 s7, s10;
	s6 =	sadd.s32 $0x15600, s11;
	s7 =	sadd.s32 $0x3E00, s11  }
0x10: {  	s21 =	sadd.s32 s4, s9;
	s9 =	sadd.s32 s5, s9;
	s0 =	sadd.s32 $0xA7080, s0  }
0x11: {  	s18 =	sshrl.u32 @p1 s8, $0x3;
	s8 =	simm.s32 $0x2;
	[dreg:$0x3] =	wrdreg s21  }
.Ltmp0:
0x12: {  	s23 =	sadd.s32 $0xA8600, s12;
	[dreg:$0x7] =	wrdreg s9;
	(pc) =	sbr.rel .LBB2_1-.Ltmp0, $4  }
0x13: {  	s26 =	sadd.s32 $0x94C00, s12;
	[dreg:$0xa] =	wrdreg s0;
	s16 =	smax.u32 s10, $0x1  }
0x14: {  	s21 =	sshrl.u32 @!p1 s1, $0x3;
	s1 =	simm.s32 $0xFDC0;
	s10 =	simm.s32 $0x5  }
0x15: {  	s12 =	simm.s32 $0x6;
	s0 =	simm.s32 $0x0;
	[dreg:$0x5] =	wrdreg s23  }
0x16: {  	[dreg:$0x9] =	wrdreg s26;
	s23 =	simm.s32 $0x7D;
	s26 =	simm.s32 $0xBF40  }
.LBB2_7:
0x17: {  	[spmem:s2] =	stream.indirect.scatter.add.f32 [tilespmem:s1], [sflag:$0x8], $0x40, s25, s23, $0xb8;
	[tilespmem:$0x1B940] =	vst v63  }
0x18: {  	_ =	swait.ge [sflag:s29], $0x1F40  }
0x19: {  	[sflag:s29] =	ssyncset.done $0x0  }
0x1a: {  	s11 =	simm.s32 $0x4F00;
	[sflag:s29] =	ssyncadd.s32 $0xFFFFE0C0  }
0x1b: {  	[tilespmem:s30], [sflag:$0x3] =	stream.indirect.gather [hbm4b:s5+s23], $0x40, s11, s23, $0xb8;
	[tilespmem:$0x1B940] =	vst v63  }
0x1c: {  	_ =	swait.ge [sflag:s31], $0x1F40  }
0x1d: {  	[sflag:s31] =	ssyncset.done $0x0  }
0x1e: {  	s13 =	simm.s32 $0x9E00;
	[sflag:s31] =	ssyncadd.s32 $0xFFFFE0C0  }
0x1f: {  	[spmem:s2] =	stream.indirect.scatter.add.f32 [tilespmem:s24], [sflag:$0x5], $0x40, s13, s23, $0xb8;
	[tilespmem:$0x1B940] =	vst v63  }
0x20: {  	_ =	swait.ge [sflag:s15], $0x1F40  }
0x21: {  	[sflag:s15] =	ssyncset.done $0x0  }
0x22: {  	s25 =	simm.s32 $0x4F80;
	[sflag:s15] =	ssyncadd.s32 $0xFFFFE0C0  }
0x23: {  	[tilespmem:s1], [sflag:$0x4] =	stream.indirect.gather [hbm4b:s5+s23], $0x40, s25, s23, $0xb8;
	[tilespmem:$0x1B940] =	vst v63  }
0x24: {  	_ =	swait.ge [sflag:s8], $0x1F40  }
0x25: {  	[sflag:s8] =	ssyncset.done $0x0  }
0x26: {  	s13 =	simm.s32 $0x9E80;
	[sflag:s8] =	ssyncadd.s32 $0xFFFFE0C0  }
0x27: {  	[spmem:s2] =	stream.indirect.scatter.add.f32 [tilespmem:s26], [sflag:$0x6], $0x40, s13, s23, $0xb8;
	[tilespmem:$0x1B940] =	vst v63  }
0x28: {  	_ =	swait.ge [sflag:s22], $0x1F40  }
0x29: {  	[sflag:s22] =	ssyncset.done $0x0  }
0x2a: {  	s25 =	simm.s32 $0x9F00;
	[sflag:s22] =	ssyncadd.s32 $0xFFFFE0C0  }
0x2b: {  	[spmem:s2] =	stream.indirect.scatter.add.f32 [tilespmem:s30], [sflag:$0x7], $0x40, s25, s23, $0xb8;
	[tilespmem:$0x1B940] =	vst v63  }
0x2c: {  	_ =	swait.ge [sflag:s28], $0x1F40  }
0x2d: {  	[sflag:s28] =	ssyncset.done $0x0  }
0x2e: {  	[sflag:s28] =	ssyncadd.s32 $0xFFFFE0C0  }
0x2f: {  	[spmem:s2] =	stream.indirect.scatter.add.f32 [tilespmem:s1], [sflag:$0x8], $0x40, s14, s23, $0xb8;
	[tilespmem:$0x1B940] =	vst v63  }
0x30: {  	_ =	swait.ge [sflag:s10], $0x1F40  }
0x31: {  	[sflag:s10] =	ssyncset.done $0x0  }
0x32: {  	[sflag:s10] =	ssyncadd.s32 $0xFFFFE0C0  }
0x33: {  	_ =	swait.ge [sflag:s12], $0x1F40  }
0x34: {  	[sflag:s12] =	ssyncset.done $0x0  }
0x35: {  	[sflag:s12] =	ssyncadd.s32 $0xFFFFE0C0  }
0x36: {  	_ =	swait.ge [sflag:s29], $0x1F40  }
0x37: {  	[sflag:s29] =	ssyncset.done $0x0  }
0x38: {  	[sflag:s29] =	ssyncadd.s32 $0xFFFFE0C0  }
0x39: {  	_ =	swait.ge [sflag:s15], $0x1F40  }
0x3a: {  	[sflag:s15] =	ssyncset.done $0x0  }
0x3b: {  	[sflag:s15] =	ssyncadd.s32 $0xFFFFE0C0  }
0x3c: {  	[bflag:$0x0] =	sbarrier.arrive $0xFFFF  }
0x3d: {  	s11 =	simm.s32 @p1 $0x1FC9;
	s13 =	rddreg [dreg:$0xa]  }
0x3e: {  	[hbm:s13], [sflag:s11] =	dma.local @p1 [spmem:s18], $0x1400  }
0x3f: {  	s11 =	simm.s32 @p1 $0x9  }
0x40: {  	_ =	swait.ge @p1 [sflag:s11], $0x1400  }
0x41: {  	[sflag:s11] =	ssyncset.done @p1 $0x0  }
0x42: {  	[sflag:s11] =	ssyncadd.s32 @p1 $0xFFFFEC00;
	s11 =	rddreg [dreg:$0x9]  }
0x43: {  	[hbm:s11], [sflag:s9] =	dma.local @!p1 [spmem:s21], $0x1380  }
0x44: {  	s9 =	simm.s32 @!p1 $0x9  }
0x45: {  	_ =	swait.ge @!p1 [sflag:s9], $0x1380  }
0x46: {  	[sflag:s9] =	ssyncset.done @!p1 $0x0  }
0x47: {  	[sflag:s9] =	ssyncadd.s32 @!p1 $0xFFFFEC80  }
.LBB2_8:
0x48: {  	s0 =	sadd.s32 $0x1, s0  }
0x49: {  	p2 =	sne.s32 s0, s16  }
.Ltmp1:
0x4a: {  	_ = 	snop;
	(pc) =	sbr.rel @!p2 .LBB2_9-.Ltmp1, $1  }
0x4b: {  	_ =	sdelay $0x3  }
.LBB2_1:
.Ltmp2:
0x4c: {  	(pc) =	sbr.rel @!p0 .LBB2_2-.Ltmp2, $4  }
0x4d: {  	_ = 	snop  }
0x4e: {  	[tilespmem:s3], [sflag:$0x3] =	stream.linear.gather [hbm4b:s6+s3], $0x5000, $0x38;
	[tilespmem:$0x1B940] =	vst v63  }
0x4f: {  	s9 =	sor.u32 @!p1 $0x1C09, s19  }
0x50: {  	[tilespmem:s17], [sflag:$0x4] =	stream.linear.gather [hbm4b:s7+s3], $0x5000, $0x38;
	[tilespmem:$0x1B940] =	vst v63  }
0x51: {  	s11 =	simm.s32 @p1 $0x1FC5;
	s13 =	rddreg [dreg:$0x8]  }
0x52: {  	[spmem:s18], [sflag:s11] =	dma.local @p1 [hbm:s13], $0x1400  }
0x53: {  	s11 =	rddreg [dreg:$0x7]  }
0x54: {  	[spmem:s21], [sflag:s20] =	dma.local @!p1 [hbm:s11], $0x1380  }
0x55: {  	_ =	swait.ge [sflag:s22], $0x5000  }
0x56: {  	[sflag:s22] =	ssyncset.done $0x0  }
0x57: {  	[sflag:s22] =	ssyncadd.s32 $0xFFFFB000  }
0x58: {  	[tilespmem:s24], [sflag:$0x1] =	stream.indirect.gather [hbm4b:s5+s23], $0x40, s3, s23, $0xb8;
	[tilespmem:$0x1B940] =	vst v63  }
0x59: {  	s25 =	simm.s32 $0x80  }
0x5a: {  	[tilespmem:s26], [sflag:$0x2] =	stream.indirect.gather [hbm4b:s5+s23], $0x40, s25, s23, $0xb8;
	[tilespmem:$0x1B940] =	vst v63  }
0x5b: {  	_ =	swait.ge [sflag:s28], $0x5000  }
0x5c: {  	[sflag:s28] =	ssyncset.done $0x0  }
0x5d: {  	s11 =	simm.s32 @p1 $0x5;
	[sflag:s28] =	ssyncadd.s32 $0xFFFFB000  }
0x5e: {  	_ =	swait.ge @p1 [sflag:s11], $0x1400  }
0x5f: {  	[sflag:s11] =	ssyncset.done @p1 $0x0  }
0x60: {  	[sflag:s11] =	ssyncadd.s32 @p1 $0xFFFFEC00;
	s11 =	simm.s32 @!p1 $0x5  }
0x61: {  	_ =	swait.ge @!p1 [sflag:s11], $0x1380  }
0x62: {  	[sflag:s11] =	ssyncset.done @!p1 $0x0  }
0x63: {  	[sflag:s11] =	ssyncadd.s32 @!p1 $0xFFFFEC80  }
0x64: {  	s13 =	simm.s32 $0x100;
	[bflag:$0x0] =	sbarrier.arrive $0xFFFF  }
0x65: {  	[tilespmem:s30], [sflag:$0x3] =	stream.indirect.gather [hbm4b:s5+s23], $0x40, s13, s23, $0xb8;
	[tilespmem:$0x1B940] =	vst v63  }
0x66: {  	_ =	swait.ge [sflag:s31], $0x1F40  }
0x67: {  	[sflag:s31] =	ssyncset.done $0x0  }
0x68: {  	[sflag:s31] =	ssyncadd.s32 $0xFFFFE0C0  }
0x69: {  	[spmem:s2] =	stream.indirect.scatter.add.f32 [tilespmem:s24], [sflag:$0x5], $0x40, s17, s23, $0xb8;
	[tilespmem:$0x1B940] =	vst v63  }
0x6a: {  	s25 =	simm.s32 $0x180  }
0x6b: {  	[tilespmem:s1], [sflag:$0x4] =	stream.indirect.gather [hbm4b:s5+s23], $0x40, s25, s23, $0xb8;
	[tilespmem:$0x1B940] =	vst v63  }
0x6c: {  	_ =	swait.ge [sflag:s8], $0x1F40  }
0x6d: {  	[sflag:s8] =	ssyncset.done $0x0  }
0x6e: {  	s13 =	simm.s32 $0x5080;
	[sflag:s8] =	ssyncadd.s32 $0xFFFFE0C0  }
0x6f: {  	[spmem:s2] =	stream.indirect.scatter.add.f32 [tilespmem:s26], [sflag:$0x6], $0x40, s13, s23, $0xb8;
	[tilespmem:$0x1B940] =	vst v63  }
0x70: {  	_ =	swait.ge [sflag:s10], $0x1F40  }
0x71: {  	[sflag:s10] =	ssyncset.done $0x0  }
0x72: {  	s25 =	simm.s32 $0x200;
	[sflag:s10] =	ssyncadd.s32 $0xFFFFE0C0  }
0x73: {  	[tilespmem:s24], [sflag:$0x1] =	stream.indirect.gather [hbm4b:s5+s23], $0x40, s25, s23, $0xb8;
	[tilespmem:$0x1B940] =	vst v63  }
0x74: {  	_ =	swait.ge [sflag:s22], $0x1F40  }
0x75: {  	[sflag:s22] =	ssyncset.done $0x0  }
0x76: {  	s13 =	simm.s32 $0x5100;
	[sflag:s22] =	ssyncadd.s32 $0xFFFFE0C0  }
0x77: {  	[spmem:s2] =	stream.indirect.scatter.add.f32 [tilespmem:s30], [sflag:$0x7], $0x40, s13, s23, $0xb8;
	[tilespmem:$0x1B940] =	vst v63  }
0x78: {  	_ =	swait.ge [sflag:s12], $0x1F40  }
0x79: {  	[sflag:s12] =	ssyncset.done $0x0  }
0x7a: {  	s25 =	simm.s32 $0x280;
	[sflag:s12] =	ssyncadd.s32 $0xFFFFE0C0  }
0x7b: {  	[tilespmem:s26], [sflag:$0x2] =	stream.indirect.gather [hbm4b:s5+s23], $0x40, s25, s23, $0xb8;
	[tilespmem:$0x1B940] =	vst v63  }
0x7c: {  	_ =	swait.ge [sflag:s28], $0x1F40  }
0x7d: {  	[sflag:s28] =	ssyncset.done $0x0  }
0x7e: {  	s13 =	simm.s32 $0x5180;
	[sflag:s28] =	ssyncadd.s32 $0xFFFFE0C0  }
0x7f: {  	[spmem:s2] =	stream.indirect.scatter.add.f32 [tilespmem:s1], [sflag:$0x8], $0x40, s13, s23, $0xb8;
	[tilespmem:$0x1B940] =	vst v63  }
0x80: {  	_ =	swait.ge [sflag:s29], $0x1F40  }
0x81: {  	[sflag:s29] =	ssyncset.done $0x0  }
0x82: {  	s25 =	simm.s32 $0x300;
	[sflag:s29] =	ssyncadd.s32 $0xFFFFE0C0  }
0x83: {  	[tilespmem:s30], [sflag:$0x3] =	stream.indirect.gather [hbm4b:s5+s23], $0x40, s25, s23, $0xb8;
	[tilespmem:$0x1B940] =	vst v63  }
0x84: {  	_ =	swait.ge [sflag:s31], $0x1F40  }
0x85: {  	[sflag:s31] =	ssyncset.done $0x0  }
0x86: {  	s13 =	simm.s32 $0x5200;
	[sflag:s31] =	ssyncadd.s32 $0xFFFFE0C0  }
0x87: {  	[spmem:s2] =	stream.indirect.scatter.add.f32 [tilespmem:s24], [sflag:$0x5], $0x40, s13, s23, $0xb8;
	[tilespmem:$0x1B940] =	vst v63  }
0x88: {  	_ =	swait.ge [sflag:s15], $0x1F40  }
0x89: {  	[sflag:s15] =	ssyncset.done $0x0  }
0x8a: {  	s25 =	simm.s32 $0x380;
	[sflag:s15] =	ssyncadd.s32 $0xFFFFE0C0  }
0x8b: {  	[tilespmem:s1], [sflag:$0x4] =	stream.indirect.gather [hbm4b:s5+s23], $0x40, s25, s23, $0xb8;
	[tilespmem:$0x1B940] =	vst v63  }
0x8c: {  	_ =	swait.ge [sflag:s8], $0x1F40  }
0x8d: {  	[sflag:s8] =	ssyncset.done $0x0  }
0x8e: {  	s13 =	simm.s32 $0x5280;
	[sflag:s8] =	ssyncadd.s32 $0xFFFFE0C0  }
0x8f: {  	[spmem:s2] =	stream.indirect.scatter.add.f32 [tilespmem:s26], [sflag:$0x6], $0x40, s13, s23, $0xb8;
	[tilespmem:$0x1B940] =	vst v63  }
0x90: {  	_ =	swait.ge [sflag:s10], $0x1F40  }
0x91: {  	[sflag:s10] =	ssyncset.done $0x0  }
0x92: {  	s25 =	simm.s32 $0x400;
	[sflag:s10] =	ssyncadd.s32 $0xFFFFE0C0  }
0x93: {  	[tilespmem:s24], [sflag:$0x1] =	stream.indirect.gather [hbm4b:s5+s23], $0x40, s25, s23, $0xb8;
	[tilespmem:$0x1B940] =	vst v63  }
0x94: {  	_ =	swait.ge [sflag:s22], $0x1F40  }
0x95: {  	[sflag:s22] =	ssyncset.done $0x0  }
0x96: {  	s13 =	simm.s32 $0x5300;
	[sflag:s22] =	ssyncadd.s32 $0xFFFFE0C0  }
0x97: {  	[spmem:s2] =	stream.indirect.scatter.add.f32 [tilespmem:s30], [sflag:$0x7], $0x40, s13, s23, $0xb8;
	[tilespmem:$0x1B940] =	vst v63  }
0x98: {  	_ =	swait.ge [sflag:s12], $0x1F40  }
0x99: {  	[sflag:s12] =	ssyncset.done $0x0  }
0x9a: {  	s25 =	simm.s32 $0x480;
	[sflag:s12] =	ssyncadd.s32 $0xFFFFE0C0  }
0x9b: {  	[tilespmem:s26], [sflag:$0x2] =	stream.indirect.gather [hbm4b:s5+s23], $0x40, s25, s23, $0xb8;
	[tilespmem:$0x1B940] =	vst v63  }
0x9c: {  	_ =	swait.ge [sflag:s28], $0x1F40  }
0x9d: {  	[sflag:s28] =	ssyncset.done $0x0  }
0x9e: {  	s11 =	simm.s32 $0x800;
	s25 =	simm.s32 $0x5380;
	[sflag:s28] =	ssyncadd.s32 $0xFFFFE0C0  }
.LBB2_6:
0x9f: {  	[spmem:s2] =	stream.indirect.scatter.add.f32 [tilespmem:s1], [sflag:$0x8], $0x40, s25, s23, $0xb8;
	[tilespmem:$0x1B940] =	vst v63  }
0xa0: {  	s13 =	smov.u32 s11  }
0xa1: {  	p2 =	sne.s32 s11, $0x12800;
	s11 =	sadd.s32 $0x800, s11;
	_ =	swait.ge [sflag:s29], $0x1F40  }
0xa2: {  	s25 =	sshra.s32 s13, $0x2;
	[sflag:s29] =	ssyncset.done $0x0  }
0xa3: {  	s13 =	sadd.s32 $0x300, s25;
	[sflag:s29] =	ssyncadd.s32 $0xFFFFE0C0  }
0xa4: {  	[tilespmem:s30], [sflag:$0x3] =	stream.indirect.gather [hbm4b:s5+s23], $0x40, s13, s23, $0xb8;
	[tilespmem:$0x1B940] =	vst v63  }
0xa5: {  	_ =	swait.ge [sflag:s31], $0x1F40  }
0xa6: {  	[sflag:s31] =	ssyncset.done $0x0  }
0xa7: {  	s13 =	sadd.s32 $0x5200, s25;
	[sflag:s31] =	ssyncadd.s32 $0xFFFFE0C0  }
0xa8: {  	[spmem:s2] =	stream.indirect.scatter.add.f32 [tilespmem:s24], [sflag:$0x5], $0x40, s13, s23, $0xb8;
	[tilespmem:$0x1B940] =	vst v63  }
0xa9: {  	_ =	swait.ge [sflag:s15], $0x1F40  }
0xaa: {  	[sflag:s15] =	ssyncset.done $0x0  }
0xab: {  	s13 =	sadd.s32 $0x380, s25;
	[sflag:s15] =	ssyncadd.s32 $0xFFFFE0C0  }
0xac: {  	[tilespmem:s1], [sflag:$0x4] =	stream.indirect.gather [hbm4b:s5+s23], $0x40, s13, s23, $0xb8;
	[tilespmem:$0x1B940] =	vst v63  }
0xad: {  	_ =	swait.ge [sflag:s8], $0x1F40  }
0xae: {  	[sflag:s8] =	ssyncset.done $0x0  }
0xaf: {  	s13 =	sadd.s32 $0x5280, s25;
	[sflag:s8] =	ssyncadd.s32 $0xFFFFE0C0  }
0xb0: {  	[spmem:s2] =	stream.indirect.scatter.add.f32 [tilespmem:s26], [sflag:$0x6], $0x40, s13, s23, $0xb8;
	[tilespmem:$0x1B940] =	vst v63  }
0xb1: {  	_ =	swait.ge [sflag:s10], $0x1F40  }
0xb2: {  	[sflag:s10] =	ssyncset.done $0x0  }
0xb3: {  	s13 =	sadd.s32 $0x400, s25;
	[sflag:s10] =	ssyncadd.s32 $0xFFFFE0C0  }
0xb4: {  	[tilespmem:s24], [sflag:$0x1] =	stream.indirect.gather [hbm4b:s5+s23], $0x40, s13, s23, $0xb8;
	[tilespmem:$0x1B940] =	vst v63  }
0xb5: {  	_ =	swait.ge [sflag:s22], $0x1F40  }
0xb6: {  	[sflag:s22] =	ssyncset.done $0x0  }
0xb7: {  	s13 =	sadd.s32 $0x5300, s25;
	[sflag:s22] =	ssyncadd.s32 $0xFFFFE0C0  }
0xb8: {  	[spmem:s2] =	stream.indirect.scatter.add.f32 [tilespmem:s30], [sflag:$0x7], $0x40, s13, s23, $0xb8;
	[tilespmem:$0x1B940] =	vst v63  }
0xb9: {  	_ =	swait.ge [sflag:s12], $0x1F40  }
0xba: {  	[sflag:s12] =	ssyncset.done $0x0  }
.Ltmp3:
0xbb: {  	s13 =	sadd.s32 $0x480, s25;
	[sflag:s12] =	ssyncadd.s32 $0xFFFFE0C0;
	(pc) =	sbr.rel @p2 .LBB2_6-.Ltmp3, $4  }
0xbc: {  	[tilespmem:s26], [sflag:$0x2] =	stream.indirect.gather [hbm4b:s5+s23], $0x40, s13, s23, $0xb8;
	[tilespmem:$0x1B940] =	vst v63  }
0xbd: {  	_ =	swait.ge [sflag:s28], $0x1F40  }
0xbe: {  	[sflag:s28] =	ssyncset.done $0x0  }
0xbf: {  	s25 =	sadd.s32 $0x5380, s25;
	[sflag:s28] =	ssyncadd.s32 $0xFFFFE0C0  }
.Ltmp4:
0xc0: {  	_ = 	snop;
	(pc) =	sbr.rel .LBB2_7-.Ltmp4, $1  }
0xc1: {  	_ =	sdelay $0x3  }
.LBB2_2:
0xc2: {  	s11 =	simm.s32 @p1 $0x1FC5;
	s13 =	rddreg [dreg:$0x4]  }
0xc3: {  	[spmem:s18], [sflag:s11] =	dma.local @p1 [hbm:s13], $0x1400  }
0xc4: {  	s11 =	rddreg [dreg:$0x3]  }
0xc5: {  	[spmem:s21], [sflag:s20] =	dma.local @!p1 [hbm:s11], $0x1380  }
0xc6: {  	_ =	swait.ge [sflag:s22], $0x5000  }
0xc7: {  	[sflag:s22] =	ssyncset.done $0x0  }
0xc8: {  	[sflag:s22] =	ssyncadd.s32 $0xFFFFB000  }
0xc9: {  	[tilespmem:s24], [sflag:$0x1] =	stream.indirect.gather [hbm4b:s4+s23], $0x40, s3, s23, $0xb8;
	[tilespmem:$0x1B940] =	vst v63  }
0xca: {  	s25 =	simm.s32 $0x80  }
0xcb: {  	[tilespmem:s26], [sflag:$0x2] =	stream.indirect.gather [hbm4b:s4+s23], $0x40, s25, s23, $0xb8;
	[tilespmem:$0x1B940] =	vst v63  }
0xcc: {  	_ =	swait.ge [sflag:s28], $0x5000  }
0xcd: {  	[sflag:s28] =	ssyncset.done $0x0  }
0xce: {  	s11 =	simm.s32 @p1 $0x5;
	[sflag:s28] =	ssyncadd.s32 $0xFFFFB000  }
0xcf: {  	_ =	swait.ge @p1 [sflag:s11], $0x1400  }
0xd0: {  	[sflag:s11] =	ssyncset.done @p1 $0x0  }
0xd1: {  	[sflag:s11] =	ssyncadd.s32 @p1 $0xFFFFEC00;
	s11 =	simm.s32 @!p1 $0x5  }
0xd2: {  	_ =	swait.ge @!p1 [sflag:s11], $0x1380  }
0xd3: {  	[sflag:s11] =	ssyncset.done @!p1 $0x0  }
0xd4: {  	[sflag:s11] =	ssyncadd.s32 @!p1 $0xFFFFEC80  }
0xd5: {  	s13 =	simm.s32 $0x100;
	[bflag:$0x0] =	sbarrier.arrive $0xFFFF  }
0xd6: {  	[tilespmem:s30], [sflag:$0x3] =	stream.indirect.gather [hbm4b:s4+s23], $0x40, s13, s23, $0xb8;
	[tilespmem:$0x1B940] =	vst v63  }
0xd7: {  	_ =	swait.ge [sflag:s31], $0x1F40  }
0xd8: {  	[sflag:s31] =	ssyncset.done $0x0  }
0xd9: {  	[sflag:s31] =	ssyncadd.s32 $0xFFFFE0C0  }
0xda: {  	[spmem:s2] =	stream.indirect.scatter.add.f32 [tilespmem:s24], [sflag:$0x5], $0x40, s17, s23, $0xb8;
	[tilespmem:$0x1B940] =	vst v63  }
0xdb: {  	s25 =	simm.s32 $0x180  }
0xdc: {  	[tilespmem:s1], [sflag:$0x4] =	stream.indirect.gather [hbm4b:s4+s23], $0x40, s25, s23, $0xb8;
	[tilespmem:$0x1B940] =	vst v63  }
0xdd: {  	_ =	swait.ge [sflag:s8], $0x1F40  }
0xde: {  	[sflag:s8] =	ssyncset.done $0x0  }
0xdf: {  	s13 =	simm.s32 $0x5080;
	[sflag:s8] =	ssyncadd.s32 $0xFFFFE0C0  }
0xe0: {  	[spmem:s2] =	stream.indirect.scatter.add.f32 [tilespmem:s26], [sflag:$0x6], $0x40, s13, s23, $0xb8;
	[tilespmem:$0x1B940] =	vst v63  }
0xe1: {  	_ =	swait.ge [sflag:s10], $0x1F40  }
0xe2: {  	[sflag:s10] =	ssyncset.done $0x0  }
0xe3: {  	s25 =	simm.s32 $0x200;
	[sflag:s10] =	ssyncadd.s32 $0xFFFFE0C0  }
0xe4: {  	[tilespmem:s24], [sflag:$0x1] =	stream.indirect.gather [hbm4b:s4+s23], $0x40, s25, s23, $0xb8;
	[tilespmem:$0x1B940] =	vst v63  }
0xe5: {  	_ =	swait.ge [sflag:s22], $0x1F40  }
0xe6: {  	[sflag:s22] =	ssyncset.done $0x0  }
0xe7: {  	s13 =	simm.s32 $0x5100;
	[sflag:s22] =	ssyncadd.s32 $0xFFFFE0C0  }
0xe8: {  	[spmem:s2] =	stream.indirect.scatter.add.f32 [tilespmem:s30], [sflag:$0x7], $0x40, s13, s23, $0xb8;
	[tilespmem:$0x1B940] =	vst v63  }
0xe9: {  	_ =	swait.ge [sflag:s12], $0x1F40  }
0xea: {  	[sflag:s12] =	ssyncset.done $0x0  }
0xeb: {  	s25 =	simm.s32 $0x280;
	[sflag:s12] =	ssyncadd.s32 $0xFFFFE0C0  }
0xec: {  	[tilespmem:s26], [sflag:$0x2] =	stream.indirect.gather [hbm4b:s4+s23], $0x40, s25, s23, $0xb8;
	[tilespmem:$0x1B940] =	vst v63  }
0xed: {  	_ =	swait.ge [sflag:s28], $0x1F40  }
0xee: {  	[sflag:s28] =	ssyncset.done $0x0  }
0xef: {  	s13 =	simm.s32 $0x5180;
	[sflag:s28] =	ssyncadd.s32 $0xFFFFE0C0  }
0xf0: {  	[spmem:s2] =	stream.indirect.scatter.add.f32 [tilespmem:s1], [sflag:$0x8], $0x40, s13, s23, $0xb8;
	[tilespmem:$0x1B940] =	vst v63  }
0xf1: {  	_ =	swait.ge [sflag:s29], $0x1F40  }
0xf2: {  	[sflag:s29] =	ssyncset.done $0x0  }
0xf3: {  	s25 =	simm.s32 $0x300;
	[sflag:s29] =	ssyncadd.s32 $0xFFFFE0C0  }
0xf4: {  	[tilespmem:s30], [sflag:$0x3] =	stream.indirect.gather [hbm4b:s4+s23], $0x40, s25, s23, $0xb8;
	[tilespmem:$0x1B940] =	vst v63  }
0xf5: {  	_ =	swait.ge [sflag:s31], $0x1F40  }
0xf6: {  	[sflag:s31] =	ssyncset.done $0x0  }
0xf7: {  	s13 =	simm.s32 $0x5200;
	[sflag:s31] =	ssyncadd.s32 $0xFFFFE0C0  }
0xf8: {  	[spmem:s2] =	stream.indirect.scatter.add.f32 [tilespmem:s24], [sflag:$0x5], $0x40, s13, s23, $0xb8;
	[tilespmem:$0x1B940] =	vst v63  }
0xf9: {  	_ =	swait.ge [sflag:s15], $0x1F40  }
0xfa: {  	[sflag:s15] =	ssyncset.done $0x0  }
0xfb: {  	s25 =	simm.s32 $0x380;
	[sflag:s15] =	ssyncadd.s32 $0xFFFFE0C0  }
0xfc: {  	[tilespmem:s1], [sflag:$0x4] =	stream.indirect.gather [hbm4b:s4+s23], $0x40, s25, s23, $0xb8;
	[tilespmem:$0x1B940] =	vst v63  }
0xfd: {  	_ =	swait.ge [sflag:s8], $0x1F40  }
0xfe: {  	[sflag:s8] =	ssyncset.done $0x0  }
0xff: {  	s13 =	simm.s32 $0x5280;
	[sflag:s8] =	ssyncadd.s32 $0xFFFFE0C0  }
0x100: {  	[spmem:s2] =	stream.indirect.scatter.add.f32 [tilespmem:s26], [sflag:$0x6], $0x40, s13, s23, $0xb8;
	[tilespmem:$0x1B940] =	vst v63  }
0x101: {  	_ =	swait.ge [sflag:s10], $0x1F40  }
0x102: {  	[sflag:s10] =	ssyncset.done $0x0  }
0x103: {  	s25 =	simm.s32 $0x400;
	[sflag:s10] =	ssyncadd.s32 $0xFFFFE0C0  }
0x104: {  	[tilespmem:s24], [sflag:$0x1] =	stream.indirect.gather [hbm4b:s4+s23], $0x40, s25, s23, $0xb8;
	[tilespmem:$0x1B940] =	vst v63  }
0x105: {  	_ =	swait.ge [sflag:s22], $0x1F40  }
0x106: {  	[sflag:s22] =	ssyncset.done $0x0  }
0x107: {  	s13 =	simm.s32 $0x5300;
	[sflag:s22] =	ssyncadd.s32 $0xFFFFE0C0  }
0x108: {  	[spmem:s2] =	stream.indirect.scatter.add.f32 [tilespmem:s30], [sflag:$0x7], $0x40, s13, s23, $0xb8;
	[tilespmem:$0x1B940] =	vst v63  }
0x109: {  	_ =	swait.ge [sflag:s12], $0x1F40  }
0x10a: {  	[sflag:s12] =	ssyncset.done $0x0  }
0x10b: {  	s25 =	simm.s32 $0x480;
	[sflag:s12] =	ssyncadd.s32 $0xFFFFE0C0  }
0x10c: {  	[tilespmem:s26], [sflag:$0x2] =	stream.indirect.gather [hbm4b:s4+s23], $0x40, s25, s23, $0xb8;
	[tilespmem:$0x1B940] =	vst v63  }
0x10d: {  	_ =	swait.ge [sflag:s28], $0x1F40  }
0x10e: {  	[sflag:s28] =	ssyncset.done $0x0  }
0x10f: {  	s11 =	simm.s32 $0x800;
	s25 =	simm.s32 $0x5380;
	[sflag:s28] =	ssyncadd.s32 $0xFFFFE0C0  }
.LBB2_3:
0x110: {  	[spmem:s2] =	stream.indirect.scatter.add.f32 [tilespmem:s1], [sflag:$0x8], $0x40, s25, s23, $0xb8;
	[tilespmem:$0x1B940] =	vst v63  }
0x111: {  	s25 =	smov.u32 s11  }
0x112: {  	p2 =	sne.s32 s11, $0x12800;
	s11 =	sadd.s32 $0x800, s11;
	_ =	swait.ge [sflag:s29], $0x1F40  }
0x113: {  	s25 =	sshra.s32 s25, $0x2;
	[sflag:s29] =	ssyncset.done $0x0  }
0x114: {  	s13 =	sadd.s32 $0x300, s25;
	[sflag:s29] =	ssyncadd.s32 $0xFFFFE0C0  }
0x115: {  	[tilespmem:s30], [sflag:$0x3] =	stream.indirect.gather [hbm4b:s4+s23], $0x40, s13, s23, $0xb8;
	[tilespmem:$0x1B940] =	vst v63  }
0x116: {  	_ =	swait.ge [sflag:s31], $0x1F40  }
0x117: {  	[sflag:s31] =	ssyncset.done $0x0  }
0x118: {  	s13 =	sadd.s32 $0x5200, s25;
	[sflag:s31] =	ssyncadd.s32 $0xFFFFE0C0  }
0x119: {  	[spmem:s2] =	stream.indirect.scatter.add.f32 [tilespmem:s24], [sflag:$0x5], $0x40, s13, s23, $0xb8;
	[tilespmem:$0x1B940] =	vst v63  }
0x11a: {  	_ =	swait.ge [sflag:s15], $0x1F40  }
0x11b: {  	[sflag:s15] =	ssyncset.done $0x0  }
0x11c: {  	s13 =	sadd.s32 $0x380, s25;
	[sflag:s15] =	ssyncadd.s32 $0xFFFFE0C0  }
0x11d: {  	[tilespmem:s1], [sflag:$0x4] =	stream.indirect.gather [hbm4b:s4+s23], $0x40, s13, s23, $0xb8;
	[tilespmem:$0x1B940] =	vst v63  }
0x11e: {  	_ =	swait.ge [sflag:s8], $0x1F40  }
0x11f: {  	[sflag:s8] =	ssyncset.done $0x0  }
0x120: {  	s13 =	sadd.s32 $0x5280, s25;
	[sflag:s8] =	ssyncadd.s32 $0xFFFFE0C0  }
0x121: {  	[spmem:s2] =	stream.indirect.scatter.add.f32 [tilespmem:s26], [sflag:$0x6], $0x40, s13, s23, $0xb8;
	[tilespmem:$0x1B940] =	vst v63  }
0x122: {  	_ =	swait.ge [sflag:s10], $0x1F40  }
0x123: {  	[sflag:s10] =	ssyncset.done $0x0  }
0x124: {  	s13 =	sadd.s32 $0x400, s25;
	[sflag:s10] =	ssyncadd.s32 $0xFFFFE0C0  }
0x125: {  	[tilespmem:s24], [sflag:$0x1] =	stream.indirect.gather [hbm4b:s4+s23], $0x40, s13, s23, $0xb8;
	[tilespmem:$0x1B940] =	vst v63  }
0x126: {  	_ =	swait.ge [sflag:s22], $0x1F40  }
0x127: {  	[sflag:s22] =	ssyncset.done $0x0  }
0x128: {  	s13 =	sadd.s32 $0x5300, s25;
	[sflag:s22] =	ssyncadd.s32 $0xFFFFE0C0  }
0x129: {  	[spmem:s2] =	stream.indirect.scatter.add.f32 [tilespmem:s30], [sflag:$0x7], $0x40, s13, s23, $0xb8;
	[tilespmem:$0x1B940] =	vst v63  }
0x12a: {  	_ =	swait.ge [sflag:s12], $0x1F40  }
0x12b: {  	[sflag:s12] =	ssyncset.done $0x0  }
.Ltmp5:
0x12c: {  	s13 =	sadd.s32 $0x480, s25;
	[sflag:s12] =	ssyncadd.s32 $0xFFFFE0C0;
	(pc) =	sbr.rel @p2 .LBB2_3-.Ltmp5, $4  }
0x12d: {  	[tilespmem:s26], [sflag:$0x2] =	stream.indirect.gather [hbm4b:s4+s23], $0x40, s13, s23, $0xb8;
	[tilespmem:$0x1B940] =	vst v63  }
0x12e: {  	_ =	swait.ge [sflag:s28], $0x1F40  }
0x12f: {  	[sflag:s28] =	ssyncset.done $0x0  }
0x130: {  	s25 =	sadd.s32 $0x5380, s25;
	[sflag:s28] =	ssyncadd.s32 $0xFFFFE0C0  }
0x131: {  	[spmem:s2] =	stream.indirect.scatter.add.f32 [tilespmem:s1], [sflag:$0x8], $0x40, s25, s23, $0xb8;
	[tilespmem:$0x1B940] =	vst v63  }
0x132: {  	_ =	swait.ge [sflag:s29], $0x1F40  }
0x133: {  	[sflag:s29] =	ssyncset.done $0x0  }
0x134: {  	s11 =	simm.s32 $0x4F00;
	[sflag:s29] =	ssyncadd.s32 $0xFFFFE0C0  }
0x135: {  	[tilespmem:s30], [sflag:$0x3] =	stream.indirect.gather [hbm4b:s4+s23], $0x40, s11, s23, $0xb8;
	[tilespmem:$0x1B940] =	vst v63  }
0x136: {  	_ =	swait.ge [sflag:s31], $0x1F40  }
0x137: {  	[sflag:s31] =	ssyncset.done $0x0  }
0x138: {  	s13 =	simm.s32 $0x9E00;
	[sflag:s31] =	ssyncadd.s32 $0xFFFFE0C0  }
0x139: {  	[spmem:s2] =	stream.indirect.scatter.add.f32 [tilespmem:s24], [sflag:$0x5], $0x40, s13, s23, $0xb8;
	[tilespmem:$0x1B940] =	vst v63  }
0x13a: {  	_ =	swait.ge [sflag:s15], $0x1F40  }
0x13b: {  	[sflag:s15] =	ssyncset.done $0x0  }
0x13c: {  	s25 =	simm.s32 $0x4F80;
	[sflag:s15] =	ssyncadd.s32 $0xFFFFE0C0  }
0x13d: {  	[tilespmem:s1], [sflag:$0x4] =	stream.indirect.gather [hbm4b:s4+s23], $0x40, s25, s23, $0xb8;
	[tilespmem:$0x1B940] =	vst v63  }
0x13e: {  	_ =	swait.ge [sflag:s8], $0x1F40  }
0x13f: {  	[sflag:s8] =	ssyncset.done $0x0  }
0x140: {  	s13 =	simm.s32 $0x9E80;
	[sflag:s8] =	ssyncadd.s32 $0xFFFFE0C0  }
0x141: {  	[spmem:s2] =	stream.indirect.scatter.add.f32 [tilespmem:s26], [sflag:$0x6], $0x40, s13, s23, $0xb8;
	[tilespmem:$0x1B940] =	vst v63  }
0x142: {  	_ =	swait.ge [sflag:s22], $0x1F40  }
0x143: {  	[sflag:s22] =	ssyncset.done $0x0  }
0x144: {  	s25 =	simm.s32 $0x9F00;
	[sflag:s22] =	ssyncadd.s32 $0xFFFFE0C0  }
0x145: {  	[spmem:s2] =	stream.indirect.scatter.add.f32 [tilespmem:s30], [sflag:$0x7], $0x40, s25, s23, $0xb8;
	[tilespmem:$0x1B940] =	vst v63  }
0x146: {  	_ =	swait.ge [sflag:s28], $0x1F40  }
0x147: {  	[sflag:s28] =	ssyncset.done $0x0  }
0x148: {  	[sflag:s28] =	ssyncadd.s32 $0xFFFFE0C0  }
0x149: {  	[spmem:s2] =	stream.indirect.scatter.add.f32 [tilespmem:s1], [sflag:$0x8], $0x40, s14, s23, $0xb8;
	[tilespmem:$0x1B940] =	vst v63  }
0x14a: {  	_ =	swait.ge [sflag:s10], $0x1F40  }
0x14b: {  	[sflag:s10] =	ssyncset.done $0x0  }
0x14c: {  	[sflag:s10] =	ssyncadd.s32 $0xFFFFE0C0  }
0x14d: {  	_ =	swait.ge [sflag:s12], $0x1F40  }
0x14e: {  	[sflag:s12] =	ssyncset.done $0x0  }
0x14f: {  	[sflag:s12] =	ssyncadd.s32 $0xFFFFE0C0  }
0x150: {  	_ =	swait.ge [sflag:s29], $0x1F40  }
0x151: {  	[sflag:s29] =	ssyncset.done $0x0  }
0x152: {  	[sflag:s29] =	ssyncadd.s32 $0xFFFFE0C0  }
0x153: {  	_ =	swait.ge [sflag:s15], $0x1F40  }
0x154: {  	[sflag:s15] =	ssyncset.done $0x0  }
0x155: {  	[sflag:s15] =	ssyncadd.s32 $0xFFFFE0C0  }
0x156: {  	[bflag:$0x0] =	sbarrier.arrive $0xFFFF  }
0x157: {  	s11 =	simm.s32 @p1 $0x1FC9;
	s13 =	rddreg [dreg:$0x6]  }
0x158: {  	[hbm:s13], [sflag:s11] =	dma.local @p1 [spmem:s18], $0x1400  }
0x159: {  	s11 =	simm.s32 @p1 $0x9  }
0x15a: {  	_ =	swait.ge @p1 [sflag:s11], $0x1400  }
0x15b: {  	[sflag:s11] =	ssyncset.done @p1 $0x0  }
0x15c: {  	[sflag:s11] =	ssyncadd.s32 @p1 $0xFFFFEC00;
	s11 =	rddreg [dreg:$0x5]  }
0x15d: {  	[hbm:s11], [sflag:s9] =	dma.local @!p1 [spmem:s21], $0x1380  }
.Ltmp6:
0x15e: {  	_ = 	snop;
	(pc) =	sbr.rel .LBB2_8-.Ltmp6, $4  }
0x15f: {  	s9 =	simm.s32 @!p1 $0x9  }
0x160: {  	_ =	swait.ge @!p1 [sflag:s9], $0x1380  }
0x161: {  	[sflag:s9] =	ssyncset.done @!p1 $0x0  }
0x162: {  	[sflag:s9] =	ssyncadd.s32 @!p1 $0xFFFFEC80  }
.LBB2_9:
0x163: {  	_ =	sfence.sel $0x180000  }
0x164: {  	[bflag:$0x0] =	sbarrier.arrive $0xFFFF  }
0x165: {  	_ =	strace $0x9000004D  }
0x166: {  	s0 =	stileid.u32;
	[bflag:$0x2] =	sbarrier.arrive $0xFFFF  }
0x167: {  	p0 =	sne.s32 s0, $0x0;
	s0 =	rddreg [dreg:$0x2]  }
0x168: {  	s0 =	sadd.s32 @!p0 $0x100000, s0  }
0x169: {  	[sflag:s0] =	ssyncadd.tile.s32 @!p0 $0x1;
	_ =	shalt  }
.Lfunc_end2:
_tile_overlayer_lowered:
.L_overlay_start_2:
0x16a: {  	(tag) =	ssettag $0x2  }
0x16b: {  	s0 =	rddreg [dreg:$0x0];
	s2 =	stileid.u32  }
0x16c: {  	s1 =	rddreg [dreg:$0x1];
	p0 =	sne.s32 s2, $0x0  }
0x16d: {  	s3 =	rddreg [dreg:$0x2];
	[bflag:$0x3] =	sbarrier.arrive $0xFFFF;
	s2 =	simm.s32 @!p0 $0x1C09  }
0x16e: {  	[timem:s3], [sflag:s2] =	dma.local @!p0 [hbm:s0], s1  }
0x16f: {  	s0 =	simm.s32 @!p0 $0x9  }
0x170: {  	_ =	swait.ge @!p0 [sflag:s0], s1  }
0x171: {  	s1 =	ssub.s32 @!p0 $0x0, s1;
	[sflag:s0] =	ssyncset.done @!p0 $0x0  }
0x172: {  	[sflag:s0] =	ssyncadd.s32 @!p0 s1  }
0x173: {  	[bflag:$0x3] =	sbarrier.arrive $0xFFFF  }
0x174: {  	_ =	shalt  }

// kernel: kernel.19.cloned.1.call-start
scs
__scs_entry_jumppad:
0x0: {  	(pc) =	sbr.rel $0x88, $3  }
0x1: {  	(tag) =	ssettag $0x0;
	lr =	simm.s32 $0x1  }
0x2: {  	[smem:$0x3F94] =	sst lr;
	_ =	strace $0xD0000000  }
0x3: {  	_ = 	snop  }
0x4: {  	_ = 	snop  }
0x5: {  	_ = 	snop  }
0x6: {  	_ = 	snop  }
0x7: {  	_ = 	snop  }
__scs_overlays_trampoline_lowered:
0x8: {  	[smem:$0x3FA3] =	sst s0  }
0x9: {  	[smem:$0x3FA4] =	sst s1  }
0xa: {  	[smem:$0x3FA5] =	sst s2  }
0xb: {  	[smem:$0x3FA6] =	sst s3  }
0xc: {  	[smem:$0x3FA7] =	sst s4  }
0xd: {  	[smem:$0x3FA8] =	sst s5  }
0xe: {  	[smem:$0x3FA9] =	sst s6  }
0xf: {  	[smem:$0x3FAA] =	sst s7  }
0x10: {  	[smem:$0x3FAB] =	sst s8  }
0x11: {  	[smem:$0x3FAC] =	sst s9;
	s0 =	simm.s32 @!p0 $0x0  }
0x12: {  	s1 =	sld [smem:$0x3F92];
	s0 =	simm.s32 @p0 $0x1  }
0x13: {  	[smem:$0x3FAD] =	sst s0;
	s0 =	simm.s32 @!p1 $0x0  }
0x14: {  	s2 =	sld [smem:$0x3F91];
	s0 =	simm.s32 @p1 $0x1  }
0x15: {  	[smem:$0x3FAE] =	sst s0;
	s0 =	simm.s32 @!p2 $0x0  }
0x16: {  	s3 =	sld [smem:$0x3FDB];
	s0 =	simm.s32 @p2 $0x1  }
0x17: {  	s4 =	simm.s32 $0x1BF5;
	[smem:$0x3FB0] =	sst s0  }
0x18: {  	s0 =	sld [smem:$0x3F93];
	_ =	swait.ge [sflag:s4], $0x0  }
0x19: {  	s7 =	sld [smem:$0x3F94]  }
0x1a: {  	s8 =	sadd.s32 $0xFFFFE003, lr  }
0x1b: {  	s9 =	sadd.s32 $0xFFFFFEF7, lr;
	s5 =	simm.s32 $0xFFFFFFFF;
	p2 =	slt.u32 s8, $0xFFFFF086  }
0x1c: {  	p1 =	slt.u32 s9, $0xF7A;
	s5 =	simm.s32 @!p2 $0x0  }
0x1d: {  	s5 =	simm.s32 @p1 $0x1;
	p0 =	seq.s32 s7, s2  }
0x1e: {  	s7 =	smul.u32 @!p0 $0xF7A, s2;
	p2 =	seq.s32 @!p0 s5, $0x0  }
0x1f: {  	s9 =	smul.u32 $0xF7A, s1;
	s8 =	simm.s32 @!p0 $0x1BF5;
	p2 =	por !p2, p0  }
0x20: {  	[sflag:s8] =	ssyncset.s32 @!p0 $0xFFFFF086;
	s6 =	sadd.s32 @!p0 s3, s7;
	s7 =	simm.s32 @!p0 $0x108  }
0x21: {  	s3 =	sadd.s32 s3, s9;
	s6 =	sadd.s32 @!p0 $0x88, s6;
	s7 =	simm.s32 @p2 $0x1082  }
0x22: {  	[simem:s7], [sflag:s8] =	dma.local @!p0 [hbm:s6], $0xF7A  }
0x23: {  	s9 =	sor.u32 $0xD0000000, s2;
	s6 =	simm.s32 $0x108;
	_ =	swait.ge @!p0 [sflag:s8], $0x0  }
0x24: {  	s3 =	sadd.s32 $0x88, s3;
	s6 =	simm.s32 @!p1 $0x1082;
	[sflag:s4] =	ssyncset.s32 $0xFFFFF086  }
0x25: {  	[simem:s6], [sflag:s4] =	dma.local [hbm:s3], $0xF7A  }
0x26: {  	[smem:$0x3F94] =	sst s1;
	(tag) =	ssettag s2;
	_ =	strace s9  }
0x27: {  	s1 =	sld [smem:$0x3FA4]  }
0x28: {  	s2 =	sld [smem:$0x3FA5]  }
0x29: {  	s4 =	sld [smem:$0x3FA7]  }
0x2a: {  	p0 =	seq.s32 s5, $0x0;
	s5 =	sld [smem:$0x3FA8]  }
0x2b: {  	s6 =	sld [smem:$0x3FA9]  }
0x2c: {  	s7 =	sld [smem:$0x3FAA]  }
0x2d: {  	s3 =	simm.s32 $0x108;
	s8 =	sld [smem:$0x3FAB]  }
0x2e: {  	s3 =	simm.s32 @!p0 $0x1082;
	s9 =	sld [smem:$0x3FAC]  }
0x2f: {  	lr =	sadd.s32 s0, s3;
	s0 =	sld [smem:$0x3FA3]  }
0x30: {  	s3 =	sld [smem:$0x3FA6]  }
0x31: {  	[smem:$0x3FAF] =	sst s10  }
0x32: {  	s10 =	sld [smem:$0x3FAD];
	_ =	sdelay $0x3  }
0x33: {  	p0 =	seq.s32 s10, $0x1;
	s10 =	sld [smem:$0x3FAF];
	_ =	sdelay $0x3  }
0x34: {  	[smem:$0x3FAF] =	sst s10  }
0x35: {  	s10 =	sld [smem:$0x3FAE];
	_ =	sdelay $0x3  }
0x36: {  	p1 =	seq.s32 s10, $0x1;
	s10 =	sld [smem:$0x3FAF];
	_ =	sdelay $0x3  }
0x37: {  	[smem:$0x3FAF] =	sst s10  }
0x38: {  	s10 =	sld [smem:$0x3FB0]  }
0x39: {  	_ = 	snop;
	(pc) =	sbr.ind lr, $3  }
0x3a: {  	_ = 	snop  }
0x3b: {  	_ = 	snop  }
0x3c: {  	p2 =	seq.s32 s10, $0x1;
	s10 =	sld [smem:$0x3FAF]  }
0x3d: {  	_ =	shalt  }
0x3e: {  	_ =	shalt  }
0x3f: {  	_ =	shalt  }
0x40: {  	_ =	shalt  }
0x41: {  	_ =	shalt  }
0x42: {  	_ =	shalt  }
0x43: {  	_ =	shalt  }
0x44: {  	_ =	shalt  }
0x45: {  	_ =	shalt  }
0x46: {  	_ =	shalt  }
0x47: {  	_ =	shalt  }
0x48: {  	_ =	shalt  }
0x49: {  	_ =	shalt  }
0x4a: {  	_ =	shalt  }
0x4b: {  	_ =	shalt  }
0x4c: {  	_ =	shalt  }
0x4d: {  	_ =	shalt  }
0x4e: {  	_ =	shalt  }
0x4f: {  	_ =	shalt  }
0x50: {  	_ =	shalt  }
0x51: {  	_ =	shalt  }
0x52: {  	_ =	shalt  }
0x53: {  	_ =	shalt  }
0x54: {  	_ =	shalt  }
0x55: {  	_ =	shalt  }
0x56: {  	_ =	shalt  }
0x57: {  	_ =	shalt  }
0x58: {  	_ =	shalt  }
0x59: {  	_ =	shalt  }
0x5a: {  	_ =	shalt  }
0x5b: {  	_ =	shalt  }
0x5c: {  	_ =	shalt  }
0x5d: {  	_ =	shalt  }
0x5e: {  	_ =	shalt  }
0x5f: {  	_ =	shalt  }
0x60: {  	_ =	shalt  }
0x61: {  	_ =	shalt  }
0x62: {  	_ =	shalt  }
0x63: {  	_ =	shalt  }
0x64: {  	_ =	shalt  }
0x65: {  	_ =	shalt  }
0x66: {  	_ =	shalt  }
0x67: {  	_ =	shalt  }
0x68: {  	_ =	shalt  }
0x69: {  	_ =	shalt  }
0x6a: {  	_ =	shalt  }
0x6b: {  	_ =	shalt  }
0x6c: {  	_ =	shalt  }
0x6d: {  	_ =	shalt  }
0x6e: {  	_ =	shalt  }
0x6f: {  	_ =	shalt  }
0x70: {  	_ =	shalt  }
0x71: {  	_ =	shalt  }
0x72: {  	_ =	shalt  }
0x73: {  	_ =	shalt  }
0x74: {  	_ =	shalt  }
0x75: {  	_ =	shalt  }
0x76: {  	_ =	shalt  }
0x77: {  	_ =	shalt  }
0x78: {  	_ =	shalt  }
0x79: {  	_ =	shalt  }
0x7a: {  	_ =	shalt  }
0x7b: {  	_ =	shalt  }
0x7c: {  	_ =	shalt  }
0x7d: {  	_ =	shalt  }
0x7e: {  	_ =	shalt  }
0x7f: {  	_ =	shalt  }
0x80: {  	_ =	shalt  }
0x81: {  	_ =	shalt  }
0x82: {  	_ =	shalt  }
0x83: {  	_ =	shalt  }
0x84: {  	_ =	shalt  }
0x85: {  	_ =	shalt  }
0x86: {  	_ =	shalt  }
0x87: {  	_ =	shalt  }
.Lfunc_end0:
.L_simem_size_0:
called_computation.3_lowered:
.L_overlay_start_0:
0x88: {  	s2 =	sld [smem:$0x3FD9]  }
0x89: {  	s3 =	sld [smem:$0x3FFE];
	_ =	sdelay $0x1  }
0x8a: {  	s1 =	srdreg.scid  }
0x8b: {  	s0 =	sand.u32 $0x1, s1  }
0x8c: {  	s16 =	sshll.u32 s0, $0xA;
	s2 =	sadd.s32 s3, s2  }
0x8d: {  	s2 =	sadd.s32 s2, s16  }
0x8e: {  	[smem:$0x3FBB] =	sst s2  }
0x8f: {  	_ = 	snop  }
0x90: {  	(tm) =	ssettm $0x1  }
0x91: {  	s17 =	sld [smem:$0x3FFB];
	_ =	sdelay $0x3  }
0x92: {  	_ =	strace s17  }
0x93: {  	s2 =	sld [smem:$0x3FFC];
	_ =	sdelay $0x3  }
0x94: {  	_ =	strace s2  }
0x95: {  	s2 =	sld [smem:$0x3FFD];
	_ =	sdelay $0x3  }
0x96: {  	_ =	strace s2  }
0x97: {  	_ =	strace $0x8FFFFFFF  }
0x98: {  	s18 =	sld [smem:$0x3FDB];
	_ =	sdelay $0x1  }
0x99: {  	s19 =	simm.s32 $_scs_section_size  }
0x9a: {  	s4 =	simm.s32 $_size__tile_overlayer_lowered;
	s5 =	simm.s32 $_tile_overlayer_lowered  }
0x9b: {  	s22 =	simm.s32 $0x1BFF;
	s21 =	sshll.u32 s5, $0x1;
	s2 =	sadd.s32 s19, s18  }
0x9c: {  	s6 =	simm.s32 $0x0;
	s20 =	sshll.u32 s4, $0x1;
	s4 =	sadd.s32 s21, s2  }
0x9d: {  	[timem:s6], [sflag:s22] =	dma.local [hbm:s4], s20  }
0x9e: {  	_ =	swait.ge [sflag:s22], s20  }
0x9f: {  	s3 =	ssub.s32 $0x0, s20;
	[sflag:s22] =	ssyncset.done $0x0  }
0xa0: {  	[sflag:s22] =	ssyncadd.s32 s3;
	_ =	sdelay $0x1  }
0xa1: {  	s23 =	simm.s32 $0x1B8B  }
0xa2: {  	_ =	swait.ge [sflag:s23], $0x1  }
0xa3: {  	[sflag:s23] =	ssyncset.done $0x0  }
0xa4: {  	s25 =	simm.s32 $0x1B8E;
	s24 =	sld [smem:$0x3FFE];
	[sflag:s23] =	ssyncadd.s32 $0xFFFFFFFF  }
0xa5: {  	s26 =	simm.s32 $execute0_lowered;
	[smem:$0x3FD2] =	sst s25  }
0xa6: {  	s4 =	sshll.u32 s26, $0x1;
	_ =	strace $0x8000004F;
	[dreg:$0x1] =	wrdreg $0xFFFFFFFF  }
0xa7: {  	s28 =	simm.s32 $_size_execute0_lowered;
	s2 =	sadd.s32 s2, s4;
	[dreg:$0x0] =	wrdreg $0x0  }
0xa8: {  	s4 =	sshll.u32 s28, $0x1;
	[dreg:$0x2] =	wrdreg s2  }
0xa9: {  	[dreg:$0x3] =	wrdreg s4  }
0xaa: {  	[dreg:$0x4] =	wrdreg $0xC0  }
0xab: {  	_ =	task [dreg:s6], $0x5FFFF  }
0xac: {  	[dreg:$0x1] =	wrdreg $0xFFFFFFFF  }
0xad: {  	[dreg:$0x0] =	wrdreg $0x60  }
0xae: {  	[dreg:$0x2] =	wrdreg s24  }
0xaf: {  	[dreg:$0x3] =	wrdreg $0x11D000  }
0xb0: {  	[dreg:$0x4] =	wrdreg $0x9  }
0xb1: {  	_ =	task.clear_ibuf [dreg:s6], $0x5FFFF;
	_ =	strace $0x9000004F  }
0xb2: {  	s29 =	simm.s32 $0x9;
	_ =	strace $0x80000051  }
0xb3: {  	_ =	swait.ge [sflag:s29], $0x1  }
0xb4: {  	[sflag:s29] =	ssyncadd.s32 $0xFFFFFFFF  }
0xb5: {  	_ =	strace $0x90000051  }
0xb6: {  	_ =	sfence  }
0xb7: {  	s30 =	sld [smem:$0x0];
	_ =	sdelay $0x2  }
0xb8: {  	s31 =	sshll.u32 s1, $0xD;
	s1 =	sshrl.u32 s1, $0x2  }
0xb9: {  	s3 =	sand.u32 $0x4000, s31;
	s1 =	sadd.s32 s1, s30  }
0xba: {  	s0 =	sor.u32 s3, s0;
	s1 =	sshll.u32 s1, $0x11  }
0xbb: {  	s0 =	sor.u32 s1, s0  }
0xbc: {  	s0 =	sadd.s32 $0x8F2B, s0  }
0xbd: {  	[sflag:s0] =	ssyncadd.remote.s32 $0x1  }
0xbe: {  	_ =	sfence.sel $0xFFFF  }
0xbf: {  	[dreg:$0x0] =	wrdreg $0xFFFFFFFF;
	(pc) =	sbr.abs _section_cstart, $3  }
0xc0: {  	[dreg:$0x1] =	wrdreg $0xFFFFFFFF  }
0xc1: {  	_ =	task.clear_ibuf [dreg:s6], $0x2FFFF;
	_ =	strace $0x9FFFFFFF  }
0xc2: {  	(tm) =	ssettm $0x7FFFFFFF  }
0xc3: {  	_ =	shalt  }
tec
execute0_lowered:
.L_overlay_start_1:
0x0: {  	(tag) =	ssettag $0x1  }
0x1: {  	s0 =	rddreg [dreg:$0x0]  }
0x2: {  	s2 =	rddreg [dreg:$0x1]  }
0x3: {  	s3 =	simm.s32 $0x0;
	s13 =	stileid.u32;
	s1 =	srdreg.scid  }
0x4: {  	s17 =	simm.s32 $0x5000;
	s28 =	simm.s32 $0x4;
	s30 =	simm.s32 $0xDE80  }
0x5: {  	s31 =	simm.s32 $0x1;
	s29 =	simm.s32 $0x7;
	s15 =	simm.s32 $0x8  }
0x6: {  	s14 =	simm.s32 $0x9F80;
	[smem:$0x7FF] =	sst s3;
	s8 =	smul.u32 $0x9C00, s13  }
0x7: {  	s1 =	sand.u32 $0x1, s1;
	s4 =	sadd.s32 $0x81200, s0;
	s6 =	smul.u32 $0xA00, s13  }
0x8: {  	s5 =	sadd.s32 $0x6D800, s0;
	s22 =	sadd.s32 $0x93680, s0;
	s24 =	sadd.s32 $0xBAA80, s0  }
0x9: {  	s25 =	sadd.s32 $0x7FC80, s0;
	_ =	strace $0x80000050;
	[dreg:$0x4] =	wrdreg s22  }
0xa: {  	p1 =	seq.s32 s13, $0xF;
	s7 =	ssub.s32 $0x2, s1;
	[dreg:$0x6] =	wrdreg s24  }
0xb: {  	p0 =	seq.s32 s1, $0x1;
	[dreg:$0x8] =	wrdreg s25;
	s19 =	sshll.u32 @!p1 s13, $0x6  }
0xc: {  	s22 =	simm.s32 $0x3;
	s24 =	simm.s32 $0xA000;
	s9 =	sshrl.u32 s8, $0x3  }
0xd: {  	s10 =	sshrl.u32 s7, $0x1;
	s11 =	sadd.s32 s6, s0;
	s1 =	sadd.s32 s8, s2  }
0xe: {  	s8 =	sadd.s32 $0x92400, s2;
	s20 =	sor.u32 @!p1 $0x1C05, s19;
	s12 =	sadd.s32 s9, s0  }
0xf: {  	s10 =	ssub.s32 s7, s10;
	s6 =	sadd.s32 $0x15600, s11;
	s7 =	sadd.s32 $0x3E00, s11  }
0x10: {  	s21 =	sadd.s32 s4, s9;
	s9 =	sadd.s32 s5, s9;
	s0 =	sadd.s32 $0xA7080, s0  }
0x11: {  	s18 =	sshrl.u32 @p1 s8, $0x3;
	s8 =	simm.s32 $0x2;
	[dreg:$0x3] =	wrdreg s21  }
.Ltmp0:
0x12: {  	s23 =	sadd.s32 $0xA8600, s12;
	[dreg:$0x7] =	wrdreg s9;
	(pc) =	sbr.rel .LBB2_1-.Ltmp0, $4  }
0x13: {  	s26 =	sadd.s32 $0x94C00, s12;
	[dreg:$0xa] =	wrdreg s0;
	s16 =	smax.u32 s10, $0x1  }
0x14: {  	s21 =	sshrl.u32 @!p1 s1, $0x3;
	s1 =	simm.s32 $0xFDC0;
	s10 =	simm.s32 $0x5  }
0x15: {  	s12 =	simm.s32 $0x6;
	s0 =	simm.s32 $0x0;
	[dreg:$0x5] =	wrdreg s23  }
0x16: {  	[dreg:$0x9] =	wrdreg s26;
	s23 =	simm.s32 $0x7D;
	s26 =	simm.s32 $0xBF40  }
.LBB2_7:
0x17: {  	[spmem:s2] =	stream.indirect.scatter.add.f32 [tilespmem:s1], [sflag:$0x8], $0x40, s25, s23, $0xb8;
	[tilespmem:$0x1B940] =	vst v63  }
0x18: {  	_ =	swait.ge [sflag:s29], $0x1F40  }
0x19: {  	[sflag:s29] =	ssyncset.done $0x0  }
0x1a: {  	s11 =	simm.s32 $0x4F00;
	[sflag:s29] =	ssyncadd.s32 $0xFFFFE0C0  }
0x1b: {  	[tilespmem:s30], [sflag:$0x3] =	stream.indirect.gather [hbm4b:s5+s23], $0x40, s11, s23, $0xb8;
	[tilespmem:$0x1B940] =	vst v63  }
0x1c: {  	_ =	swait.ge [sflag:s31], $0x1F40  }
0x1d: {  	[sflag:s31] =	ssyncset.done $0x0  }
0x1e: {  	s13 =	simm.s32 $0x9E00;
	[sflag:s31] =	ssyncadd.s32 $0xFFFFE0C0  }
0x1f: {  	[spmem:s2] =	stream.indirect.scatter.add.f32 [tilespmem:s24], [sflag:$0x5], $0x40, s13, s23, $0xb8;
	[tilespmem:$0x1B940] =	vst v63  }
0x20: {  	_ =	swait.ge [sflag:s15], $0x1F40  }
0x21: {  	[sflag:s15] =	ssyncset.done $0x0  }
0x22: {  	s25 =	simm.s32 $0x4F80;
	[sflag:s15] =	ssyncadd.s32 $0xFFFFE0C0  }
0x23: {  	[tilespmem:s1], [sflag:$0x4] =	stream.indirect.gather [hbm4b:s5+s23], $0x40, s25, s23, $0xb8;
	[tilespmem:$0x1B940] =	vst v63  }
0x24: {  	_ =	swait.ge [sflag:s8], $0x1F40  }
0x25: {  	[sflag:s8] =	ssyncset.done $0x0  }
0x26: {  	s13 =	simm.s32 $0x9E80;
	[sflag:s8] =	ssyncadd.s32 $0xFFFFE0C0  }
0x27: {  	[spmem:s2] =	stream.indirect.scatter.add.f32 [tilespmem:s26], [sflag:$0x6], $0x40, s13, s23, $0xb8;
	[tilespmem:$0x1B940] =	vst v63  }
0x28: {  	_ =	swait.ge [sflag:s22], $0x1F40  }
0x29: {  	[sflag:s22] =	ssyncset.done $0x0  }
0x2a: {  	s25 =	simm.s32 $0x9F00;
	[sflag:s22] =	ssyncadd.s32 $0xFFFFE0C0  }
0x2b: {  	[spmem:s2] =	stream.indirect.scatter.add.f32 [tilespmem:s30], [sflag:$0x7], $0x40, s25, s23, $0xb8;
	[tilespmem:$0x1B940] =	vst v63  }
0x2c: {  	_ =	swait.ge [sflag:s28], $0x1F40  }
0x2d: {  	[sflag:s28] =	ssyncset.done $0x0  }
0x2e: {  	[sflag:s28] =	ssyncadd.s32 $0xFFFFE0C0  }
0x2f: {  	[spmem:s2] =	stream.indirect.scatter.add.f32 [tilespmem:s1], [sflag:$0x8], $0x40, s14, s23, $0xb8;
	[tilespmem:$0x1B940] =	vst v63  }
0x30: {  	_ =	swait.ge [sflag:s10], $0x1F40  }
0x31: {  	[sflag:s10] =	ssyncset.done $0x0  }
0x32: {  	[sflag:s10] =	ssyncadd.s32 $0xFFFFE0C0  }
0x33: {  	_ =	swait.ge [sflag:s12], $0x1F40  }
0x34: {  	[sflag:s12] =	ssyncset.done $0x0  }
0x35: {  	[sflag:s12] =	ssyncadd.s32 $0xFFFFE0C0  }
0x36: {  	_ =	swait.ge [sflag:s29], $0x1F40  }
0x37: {  	[sflag:s29] =	ssyncset.done $0x0  }
0x38: {  	[sflag:s29] =	ssyncadd.s32 $0xFFFFE0C0  }
0x39: {  	_ =	swait.ge [sflag:s15], $0x1F40  }
0x3a: {  	[sflag:s15] =	ssyncset.done $0x0  }
0x3b: {  	[sflag:s15] =	ssyncadd.s32 $0xFFFFE0C0  }
0x3c: {  	[bflag:$0x0] =	sbarrier.arrive $0xFFFF  }
0x3d: {  	s11 =	simm.s32 @p1 $0x1FC9;
	s13 =	rddreg [dreg:$0xa]  }
0x3e: {  	[hbm:s13], [sflag:s11] =	dma.local @p1 [spmem:s18], $0x1400  }
0x3f: {  	s11 =	simm.s32 @p1 $0x9  }
0x40: {  	_ =	swait.ge @p1 [sflag:s11], $0x1400  }
0x41: {  	[sflag:s11] =	ssyncset.done @p1 $0x0  }
0x42: {  	[sflag:s11] =	ssyncadd.s32 @p1 $0xFFFFEC00;
	s11 =	rddreg [dreg:$0x9]  }
0x43: {  	[hbm:s11], [sflag:s9] =	dma.local @!p1 [spmem:s21], $0x1380  }
0x44: {  	s9 =	simm.s32 @!p1 $0x9  }
0x45: {  	_ =	swait.ge @!p1 [sflag:s9], $0x1380  }
0x46: {  	[sflag:s9] =	ssyncset.done @!p1 $0x0  }
0x47: {  	[sflag:s9] =	ssyncadd.s32 @!p1 $0xFFFFEC80  }
.LBB2_8:
0x48: {  	s0 =	sadd.s32 $0x1, s0  }
0x49: {  	p2 =	sne.s32 s0, s16  }
.Ltmp1:
0x4a: {  	_ = 	snop;
	(pc) =	sbr.rel @!p2 .LBB2_9-.Ltmp1, $1  }
0x4b: {  	_ =	sdelay $0x3  }
.LBB2_1:
.Ltmp2:
0x4c: {  	(pc) =	sbr.rel @!p0 .LBB2_2-.Ltmp2, $4  }
0x4d: {  	_ = 	snop  }
0x4e: {  	[tilespmem:s3], [sflag:$0x3] =	stream.linear.gather [hbm4b:s6+s3], $0x5000, $0x38;
	[tilespmem:$0x1B940] =	vst v63  }
0x4f: {  	s9 =	sor.u32 @!p1 $0x1C09, s19  }
0x50: {  	[tilespmem:s17], [sflag:$0x4] =	stream.linear.gather [hbm4b:s7+s3], $0x5000, $0x38;
	[tilespmem:$0x1B940] =	vst v63  }
0x51: {  	s11 =	simm.s32 @p1 $0x1FC5;
	s13 =	rddreg [dreg:$0x8]  }
0x52: {  	[spmem:s18], [sflag:s11] =	dma.local @p1 [hbm:s13], $0x1400  }
0x53: {  	s11 =	rddreg [dreg:$0x7]  }
0x54: {  	[spmem:s21], [sflag:s20] =	dma.local @!p1 [hbm:s11], $0x1380  }
0x55: {  	_ =	swait.ge [sflag:s22], $0x5000  }
0x56: {  	[sflag:s22] =	ssyncset.done $0x0  }
0x57: {  	[sflag:s22] =	ssyncadd.s32 $0xFFFFB000  }
0x58: {  	[tilespmem:s24], [sflag:$0x1] =	stream.indirect.gather [hbm4b:s5+s23], $0x40, s3, s23, $0xb8;
	[tilespmem:$0x1B940] =	vst v63  }
0x59: {  	s25 =	simm.s32 $0x80  }
0x5a: {  	[tilespmem:s26], [sflag:$0x2] =	stream.indirect.gather [hbm4b:s5+s23], $0x40, s25, s23, $0xb8;
	[tilespmem:$0x1B940] =	vst v63  }
0x5b: {  	_ =	swait.ge [sflag:s28], $0x5000  }
0x5c: {  	[sflag:s28] =	ssyncset.done $0x0  }
0x5d: {  	s11 =	simm.s32 @p1 $0x5;
	[sflag:s28] =	ssyncadd.s32 $0xFFFFB000  }
0x5e: {  	_ =	swait.ge @p1 [sflag:s11], $0x1400  }
0x5f: {  	[sflag:s11] =	ssyncset.done @p1 $0x0  }
0x60: {  	[sflag:s11] =	ssyncadd.s32 @p1 $0xFFFFEC00;
	s11 =	simm.s32 @!p1 $0x5  }
0x61: {  	_ =	swait.ge @!p1 [sflag:s11], $0x1380  }
0x62: {  	[sflag:s11] =	ssyncset.done @!p1 $0x0  }
0x63: {  	[sflag:s11] =	ssyncadd.s32 @!p1 $0xFFFFEC80  }
0x64: {  	s13 =	simm.s32 $0x100;
	[bflag:$0x0] =	sbarrier.arrive $0xFFFF  }
0x65: {  	[tilespmem:s30], [sflag:$0x3] =	stream.indirect.gather [hbm4b:s5+s23], $0x40, s13, s23, $0xb8;
	[tilespmem:$0x1B940] =	vst v63  }
0x66: {  	_ =	swait.ge [sflag:s31], $0x1F40  }
0x67: {  	[sflag:s31] =	ssyncset.done $0x0  }
0x68: {  	[sflag:s31] =	ssyncadd.s32 $0xFFFFE0C0  }
0x69: {  	[spmem:s2] =	stream.indirect.scatter.add.f32 [tilespmem:s24], [sflag:$0x5], $0x40, s17, s23, $0xb8;
	[tilespmem:$0x1B940] =	vst v63  }
0x6a: {  	s25 =	simm.s32 $0x180  }
0x6b: {  	[tilespmem:s1], [sflag:$0x4] =	stream.indirect.gather [hbm4b:s5+s23], $0x40, s25, s23, $0xb8;
	[tilespmem:$0x1B940] =	vst v63  }
0x6c: {  	_ =	swait.ge [sflag:s8], $0x1F40  }
0x6d: {  	[sflag:s8] =	ssyncset.done $0x0  }
0x6e: {  	s13 =	simm.s32 $0x5080;
	[sflag:s8] =	ssyncadd.s32 $0xFFFFE0C0  }
0x6f: {  	[spmem:s2] =	stream.indirect.scatter.add.f32 [tilespmem:s26], [sflag:$0x6], $0x40, s13, s23, $0xb8;
	[tilespmem:$0x1B940] =	vst v63  }
0x70: {  	_ =	swait.ge [sflag:s10], $0x1F40  }
0x71: {  	[sflag:s10] =	ssyncset.done $0x0  }
0x72: {  	s25 =	simm.s32 $0x200;
	[sflag:s10] =	ssyncadd.s32 $0xFFFFE0C0  }
0x73: {  	[tilespmem:s24], [sflag:$0x1] =	stream.indirect.gather [hbm4b:s5+s23], $0x40, s25, s23, $0xb8;
	[tilespmem:$0x1B940] =	vst v63  }
0x74: {  	_ =	swait.ge [sflag:s22], $0x1F40  }
0x75: {  	[sflag:s22] =	ssyncset.done $0x0  }
0x76: {  	s13 =	simm.s32 $0x5100;
	[sflag:s22] =	ssyncadd.s32 $0xFFFFE0C0  }
0x77: {  	[spmem:s2] =	stream.indirect.scatter.add.f32 [tilespmem:s30], [sflag:$0x7], $0x40, s13, s23, $0xb8;
	[tilespmem:$0x1B940] =	vst v63  }
0x78: {  	_ =	swait.ge [sflag:s12], $0x1F40  }
0x79: {  	[sflag:s12] =	ssyncset.done $0x0  }
0x7a: {  	s25 =	simm.s32 $0x280;
	[sflag:s12] =	ssyncadd.s32 $0xFFFFE0C0  }
0x7b: {  	[tilespmem:s26], [sflag:$0x2] =	stream.indirect.gather [hbm4b:s5+s23], $0x40, s25, s23, $0xb8;
	[tilespmem:$0x1B940] =	vst v63  }
0x7c: {  	_ =	swait.ge [sflag:s28], $0x1F40  }
0x7d: {  	[sflag:s28] =	ssyncset.done $0x0  }
0x7e: {  	s13 =	simm.s32 $0x5180;
	[sflag:s28] =	ssyncadd.s32 $0xFFFFE0C0  }
0x7f: {  	[spmem:s2] =	stream.indirect.scatter.add.f32 [tilespmem:s1], [sflag:$0x8], $0x40, s13, s23, $0xb8;
	[tilespmem:$0x1B940] =	vst v63  }
0x80: {  	_ =	swait.ge [sflag:s29], $0x1F40  }
0x81: {  	[sflag:s29] =	ssyncset.done $0x0  }
0x82: {  	s25 =	simm.s32 $0x300;
	[sflag:s29] =	ssyncadd.s32 $0xFFFFE0C0  }
0x83: {  	[tilespmem:s30], [sflag:$0x3] =	stream.indirect.gather [hbm4b:s5+s23], $0x40, s25, s23, $0xb8;
	[tilespmem:$0x1B940] =	vst v63  }
0x84: {  	_ =	swait.ge [sflag:s31], $0x1F40  }
0x85: {  	[sflag:s31] =	ssyncset.done $0x0  }
0x86: {  	s13 =	simm.s32 $0x5200;
	[sflag:s31] =	ssyncadd.s32 $0xFFFFE0C0  }
0x87: {  	[spmem:s2] =	stream.indirect.scatter.add.f32 [tilespmem:s24], [sflag:$0x5], $0x40, s13, s23, $0xb8;
	[tilespmem:$0x1B940] =	vst v63  }
0x88: {  	_ =	swait.ge [sflag:s15], $0x1F40  }
0x89: {  	[sflag:s15] =	ssyncset.done $0x0  }
0x8a: {  	s25 =	simm.s32 $0x380;
	[sflag:s15] =	ssyncadd.s32 $0xFFFFE0C0  }
0x8b: {  	[tilespmem:s1], [sflag:$0x4] =	stream.indirect.gather [hbm4b:s5+s23], $0x40, s25, s23, $0xb8;
	[tilespmem:$0x1B940] =	vst v63  }
0x8c: {  	_ =	swait.ge [sflag:s8], $0x1F40  }
0x8d: {  	[sflag:s8] =	ssyncset.done $0x0  }
0x8e: {  	s13 =	simm.s32 $0x5280;
	[sflag:s8] =	ssyncadd.s32 $0xFFFFE0C0  }
0x8f: {  	[spmem:s2] =	stream.indirect.scatter.add.f32 [tilespmem:s26], [sflag:$0x6], $0x40, s13, s23, $0xb8;
	[tilespmem:$0x1B940] =	vst v63  }
0x90: {  	_ =	swait.ge [sflag:s10], $0x1F40  }
0x91: {  	[sflag:s10] =	ssyncset.done $0x0  }
0x92: {  	s25 =	simm.s32 $0x400;
	[sflag:s10] =	ssyncadd.s32 $0xFFFFE0C0  }
0x93: {  	[tilespmem:s24], [sflag:$0x1] =	stream.indirect.gather [hbm4b:s5+s23], $0x40, s25, s23, $0xb8;
	[tilespmem:$0x1B940] =	vst v63  }
0x94: {  	_ =	swait.ge [sflag:s22], $0x1F40  }
0x95: {  	[sflag:s22] =	ssyncset.done $0x0  }
0x96: {  	s13 =	simm.s32 $0x5300;
	[sflag:s22] =	ssyncadd.s32 $0xFFFFE0C0  }
0x97: {  	[spmem:s2] =	stream.indirect.scatter.add.f32 [tilespmem:s30], [sflag:$0x7], $0x40, s13, s23, $0xb8;
	[tilespmem:$0x1B940] =	vst v63  }
0x98: {  	_ =	swait.ge [sflag:s12], $0x1F40  }
0x99: {  	[sflag:s12] =	ssyncset.done $0x0  }
0x9a: {  	s25 =	simm.s32 $0x480;
	[sflag:s12] =	ssyncadd.s32 $0xFFFFE0C0  }
0x9b: {  	[tilespmem:s26], [sflag:$0x2] =	stream.indirect.gather [hbm4b:s5+s23], $0x40, s25, s23, $0xb8;
	[tilespmem:$0x1B940] =	vst v63  }
0x9c: {  	_ =	swait.ge [sflag:s28], $0x1F40  }
0x9d: {  	[sflag:s28] =	ssyncset.done $0x0  }
0x9e: {  	s11 =	simm.s32 $0x800;
	s25 =	simm.s32 $0x5380;
	[sflag:s28] =	ssyncadd.s32 $0xFFFFE0C0  }
.LBB2_6:
0x9f: {  	[spmem:s2] =	stream.indirect.scatter.add.f32 [tilespmem:s1], [sflag:$0x8], $0x40, s25, s23, $0xb8;
	[tilespmem:$0x1B940] =	vst v63  }
0xa0: {  	s13 =	smov.u32 s11  }
0xa1: {  	p2 =	sne.s32 s11, $0x12800;
	s11 =	sadd.s32 $0x800, s11;
	_ =	swait.ge [sflag:s29], $0x1F40  }
0xa2: {  	s25 =	sshra.s32 s13, $0x2;
	[sflag:s29] =	ssyncset.done $0x0  }
0xa3: {  	s13 =	sadd.s32 $0x300, s25;
	[sflag:s29] =	ssyncadd.s32 $0xFFFFE0C0  }
0xa4: {  	[tilespmem:s30], [sflag:$0x3] =	stream.indirect.gather [hbm4b:s5+s23], $0x40, s13, s23, $0xb8;
	[tilespmem:$0x1B940] =	vst v63  }
0xa5: {  	_ =	swait.ge [sflag:s31], $0x1F40  }
0xa6: {  	[sflag:s31] =	ssyncset.done $0x0  }
0xa7: {  	s13 =	sadd.s32 $0x5200, s25;
	[sflag:s31] =	ssyncadd.s32 $0xFFFFE0C0  }
0xa8: {  	[spmem:s2] =	stream.indirect.scatter.add.f32 [tilespmem:s24], [sflag:$0x5], $0x40, s13, s23, $0xb8;
	[tilespmem:$0x1B940] =	vst v63  }
0xa9: {  	_ =	swait.ge [sflag:s15], $0x1F40  }
0xaa: {  	[sflag:s15] =	ssyncset.done $0x0  }
0xab: {  	s13 =	sadd.s32 $0x380, s25;
	[sflag:s15] =	ssyncadd.s32 $0xFFFFE0C0  }
0xac: {  	[tilespmem:s1], [sflag:$0x4] =	stream.indirect.gather [hbm4b:s5+s23], $0x40, s13, s23, $0xb8;
	[tilespmem:$0x1B940] =	vst v63  }
0xad: {  	_ =	swait.ge [sflag:s8], $0x1F40  }
0xae: {  	[sflag:s8] =	ssyncset.done $0x0  }
0xaf: {  	s13 =	sadd.s32 $0x5280, s25;
	[sflag:s8] =	ssyncadd.s32 $0xFFFFE0C0  }
0xb0: {  	[spmem:s2] =	stream.indirect.scatter.add.f32 [tilespmem:s26], [sflag:$0x6], $0x40, s13, s23, $0xb8;
	[tilespmem:$0x1B940] =	vst v63  }
0xb1: {  	_ =	swait.ge [sflag:s10], $0x1F40  }
0xb2: {  	[sflag:s10] =	ssyncset.done $0x0  }
0xb3: {  	s13 =	sadd.s32 $0x400, s25;
	[sflag:s10] =	ssyncadd.s32 $0xFFFFE0C0  }
0xb4: {  	[tilespmem:s24], [sflag:$0x1] =	stream.indirect.gather [hbm4b:s5+s23], $0x40, s13, s23, $0xb8;
	[tilespmem:$0x1B940] =	vst v63  }
0xb5: {  	_ =	swait.ge [sflag:s22], $0x1F40  }
0xb6: {  	[sflag:s22] =	ssyncset.done $0x0  }
0xb7: {  	s13 =	sadd.s32 $0x5300, s25;
	[sflag:s22] =	ssyncadd.s32 $0xFFFFE0C0  }
0xb8: {  	[spmem:s2] =	stream.indirect.scatter.add.f32 [tilespmem:s30], [sflag:$0x7], $0x40, s13, s23, $0xb8;
	[tilespmem:$0x1B940] =	vst v63  }
0xb9: {  	_ =	swait.ge [sflag:s12], $0x1F40  }
0xba: {  	[sflag:s12] =	ssyncset.done $0x0  }
.Ltmp3:
0xbb: {  	s13 =	sadd.s32 $0x480, s25;
	[sflag:s12] =	ssyncadd.s32 $0xFFFFE0C0;
	(pc) =	sbr.rel @p2 .LBB2_6-.Ltmp3, $4  }
0xbc: {  	[tilespmem:s26], [sflag:$0x2] =	stream.indirect.gather [hbm4b:s5+s23], $0x40, s13, s23, $0xb8;
	[tilespmem:$0x1B940] =	vst v63  }
0xbd: {  	_ =	swait.ge [sflag:s28], $0x1F40  }
0xbe: {  	[sflag:s28] =	ssyncset.done $0x0  }
0xbf: {  	s25 =	sadd.s32 $0x5380, s25;
	[sflag:s28] =	ssyncadd.s32 $0xFFFFE0C0  }
.Ltmp4:
0xc0: {  	_ = 	snop;
	(pc) =	sbr.rel .LBB2_7-.Ltmp4, $1  }
0xc1: {  	_ =	sdelay $0x3  }
.LBB2_2:
0xc2: {  	s11 =	simm.s32 @p1 $0x1FC5;
	s13 =	rddreg [dreg:$0x4]  }
0xc3: {  	[spmem:s18], [sflag:s11] =	dma.local @p1 [hbm:s13], $0x1400  }
0xc4: {  	s11 =	rddreg [dreg:$0x3]  }
0xc5: {  	[spmem:s21], [sflag:s20] =	dma.local @!p1 [hbm:s11], $0x1380  }
0xc6: {  	_ =	swait.ge [sflag:s22], $0x5000  }
0xc7: {  	[sflag:s22] =	ssyncset.done $0x0  }
0xc8: {  	[sflag:s22] =	ssyncadd.s32 $0xFFFFB000  }
0xc9: {  	[tilespmem:s24], [sflag:$0x1] =	stream.indirect.gather [hbm4b:s4+s23], $0x40, s3, s23, $0xb8;
	[tilespmem:$0x1B940] =	vst v63  }
0xca: {  	s25 =	simm.s32 $0x80  }
0xcb: {  	[tilespmem:s26], [sflag:$0x2] =	stream.indirect.gather [hbm4b:s4+s23], $0x40, s25, s23, $0xb8;
	[tilespmem:$0x1B940] =	vst v63  }
0xcc: {  	_ =	swait.ge [sflag:s28], $0x5000  }
0xcd: {  	[sflag:s28] =	ssyncset.done $0x0  }
0xce: {  	s11 =	simm.s32 @p1 $0x5;
	[sflag:s28] =	ssyncadd.s32 $0xFFFFB000  }
0xcf: {  	_ =	swait.ge @p1 [sflag:s11], $0x1400  }
0xd0: {  	[sflag:s11] =	ssyncset.done @p1 $0x0  }
0xd1: {  	[sflag:s11] =	ssyncadd.s32 @p1 $0xFFFFEC00;
	s11 =	simm.s32 @!p1 $0x5  }
0xd2: {  	_ =	swait.ge @!p1 [sflag:s11], $0x1380  }
0xd3: {  	[sflag:s11] =	ssyncset.done @!p1 $0x0  }
0xd4: {  	[sflag:s11] =	ssyncadd.s32 @!p1 $0xFFFFEC80  }
0xd5: {  	s13 =	simm.s32 $0x100;
	[bflag:$0x0] =	sbarrier.arrive $0xFFFF  }
0xd6: {  	[tilespmem:s30], [sflag:$0x3] =	stream.indirect.gather [hbm4b:s4+s23], $0x40, s13, s23, $0xb8;
	[tilespmem:$0x1B940] =	vst v63  }
0xd7: {  	_ =	swait.ge [sflag:s31], $0x1F40  }
0xd8: {  	[sflag:s31] =	ssyncset.done $0x0  }
0xd9: {  	[sflag:s31] =	ssyncadd.s32 $0xFFFFE0C0  }
0xda: {  	[spmem:s2] =	stream.indirect.scatter.add.f32 [tilespmem:s24], [sflag:$0x5], $0x40, s17, s23, $0xb8;
	[tilespmem:$0x1B940] =	vst v63  }
0xdb: {  	s25 =	simm.s32 $0x180  }
0xdc: {  	[tilespmem:s1], [sflag:$0x4] =	stream.indirect.gather [hbm4b:s4+s23], $0x40, s25, s23, $0xb8;
	[tilespmem:$0x1B940] =	vst v63  }
0xdd: {  	_ =	swait.ge [sflag:s8], $0x1F40  }
0xde: {  	[sflag:s8] =	ssyncset.done $0x0  }
0xdf: {  	s13 =	simm.s32 $0x5080;
	[sflag:s8] =	ssyncadd.s32 $0xFFFFE0C0  }
0xe0: {  	[spmem:s2] =	stream.indirect.scatter.add.f32 [tilespmem:s26], [sflag:$0x6], $0x40, s13, s23, $0xb8;
	[tilespmem:$0x1B940] =	vst v63  }
0xe1: {  	_ =	swait.ge [sflag:s10], $0x1F40  }
0xe2: {  	[sflag:s10] =	ssyncset.done $0x0  }
0xe3: {  	s25 =	simm.s32 $0x200;
	[sflag:s10] =	ssyncadd.s32 $0xFFFFE0C0  }
0xe4: {  	[tilespmem:s24], [sflag:$0x1] =	stream.indirect.gather [hbm4b:s4+s23], $0x40, s25, s23, $0xb8;
	[tilespmem:$0x1B940] =	vst v63  }
0xe5: {  	_ =	swait.ge [sflag:s22], $0x1F40  }
0xe6: {  	[sflag:s22] =	ssyncset.done $0x0  }
0xe7: {  	s13 =	simm.s32 $0x5100;
	[sflag:s22] =	ssyncadd.s32 $0xFFFFE0C0  }
0xe8: {  	[spmem:s2] =	stream.indirect.scatter.add.f32 [tilespmem:s30], [sflag:$0x7], $0x40, s13, s23, $0xb8;
	[tilespmem:$0x1B940] =	vst v63  }
0xe9: {  	_ =	swait.ge [sflag:s12], $0x1F40  }
0xea: {  	[sflag:s12] =	ssyncset.done $0x0  }
0xeb: {  	s25 =	simm.s32 $0x280;
	[sflag:s12] =	ssyncadd.s32 $0xFFFFE0C0  }
0xec: {  	[tilespmem:s26], [sflag:$0x2] =	stream.indirect.gather [hbm4b:s4+s23], $0x40, s25, s23, $0xb8;
	[tilespmem:$0x1B940] =	vst v63  }
0xed: {  	_ =	swait.ge [sflag:s28], $0x1F40  }
0xee: {  	[sflag:s28] =	ssyncset.done $0x0  }
0xef: {  	s13 =	simm.s32 $0x5180;
	[sflag:s28] =	ssyncadd.s32 $0xFFFFE0C0  }
0xf0: {  	[spmem:s2] =	stream.indirect.scatter.add.f32 [tilespmem:s1], [sflag:$0x8], $0x40, s13, s23, $0xb8;
	[tilespmem:$0x1B940] =	vst v63  }
0xf1: {  	_ =	swait.ge [sflag:s29], $0x1F40  }
0xf2: {  	[sflag:s29] =	ssyncset.done $0x0  }
0xf3: {  	s25 =	simm.s32 $0x300;
	[sflag:s29] =	ssyncadd.s32 $0xFFFFE0C0  }
0xf4: {  	[tilespmem:s30], [sflag:$0x3] =	stream.indirect.gather [hbm4b:s4+s23], $0x40, s25, s23, $0xb8;
	[tilespmem:$0x1B940] =	vst v63  }
0xf5: {  	_ =	swait.ge [sflag:s31], $0x1F40  }
0xf6: {  	[sflag:s31] =	ssyncset.done $0x0  }
0xf7: {  	s13 =	simm.s32 $0x5200;
	[sflag:s31] =	ssyncadd.s32 $0xFFFFE0C0  }
0xf8: {  	[spmem:s2] =	stream.indirect.scatter.add.f32 [tilespmem:s24], [sflag:$0x5], $0x40, s13, s23, $0xb8;
	[tilespmem:$0x1B940] =	vst v63  }
0xf9: {  	_ =	swait.ge [sflag:s15], $0x1F40  }
0xfa: {  	[sflag:s15] =	ssyncset.done $0x0  }
0xfb: {  	s25 =	simm.s32 $0x380;
	[sflag:s15] =	ssyncadd.s32 $0xFFFFE0C0  }
0xfc: {  	[tilespmem:s1], [sflag:$0x4] =	stream.indirect.gather [hbm4b:s4+s23], $0x40, s25, s23, $0xb8;
	[tilespmem:$0x1B940] =	vst v63  }
0xfd: {  	_ =	swait.ge [sflag:s8], $0x1F40  }
0xfe: {  	[sflag:s8] =	ssyncset.done $0x0  }
0xff: {  	s13 =	simm.s32 $0x5280;
	[sflag:s8] =	ssyncadd.s32 $0xFFFFE0C0  }
0x100: {  	[spmem:s2] =	stream.indirect.scatter.add.f32 [tilespmem:s26], [sflag:$0x6], $0x40, s13, s23, $0xb8;
	[tilespmem:$0x1B940] =	vst v63  }
0x101: {  	_ =	swait.ge [sflag:s10], $0x1F40  }
0x102: {  	[sflag:s10] =	ssyncset.done $0x0  }
0x103: {  	s25 =	simm.s32 $0x400;
	[sflag:s10] =	ssyncadd.s32 $0xFFFFE0C0  }
0x104: {  	[tilespmem:s24], [sflag:$0x1] =	stream.indirect.gather [hbm4b:s4+s23], $0x40, s25, s23, $0xb8;
	[tilespmem:$0x1B940] =	vst v63  }
0x105: {  	_ =	swait.ge [sflag:s22], $0x1F40  }
0x106: {  	[sflag:s22] =	ssyncset.done $0x0  }
0x107: {  	s13 =	simm.s32 $0x5300;
	[sflag:s22] =	ssyncadd.s32 $0xFFFFE0C0  }
0x108: {  	[spmem:s2] =	stream.indirect.scatter.add.f32 [tilespmem:s30], [sflag:$0x7], $0x40, s13, s23, $0xb8;
	[tilespmem:$0x1B940] =	vst v63  }
0x109: {  	_ =	swait.ge [sflag:s12], $0x1F40  }
0x10a: {  	[sflag:s12] =	ssyncset.done $0x0  }
0x10b: {  	s25 =	simm.s32 $0x480;
	[sflag:s12] =	ssyncadd.s32 $0xFFFFE0C0  }
0x10c: {  	[tilespmem:s26], [sflag:$0x2] =	stream.indirect.gather [hbm4b:s4+s23], $0x40, s25, s23, $0xb8;
	[tilespmem:$0x1B940] =	vst v63  }
0x10d: {  	_ =	swait.ge [sflag:s28], $0x1F40  }
0x10e: {  	[sflag:s28] =	ssyncset.done $0x0  }
0x10f: {  	s11 =	simm.s32 $0x800;
	s25 =	simm.s32 $0x5380;
	[sflag:s28] =	ssyncadd.s32 $0xFFFFE0C0  }
.LBB2_3:
0x110: {  	[spmem:s2] =	stream.indirect.scatter.add.f32 [tilespmem:s1], [sflag:$0x8], $0x40, s25, s23, $0xb8;
	[tilespmem:$0x1B940] =	vst v63  }
0x111: {  	s25 =	smov.u32 s11  }
0x112: {  	p2 =	sne.s32 s11, $0x12800;
	s11 =	sadd.s32 $0x800, s11;
	_ =	swait.ge [sflag:s29], $0x1F40  }
0x113: {  	s25 =	sshra.s32 s25, $0x2;
	[sflag:s29] =	ssyncset.done $0x0  }
0x114: {  	s13 =	sadd.s32 $0x300, s25;
	[sflag:s29] =	ssyncadd.s32 $0xFFFFE0C0  }
0x115: {  	[tilespmem:s30], [sflag:$0x3] =	stream.indirect.gather [hbm4b:s4+s23], $0x40, s13, s23, $0xb8;
	[tilespmem:$0x1B940] =	vst v63  }
0x116: {  	_ =	swait.ge [sflag:s31], $0x1F40  }
0x117: {  	[sflag:s31] =	ssyncset.done $0x0  }
0x118: {  	s13 =	sadd.s32 $0x5200, s25;
	[sflag:s31] =	ssyncadd.s32 $0xFFFFE0C0  }
0x119: {  	[spmem:s2] =	stream.indirect.scatter.add.f32 [tilespmem:s24], [sflag:$0x5], $0x40, s13, s23, $0xb8;
	[tilespmem:$0x1B940] =	vst v63  }
0x11a: {  	_ =	swait.ge [sflag:s15], $0x1F40  }
0x11b: {  	[sflag:s15] =	ssyncset.done $0x0  }
0x11c: {  	s13 =	sadd.s32 $0x380, s25;
	[sflag:s15] =	ssyncadd.s32 $0xFFFFE0C0  }
0x11d: {  	[tilespmem:s1], [sflag:$0x4] =	stream.indirect.gather [hbm4b:s4+s23], $0x40, s13, s23, $0xb8;
	[tilespmem:$0x1B940] =	vst v63  }
0x11e: {  	_ =	swait.ge [sflag:s8], $0x1F40  }
0x11f: {  	[sflag:s8] =	ssyncset.done $0x0  }
0x120: {  	s13 =	sadd.s32 $0x5280, s25;
	[sflag:s8] =	ssyncadd.s32 $0xFFFFE0C0  }
0x121: {  	[spmem:s2] =	stream.indirect.scatter.add.f32 [tilespmem:s26], [sflag:$0x6], $0x40, s13, s23, $0xb8;
	[tilespmem:$0x1B940] =	vst v63  }
0x122: {  	_ =	swait.ge [sflag:s10], $0x1F40  }
0x123: {  	[sflag:s10] =	ssyncset.done $0x0  }
0x124: {  	s13 =	sadd.s32 $0x400, s25;
	[sflag:s10] =	ssyncadd.s32 $0xFFFFE0C0  }
0x125: {  	[tilespmem:s24], [sflag:$0x1] =	stream.indirect.gather [hbm4b:s4+s23], $0x40, s13, s23, $0xb8;
	[tilespmem:$0x1B940] =	vst v63  }
0x126: {  	_ =	swait.ge [sflag:s22], $0x1F40  }
0x127: {  	[sflag:s22] =	ssyncset.done $0x0  }
0x128: {  	s13 =	sadd.s32 $0x5300, s25;
	[sflag:s22] =	ssyncadd.s32 $0xFFFFE0C0  }
0x129: {  	[spmem:s2] =	stream.indirect.scatter.add.f32 [tilespmem:s30], [sflag:$0x7], $0x40, s13, s23, $0xb8;
	[tilespmem:$0x1B940] =	vst v63  }
0x12a: {  	_ =	swait.ge [sflag:s12], $0x1F40  }
0x12b: {  	[sflag:s12] =	ssyncset.done $0x0  }
.Ltmp5:
0x12c: {  	s13 =	sadd.s32 $0x480, s25;
	[sflag:s12] =	ssyncadd.s32 $0xFFFFE0C0;
	(pc) =	sbr.rel @p2 .LBB2_3-.Ltmp5, $4  }
0x12d: {  	[tilespmem:s26], [sflag:$0x2] =	stream.indirect.gather [hbm4b:s4+s23], $0x40, s13, s23, $0xb8;
	[tilespmem:$0x1B940] =	vst v63  }
0x12e: {  	_ =	swait.ge [sflag:s28], $0x1F40  }
0x12f: {  	[sflag:s28] =	ssyncset.done $0x0  }
0x130: {  	s25 =	sadd.s32 $0x5380, s25;
	[sflag:s28] =	ssyncadd.s32 $0xFFFFE0C0  }
0x131: {  	[spmem:s2] =	stream.indirect.scatter.add.f32 [tilespmem:s1], [sflag:$0x8], $0x40, s25, s23, $0xb8;
	[tilespmem:$0x1B940] =	vst v63  }
0x132: {  	_ =	swait.ge [sflag:s29], $0x1F40  }
0x133: {  	[sflag:s29] =	ssyncset.done $0x0  }
0x134: {  	s11 =	simm.s32 $0x4F00;
	[sflag:s29] =	ssyncadd.s32 $0xFFFFE0C0  }
0x135: {  	[tilespmem:s30], [sflag:$0x3] =	stream.indirect.gather [hbm4b:s4+s23], $0x40, s11, s23, $0xb8;
	[tilespmem:$0x1B940] =	vst v63  }
0x136: {  	_ =	swait.ge [sflag:s31], $0x1F40  }
0x137: {  	[sflag:s31] =	ssyncset.done $0x0  }
0x138: {  	s13 =	simm.s32 $0x9E00;
	[sflag:s31] =	ssyncadd.s32 $0xFFFFE0C0  }
0x139: {  	[spmem:s2] =	stream.indirect.scatter.add.f32 [tilespmem:s24], [sflag:$0x5], $0x40, s13, s23, $0xb8;
	[tilespmem:$0x1B940] =	vst v63  }
0x13a: {  	_ =	swait.ge [sflag:s15], $0x1F40  }
0x13b: {  	[sflag:s15] =	ssyncset.done $0x0  }
0x13c: {  	s25 =	simm.s32 $0x4F80;
	[sflag:s15] =	ssyncadd.s32 $0xFFFFE0C0  }
0x13d: {  	[tilespmem:s1], [sflag:$0x4] =	stream.indirect.gather [hbm4b:s4+s23], $0x40, s25, s23, $0xb8;
	[tilespmem:$0x1B940] =	vst v63  }
0x13e: {  	_ =	swait.ge [sflag:s8], $0x1F40  }
0x13f: {  	[sflag:s8] =	ssyncset.done $0x0  }
0x140: {  	s13 =	simm.s32 $0x9E80;
	[sflag:s8] =	ssyncadd.s32 $0xFFFFE0C0  }
0x141: {  	[spmem:s2] =	stream.indirect.scatter.add.f32 [tilespmem:s26], [sflag:$0x6], $0x40, s13, s23, $0xb8;
	[tilespmem:$0x1B940] =	vst v63  }
0x142: {  	_ =	swait.ge [sflag:s22], $0x1F40  }
0x143: {  	[sflag:s22] =	ssyncset.done $0x0  }
0x144: {  	s25 =	simm.s32 $0x9F00;
	[sflag:s22] =	ssyncadd.s32 $0xFFFFE0C0  }
0x145: {  	[spmem:s2] =	stream.indirect.scatter.add.f32 [tilespmem:s30], [sflag:$0x7], $0x40, s25, s23, $0xb8;
	[tilespmem:$0x1B940] =	vst v63  }
0x146: {  	_ =	swait.ge [sflag:s28], $0x1F40  }
0x147: {  	[sflag:s28] =	ssyncset.done $0x0  }
0x148: {  	[sflag:s28] =	ssyncadd.s32 $0xFFFFE0C0  }
0x149: {  	[spmem:s2] =	stream.indirect.scatter.add.f32 [tilespmem:s1], [sflag:$0x8], $0x40, s14, s23, $0xb8;
	[tilespmem:$0x1B940] =	vst v63  }
0x14a: {  	_ =	swait.ge [sflag:s10], $0x1F40  }
0x14b: {  	[sflag:s10] =	ssyncset.done $0x0  }
0x14c: {  	[sflag:s10] =	ssyncadd.s32 $0xFFFFE0C0  }
0x14d: {  	_ =	swait.ge [sflag:s12], $0x1F40  }
0x14e: {  	[sflag:s12] =	ssyncset.done $0x0  }
0x14f: {  	[sflag:s12] =	ssyncadd.s32 $0xFFFFE0C0  }
0x150: {  	_ =	swait.ge [sflag:s29], $0x1F40  }
0x151: {  	[sflag:s29] =	ssyncset.done $0x0  }
0x152: {  	[sflag:s29] =	ssyncadd.s32 $0xFFFFE0C0  }
0x153: {  	_ =	swait.ge [sflag:s15], $0x1F40  }
0x154: {  	[sflag:s15] =	ssyncset.done $0x0  }
0x155: {  	[sflag:s15] =	ssyncadd.s32 $0xFFFFE0C0  }
0x156: {  	[bflag:$0x0] =	sbarrier.arrive $0xFFFF  }
0x157: {  	s11 =	simm.s32 @p1 $0x1FC9;
	s13 =	rddreg [dreg:$0x6]  }
0x158: {  	[hbm:s13], [sflag:s11] =	dma.local @p1 [spmem:s18], $0x1400  }
0x159: {  	s11 =	simm.s32 @p1 $0x9  }
0x15a: {  	_ =	swait.ge @p1 [sflag:s11], $0x1400  }
0x15b: {  	[sflag:s11] =	ssyncset.done @p1 $0x0  }
0x15c: {  	[sflag:s11] =	ssyncadd.s32 @p1 $0xFFFFEC00;
	s11 =	rddreg [dreg:$0x5]  }
0x15d: {  	[hbm:s11], [sflag:s9] =	dma.local @!p1 [spmem:s21], $0x1380  }
.Ltmp6:
0x15e: {  	_ = 	snop;
	(pc) =	sbr.rel .LBB2_8-.Ltmp6, $4  }
0x15f: {  	s9 =	simm.s32 @!p1 $0x9  }
0x160: {  	_ =	swait.ge @!p1 [sflag:s9], $0x1380  }
0x161: {  	[sflag:s9] =	ssyncset.done @!p1 $0x0  }
0x162: {  	[sflag:s9] =	ssyncadd.s32 @!p1 $0xFFFFEC80  }
.LBB2_9:
0x163: {  	_ =	sfence.sel $0x180000  }
0x164: {  	[bflag:$0x0] =	sbarrier.arrive $0xFFFF  }
0x165: {  	_ =	strace $0x90000050  }
0x166: {  	s0 =	stileid.u32;
	[bflag:$0x2] =	sbarrier.arrive $0xFFFF  }
0x167: {  	p0 =	sne.s32 s0, $0x0;
	s0 =	rddreg [dreg:$0x2]  }
0x168: {  	s0 =	sadd.s32 @!p0 $0x100000, s0  }
0x169: {  	[sflag:s0] =	ssyncadd.tile.s32 @!p0 $0x1;
	_ =	shalt  }
.Lfunc_end2:
_tile_overlayer_lowered:
.L_overlay_start_2:
0x16a: {  	(tag) =	ssettag $0x2  }
0x16b: {  	s0 =	rddreg [dreg:$0x0];
	s2 =	stileid.u32  }
0x16c: {  	s1 =	rddreg [dreg:$0x1];
	p0 =	sne.s32 s2, $0x0  }
0x16d: {  	s3 =	rddreg [dreg:$0x2];
	[bflag:$0x3] =	sbarrier.arrive $0xFFFF;
	s2 =	simm.s32 @!p0 $0x1C09  }
0x16e: {  	[timem:s3], [sflag:s2] =	dma.local @!p0 [hbm:s0], s1  }
0x16f: {  	s0 =	simm.s32 @!p0 $0x9  }
0x170: {  	_ =	swait.ge @!p0 [sflag:s0], s1  }
0x171: {  	s1 =	ssub.s32 @!p0 $0x0, s1;
	[sflag:s0] =	ssyncset.done @!p0 $0x0  }
0x172: {  	[sflag:s0] =	ssyncadd.s32 @!p0 s1  }
0x173: {  	[bflag:$0x3] =	sbarrier.arrive $0xFFFF  }
0x174: {  	_ =	shalt  }

</sc_bundles>
